<compile_context>
chip_gen: v7x
topology: tpu7x:2x2x1
jax: 0.10.2.dev20260603
libtpu: 0.0.44.dev20260713+nightly
codegen_flags: <defaults>
</compile_context>

<pallas_src>
import functools

import jax
import jax.numpy as jnp
from jax import lax
from jax.experimental import pallas as pl
from jax.experimental.pallas import tpu as pltpu
from jax.experimental.pallas import tpu_sc as plsc

N_NODES = 10000
N_EDGES = 320000
D = 128
D_EDGE = 16
NC = 2
NS = 16
NW = NC * NS
EC = 40
NCHUNK = N_EDGES // EC
CPW = NCHUNK // NW
NROW_CHK = 400
NROW_NCHK = N_NODES // NROW_CHK
BE = 8000

f32 = jnp.float32


def _mesh():
    return plsc.VectorSubcoreMesh(core_axis_name="c", subcore_axis_name="s",
                                  num_cores=NC, num_subcores=NS)



def _build_sc_pass(has_g: bool, write_r: bool):
    acc_t = jax.ShapeDtypeStruct((NC, N_NODES, D), f32)
    out_type = ([jax.ShapeDtypeStruct((N_EDGES, D), f32), acc_t]
                if write_r else acc_t)

    scratch = [pltpu.VMEM((EC,), jnp.int32) for _ in range(2)]
    if has_g:
        scratch += [pltpu.VMEM((EC,), jnp.int32) for _ in range(2)]
    scratch += [pltpu.VMEM((EC,), jnp.int32) for _ in range(2)]
    scratch += [pltpu.VMEM((EC, D), f32) for _ in range(2)]
    scratch += [pltpu.VMEM((EC, D), f32) for _ in range(2)]
    if has_g:
        scratch += [pltpu.VMEM((EC, D), f32) for _ in range(2)]
    scratch.append(pltpu.VMEM_SHARED((N_NODES, D), f32))
    scratch += [pltpu.SemaphoreType.DMA for _ in range(8)]

    @functools.partial(pl.kernel, out_type=out_type, mesh=_mesh(),
                       scratch_types=scratch)
    def k(*args):
        it = iter(args)
        ep = next(it)
        qt = next(it)
        gt = next(it) if has_g else None
        src = next(it)
        rev = next(it) if has_g else None
        dst = next(it)
        zeros = next(it)
        r_out = next(it) if write_r else None
        acc = next(it)
        sibuf = [next(it), next(it)]
        ribuf = [next(it), next(it)] if has_g else None
        dbuf = [next(it), next(it)]
        eprow = [next(it), next(it)]
        qrow = [next(it), next(it)]
        grow = [next(it), next(it)] if has_g else None
        shacc = next(it)
        sem_idx = [next(it), next(it)]
        sem_rows = [next(it), next(it)]
        sem_sc = [next(it), next(it)]
        sem_st = [next(it), next(it)]

        cid = lax.axis_index("c")
        sid = lax.axis_index("s")
        wid = sid * NC + cid

        nlo = sid * NROW_NCHK // NS
        nhi = (sid + 1) * NROW_NCHK // NS

        def zero_chunk(kk, carry):
            rr = kk * NROW_CHK
            pltpu.sync_copy(zeros.at[pl.ds(rr, NROW_CHK)],
                            shacc.at[pl.ds(rr, NROW_CHK)])
            return carry

        lax.fori_loop(nlo, nhi, zero_chunk, 0)
        plsc.subcore_barrier()

        ebase = wid * CPW

        def issue_gidx(t, p):
            b = (ebase + t) * EC
            pltpu.async_copy(src.at[pl.ds(b, EC)], sibuf[p], sem_idx[p])
            if has_g:
                pltpu.async_copy(rev.at[pl.ds(b, EC)], ribuf[p], sem_idx[p])

        def issue_didx(t, p):
            b = (ebase + t) * EC
            pltpu.async_copy(dst.at[pl.ds(b, EC)], dbuf[p], sem_idx[p])

        def wait_idx(p):
            pltpu.make_async_copy(src.at[pl.ds(0, EC)], sibuf[p],
                                  sem_idx[p]).wait()
            if has_g:
                pltpu.make_async_copy(src.at[pl.ds(0, EC)], ribuf[p],
                                      sem_idx[p]).wait()
            pltpu.make_async_copy(src.at[pl.ds(0, EC)], dbuf[p],
                                  sem_idx[p]).wait()

        def issue_rows(t, p):
            b = (ebase + t) * EC
            de = pltpu.async_copy(ep.at[pl.ds(b, EC)], eprow[p], sem_rows[p])
            dq = pltpu.async_copy(qt.at[sibuf[p]], qrow[p], sem_rows[p])
            dg = (pltpu.async_copy(gt.at[ribuf[p]], grow[p], sem_rows[p])
                  if has_g else None)
            return de, dq, dg

        def compute(p):
            def row(e, cc):
                for j in range(D // 16):
                    sl = pl.ds(j * 16, 16)
                    v = eprow[p][e, sl] + qrow[p][e, sl]
                    if has_g:
                        v = v - grow[p][e, sl]
                    qrow[p][e, sl] = jnp.maximum(v, 0.0)
                return cc

            lax.fori_loop(0, EC, row, 0)

        def issue_outs(t, p):
            dsc = pltpu.async_copy(qrow[p], shacc.at[dbuf[p]], sem_sc[p],
                                   add=True)
            if write_r:
                b = (ebase + t) * EC
                pltpu.async_copy(qrow[p], r_out.at[pl.ds(b, EC)], sem_st[p])
            return dsc

        def wait_store(p):
            if write_r:
                pltpu.make_async_copy(ep.at[pl.ds(0, EC)], qrow[p],
                                      sem_st[p]).wait()

        def finish(t, p):
            compute(p)
            dsc = issue_outs(t, p)
            return dsc

        b0 = ebase * EC
        pltpu.sync_copy(src.at[pl.ds(b0, EC)], sibuf[0])
        if has_g:
            pltpu.sync_copy(rev.at[pl.ds(b0, EC)], ribuf[0])
        pltpu.sync_copy(dst.at[pl.ds(b0, EC)], dbuf[0])
        de, dq, dg = issue_rows(0, 0)
        issue_gidx(1, 1)
        de.wait()
        dq.wait()
        if has_g:
            dg.wait()
        issue_didx(1, 1)
        wait_idx(1)
        de1, dq1, dg1 = issue_rows(1, 1)
        issue_gidx(2, 0)
        dsc0 = finish(0, 0)
        dsc0.wait()
        de1.wait()
        dq1.wait()
        if has_g:
            dg1.wait()
        issue_didx(2, 0)

        def body(m, carry):
            t0 = 2 * m
            t1 = t0 + 1

            wait_idx(0)
            wait_store(0)
            de, dq, dg = issue_rows(t0, 0)
            issue_gidx(t0 + 1, 1)
            dsc = finish(t0 - 1, 1)
            de.wait()
            dq.wait()
            if has_g:
                dg.wait()
            dsc.wait()
            issue_didx(t0 + 1, 1)

            wait_idx(1)
            wait_store(1)
            de1, dq1, dg1 = issue_rows(t1, 1)

            @pl.when(m < CPW // 2 - 1)
            def _i1():
                issue_gidx(t1 + 1, 0)

            dsc0 = finish(t0, 0)
            de1.wait()
            dq1.wait()
            if has_g:
                dg1.wait()
            dsc0.wait()

            @pl.when(m < CPW // 2 - 1)
            def _i2():
                issue_didx(t1 + 1, 0)

            return carry

        lax.fori_loop(1, CPW // 2, body, 0)

        dsc = finish(CPW - 1, 1)
        dsc.wait()
        wait_store(0)
        wait_store(1)

        plsc.subcore_barrier()

        def dump_chunk(kk, carry):
            rr = kk * NROW_CHK
            pltpu.sync_copy(shacc.at[pl.ds(rr, NROW_CHK)],
                            acc.at[cid, pl.ds(rr, NROW_CHK)])
            return carry

        lax.fori_loop(nlo, nhi, dump_chunk, 0)

    return k


_SC_BUILD = _build_sc_pass(has_g=False, write_r=True)
_SC_STEP = _build_sc_pass(has_g=True, write_r=True)
_SC_LAST = _build_sc_pass(has_g=True, write_r=False)



def _tc_xp(x, wt):
    def body(x_ref, w_ref, o_ref):
        o_ref[...] = jnp.dot(x_ref[...], w_ref[...], preferred_element_type=f32)

    return pl.pallas_call(
        body,
        out_shape=jax.ShapeDtypeStruct((N_NODES, D), f32),
        grid=(1,),
        in_specs=[pl.BlockSpec((N_NODES, D), lambda i: (0, 0)),
                  pl.BlockSpec((D, D), lambda i: (0, 0))],
        out_specs=pl.BlockSpec((N_NODES, D), lambda i: (0, 0)),
    )(x, wt)


def _tc_ep(ea, wt, b):
    def body(e_ref, w_ref, b_ref, o_ref):
        o_ref[...] = (jnp.dot(e_ref[...], w_ref[...], preferred_element_type=f32)
                      + b_ref[...])

    return pl.pallas_call(
        body,
        out_shape=jax.ShapeDtypeStruct((N_EDGES, D), f32),
        grid=(N_EDGES // BE,),
        in_specs=[pl.BlockSpec((BE, D_EDGE), lambda i: (i, 0)),
                  pl.BlockSpec((D_EDGE, D), lambda i: (0, 0)),
                  pl.BlockSpec((1, D), lambda i: (0, 0))],
        out_specs=pl.BlockSpec((BE, D), lambda i: (i, 0)),
    )(ea, wt, b)


def _tc_g(r, wt):
    def body(r_ref, w_ref, o_ref):
        o_ref[...] = jnp.dot(r_ref[...], w_ref[...], preferred_element_type=f32)

    return pl.pallas_call(
        body,
        out_shape=jax.ShapeDtypeStruct((N_EDGES, D), f32),
        grid=(N_EDGES // BE,),
        in_specs=[pl.BlockSpec((BE, D), lambda i: (i, 0)),
                  pl.BlockSpec((D, D), lambda i: (0, 0))],
        out_specs=pl.BlockSpec((BE, D), lambda i: (i, 0)),
    )(r, wt)


def _tc_q(acc, wt, b, xp):
    def body(acc_ref, w_ref, b_ref, xp_ref, o_ref):
        na = acc_ref[0] + acc_ref[1]
        o_ref[...] = (jnp.dot(na, w_ref[...], preferred_element_type=f32)
                      + b_ref[...] + xp_ref[...])

    return pl.pallas_call(
        body,
        out_shape=jax.ShapeDtypeStruct((N_NODES, D), f32),
        grid=(1,),
        in_specs=[pl.BlockSpec((NC, N_NODES, D), lambda i: (0, 0, 0)),
                  pl.BlockSpec((D, D), lambda i: (0, 0)),
                  pl.BlockSpec((1, D), lambda i: (0, 0)),
                  pl.BlockSpec((N_NODES, D), lambda i: (0, 0))],
        out_specs=pl.BlockSpec((N_NODES, D), lambda i: (0, 0)),
    )(acc, wt, b, xp)


def _tc_final(x, acc, wxt, wmt, b):
    def body(x_ref, acc_ref, wx_ref, wm_ref, b_ref, o_ref):
        m = acc_ref[0] + acc_ref[1]
        s = jnp.sum(m, axis=1, keepdims=True)
        m = jnp.where(s == 0.0, x_ref[...], m)
        o_ref[...] = jnp.maximum(
            jnp.dot(x_ref[...], wx_ref[...], preferred_element_type=f32)
            + jnp.dot(m, wm_ref[...], preferred_element_type=f32)
            + b_ref[...], 0.0)

    return pl.pallas_call(
        body,
        out_shape=jax.ShapeDtypeStruct((N_NODES, D), f32),
        grid=(1,),
        in_specs=[pl.BlockSpec((N_NODES, D), lambda i: (0, 0)),
                  pl.BlockSpec((NC, N_NODES, D), lambda i: (0, 0, 0)),
                  pl.BlockSpec((D, D), lambda i: (0, 0)),
                  pl.BlockSpec((D, D), lambda i: (0, 0)),
                  pl.BlockSpec((1, D), lambda i: (0, 0))],
        out_specs=pl.BlockSpec((N_NODES, D), lambda i: (0, 0)),
    )(x, acc, wxt, wmt, b)



def kernel(x, edge_index, rev_edge_index, edge_attr, Wi, bi, Wh, bh, Wo, bo):
    src = edge_index[0].astype(jnp.int32)
    dst = edge_index[1].astype(jnp.int32)
    rev = rev_edge_index.astype(jnp.int32)
    WixT = Wi[:, :D].T
    WieT = Wi[:, D:].T
    WhT = Wh.T
    WoxT = Wo[:, :D].T
    WomT = Wo[:, D:].T
    bi2 = bi.reshape(1, D)
    bh2 = bh.reshape(1, D)
    bo2 = bo.reshape(1, D)
    zeros = jnp.zeros((N_NODES, D), f32)

    Xp = _tc_xp(x, WixT)
    Ep = _tc_ep(edge_attr, WieT, bi2)
    R, acc = _SC_BUILD(Ep, Xp, src, dst, zeros)

    Q = _tc_q(acc, WhT, bh2, Xp)
    G = _tc_g(R, WhT)
    R, acc = _SC_STEP(Ep, Q, G, src, rev, dst, zeros)

    Q = _tc_q(acc, WhT, bh2, Xp)
    G = _tc_g(R, WhT)
    acc = _SC_LAST(Ep, Q, G, src, rev, dst, zeros)

    return _tc_final(x, acc, WoxT, WomT, bo2)

# --- scband reference (transcript-rebuilt; emitter-appended) ---
"""Pipeline reference for scband-omgnn-rnn-74560632259077 (READ-ONLY COPY).

The authoritative reference and input builder live on the scoring server;
editing this copy changes nothing except your own understanding.
"""

import jax, jax.numpy as jnp
import numpy as np

N_NODES = 10000
N_EDGES = 320000
D_NODE = 128
D_EDGE = 16
D_HID = 128
DEPTH = 3


def setup_inputs(seed: int = 0) -> dict:
    key = jax.random.key(seed)
    ks = jax.random.split(key, 10)
    x = jax.random.normal(ks[0], (N_NODES, D_NODE), dtype=jnp.float32)
    edge_index = jax.random.randint(ks[1], (2, N_EDGES), 0, N_NODES, dtype=jnp.int64) if jax.config.jax_enable_x64 else jax.random.randint(ks[1], (2, N_EDGES), 0, N_NODES).astype(jnp.int32)
    rev_edge_index = jax.random.randint(ks[2], (N_EDGES,), 0, N_EDGES).astype(edge_index.dtype)
    edge_attr = jax.random.normal(ks[3], (N_EDGES, D_EDGE), dtype=jnp.float32)
    # BondMessagePassing (GCN1) parameters, torch nn.Linear convention: y = x @ W.T + b
    Wi = jax.random.normal(ks[4], (D_HID, D_NODE + D_EDGE), dtype=jnp.float32) * 0.05
    bi = jnp.zeros((D_HID,), dtype=jnp.float32)
    Wh = jax.random.normal(ks[5], (D_HID, D_HID), dtype=jnp.float32) * 0.05
    bh = jnp.zeros((D_HID,), dtype=jnp.float32)
    Wo = jax.random.normal(ks[6], (D_HID, D_NODE + D_HID), dtype=jnp.float32) * 0.05
    bo = jnp.zeros((D_HID,), dtype=jnp.float32)
    return {"x": x, "edge_index": edge_index, "rev_edge_index": rev_edge_index,
            "edge_attr": edge_attr, "Wi": Wi, "bi": bi, "Wh": Wh, "bh": bh,
            "Wo": Wo, "bo": bo}


def reference(x, edge_index, rev_edge_index, edge_attr, Wi, bi, Wh, bh, Wo, bo):
    # Faithful jax translation of BondMessagePassing.forward (dropout in eval mode = identity).
    src = edge_index[0]
    dst = edge_index[1]
    # H_0 = W_i(cat([x[src], edge_attr]))
    H0 = jnp.concatenate([jnp.take(x, src, axis=0), edge_attr], axis=1) @ Wi.T + bi
    H = jax.nn.relu(H0)
    for _ in range(1, DEPTH):
        # message: scatter-sum H onto dst nodes, gather back at src, subtract reverse edge
        node_acc = jax.ops.segment_sum(H, dst, num_segments=N_NODES)
        M_all = jnp.take(node_acc, src, axis=0)
        M_rev = jnp.take(H, rev_edge_index, axis=0)
        M = M_all - M_rev
        # update
        Ht = M @ Wh.T + bh
        H = jax.nn.relu(H0 + Ht)
    M = jax.ops.segment_sum(H, dst, num_segments=N_NODES)
    M = jnp.where(jnp.sum(M, axis=1, keepdims=True) == 0, x, M)
    out = jnp.concatenate([x, M], axis=1) @ Wo.T + bo
    out = jax.nn.relu(out)
    return out

if __name__ == "__main__":
    import jax
    _d = setup_inputs()
    print(jax.jit(kernel)(*tuple(_d.values())))

</pallas_src>

<mosaic_0001>
#map = affine_map<(d0, d1) -> (0, 0)>
#map1 = affine_map<(d0, d1) -> (0)>
#map2 = affine_map<(d0, d1) -> (0, 0, 0)>
module attributes {stable_mosaic.version = 14 : i64} {
  func.func @k(%arg0: i32, %arg1: i32, %arg2: memref<320000x128xf32, #tpu.memory_space<hbm>>, %arg3: memref<10000x128xf32, #tpu.memory_space<hbm>>, %arg4: memref<320000x128xf32, #tpu.memory_space<hbm>>, %arg5: memref<320000xi32, #tpu.memory_space<hbm>>, %arg6: memref<320000xi32, #tpu.memory_space<hbm>>, %arg7: memref<320000xi32, #tpu.memory_space<hbm>>, %arg8: memref<10000x128xf32, #tpu.memory_space<hbm>>, %arg9: memref<320000x128xf32, #tpu.memory_space<hbm>>, %arg10: memref<2x10000x128xf32, #tpu.memory_space<hbm>>, %arg11: memref<40xi32, #tpu.memory_space<vmem>>, %arg12: memref<40xi32, #tpu.memory_space<vmem>>, %arg13: memref<40xi32, #tpu.memory_space<vmem>>, %arg14: memref<40xi32, #tpu.memory_space<vmem>>, %arg15: memref<40xi32, #tpu.memory_space<vmem>>, %arg16: memref<40xi32, #tpu.memory_space<vmem>>, %arg17: memref<40x128xf32, #tpu.memory_space<vmem>>, %arg18: memref<40x128xf32, #tpu.memory_space<vmem>>, %arg19: memref<40x128xf32, #tpu.memory_space<vmem>>, %arg20: memref<40x128xf32, #tpu.memory_space<vmem>>, %arg21: memref<40x128xf32, #tpu.memory_space<vmem>>, %arg22: memref<40x128xf32, #tpu.memory_space<vmem>>, %arg23: memref<10000x128xf32, #tpu.memory_space<vmem_shared>>, %arg24: memref<!tpu.dma_semaphore, #tpu.memory_space<semaphore_mem>>, %arg25: memref<!tpu.dma_semaphore, #tpu.memory_space<semaphore_mem>>, %arg26: memref<!tpu.dma_semaphore, #tpu.memory_space<semaphore_mem>>, %arg27: memref<!tpu.dma_semaphore, #tpu.memory_space<semaphore_mem>>, %arg28: memref<!tpu.dma_semaphore, #tpu.memory_space<semaphore_mem>>, %arg29: memref<!tpu.dma_semaphore, #tpu.memory_space<semaphore_mem>>, %arg30: memref<!tpu.dma_semaphore, #tpu.memory_space<semaphore_mem>>, %arg31: memref<!tpu.dma_semaphore, #tpu.memory_space<semaphore_mem>>) attributes {dimension_semantics = [#tpu.dimension_semantics<core_parallel>, #tpu.dimension_semantics<subcore_parallel>], iteration_bounds = array<i64: 2, 16>, scalar_prefetch = 0 : i64, scratch_operands = 21 : i64, tpu.core_type = #tpu.core_type<sc_vector_subcore>, window_params = [{transform_indices = #map}, {transform_indices = #map}, {transform_indices = #map}, {transform_indices = #map1}, {transform_indices = #map1}, {transform_indices = #map1}, {transform_indices = #map}, {transform_indices = #map}, {transform_indices = #map2}]} {
    %mul3A = arith.constant 2 : i32
    %mul3A_0 = arith.muli %arg1, %mul3A : i32
    %add3A = arith.addi %mul3A_0, %arg0 : i32
    %mul3A_1 = arith.constant 25 : i32
    %mul3A_2 = arith.muli %arg1, %mul3A_1 : i32
    %jit3A = arith.constant 16 : i32
    %div3A = arith.divsi %mul3A_2, %jit3A : i32
    %sign3A = arith.constant 0 : i32
    %sign3A_3 = arith.cmpi sgt, %mul3A_2, %sign3A : i32
    %sign3A_4 = arith.extui %sign3A_3 : i1 to i32
    %sign3A_5 = arith.constant 0 : i32
    %sign3A_6 = arith.cmpi slt, %mul3A_2, %sign3A_5 : i32
    %sign3A_7 = arith.extui %sign3A_6 : i1 to i32
    %sign3A_8 = arith.subi %sign3A_4, %sign3A_7 : i32
    %sign3A_9 = arith.constant 0 : i32
    %sign3A_10 = arith.cmpi sgt, %jit3A, %sign3A_9 : i32
    %sign3A_11 = arith.extui %sign3A_10 : i1 to i32
    %sign3A_12 = arith.constant 0 : i32
    %sign3A_13 = arith.cmpi slt, %jit3A, %sign3A_12 : i32
    %sign3A_14 = arith.extui %sign3A_13 : i1 to i32
    %sign3A_15 = arith.subi %sign3A_11, %sign3A_14 : i32
    %ne3A = arith.cmpi ne, %sign3A_8, %sign3A_15 : i32
    %rem3A = arith.remsi %mul3A_2, %jit3A : i32
    %ne3A_16 = arith.constant 0 : i32
    %ne3A_17 = arith.cmpi ne, %rem3A, %ne3A_16 : i32
    %and3A = arith.andi %ne3A, %ne3A_17 : i1
    %sub3A = arith.constant 1 : i32
    %sub3A_18 = arith.subi %div3A, %sub3A : i32
    %select_n3A = arith.select %and3A, %sub3A_18, %div3A : i32
    %add3A_19 = arith.constant 1 : i32
    %add3A_20 = arith.addi %arg1, %add3A_19 : i32
    %mul3A_21 = arith.constant 25 : i32
    %mul3A_22 = arith.muli %add3A_20, %mul3A_21 : i32
    %jit3A_23 = arith.constant 16 : i32
    %div3A_24 = arith.divsi %mul3A_22, %jit3A_23 : i32
    %sign3A_25 = arith.constant 0 : i32
    %sign3A_26 = arith.cmpi sgt, %mul3A_22, %sign3A_25 : i32
    %sign3A_27 = arith.extui %sign3A_26 : i1 to i32
    %sign3A_28 = arith.constant 0 : i32
    %sign3A_29 = arith.cmpi slt, %mul3A_22, %sign3A_28 : i32
    %sign3A_30 = arith.extui %sign3A_29 : i1 to i32
    %sign3A_31 = arith.subi %sign3A_27, %sign3A_30 : i32
    %sign3A_32 = arith.constant 0 : i32
    %sign3A_33 = arith.cmpi sgt, %jit3A_23, %sign3A_32 : i32
    %sign3A_34 = arith.extui %sign3A_33 : i1 to i32
    %sign3A_35 = arith.constant 0 : i32
    %sign3A_36 = arith.cmpi slt, %jit3A_23, %sign3A_35 : i32
    %sign3A_37 = arith.extui %sign3A_36 : i1 to i32
    %sign3A_38 = arith.subi %sign3A_34, %sign3A_37 : i32
    %ne3A_39 = arith.cmpi ne, %sign3A_31, %sign3A_38 : i32
    %rem3A_40 = arith.remsi %mul3A_22, %jit3A_23 : i32
    %ne3A_41 = arith.constant 0 : i32
    %ne3A_42 = arith.cmpi ne, %rem3A_40, %ne3A_41 : i32
    %and3A_43 = arith.andi %ne3A_39, %ne3A_42 : i1
    %sub3A_44 = arith.constant 1 : i32
    %sub3A_45 = arith.subi %div3A_24, %sub3A_44 : i32
    %select_n3A_46 = arith.select %and3A_43, %sub3A_45, %div3A_24 : i32
    %while3A = arith.constant 0 : i32
    %while3A_47 = arith.subi %select_n3A_46, %select_n3A : i32
    %while3A_48 = arith.addi %select_n3A, %while3A_47 : i32
    %while3A_49 = arith.constant 1 : i32
    %while3A_50 = arith.divsi %while3A_47, %while3A_49 : i32
    %while3A_51 = arith.muli %while3A_50, %while3A_49 : i32
    %while3A_52 = arith.addi %select_n3A, %while3A_51 : i32
    %while3A_53 = arith.constant 1 : i32
    scf.for %while3A_212 = %select_n3A to %while3A_52 step %while3A_53  : i32 {
      %mul3A_213 = arith.constant 400 : i32
      %mul3A_214 = arith.muli %while3A_212, %mul3A_213 : i32
      "tpu.region"() ({
        %run_scoped3A = tpu.sem_alloc : memref<!tpu.dma_semaphore, #tpu.memory_space<semaphore_mem>>
        %dma_start3A_215 = arith.constant 0 : i32
        %dma_start3A_216 = tpu.memref_slice %arg23[%mul3A_214, %dma_start3A_215] : memref<10000x128xf32, #tpu.memory_space<vmem_shared>> -> memref<400x128xf32, #tpu.memory_space<vmem_shared>>
        %dma_start3A_217 = arith.constant 0 : i32
        %dma_start3A_218 = tpu.memref_slice %arg8[%mul3A_214, %dma_start3A_217] : memref<10000x128xf32, #tpu.memory_space<hbm>> -> memref<400x128xf32, #tpu.memory_space<hbm>>
        tpu.enqueue_dma source(%dma_start3A_218 : memref<400x128xf32, #tpu.memory_space<hbm>>) target(%dma_start3A_216 : memref<400x128xf32, #tpu.memory_space<vmem_shared>>) target_semaphore(%run_scoped3A : memref<!tpu.dma_semaphore, #tpu.memory_space<semaphore_mem>>)
        %dma_wait3A_219 = arith.constant 0 : i32
        %dma_wait3A_220 = tpu.memref_slice %arg23[%mul3A_214, %dma_wait3A_219] : memref<10000x128xf32, #tpu.memory_space<vmem_shared>> -> memref<400x128xf32, #tpu.memory_space<vmem_shared>>
        %dma_wait3A_221 = arith.constant 0 : i32
        %dma_wait3A_222 = tpu.memref_slice %arg8[%mul3A_214, %dma_wait3A_221] : memref<10000x128xf32, #tpu.memory_space<hbm>> -> memref<400x128xf32, #tpu.memory_space<hbm>>
        tpu.wait_dma2 semaphore(%run_scoped3A : memref<!tpu.dma_semaphore, #tpu.memory_space<semaphore_mem>>) src(%dma_wait3A_222 : memref<400x128xf32, #tpu.memory_space<hbm>>) dst(%dma_wait3A_220 : memref<400x128xf32, #tpu.memory_space<vmem_shared>>)
        tpu.yield
      }) : () -> ()
    }
    %while3A_54 = arith.constant 1 : i32
    scf.for %while3A_212 = %while3A_52 to %while3A_48 step %while3A_54  : i32 {
      %mul3A_213 = arith.constant 400 : i32
      %mul3A_214 = arith.muli %while3A_212, %mul3A_213 : i32
      "tpu.region"() ({
        %run_scoped3A = tpu.sem_alloc : memref<!tpu.dma_semaphore, #tpu.memory_space<semaphore_mem>>
        %dma_start3A_215 = arith.constant 0 : i32
        %dma_start3A_216 = tpu.memref_slice %arg23[%mul3A_214, %dma_start3A_215] : memref<10000x128xf32, #tpu.memory_space<vmem_shared>> -> memref<400x128xf32, #tpu.memory_space<vmem_shared>>
        %dma_start3A_217 = arith.constant 0 : i32
        %dma_start3A_218 = tpu.memref_slice %arg8[%mul3A_214, %dma_start3A_217] : memref<10000x128xf32, #tpu.memory_space<hbm>> -> memref<400x128xf32, #tpu.memory_space<hbm>>
        tpu.enqueue_dma source(%dma_start3A_218 : memref<400x128xf32, #tpu.memory_space<hbm>>) target(%dma_start3A_216 : memref<400x128xf32, #tpu.memory_space<vmem_shared>>) target_semaphore(%run_scoped3A : memref<!tpu.dma_semaphore, #tpu.memory_space<semaphore_mem>>)
        %dma_wait3A_219 = arith.constant 0 : i32
        %dma_wait3A_220 = tpu.memref_slice %arg23[%mul3A_214, %dma_wait3A_219] : memref<10000x128xf32, #tpu.memory_space<vmem_shared>> -> memref<400x128xf32, #tpu.memory_space<vmem_shared>>
        %dma_wait3A_221 = arith.constant 0 : i32
        %dma_wait3A_222 = tpu.memref_slice %arg8[%mul3A_214, %dma_wait3A_221] : memref<10000x128xf32, #tpu.memory_space<hbm>> -> memref<400x128xf32, #tpu.memory_space<hbm>>
        tpu.wait_dma2 semaphore(%run_scoped3A : memref<!tpu.dma_semaphore, #tpu.memory_space<semaphore_mem>>) src(%dma_wait3A_222 : memref<400x128xf32, #tpu.memory_space<hbm>>) dst(%dma_wait3A_220 : memref<400x128xf32, #tpu.memory_space<vmem_shared>>)
        tpu.yield
      }) : () -> ()
    }
    %barrier3A = arith.constant 0 : index
    tpu.barrier barrier_id(%barrier3A)
    %mul3A_55 = arith.constant 250 : i32
    %mul3A_56 = arith.muli %add3A, %mul3A_55 : i32
    %mul3A_57 = arith.constant 40 : i32
    %mul3A_58 = arith.muli %mul3A_56, %mul3A_57 : i32
    "tpu.region"() ({
      %run_scoped3A = tpu.sem_alloc : memref<!tpu.dma_semaphore, #tpu.memory_space<semaphore_mem>>
      %dma_start3A_212 = tpu.memref_slice %arg5[%mul3A_58] : memref<320000xi32, #tpu.memory_space<hbm>> -> memref<40xi32, #tpu.memory_space<hbm>>
      %dma_start3A_213 = tpu.memref_slice %arg5[%mul3A_58] : memref<320000xi32, #tpu.memory_space<hbm>> -> memref<40xi32, #tpu.memory_space<hbm>>
      tpu.enqueue_dma source(%dma_start3A_213 : memref<40xi32, #tpu.memory_space<hbm>>) target(%arg11 : memref<40xi32, #tpu.memory_space<vmem>>) target_semaphore(%run_scoped3A : memref<!tpu.dma_semaphore, #tpu.memory_space<semaphore_mem>>)
      %dma_wait3A_214 = tpu.memref_slice %arg5[%mul3A_58] : memref<320000xi32, #tpu.memory_space<hbm>> -> memref<40xi32, #tpu.memory_space<hbm>>
      %dma_wait3A_215 = tpu.memref_slice %arg5[%mul3A_58] : memref<320000xi32, #tpu.memory_space<hbm>> -> memref<40xi32, #tpu.memory_space<hbm>>
      tpu.wait_dma2 semaphore(%run_scoped3A : memref<!tpu.dma_semaphore, #tpu.memory_space<semaphore_mem>>) src(%dma_wait3A_215 : memref<40xi32, #tpu.memory_space<hbm>>) dst(%arg11 : memref<40xi32, #tpu.memory_space<vmem>>)
      tpu.yield
    }) : () -> ()
    "tpu.region"() ({
      %run_scoped3A = tpu.sem_alloc : memref<!tpu.dma_semaphore, #tpu.memory_space<semaphore_mem>>
      %dma_start3A_212 = tpu.memref_slice %arg6[%mul3A_58] : memref<320000xi32, #tpu.memory_space<hbm>> -> memref<40xi32, #tpu.memory_space<hbm>>
      %dma_start3A_213 = tpu.memref_slice %arg6[%mul3A_58] : memref<320000xi32, #tpu.memory_space<hbm>> -> memref<40xi32, #tpu.memory_space<hbm>>
      tpu.enqueue_dma source(%dma_start3A_213 : memref<40xi32, #tpu.memory_space<hbm>>) target(%arg13 : memref<40xi32, #tpu.memory_space<vmem>>) target_semaphore(%run_scoped3A : memref<!tpu.dma_semaphore, #tpu.memory_space<semaphore_mem>>)
      %dma_wait3A_214 = tpu.memref_slice %arg6[%mul3A_58] : memref<320000xi32, #tpu.memory_space<hbm>> -> memref<40xi32, #tpu.memory_space<hbm>>
      %dma_wait3A_215 = tpu.memref_slice %arg6[%mul3A_58] : memref<320000xi32, #tpu.memory_space<hbm>> -> memref<40xi32, #tpu.memory_space<hbm>>
      tpu.wait_dma2 semaphore(%run_scoped3A : memref<!tpu.dma_semaphore, #tpu.memory_space<semaphore_mem>>) src(%dma_wait3A_215 : memref<40xi32, #tpu.memory_space<hbm>>) dst(%arg13 : memref<40xi32, #tpu.memory_space<vmem>>)
      tpu.yield
    }) : () -> ()
    "tpu.region"() ({
      %run_scoped3A = tpu.sem_alloc : memref<!tpu.dma_semaphore, #tpu.memory_space<semaphore_mem>>
      %dma_start3A_212 = tpu.memref_slice %arg7[%mul3A_58] : memref<320000xi32, #tpu.memory_space<hbm>> -> memref<40xi32, #tpu.memory_space<hbm>>
      %dma_start3A_213 = tpu.memref_slice %arg7[%mul3A_58] : memref<320000xi32, #tpu.memory_space<hbm>> -> memref<40xi32, #tpu.memory_space<hbm>>
      tpu.enqueue_dma source(%dma_start3A_213 : memref<40xi32, #tpu.memory_space<hbm>>) target(%arg15 : memref<40xi32, #tpu.memory_space<vmem>>) target_semaphore(%run_scoped3A : memref<!tpu.dma_semaphore, #tpu.memory_space<semaphore_mem>>)
      %dma_wait3A_214 = tpu.memref_slice %arg7[%mul3A_58] : memref<320000xi32, #tpu.memory_space<hbm>> -> memref<40xi32, #tpu.memory_space<hbm>>
      %dma_wait3A_215 = tpu.memref_slice %arg7[%mul3A_58] : memref<320000xi32, #tpu.memory_space<hbm>> -> memref<40xi32, #tpu.memory_space<hbm>>
      tpu.wait_dma2 semaphore(%run_scoped3A : memref<!tpu.dma_semaphore, #tpu.memory_space<semaphore_mem>>) src(%dma_wait3A_215 : memref<40xi32, #tpu.memory_space<hbm>>) dst(%arg15 : memref<40xi32, #tpu.memory_space<vmem>>)
      tpu.yield
    }) : () -> ()
    %add3A_59 = arith.constant 0 : i32
    %add3A_60 = arith.addi %mul3A_56, %add3A_59 : i32
    %mul3A_61 = arith.constant 40 : i32
    %mul3A_62 = arith.muli %add3A_60, %mul3A_61 : i32
    %dma_start3A = arith.constant 0 : i32
    %dma_start3A_63 = tpu.memref_slice %arg2[%mul3A_62, %dma_start3A] : memref<320000x128xf32, #tpu.memory_space<hbm>> -> memref<40x128xf32, #tpu.memory_space<hbm>>
    %dma_start3A_64 = arith.constant 0 : i32
    %dma_start3A_65 = tpu.memref_slice %arg2[%mul3A_62, %dma_start3A_64] : memref<320000x128xf32, #tpu.memory_space<hbm>> -> memref<40x128xf32, #tpu.memory_space<hbm>>
    tpu.enqueue_dma source(%dma_start3A_65 : memref<40x128xf32, #tpu.memory_space<hbm>>) target(%arg17 : memref<40x128xf32, #tpu.memory_space<vmem>>) target_semaphore(%arg26 : memref<!tpu.dma_semaphore, #tpu.memory_space<semaphore_mem>>)
    %dma_start3A_66 = arith.constant 0 : i32
    %dma_start3A_67 = arith.constant 0 : i32
    %dma_start3A_68 = tpu.memref_slice %arg3[%dma_start3A_66, %dma_start3A_67] : memref<10000x128xf32, #tpu.memory_space<hbm>> -> memref<10000x128xf32, #tpu.memory_space<hbm>>
    tpu.enqueue_indirect_dma source(%dma_start3A_68 : memref<10000x128xf32, #tpu.memory_space<hbm>>) target(%arg19 : memref<40x128xf32, #tpu.memory_space<vmem>>) offsets(%arg11 : memref<40xi32, #tpu.memory_space<vmem>>) semaphore(%arg26 : memref<!tpu.dma_semaphore, #tpu.memory_space<semaphore_mem>>)
    %dma_start3A_69 = arith.constant 0 : i32
    %dma_start3A_70 = arith.constant 0 : i32
    %dma_start3A_71 = tpu.memref_slice %arg4[%dma_start3A_69, %dma_start3A_70] : memref<320000x128xf32, #tpu.memory_space<hbm>> -> memref<320000x128xf32, #tpu.memory_space<hbm>>
    tpu.enqueue_indirect_dma source(%dma_start3A_71 : memref<320000x128xf32, #tpu.memory_space<hbm>>) target(%arg21 : memref<40x128xf32, #tpu.memory_space<vmem>>) offsets(%arg13 : memref<40xi32, #tpu.memory_space<vmem>>) semaphore(%arg26 : memref<!tpu.dma_semaphore, #tpu.memory_space<semaphore_mem>>)
    %add3A_72 = arith.constant 1 : i32
    %add3A_73 = arith.addi %mul3A_56, %add3A_72 : i32
    %mul3A_74 = arith.constant 40 : i32
    %mul3A_75 = arith.muli %add3A_73, %mul3A_74 : i32
    %dma_start3A_76 = tpu.memref_slice %arg5[%mul3A_75] : memref<320000xi32, #tpu.memory_space<hbm>> -> memref<40xi32, #tpu.memory_space<hbm>>
    %dma_start3A_77 = tpu.memref_slice %arg5[%mul3A_75] : memref<320000xi32, #tpu.memory_space<hbm>> -> memref<40xi32, #tpu.memory_space<hbm>>
    tpu.enqueue_dma source(%dma_start3A_77 : memref<40xi32, #tpu.memory_space<hbm>>) target(%arg12 : memref<40xi32, #tpu.memory_space<vmem>>) target_semaphore(%arg25 : memref<!tpu.dma_semaphore, #tpu.memory_space<semaphore_mem>>)
    %dma_start3A_78 = tpu.memref_slice %arg6[%mul3A_75] : memref<320000xi32, #tpu.memory_space<hbm>> -> memref<40xi32, #tpu.memory_space<hbm>>
    %dma_start3A_79 = tpu.memref_slice %arg6[%mul3A_75] : memref<320000xi32, #tpu.memory_space<hbm>> -> memref<40xi32, #tpu.memory_space<hbm>>
    tpu.enqueue_dma source(%dma_start3A_79 : memref<40xi32, #tpu.memory_space<hbm>>) target(%arg14 : memref<40xi32, #tpu.memory_space<vmem>>) target_semaphore(%arg25 : memref<!tpu.dma_semaphore, #tpu.memory_space<semaphore_mem>>)
    %dma_wait3A = arith.constant 0 : i32
    %dma_wait3A_80 = tpu.memref_slice %arg2[%mul3A_62, %dma_wait3A] : memref<320000x128xf32, #tpu.memory_space<hbm>> -> memref<40x128xf32, #tpu.memory_space<hbm>>
    %dma_wait3A_81 = arith.constant 0 : i32
    %dma_wait3A_82 = tpu.memref_slice %arg2[%mul3A_62, %dma_wait3A_81] : memref<320000x128xf32, #tpu.memory_space<hbm>> -> memref<40x128xf32, #tpu.memory_space<hbm>>
    tpu.wait_dma2 semaphore(%arg26 : memref<!tpu.dma_semaphore, #tpu.memory_space<semaphore_mem>>) src(%dma_wait3A_82 : memref<40x128xf32, #tpu.memory_space<hbm>>) dst(%arg17 : memref<40x128xf32, #tpu.memory_space<vmem>>)
    %dma_wait3A_83 = arith.constant 0 : i32
    %dma_wait3A_84 = arith.constant 0 : i32
    %dma_wait3A_85 = tpu.memref_slice %arg3[%dma_wait3A_83, %dma_wait3A_84] : memref<10000x128xf32, #tpu.memory_space<hbm>> -> memref<10000x128xf32, #tpu.memory_space<hbm>>
    tpu.wait_indirect_dma semaphore(%arg26 : memref<!tpu.dma_semaphore, #tpu.memory_space<semaphore_mem>>) src(%dma_wait3A_85 : memref<10000x128xf32, #tpu.memory_space<hbm>>) dst(%arg19 : memref<40x128xf32, #tpu.memory_space<vmem>>)
    %dma_wait3A_86 = arith.constant 0 : i32
    %dma_wait3A_87 = arith.constant 0 : i32
    %dma_wait3A_88 = tpu.memref_slice %arg4[%dma_wait3A_86, %dma_wait3A_87] : memref<320000x128xf32, #tpu.memory_space<hbm>> -> memref<320000x128xf32, #tpu.memory_space<hbm>>
    tpu.wait_indirect_dma semaphore(%arg26 : memref<!tpu.dma_semaphore, #tpu.memory_space<semaphore_mem>>) src(%dma_wait3A_88 : memref<320000x128xf32, #tpu.memory_space<hbm>>) dst(%arg21 : memref<40x128xf32, #tpu.memory_space<vmem>>)
    %add3A_89 = arith.constant 1 : i32
    %add3A_90 = arith.addi %mul3A_56, %add3A_89 : i32
    %mul3A_91 = arith.constant 40 : i32
    %mul3A_92 = arith.muli %add3A_90, %mul3A_91 : i32
    %dma_start3A_93 = tpu.memref_slice %arg7[%mul3A_92] : memref<320000xi32, #tpu.memory_space<hbm>> -> memref<40xi32, #tpu.memory_space<hbm>>
    %dma_start3A_94 = tpu.memref_slice %arg7[%mul3A_92] : memref<320000xi32, #tpu.memory_space<hbm>> -> memref<40xi32, #tpu.memory_space<hbm>>
    tpu.enqueue_dma source(%dma_start3A_94 : memref<40xi32, #tpu.memory_space<hbm>>) target(%arg16 : memref<40xi32, #tpu.memory_space<vmem>>) target_semaphore(%arg25 : memref<!tpu.dma_semaphore, #tpu.memory_space<semaphore_mem>>)
    %dma_wait3A_95 = arith.constant 0 : i32
    %dma_wait3A_96 = tpu.memref_slice %arg5[%dma_wait3A_95] : memref<320000xi32, #tpu.memory_space<hbm>> -> memref<40xi32, #tpu.memory_space<hbm>>
    %dma_wait3A_97 = arith.constant 0 : i32
    %dma_wait3A_98 = tpu.memref_slice %arg5[%dma_wait3A_97] : memref<320000xi32, #tpu.memory_space<hbm>> -> memref<40xi32, #tpu.memory_space<hbm>>
    tpu.wait_dma2 semaphore(%arg25 : memref<!tpu.dma_semaphore, #tpu.memory_space<semaphore_mem>>) src(%dma_wait3A_98 : memref<40xi32, #tpu.memory_space<hbm>>) dst(%arg12 : memref<40xi32, #tpu.memory_space<vmem>>)
    %dma_wait3A_99 = arith.constant 0 : i32
    %dma_wait3A_100 = tpu.memref_slice %arg5[%dma_wait3A_99] : memref<320000xi32, #tpu.memory_space<hbm>> -> memref<40xi32, #tpu.memory_space<hbm>>
    %dma_wait3A_101 = arith.constant 0 : i32
    %dma_wait3A_102 = tpu.memref_slice %arg5[%dma_wait3A_101] : memref<320000xi32, #tpu.memory_space<hbm>> -> memref<40xi32, #tpu.memory_space<hbm>>
    tpu.wait_dma2 semaphore(%arg25 : memref<!tpu.dma_semaphore, #tpu.memory_space<semaphore_mem>>) src(%dma_wait3A_102 : memref<40xi32, #tpu.memory_space<hbm>>) dst(%arg14 : memref<40xi32, #tpu.memory_space<vmem>>)
    %dma_wait3A_103 = arith.constant 0 : i32
    %dma_wait3A_104 = tpu.memref_slice %arg5[%dma_wait3A_103] : memref<320000xi32, #tpu.memory_space<hbm>> -> memref<40xi32, #tpu.memory_space<hbm>>
    %dma_wait3A_105 = arith.constant 0 : i32
    %dma_wait3A_106 = tpu.memref_slice %arg5[%dma_wait3A_105] : memref<320000xi32, #tpu.memory_space<hbm>> -> memref<40xi32, #tpu.memory_space<hbm>>
    tpu.wait_dma2 semaphore(%arg25 : memref<!tpu.dma_semaphore, #tpu.memory_space<semaphore_mem>>) src(%dma_wait3A_106 : memref<40xi32, #tpu.memory_space<hbm>>) dst(%arg16 : memref<40xi32, #tpu.memory_space<vmem>>)
    %add3A_107 = arith.constant 1 : i32
    %add3A_108 = arith.addi %mul3A_56, %add3A_107 : i32
    %mul3A_109 = arith.constant 40 : i32
    %mul3A_110 = arith.muli %add3A_108, %mul3A_109 : i32
    %dma_start3A_111 = arith.constant 0 : i32
    %dma_start3A_112 = tpu.memref_slice %arg2[%mul3A_110, %dma_start3A_111] : memref<320000x128xf32, #tpu.memory_space<hbm>> -> memref<40x128xf32, #tpu.memory_space<hbm>>
    %dma_start3A_113 = arith.constant 0 : i32
    %dma_start3A_114 = tpu.memref_slice %arg2[%mul3A_110, %dma_start3A_113] : memref<320000x128xf32, #tpu.memory_space<hbm>> -> memref<40x128xf32, #tpu.memory_space<hbm>>
    tpu.enqueue_dma source(%dma_start3A_114 : memref<40x128xf32, #tpu.memory_space<hbm>>) target(%arg18 : memref<40x128xf32, #tpu.memory_space<vmem>>) target_semaphore(%arg27 : memref<!tpu.dma_semaphore, #tpu.memory_space<semaphore_mem>>)
    %dma_start3A_115 = arith.constant 0 : i32
    %dma_start3A_116 = arith.constant 0 : i32
    %dma_start3A_117 = tpu.memref_slice %arg3[%dma_start3A_115, %dma_start3A_116] : memref<10000x128xf32, #tpu.memory_space<hbm>> -> memref<10000x128xf32, #tpu.memory_space<hbm>>
    tpu.enqueue_indirect_dma source(%dma_start3A_117 : memref<10000x128xf32, #tpu.memory_space<hbm>>) target(%arg20 : memref<40x128xf32, #tpu.memory_space<vmem>>) offsets(%arg12 : memref<40xi32, #tpu.memory_space<vmem>>) semaphore(%arg27 : memref<!tpu.dma_semaphore, #tpu.memory_space<semaphore_mem>>)
    %dma_start3A_118 = arith.constant 0 : i32
    %dma_start3A_119 = arith.constant 0 : i32
    %dma_start3A_120 = tpu.memref_slice %arg4[%dma_start3A_118, %dma_start3A_119] : memref<320000x128xf32, #tpu.memory_space<hbm>> -> memref<320000x128xf32, #tpu.memory_space<hbm>>
    tpu.enqueue_indirect_dma source(%dma_start3A_120 : memref<320000x128xf32, #tpu.memory_space<hbm>>) target(%arg22 : memref<40x128xf32, #tpu.memory_space<vmem>>) offsets(%arg14 : memref<40xi32, #tpu.memory_space<vmem>>) semaphore(%arg27 : memref<!tpu.dma_semaphore, #tpu.memory_space<semaphore_mem>>)
    %add3A_121 = arith.constant 2 : i32
    %add3A_122 = arith.addi %mul3A_56, %add3A_121 : i32
    %mul3A_123 = arith.constant 40 : i32
    %mul3A_124 = arith.muli %add3A_122, %mul3A_123 : i32
    %dma_start3A_125 = tpu.memref_slice %arg5[%mul3A_124] : memref<320000xi32, #tpu.memory_space<hbm>> -> memref<40xi32, #tpu.memory_space<hbm>>
    %dma_start3A_126 = tpu.memref_slice %arg5[%mul3A_124] : memref<320000xi32, #tpu.memory_space<hbm>> -> memref<40xi32, #tpu.memory_space<hbm>>
    tpu.enqueue_dma source(%dma_start3A_126 : memref<40xi32, #tpu.memory_space<hbm>>) target(%arg11 : memref<40xi32, #tpu.memory_space<vmem>>) target_semaphore(%arg24 : memref<!tpu.dma_semaphore, #tpu.memory_space<semaphore_mem>>)
    %dma_start3A_127 = tpu.memref_slice %arg6[%mul3A_124] : memref<320000xi32, #tpu.memory_space<hbm>> -> memref<40xi32, #tpu.memory_space<hbm>>
    %dma_start3A_128 = tpu.memref_slice %arg6[%mul3A_124] : memref<320000xi32, #tpu.memory_space<hbm>> -> memref<40xi32, #tpu.memory_space<hbm>>
    tpu.enqueue_dma source(%dma_start3A_128 : memref<40xi32, #tpu.memory_space<hbm>>) target(%arg13 : memref<40xi32, #tpu.memory_space<vmem>>) target_semaphore(%arg24 : memref<!tpu.dma_semaphore, #tpu.memory_space<semaphore_mem>>)
    %scan3A = arith.constant 0 : i32
    %scan3A_129 = arith.constant 0 : i32
    %scan3A_130 = arith.constant 40 : i32
    %scan3A_131 = arith.addi %scan3A_129, %scan3A_130 : i32
    %scan3A_132 = arith.constant 1 : i32
    scf.for %scan3A_212 = %scan3A_129 to %scan3A_131 step %scan3A_132  : i32 {
      %get3A = arith.index_cast %scan3A_212 : i32 to index
      %get3A_213 = arith.constant 0 : index
      %get3A_214 = tpu.vector_load %arg17[%get3A, %get3A_213] {strides = array<i32>} : memref<40x128xf32, #tpu.memory_space<vmem>>, vector<1x16xf32>,
      %get3A_215 = vector.shape_cast %get3A_214 : vector<1x16xf32> to vector<16xf32>
      %get3A_216 = arith.index_cast %scan3A_212 : i32 to index
      %get3A_217 = arith.constant 0 : index
      %get3A_218 = tpu.vector_load %arg19[%get3A_216, %get3A_217] {strides = array<i32>} : memref<40x128xf32, #tpu.memory_space<vmem>>, vector<1x16xf32>,
      %get3A_219 = vector.shape_cast %get3A_218 : vector<1x16xf32> to vector<16xf32>
      %add3A_220 = arith.addf %get3A_215, %get3A_219 : vector<16xf32>
      %get3A_221 = arith.index_cast %scan3A_212 : i32 to index
      %get3A_222 = arith.constant 0 : index
      %get3A_223 = tpu.vector_load %arg21[%get3A_221, %get3A_222] {strides = array<i32>} : memref<40x128xf32, #tpu.memory_space<vmem>>, vector<1x16xf32>,
      %get3A_224 = vector.shape_cast %get3A_223 : vector<1x16xf32> to vector<16xf32>
      %sub3A_225 = arith.subf %add3A_220, %get3A_224 : vector<16xf32>
      %max3A = arith.constant 0.000000e+00 : f32
      %max3A_226 = vector.broadcast %max3A : f32 to vector<16xf32>
      %max3A_227 = arith.maximumf %sub3A_225, %max3A_226 : vector<16xf32>
      %swap3A = arith.index_cast %scan3A_212 : i32 to index
      %swap3A_228 = arith.constant 0 : index
      %swap3A_229 = tpu.vector_load %arg19[%swap3A, %swap3A_228] {strides = array<i32>} : memref<40x128xf32, #tpu.memory_space<vmem>>, vector<1x16xf32>,
      %swap3A_230 = vector.shape_cast %swap3A_229 : vector<1x16xf32> to vector<16xf32>
      %swap3A_231 = vector.shape_cast %max3A_227 : vector<16xf32> to vector<1x16xf32>
      tpu.vector_store %arg19[%swap3A, %swap3A_228], %swap3A_231 {strides = array<i32>} : memref<40x128xf32, #tpu.memory_space<vmem>>, vector<1x16xf32>,
      %get3A_232 = arith.index_cast %scan3A_212 : i32 to index
      %get3A_233 = arith.constant 16 : index
      %get3A_234 = tpu.vector_load %arg17[%get3A_232, %get3A_233] {strides = array<i32>} : memref<40x128xf32, #tpu.memory_space<vmem>>, vector<1x16xf32>,
      %get3A_235 = vector.shape_cast %get3A_234 : vector<1x16xf32> to vector<16xf32>
      %get3A_236 = arith.index_cast %scan3A_212 : i32 to index
      %get3A_237 = arith.constant 16 : index
      %get3A_238 = tpu.vector_load %arg19[%get3A_236, %get3A_237] {strides = array<i32>} : memref<40x128xf32, #tpu.memory_space<vmem>>, vector<1x16xf32>,
      %get3A_239 = vector.shape_cast %get3A_238 : vector<1x16xf32> to vector<16xf32>
      %add3A_240 = arith.addf %get3A_235, %get3A_239 : vector<16xf32>
      %get3A_241 = arith.index_cast %scan3A_212 : i32 to index
      %get3A_242 = arith.constant 16 : index
      %get3A_243 = tpu.vector_load %arg21[%get3A_241, %get3A_242] {strides = array<i32>} : memref<40x128xf32, #tpu.memory_space<vmem>>, vector<1x16xf32>,
      %get3A_244 = vector.shape_cast %get3A_243 : vector<1x16xf32> to vector<16xf32>
      %sub3A_245 = arith.subf %add3A_240, %get3A_244 : vector<16xf32>
      %max3A_246 = arith.constant 0.000000e+00 : f32
      %max3A_247 = vector.broadcast %max3A_246 : f32 to vector<16xf32>
      %max3A_248 = arith.maximumf %sub3A_245, %max3A_247 : vector<16xf32>
      %swap3A_249 = arith.index_cast %scan3A_212 : i32 to index
      %swap3A_250 = arith.constant 16 : index
      %swap3A_251 = tpu.vector_load %arg19[%swap3A_249, %swap3A_250] {strides = array<i32>} : memref<40x128xf32, #tpu.memory_space<vmem>>, vector<1x16xf32>,
      %swap3A_252 = vector.shape_cast %swap3A_251 : vector<1x16xf32> to vector<16xf32>
      %swap3A_253 = vector.shape_cast %max3A_248 : vector<16xf32> to vector<1x16xf32>
      tpu.vector_store %arg19[%swap3A_249, %swap3A_250], %swap3A_253 {strides = array<i32>} : memref<40x128xf32, #tpu.memory_space<vmem>>, vector<1x16xf32>,
      %get3A_254 = arith.index_cast %scan3A_212 : i32 to index
      %get3A_255 = arith.constant 32 : index
      %get3A_256 = tpu.vector_load %arg17[%get3A_254, %get3A_255] {strides = array<i32>} : memref<40x128xf32, #tpu.memory_space<vmem>>, vector<1x16xf32>,
      %get3A_257 = vector.shape_cast %get3A_256 : vector<1x16xf32> to vector<16xf32>
      %get3A_258 = arith.index_cast %scan3A_212 : i32 to index
      %get3A_259 = arith.constant 32 : index
      %get3A_260 = tpu.vector_load %arg19[%get3A_258, %get3A_259] {strides = array<i32>} : memref<40x128xf32, #tpu.memory_space<vmem>>, vector<1x16xf32>,
      %get3A_261 = vector.shape_cast %get3A_260 : vector<1x16xf32> to vector<16xf32>
      %add3A_262 = arith.addf %get3A_257, %get3A_261 : vector<16xf32>
      %get3A_263 = arith.index_cast %scan3A_212 : i32 to index
      %get3A_264 = arith.constant 32 : index
      %get3A_265 = tpu.vector_load %arg21[%get3A_263, %get3A_264] {strides = array<i32>} : memref<40x128xf32, #tpu.memory_space<vmem>>, vector<1x16xf32>,
      %get3A_266 = vector.shape_cast %get3A_265 : vector<1x16xf32> to vector<16xf32>
      %sub3A_267 = arith.subf %add3A_262, %get3A_266 : vector<16xf32>
      %max3A_268 = arith.constant 0.000000e+00 : f32
      %max3A_269 = vector.broadcast %max3A_268 : f32 to vector<16xf32>
      %max3A_270 = arith.maximumf %sub3A_267, %max3A_269 : vector<16xf32>
      %swap3A_271 = arith.index_cast %scan3A_212 : i32 to index
      %swap3A_272 = arith.constant 32 : index
      %swap3A_273 = tpu.vector_load %arg19[%swap3A_271, %swap3A_272] {strides = array<i32>} : memref<40x128xf32, #tpu.memory_space<vmem>>, vector<1x16xf32>,
      %swap3A_274 = vector.shape_cast %swap3A_273 : vector<1x16xf32> to vector<16xf32>
      %swap3A_275 = vector.shape_cast %max3A_270 : vector<16xf32> to vector<1x16xf32>
      tpu.vector_store %arg19[%swap3A_271, %swap3A_272], %swap3A_275 {strides = array<i32>} : memref<40x128xf32, #tpu.memory_space<vmem>>, vector<1x16xf32>,
      %get3A_276 = arith.index_cast %scan3A_212 : i32 to index
      %get3A_277 = arith.constant 48 : index
      %get3A_278 = tpu.vector_load %arg17[%get3A_276, %get3A_277] {strides = array<i32>} : memref<40x128xf32, #tpu.memory_space<vmem>>, vector<1x16xf32>,
      %get3A_279 = vector.shape_cast %get3A_278 : vector<1x16xf32> to vector<16xf32>
      %get3A_280 = arith.index_cast %scan3A_212 : i32 to index
      %get3A_281 = arith.constant 48 : index
      %get3A_282 = tpu.vector_load %arg19[%get3A_280, %get3A_281] {strides = array<i32>} : memref<40x128xf32, #tpu.memory_space<vmem>>, vector<1x16xf32>,
      %get3A_283 = vector.shape_cast %get3A_282 : vector<1x16xf32> to vector<16xf32>
      %add3A_284 = arith.addf %get3A_279, %get3A_283 : vector<16xf32>
      %get3A_285 = arith.index_cast %scan3A_212 : i32 to index
      %get3A_286 = arith.constant 48 : index
      %get3A_287 = tpu.vector_load %arg21[%get3A_285, %get3A_286] {strides = array<i32>} : memref<40x128xf32, #tpu.memory_space<vmem>>, vector<1x16xf32>,
      %get3A_288 = vector.shape_cast %get3A_287 : vector<1x16xf32> to vector<16xf32>
      %sub3A_289 = arith.subf %add3A_284, %get3A_288 : vector<16xf32>
      %max3A_290 = arith.constant 0.000000e+00 : f32
      %max3A_291 = vector.broadcast %max3A_290 : f32 to vector<16xf32>
      %max3A_292 = arith.maximumf %sub3A_289, %max3A_291 : vector<16xf32>
      %swap3A_293 = arith.index_cast %scan3A_212 : i32 to index
      %swap3A_294 = arith.constant 48 : index
      %swap3A_295 = tpu.vector_load %arg19[%swap3A_293, %swap3A_294] {strides = array<i32>} : memref<40x128xf32, #tpu.memory_space<vmem>>, vector<1x16xf32>,
      %swap3A_296 = vector.shape_cast %swap3A_295 : vector<1x16xf32> to vector<16xf32>
      %swap3A_297 = vector.shape_cast %max3A_292 : vector<16xf32> to vector<1x16xf32>
      tpu.vector_store %arg19[%swap3A_293, %swap3A_294], %swap3A_297 {strides = array<i32>} : memref<40x128xf32, #tpu.memory_space<vmem>>, vector<1x16xf32>,
      %get3A_298 = arith.index_cast %scan3A_212 : i32 to index
      %get3A_299 = arith.constant 64 : index
      %get3A_300 = tpu.vector_load %arg17[%get3A_298, %get3A_299] {strides = array<i32>} : memref<40x128xf32, #tpu.memory_space<vmem>>, vector<1x16xf32>,
      %get3A_301 = vector.shape_cast %get3A_300 : vector<1x16xf32> to vector<16xf32>
      %get3A_302 = arith.index_cast %scan3A_212 : i32 to index
      %get3A_303 = arith.constant 64 : index
      %get3A_304 = tpu.vector_load %arg19[%get3A_302, %get3A_303] {strides = array<i32>} : memref<40x128xf32, #tpu.memory_space<vmem>>, vector<1x16xf32>,
      %get3A_305 = vector.shape_cast %get3A_304 : vector<1x16xf32> to vector<16xf32>
      %add3A_306 = arith.addf %get3A_301, %get3A_305 : vector<16xf32>
      %get3A_307 = arith.index_cast %scan3A_212 : i32 to index
      %get3A_308 = arith.constant 64 : index
      %get3A_309 = tpu.vector_load %arg21[%get3A_307, %get3A_308] {strides = array<i32>} : memref<40x128xf32, #tpu.memory_space<vmem>>, vector<1x16xf32>,
      %get3A_310 = vector.shape_cast %get3A_309 : vector<1x16xf32> to vector<16xf32>
      %sub3A_311 = arith.subf %add3A_306, %get3A_310 : vector<16xf32>
      %max3A_312 = arith.constant 0.000000e+00 : f32
      %max3A_313 = vector.broadcast %max3A_312 : f32 to vector<16xf32>
      %max3A_314 = arith.maximumf %sub3A_311, %max3A_313 : vector<16xf32>
      %swap3A_315 = arith.index_cast %scan3A_212 : i32 to index
      %swap3A_316 = arith.constant 64 : index
      %swap3A_317 = tpu.vector_load %arg19[%swap3A_315, %swap3A_316] {strides = array<i32>} : memref<40x128xf32, #tpu.memory_space<vmem>>, vector<1x16xf32>,
      %swap3A_318 = vector.shape_cast %swap3A_317 : vector<1x16xf32> to vector<16xf32>
      %swap3A_319 = vector.shape_cast %max3A_314 : vector<16xf32> to vector<1x16xf32>
      tpu.vector_store %arg19[%swap3A_315, %swap3A_316], %swap3A_319 {strides = array<i32>} : memref<40x128xf32, #tpu.memory_space<vmem>>, vector<1x16xf32>,
      %get3A_320 = arith.index_cast %scan3A_212 : i32 to index
      %get3A_321 = arith.constant 80 : index
      %get3A_322 = tpu.vector_load %arg17[%get3A_320, %get3A_321] {strides = array<i32>} : memref<40x128xf32, #tpu.memory_space<vmem>>, vector<1x16xf32>,
      %get3A_323 = vector.shape_cast %get3A_322 : vector<1x16xf32> to vector<16xf32>
      %get3A_324 = arith.index_cast %scan3A_212 : i32 to index
      %get3A_325 = arith.constant 80 : index
      %get3A_326 = tpu.vector_load %arg19[%get3A_324, %get3A_325] {strides = array<i32>} : memref<40x128xf32, #tpu.memory_space<vmem>>, vector<1x16xf32>,
      %get3A_327 = vector.shape_cast %get3A_326 : vector<1x16xf32> to vector<16xf32>
      %add3A_328 = arith.addf %get3A_323, %get3A_327 : vector<16xf32>
      %get3A_329 = arith.index_cast %scan3A_212 : i32 to index
      %get3A_330 = arith.constant 80 : index
      %get3A_331 = tpu.vector_load %arg21[%get3A_329, %get3A_330] {strides = array<i32>} : memref<40x128xf32, #tpu.memory_space<vmem>>, vector<1x16xf32>,
      %get3A_332 = vector.shape_cast %get3A_331 : vector<1x16xf32> to vector<16xf32>
      %sub3A_333 = arith.subf %add3A_328, %get3A_332 : vector<16xf32>
      %max3A_334 = arith.constant 0.000000e+00 : f32
      %max3A_335 = vector.broadcast %max3A_334 : f32 to vector<16xf32>
      %max3A_336 = arith.maximumf %sub3A_333, %max3A_335 : vector<16xf32>
      %swap3A_337 = arith.index_cast %scan3A_212 : i32 to index
      %swap3A_338 = arith.constant 80 : index
      %swap3A_339 = tpu.vector_load %arg19[%swap3A_337, %swap3A_338] {strides = array<i32>} : memref<40x128xf32, #tpu.memory_space<vmem>>, vector<1x16xf32>,
      %swap3A_340 = vector.shape_cast %swap3A_339 : vector<1x16xf32> to vector<16xf32>
      %swap3A_341 = vector.shape_cast %max3A_336 : vector<16xf32> to vector<1x16xf32>
      tpu.vector_store %arg19[%swap3A_337, %swap3A_338], %swap3A_341 {strides = array<i32>} : memref<40x128xf32, #tpu.memory_space<vmem>>, vector<1x16xf32>,
      %get3A_342 = arith.index_cast %scan3A_212 : i32 to index
      %get3A_343 = arith.constant 96 : index
      %get3A_344 = tpu.vector_load %arg17[%get3A_342, %get3A_343] {strides = array<i32>} : memref<40x128xf32, #tpu.memory_space<vmem>>, vector<1x16xf32>,
      %get3A_345 = vector.shape_cast %get3A_344 : vector<1x16xf32> to vector<16xf32>
      %get3A_346 = arith.index_cast %scan3A_212 : i32 to index
      %get3A_347 = arith.constant 96 : index
      %get3A_348 = tpu.vector_load %arg19[%get3A_346, %get3A_347] {strides = array<i32>} : memref<40x128xf32, #tpu.memory_space<vmem>>, vector<1x16xf32>,
      %get3A_349 = vector.shape_cast %get3A_348 : vector<1x16xf32> to vector<16xf32>
      %add3A_350 = arith.addf %get3A_345, %get3A_349 : vector<16xf32>
      %get3A_351 = arith.index_cast %scan3A_212 : i32 to index
      %get3A_352 = arith.constant 96 : index
      %get3A_353 = tpu.vector_load %arg21[%get3A_351, %get3A_352] {strides = array<i32>} : memref<40x128xf32, #tpu.memory_space<vmem>>, vector<1x16xf32>,
      %get3A_354 = vector.shape_cast %get3A_353 : vector<1x16xf32> to vector<16xf32>
      %sub3A_355 = arith.subf %add3A_350, %get3A_354 : vector<16xf32>
      %max3A_356 = arith.constant 0.000000e+00 : f32
      %max3A_357 = vector.broadcast %max3A_356 : f32 to vector<16xf32>
      %max3A_358 = arith.maximumf %sub3A_355, %max3A_357 : vector<16xf32>
      %swap3A_359 = arith.index_cast %scan3A_212 : i32 to index
      %swap3A_360 = arith.constant 96 : index
      %swap3A_361 = tpu.vector_load %arg19[%swap3A_359, %swap3A_360] {strides = array<i32>} : memref<40x128xf32, #tpu.memory_space<vmem>>, vector<1x16xf32>,
      %swap3A_362 = vector.shape_cast %swap3A_361 : vector<1x16xf32> to vector<16xf32>
      %swap3A_363 = vector.shape_cast %max3A_358 : vector<16xf32> to vector<1x16xf32>
      tpu.vector_store %arg19[%swap3A_359, %swap3A_360], %swap3A_363 {strides = array<i32>} : memref<40x128xf32, #tpu.memory_space<vmem>>, vector<1x16xf32>,
      %get3A_364 = arith.index_cast %scan3A_212 : i32 to index
      %get3A_365 = arith.constant 112 : index
      %get3A_366 = tpu.vector_load %arg17[%get3A_364, %get3A_365] {strides = array<i32>} : memref<40x128xf32, #tpu.memory_space<vmem>>, vector<1x16xf32>,
      %get3A_367 = vector.shape_cast %get3A_366 : vector<1x16xf32> to vector<16xf32>
      %get3A_368 = arith.index_cast %scan3A_212 : i32 to index
      %get3A_369 = arith.constant 112 : index
      %get3A_370 = tpu.vector_load %arg19[%get3A_368, %get3A_369] {strides = array<i32>} : memref<40x128xf32, #tpu.memory_space<vmem>>, vector<1x16xf32>,
      %get3A_371 = vector.shape_cast %get3A_370 : vector<1x16xf32> to vector<16xf32>
      %add3A_372 = arith.addf %get3A_367, %get3A_371 : vector<16xf32>
      %get3A_373 = arith.index_cast %scan3A_212 : i32 to index
      %get3A_374 = arith.constant 112 : index
      %get3A_375 = tpu.vector_load %arg21[%get3A_373, %get3A_374] {strides = array<i32>} : memref<40x128xf32, #tpu.memory_space<vmem>>, vector<1x16xf32>,
      %get3A_376 = vector.shape_cast %get3A_375 : vector<1x16xf32> to vector<16xf32>
      %sub3A_377 = arith.subf %add3A_372, %get3A_376 : vector<16xf32>
      %max3A_378 = arith.constant 0.000000e+00 : f32
      %max3A_379 = vector.broadcast %max3A_378 : f32 to vector<16xf32>
      %max3A_380 = arith.maximumf %sub3A_377, %max3A_379 : vector<16xf32>
      %swap3A_381 = arith.index_cast %scan3A_212 : i32 to index
      %swap3A_382 = arith.constant 112 : index
      %swap3A_383 = tpu.vector_load %arg19[%swap3A_381, %swap3A_382] {strides = array<i32>} : memref<40x128xf32, #tpu.memory_space<vmem>>, vector<1x16xf32>,
      %swap3A_384 = vector.shape_cast %swap3A_383 : vector<1x16xf32> to vector<16xf32>
      %swap3A_385 = vector.shape_cast %max3A_380 : vector<16xf32> to vector<1x16xf32>
      tpu.vector_store %arg19[%swap3A_381, %swap3A_382], %swap3A_385 {strides = array<i32>} : memref<40x128xf32, #tpu.memory_space<vmem>>, vector<1x16xf32>,
    }
    %scan3A_133 = arith.constant 40 : i32
    %dma_start3A_134 = arith.constant 0 : i32
    %dma_start3A_135 = arith.constant 0 : i32
    %dma_start3A_136 = tpu.memref_slice %arg23[%dma_start3A_134, %dma_start3A_135] : memref<10000x128xf32, #tpu.memory_space<vmem_shared>> -> memref<10000x128xf32, #tpu.memory_space<vmem_shared>>
    tpu.enqueue_indirect_dma source(%arg19 : memref<40x128xf32, #tpu.memory_space<vmem>>) target(%dma_start3A_136 : memref<10000x128xf32, #tpu.memory_space<vmem_shared>>) offsets(%arg15 : memref<40xi32, #tpu.memory_space<vmem>>) semaphore(%arg28 : memref<!tpu.dma_semaphore, #tpu.memory_space<semaphore_mem>>) {add = true}
    %add3A_137 = arith.constant 0 : i32
    %add3A_138 = arith.addi %mul3A_56, %add3A_137 : i32
    %mul3A_139 = arith.constant 40 : i32
    %mul3A_140 = arith.muli %add3A_138, %mul3A_139 : i32
    %dma_start3A_141 = arith.constant 0 : i32
    %dma_start3A_142 = tpu.memref_slice %arg9[%mul3A_140, %dma_start3A_141] : memref<320000x128xf32, #tpu.memory_space<hbm>> -> memref<40x128xf32, #tpu.memory_space<hbm>>
    %dma_start3A_143 = arith.constant 0 : i32
    %dma_start3A_144 = tpu.memref_slice %arg9[%mul3A_140, %dma_start3A_143] : memref<320000x128xf32, #tpu.memory_space<hbm>> -> memref<40x128xf32, #tpu.memory_space<hbm>>
    tpu.enqueue_dma source(%arg19 : memref<40x128xf32, #tpu.memory_space<vmem>>) target(%dma_start3A_144 : memref<40x128xf32, #tpu.memory_space<hbm>>) target_semaphore(%arg30 : memref<!tpu.dma_semaphore, #tpu.memory_space<semaphore_mem>>)
    %dma_wait3A_145 = arith.constant 0 : i32
    %dma_wait3A_146 = arith.constant 0 : i32
    %dma_wait3A_147 = tpu.memref_slice %arg23[%dma_wait3A_145, %dma_wait3A_146] : memref<10000x128xf32, #tpu.memory_space<vmem_shared>> -> memref<10000x128xf32, #tpu.memory_space<vmem_shared>>
    tpu.wait_indirect_dma semaphore(%arg28 : memref<!tpu.dma_semaphore, #tpu.memory_space<semaphore_mem>>) src(%arg19 : memref<40x128xf32, #tpu.memory_space<vmem>>) dst(%dma_wait3A_147 : memref<10000x128xf32, #tpu.memory_space<vmem_shared>>)
    %dma_wait3A_148 = arith.constant 0 : i32
    %dma_wait3A_149 = tpu.memref_slice %arg2[%mul3A_110, %dma_wait3A_148] : memref<320000x128xf32, #tpu.memory_space<hbm>> -> memref<40x128xf32, #tpu.memory_space<hbm>>
    %dma_wait3A_150 = arith.constant 0 : i32
    %dma_wait3A_151 = tpu.memref_slice %arg2[%mul3A_110, %dma_wait3A_150] : memref<320000x128xf32, #tpu.memory_space<hbm>> -> memref<40x128xf32, #tpu.memory_space<hbm>>
    tpu.wait_dma2 semaphore(%arg27 : memref<!tpu.dma_semaphore, #tpu.memory_space<semaphore_mem>>) src(%dma_wait3A_151 : memref<40x128xf32, #tpu.memory_space<hbm>>) dst(%arg18 : memref<40x128xf32, #tpu.memory_space<vmem>>)
    %dma_wait3A_152 = arith.constant 0 : i32
    %dma_wait3A_153 = arith.constant 0 : i32
    %dma_wait3A_154 = tpu.memref_slice %arg3[%dma_wait3A_152, %dma_wait3A_153] : memref<10000x128xf32, #tpu.memory_space<hbm>> -> memref<10000x128xf32, #tpu.memory_space<hbm>>
    tpu.wait_indirect_dma semaphore(%arg27 : memref<!tpu.dma_semaphore, #tpu.memory_space<semaphore_mem>>) src(%dma_wait3A_154 : memref<10000x128xf32, #tpu.memory_space<hbm>>) dst(%arg20 : memref<40x128xf32, #tpu.memory_space<vmem>>)
    %dma_wait3A_155 = arith.constant 0 : i32
    %dma_wait3A_156 = arith.constant 0 : i32
    %dma_wait3A_157 = tpu.memref_slice %arg4[%dma_wait3A_155, %dma_wait3A_156] : memref<320000x128xf32, #tpu.memory_space<hbm>> -> memref<320000x128xf32, #tpu.memory_space<hbm>>
    tpu.wait_indirect_dma semaphore(%arg27 : memref<!tpu.dma_semaphore, #tpu.memory_space<semaphore_mem>>) src(%dma_wait3A_157 : memref<320000x128xf32, #tpu.memory_space<hbm>>) dst(%arg22 : memref<40x128xf32, #tpu.memory_space<vmem>>)
    %add3A_158 = arith.constant 2 : i32
    %add3A_159 = arith.addi %mul3A_56, %add3A_158 : i32
    %mul3A_160 = arith.constant 40 : i32
    %mul3A_161 = arith.muli %add3A_159, %mul3A_160 : i32
    %dma_start3A_162 = tpu.memref_slice %arg7[%mul3A_161] : memref<320000xi32, #tpu.memory_space<hbm>> -> memref<40xi32, #tpu.memory_space<hbm>>
    %dma_start3A_163 = tpu.memref_slice %arg7[%mul3A_161] : memref<320000xi32, #tpu.memory_space<hbm>> -> memref<40xi32, #tpu.memory_space<hbm>>
    tpu.enqueue_dma source(%dma_start3A_163 : memref<40xi32, #tpu.memory_space<hbm>>) target(%arg15 : memref<40xi32, #tpu.memory_space<vmem>>) target_semaphore(%arg24 : memref<!tpu.dma_semaphore, #tpu.memory_space<semaphore_mem>>)
    %scan3A_164 = arith.constant 0 : i32
    %scan3A_165 = arith.constant 1 : i32
    %scan3A_166 = arith.constant 124 : i32
    %scan3A_167 = arith.addi %scan3A_165, %scan3A_166 : i32
    %scan3A_168 = arith.constant 1 : i32
    scf.for %scan3A_212 = %scan3A_165 to %scan3A_167 step %scan3A_168  : i32 {
      %mul3A_213 = arith.constant 2 : i32
      %mul3A_214 = arith.muli %mul3A_213, %scan3A_212 : i32
      %add3A_215 = arith.constant 1 : i32
      %add3A_216 = arith.addi %mul3A_214, %add3A_215 : i32
      %dma_wait3A_217 = arith.constant 0 : i32
      %dma_wait3A_218 = tpu.memref_slice %arg5[%dma_wait3A_217] : memref<320000xi32, #tpu.memory_space<hbm>> -> memref<40xi32, #tpu.memory_space<hbm>>
      %dma_wait3A_219 = arith.constant 0 : i32
      %dma_wait3A_220 = tpu.memref_slice %arg5[%dma_wait3A_219] : memref<320000xi32, #tpu.memory_space<hbm>> -> memref<40xi32, #tpu.memory_space<hbm>>
      tpu.wait_dma2 semaphore(%arg24 : memref<!tpu.dma_semaphore, #tpu.memory_space<semaphore_mem>>) src(%dma_wait3A_220 : memref<40xi32, #tpu.memory_space<hbm>>) dst(%arg11 : memref<40xi32, #tpu.memory_space<vmem>>)
      %dma_wait3A_221 = arith.constant 0 : i32
      %dma_wait3A_222 = tpu.memref_slice %arg5[%dma_wait3A_221] : memref<320000xi32, #tpu.memory_space<hbm>> -> memref<40xi32, #tpu.memory_space<hbm>>
      %dma_wait3A_223 = arith.constant 0 : i32
      %dma_wait3A_224 = tpu.memref_slice %arg5[%dma_wait3A_223] : memref<320000xi32, #tpu.memory_space<hbm>> -> memref<40xi32, #tpu.memory_space<hbm>>
      tpu.wait_dma2 semaphore(%arg24 : memref<!tpu.dma_semaphore, #tpu.memory_space<semaphore_mem>>) src(%dma_wait3A_224 : memref<40xi32, #tpu.memory_space<hbm>>) dst(%arg13 : memref<40xi32, #tpu.memory_space<vmem>>)
      %dma_wait3A_225 = arith.constant 0 : i32
      %dma_wait3A_226 = tpu.memref_slice %arg5[%dma_wait3A_225] : memref<320000xi32, #tpu.memory_space<hbm>> -> memref<40xi32, #tpu.memory_space<hbm>>
      %dma_wait3A_227 = arith.constant 0 : i32
      %dma_wait3A_228 = tpu.memref_slice %arg5[%dma_wait3A_227] : memref<320000xi32, #tpu.memory_space<hbm>> -> memref<40xi32, #tpu.memory_space<hbm>>
      tpu.wait_dma2 semaphore(%arg24 : memref<!tpu.dma_semaphore, #tpu.memory_space<semaphore_mem>>) src(%dma_wait3A_228 : memref<40xi32, #tpu.memory_space<hbm>>) dst(%arg15 : memref<40xi32, #tpu.memory_space<vmem>>)
      %dma_wait3A_229 = arith.constant 0 : i32
      %dma_wait3A_230 = arith.constant 0 : i32
      %dma_wait3A_231 = tpu.memref_slice %arg2[%dma_wait3A_229, %dma_wait3A_230] : memref<320000x128xf32, #tpu.memory_space<hbm>> -> memref<40x128xf32, #tpu.memory_space<hbm>>
      %dma_wait3A_232 = arith.constant 0 : i32
      %dma_wait3A_233 = arith.constant 0 : i32
      %dma_wait3A_234 = tpu.memref_slice %arg2[%dma_wait3A_232, %dma_wait3A_233] : memref<320000x128xf32, #tpu.memory_space<hbm>> -> memref<40x128xf32, #tpu.memory_space<hbm>>
      tpu.wait_dma2 semaphore(%arg30 : memref<!tpu.dma_semaphore, #tpu.memory_space<semaphore_mem>>) src(%dma_wait3A_234 : memref<40x128xf32, #tpu.memory_space<hbm>>) dst(%arg19 : memref<40x128xf32, #tpu.memory_space<vmem>>)
      %add3A_235 = arith.addi %mul3A_56, %mul3A_214 : i32
      %mul3A_236 = arith.constant 40 : i32
      %mul3A_237 = arith.muli %add3A_235, %mul3A_236 : i32
      %dma_start3A_238 = arith.constant 0 : i32
      %dma_start3A_239 = tpu.memref_slice %arg2[%mul3A_237, %dma_start3A_238] : memref<320000x128xf32, #tpu.memory_space<hbm>> -> memref<40x128xf32, #tpu.memory_space<hbm>>
      %dma_start3A_240 = arith.constant 0 : i32
      %dma_start3A_241 = tpu.memref_slice %arg2[%mul3A_237, %dma_start3A_240] : memref<320000x128xf32, #tpu.memory_space<hbm>> -> memref<40x128xf32, #tpu.memory_space<hbm>>
      tpu.enqueue_dma source(%dma_start3A_241 : memref<40x128xf32, #tpu.memory_space<hbm>>) target(%arg17 : memref<40x128xf32, #tpu.memory_space<vmem>>) target_semaphore(%arg26 : memref<!tpu.dma_semaphore, #tpu.memory_space<semaphore_mem>>)
      %dma_start3A_242 = arith.constant 0 : i32
      %dma_start3A_243 = arith.constant 0 : i32
      %dma_start3A_244 = tpu.memref_slice %arg3[%dma_start3A_242, %dma_start3A_243] : memref<10000x128xf32, #tpu.memory_space<hbm>> -> memref<10000x128xf32, #tpu.memory_space<hbm>>
      tpu.enqueue_indirect_dma source(%dma_start3A_244 : memref<10000x128xf32, #tpu.memory_space<hbm>>) target(%arg19 : memref<40x128xf32, #tpu.memory_space<vmem>>) offsets(%arg11 : memref<40xi32, #tpu.memory_space<vmem>>) semaphore(%arg26 : memref<!tpu.dma_semaphore, #tpu.memory_space<semaphore_mem>>)
      %dma_start3A_245 = arith.constant 0 : i32
      %dma_start3A_246 = arith.constant 0 : i32
      %dma_start3A_247 = tpu.memref_slice %arg4[%dma_start3A_245, %dma_start3A_246] : memref<320000x128xf32, #tpu.memory_space<hbm>> -> memref<320000x128xf32, #tpu.memory_space<hbm>>
      tpu.enqueue_indirect_dma source(%dma_start3A_247 : memref<320000x128xf32, #tpu.memory_space<hbm>>) target(%arg21 : memref<40x128xf32, #tpu.memory_space<vmem>>) offsets(%arg13 : memref<40xi32, #tpu.memory_space<vmem>>) semaphore(%arg26 : memref<!tpu.dma_semaphore, #tpu.memory_space<semaphore_mem>>)
      %add3A_248 = arith.constant 1 : i32
      %add3A_249 = arith.addi %mul3A_214, %add3A_248 : i32
      %add3A_250 = arith.addi %mul3A_56, %add3A_249 : i32
      %mul3A_251 = arith.constant 40 : i32
      %mul3A_252 = arith.muli %add3A_250, %mul3A_251 : i32
      %dma_start3A_253 = tpu.memref_slice %arg5[%mul3A_252] : memref<320000xi32, #tpu.memory_space<hbm>> -> memref<40xi32, #tpu.memory_space<hbm>>
      %dma_start3A_254 = tpu.memref_slice %arg5[%mul3A_252] : memref<320000xi32, #tpu.memory_space<hbm>> -> memref<40xi32, #tpu.memory_space<hbm>>
      tpu.enqueue_dma source(%dma_start3A_254 : memref<40xi32, #tpu.memory_space<hbm>>) target(%arg12 : memref<40xi32, #tpu.memory_space<vmem>>) target_semaphore(%arg25 : memref<!tpu.dma_semaphore, #tpu.memory_space<semaphore_mem>>)
      %dma_start3A_255 = tpu.memref_slice %arg6[%mul3A_252] : memref<320000xi32, #tpu.memory_space<hbm>> -> memref<40xi32, #tpu.memory_space<hbm>>
      %dma_start3A_256 = tpu.memref_slice %arg6[%mul3A_252] : memref<320000xi32, #tpu.memory_space<hbm>> -> memref<40xi32, #tpu.memory_space<hbm>>
      tpu.enqueue_dma source(%dma_start3A_256 : memref<40xi32, #tpu.memory_space<hbm>>) target(%arg14 : memref<40xi32, #tpu.memory_space<vmem>>) target_semaphore(%arg25 : memref<!tpu.dma_semaphore, #tpu.memory_space<semaphore_mem>>)
      %sub3A_257 = arith.constant 1 : i32
      %sub3A_258 = arith.subi %mul3A_214, %sub3A_257 : i32
      %scan3A_259 = arith.constant 0 : i32
      %scan3A_260 = arith.constant 0 : i32
      %scan3A_261 = arith.constant 40 : i32
      %scan3A_262 = arith.addi %scan3A_260, %scan3A_261 : i32
      %scan3A_263 = arith.constant 1 : i32
      scf.for %scan3A_362 = %scan3A_260 to %scan3A_262 step %scan3A_263  : i32 {
        %get3A = arith.index_cast %scan3A_362 : i32 to index
        %get3A_363 = arith.constant 0 : index
        %get3A_364 = tpu.vector_load %arg18[%get3A, %get3A_363] {strides = array<i32>} : memref<40x128xf32, #tpu.memory_space<vmem>>, vector<1x16xf32>,
        %get3A_365 = vector.shape_cast %get3A_364 : vector<1x16xf32> to vector<16xf32>
        %get3A_366 = arith.index_cast %scan3A_362 : i32 to index
        %get3A_367 = arith.constant 0 : index
        %get3A_368 = tpu.vector_load %arg20[%get3A_366, %get3A_367] {strides = array<i32>} : memref<40x128xf32, #tpu.memory_space<vmem>>, vector<1x16xf32>,
        %get3A_369 = vector.shape_cast %get3A_368 : vector<1x16xf32> to vector<16xf32>
        %add3A_370 = arith.addf %get3A_365, %get3A_369 : vector<16xf32>
        %get3A_371 = arith.index_cast %scan3A_362 : i32 to index
        %get3A_372 = arith.constant 0 : index
        %get3A_373 = tpu.vector_load %arg22[%get3A_371, %get3A_372] {strides = array<i32>} : memref<40x128xf32, #tpu.memory_space<vmem>>, vector<1x16xf32>,
        %get3A_374 = vector.shape_cast %get3A_373 : vector<1x16xf32> to vector<16xf32>
        %sub3A_375 = arith.subf %add3A_370, %get3A_374 : vector<16xf32>
        %max3A = arith.constant 0.000000e+00 : f32
        %max3A_376 = vector.broadcast %max3A : f32 to vector<16xf32>
        %max3A_377 = arith.maximumf %sub3A_375, %max3A_376 : vector<16xf32>
        %swap3A = arith.index_cast %scan3A_362 : i32 to index
        %swap3A_378 = arith.constant 0 : index
        %swap3A_379 = tpu.vector_load %arg20[%swap3A, %swap3A_378] {strides = array<i32>} : memref<40x128xf32, #tpu.memory_space<vmem>>, vector<1x16xf32>,
        %swap3A_380 = vector.shape_cast %swap3A_379 : vector<1x16xf32> to vector<16xf32>
        %swap3A_381 = vector.shape_cast %max3A_377 : vector<16xf32> to vector<1x16xf32>
        tpu.vector_store %arg20[%swap3A, %swap3A_378], %swap3A_381 {strides = array<i32>} : memref<40x128xf32, #tpu.memory_space<vmem>>, vector<1x16xf32>,
        %get3A_382 = arith.index_cast %scan3A_362 : i32 to index
        %get3A_383 = arith.constant 16 : index
        %get3A_384 = tpu.vector_load %arg18[%get3A_382, %get3A_383] {strides = array<i32>} : memref<40x128xf32, #tpu.memory_space<vmem>>, vector<1x16xf32>,
        %get3A_385 = vector.shape_cast %get3A_384 : vector<1x16xf32> to vector<16xf32>
        %get3A_386 = arith.index_cast %scan3A_362 : i32 to index
        %get3A_387 = arith.constant 16 : index
        %get3A_388 = tpu.vector_load %arg20[%get3A_386, %get3A_387] {strides = array<i32>} : memref<40x128xf32, #tpu.memory_space<vmem>>, vector<1x16xf32>,
        %get3A_389 = vector.shape_cast %get3A_388 : vector<1x16xf32> to vector<16xf32>
        %add3A_390 = arith.addf %get3A_385, %get3A_389 : vector<16xf32>
        %get3A_391 = arith.index_cast %scan3A_362 : i32 to index
        %get3A_392 = arith.constant 16 : index
        %get3A_393 = tpu.vector_load %arg22[%get3A_391, %get3A_392] {strides = array<i32>} : memref<40x128xf32, #tpu.memory_space<vmem>>, vector<1x16xf32>,
        %get3A_394 = vector.shape_cast %get3A_393 : vector<1x16xf32> to vector<16xf32>
        %sub3A_395 = arith.subf %add3A_390, %get3A_394 : vector<16xf32>
        %max3A_396 = arith.constant 0.000000e+00 : f32
        %max3A_397 = vector.broadcast %max3A_396 : f32 to vector<16xf32>
        %max3A_398 = arith.maximumf %sub3A_395, %max3A_397 : vector<16xf32>
        %swap3A_399 = arith.index_cast %scan3A_362 : i32 to index
        %swap3A_400 = arith.constant 16 : index
        %swap3A_401 = tpu.vector_load %arg20[%swap3A_399, %swap3A_400] {strides = array<i32>} : memref<40x128xf32, #tpu.memory_space<vmem>>, vector<1x16xf32>,
        %swap3A_402 = vector.shape_cast %swap3A_401 : vector<1x16xf32> to vector<16xf32>
        %swap3A_403 = vector.shape_cast %max3A_398 : vector<16xf32> to vector<1x16xf32>
        tpu.vector_store %arg20[%swap3A_399, %swap3A_400], %swap3A_403 {strides = array<i32>} : memref<40x128xf32, #tpu.memory_space<vmem>>, vector<1x16xf32>,
        %get3A_404 = arith.index_cast %scan3A_362 : i32 to index
        %get3A_405 = arith.constant 32 : index
        %get3A_406 = tpu.vector_load %arg18[%get3A_404, %get3A_405] {strides = array<i32>} : memref<40x128xf32, #tpu.memory_space<vmem>>, vector<1x16xf32>,
        %get3A_407 = vector.shape_cast %get3A_406 : vector<1x16xf32> to vector<16xf32>
        %get3A_408 = arith.index_cast %scan3A_362 : i32 to index
        %get3A_409 = arith.constant 32 : index
        %get3A_410 = tpu.vector_load %arg20[%get3A_408, %get3A_409] {strides = array<i32>} : memref<40x128xf32, #tpu.memory_space<vmem>>, vector<1x16xf32>,
        %get3A_411 = vector.shape_cast %get3A_410 : vector<1x16xf32> to vector<16xf32>
        %add3A_412 = arith.addf %get3A_407, %get3A_411 : vector<16xf32>
        %get3A_413 = arith.index_cast %scan3A_362 : i32 to index
        %get3A_414 = arith.constant 32 : index
        %get3A_415 = tpu.vector_load %arg22[%get3A_413, %get3A_414] {strides = array<i32>} : memref<40x128xf32, #tpu.memory_space<vmem>>, vector<1x16xf32>,
        %get3A_416 = vector.shape_cast %get3A_415 : vector<1x16xf32> to vector<16xf32>
        %sub3A_417 = arith.subf %add3A_412, %get3A_416 : vector<16xf32>
        %max3A_418 = arith.constant 0.000000e+00 : f32
        %max3A_419 = vector.broadcast %max3A_418 : f32 to vector<16xf32>
        %max3A_420 = arith.maximumf %sub3A_417, %max3A_419 : vector<16xf32>
        %swap3A_421 = arith.index_cast %scan3A_362 : i32 to index
        %swap3A_422 = arith.constant 32 : index
        %swap3A_423 = tpu.vector_load %arg20[%swap3A_421, %swap3A_422] {strides = array<i32>} : memref<40x128xf32, #tpu.memory_space<vmem>>, vector<1x16xf32>,
        %swap3A_424 = vector.shape_cast %swap3A_423 : vector<1x16xf32> to vector<16xf32>
        %swap3A_425 = vector.shape_cast %max3A_420 : vector<16xf32> to vector<1x16xf32>
        tpu.vector_store %arg20[%swap3A_421, %swap3A_422], %swap3A_425 {strides = array<i32>} : memref<40x128xf32, #tpu.memory_space<vmem>>, vector<1x16xf32>,
        %get3A_426 = arith.index_cast %scan3A_362 : i32 to index
        %get3A_427 = arith.constant 48 : index
        %get3A_428 = tpu.vector_load %arg18[%get3A_426, %get3A_427] {strides = array<i32>} : memref<40x128xf32, #tpu.memory_space<vmem>>, vector<1x16xf32>,
        %get3A_429 = vector.shape_cast %get3A_428 : vector<1x16xf32> to vector<16xf32>
        %get3A_430 = arith.index_cast %scan3A_362 : i32 to index
        %get3A_431 = arith.constant 48 : index
        %get3A_432 = tpu.vector_load %arg20[%get3A_430, %get3A_431] {strides = array<i32>} : memref<40x128xf32, #tpu.memory_space<vmem>>, vector<1x16xf32>,
        %get3A_433 = vector.shape_cast %get3A_432 : vector<1x16xf32> to vector<16xf32>
        %add3A_434 = arith.addf %get3A_429, %get3A_433 : vector<16xf32>
        %get3A_435 = arith.index_cast %scan3A_362 : i32 to index
        %get3A_436 = arith.constant 48 : index
        %get3A_437 = tpu.vector_load %arg22[%get3A_435, %get3A_436] {strides = array<i32>} : memref<40x128xf32, #tpu.memory_space<vmem>>, vector<1x16xf32>,
        %get3A_438 = vector.shape_cast %get3A_437 : vector<1x16xf32> to vector<16xf32>
        %sub3A_439 = arith.subf %add3A_434, %get3A_438 : vector<16xf32>
        %max3A_440 = arith.constant 0.000000e+00 : f32
        %max3A_441 = vector.broadcast %max3A_440 : f32 to vector<16xf32>
        %max3A_442 = arith.maximumf %sub3A_439, %max3A_441 : vector<16xf32>
        %swap3A_443 = arith.index_cast %scan3A_362 : i32 to index
        %swap3A_444 = arith.constant 48 : index
        %swap3A_445 = tpu.vector_load %arg20[%swap3A_443, %swap3A_444] {strides = array<i32>} : memref<40x128xf32, #tpu.memory_space<vmem>>, vector<1x16xf32>,
        %swap3A_446 = vector.shape_cast %swap3A_445 : vector<1x16xf32> to vector<16xf32>
        %swap3A_447 = vector.shape_cast %max3A_442 : vector<16xf32> to vector<1x16xf32>
        tpu.vector_store %arg20[%swap3A_443, %swap3A_444], %swap3A_447 {strides = array<i32>} : memref<40x128xf32, #tpu.memory_space<vmem>>, vector<1x16xf32>,
        %get3A_448 = arith.index_cast %scan3A_362 : i32 to index
        %get3A_449 = arith.constant 64 : index
        %get3A_450 = tpu.vector_load %arg18[%get3A_448, %get3A_449] {strides = array<i32>} : memref<40x128xf32, #tpu.memory_space<vmem>>, vector<1x16xf32>,
        %get3A_451 = vector.shape_cast %get3A_450 : vector<1x16xf32> to vector<16xf32>
        %get3A_452 = arith.index_cast %scan3A_362 : i32 to index
        %get3A_453 = arith.constant 64 : index
        %get3A_454 = tpu.vector_load %arg20[%get3A_452, %get3A_453] {strides = array<i32>} : memref<40x128xf32, #tpu.memory_space<vmem>>, vector<1x16xf32>,
        %get3A_455 = vector.shape_cast %get3A_454 : vector<1x16xf32> to vector<16xf32>
        %add3A_456 = arith.addf %get3A_451, %get3A_455 : vector<16xf32>
        %get3A_457 = arith.index_cast %scan3A_362 : i32 to index
        %get3A_458 = arith.constant 64 : index
        %get3A_459 = tpu.vector_load %arg22[%get3A_457, %get3A_458] {strides = array<i32>} : memref<40x128xf32, #tpu.memory_space<vmem>>, vector<1x16xf32>,
        %get3A_460 = vector.shape_cast %get3A_459 : vector<1x16xf32> to vector<16xf32>
        %sub3A_461 = arith.subf %add3A_456, %get3A_460 : vector<16xf32>
        %max3A_462 = arith.constant 0.000000e+00 : f32
        %max3A_463 = vector.broadcast %max3A_462 : f32 to vector<16xf32>
        %max3A_464 = arith.maximumf %sub3A_461, %max3A_463 : vector<16xf32>
        %swap3A_465 = arith.index_cast %scan3A_362 : i32 to index
        %swap3A_466 = arith.constant 64 : index
        %swap3A_467 = tpu.vector_load %arg20[%swap3A_465, %swap3A_466] {strides = array<i32>} : memref<40x128xf32, #tpu.memory_space<vmem>>, vector<1x16xf32>,
        %swap3A_468 = vector.shape_cast %swap3A_467 : vector<1x16xf32> to vector<16xf32>
        %swap3A_469 = vector.shape_cast %max3A_464 : vector<16xf32> to vector<1x16xf32>
        tpu.vector_store %arg20[%swap3A_465, %swap3A_466], %swap3A_469 {strides = array<i32>} : memref<40x128xf32, #tpu.memory_space<vmem>>, vector<1x16xf32>,
        %get3A_470 = arith.index_cast %scan3A_362 : i32 to index
        %get3A_471 = arith.constant 80 : index
        %get3A_472 = tpu.vector_load %arg18[%get3A_470, %get3A_471] {strides = array<i32>} : memref<40x128xf32, #tpu.memory_space<vmem>>, vector<1x16xf32>,
        %get3A_473 = vector.shape_cast %get3A_472 : vector<1x16xf32> to vector<16xf32>
        %get3A_474 = arith.index_cast %scan3A_362 : i32 to index
        %get3A_475 = arith.constant 80 : index
        %get3A_476 = tpu.vector_load %arg20[%get3A_474, %get3A_475] {strides = array<i32>} : memref<40x128xf32, #tpu.memory_space<vmem>>, vector<1x16xf32>,
        %get3A_477 = vector.shape_cast %get3A_476 : vector<1x16xf32> to vector<16xf32>
        %add3A_478 = arith.addf %get3A_473, %get3A_477 : vector<16xf32>
        %get3A_479 = arith.index_cast %scan3A_362 : i32 to index
        %get3A_480 = arith.constant 80 : index
        %get3A_481 = tpu.vector_load %arg22[%get3A_479, %get3A_480] {strides = array<i32>} : memref<40x128xf32, #tpu.memory_space<vmem>>, vector<1x16xf32>,
        %get3A_482 = vector.shape_cast %get3A_481 : vector<1x16xf32> to vector<16xf32>
        %sub3A_483 = arith.subf %add3A_478, %get3A_482 : vector<16xf32>
        %max3A_484 = arith.constant 0.000000e+00 : f32
        %max3A_485 = vector.broadcast %max3A_484 : f32 to vector<16xf32>
        %max3A_486 = arith.maximumf %sub3A_483, %max3A_485 : vector<16xf32>
        %swap3A_487 = arith.index_cast %scan3A_362 : i32 to index
        %swap3A_488 = arith.constant 80 : index
        %swap3A_489 = tpu.vector_load %arg20[%swap3A_487, %swap3A_488] {strides = array<i32>} : memref<40x128xf32, #tpu.memory_space<vmem>>, vector<1x16xf32>,
        %swap3A_490 = vector.shape_cast %swap3A_489 : vector<1x16xf32> to vector<16xf32>
        %swap3A_491 = vector.shape_cast %max3A_486 : vector<16xf32> to vector<1x16xf32>
        tpu.vector_store %arg20[%swap3A_487, %swap3A_488], %swap3A_491 {strides = array<i32>} : memref<40x128xf32, #tpu.memory_space<vmem>>, vector<1x16xf32>,
        %get3A_492 = arith.index_cast %scan3A_362 : i32 to index
        %get3A_493 = arith.constant 96 : index
        %get3A_494 = tpu.vector_load %arg18[%get3A_492, %get3A_493] {strides = array<i32>} : memref<40x128xf32, #tpu.memory_space<vmem>>, vector<1x16xf32>,
        %get3A_495 = vector.shape_cast %get3A_494 : vector<1x16xf32> to vector<16xf32>
        %get3A_496 = arith.index_cast %scan3A_362 : i32 to index
        %get3A_497 = arith.constant 96 : index
        %get3A_498 = tpu.vector_load %arg20[%get3A_496, %get3A_497] {strides = array<i32>} : memref<40x128xf32, #tpu.memory_space<vmem>>, vector<1x16xf32>,
        %get3A_499 = vector.shape_cast %get3A_498 : vector<1x16xf32> to vector<16xf32>
        %add3A_500 = arith.addf %get3A_495, %get3A_499 : vector<16xf32>
        %get3A_501 = arith.index_cast %scan3A_362 : i32 to index
        %get3A_502 = arith.constant 96 : index
        %get3A_503 = tpu.vector_load %arg22[%get3A_501, %get3A_502] {strides = array<i32>} : memref<40x128xf32, #tpu.memory_space<vmem>>, vector<1x16xf32>,
        %get3A_504 = vector.shape_cast %get3A_503 : vector<1x16xf32> to vector<16xf32>
        %sub3A_505 = arith.subf %add3A_500, %get3A_504 : vector<16xf32>
        %max3A_506 = arith.constant 0.000000e+00 : f32
        %max3A_507 = vector.broadcast %max3A_506 : f32 to vector<16xf32>
        %max3A_508 = arith.maximumf %sub3A_505, %max3A_507 : vector<16xf32>
        %swap3A_509 = arith.index_cast %scan3A_362 : i32 to index
        %swap3A_510 = arith.constant 96 : index
        %swap3A_511 = tpu.vector_load %arg20[%swap3A_509, %swap3A_510] {strides = array<i32>} : memref<40x128xf32, #tpu.memory_space<vmem>>, vector<1x16xf32>,
        %swap3A_512 = vector.shape_cast %swap3A_511 : vector<1x16xf32> to vector<16xf32>
        %swap3A_513 = vector.shape_cast %max3A_508 : vector<16xf32> to vector<1x16xf32>
        tpu.vector_store %arg20[%swap3A_509, %swap3A_510], %swap3A_513 {strides = array<i32>} : memref<40x128xf32, #tpu.memory_space<vmem>>, vector<1x16xf32>,
        %get3A_514 = arith.index_cast %scan3A_362 : i32 to index
        %get3A_515 = arith.constant 112 : index
        %get3A_516 = tpu.vector_load %arg18[%get3A_514, %get3A_515] {strides = array<i32>} : memref<40x128xf32, #tpu.memory_space<vmem>>, vector<1x16xf32>,
        %get3A_517 = vector.shape_cast %get3A_516 : vector<1x16xf32> to vector<16xf32>
        %get3A_518 = arith.index_cast %scan3A_362 : i32 to index
        %get3A_519 = arith.constant 112 : index
        %get3A_520 = tpu.vector_load %arg20[%get3A_518, %get3A_519] {strides = array<i32>} : memref<40x128xf32, #tpu.memory_space<vmem>>, vector<1x16xf32>,
        %get3A_521 = vector.shape_cast %get3A_520 : vector<1x16xf32> to vector<16xf32>
        %add3A_522 = arith.addf %get3A_517, %get3A_521 : vector<16xf32>
        %get3A_523 = arith.index_cast %scan3A_362 : i32 to index
        %get3A_524 = arith.constant 112 : index
        %get3A_525 = tpu.vector_load %arg22[%get3A_523, %get3A_524] {strides = array<i32>} : memref<40x128xf32, #tpu.memory_space<vmem>>, vector<1x16xf32>,
        %get3A_526 = vector.shape_cast %get3A_525 : vector<1x16xf32> to vector<16xf32>
        %sub3A_527 = arith.subf %add3A_522, %get3A_526 : vector<16xf32>
        %max3A_528 = arith.constant 0.000000e+00 : f32
        %max3A_529 = vector.broadcast %max3A_528 : f32 to vector<16xf32>
        %max3A_530 = arith.maximumf %sub3A_527, %max3A_529 : vector<16xf32>
        %swap3A_531 = arith.index_cast %scan3A_362 : i32 to index
        %swap3A_532 = arith.constant 112 : index
        %swap3A_533 = tpu.vector_load %arg20[%swap3A_531, %swap3A_532] {strides = array<i32>} : memref<40x128xf32, #tpu.memory_space<vmem>>, vector<1x16xf32>,
        %swap3A_534 = vector.shape_cast %swap3A_533 : vector<1x16xf32> to vector<16xf32>
        %swap3A_535 = vector.shape_cast %max3A_530 : vector<16xf32> to vector<1x16xf32>
        tpu.vector_store %arg20[%swap3A_531, %swap3A_532], %swap3A_535 {strides = array<i32>} : memref<40x128xf32, #tpu.memory_space<vmem>>, vector<1x16xf32>,
      }
      %scan3A_264 = arith.constant 40 : i32
      %dma_start3A_265 = arith.constant 0 : i32
      %dma_start3A_266 = arith.constant 0 : i32
      %dma_start3A_267 = tpu.memref_slice %arg23[%dma_start3A_265, %dma_start3A_266] : memref<10000x128xf32, #tpu.memory_space<vmem_shared>> -> memref<10000x128xf32, #tpu.memory_space<vmem_shared>>
      tpu.enqueue_indirect_dma source(%arg20 : memref<40x128xf32, #tpu.memory_space<vmem>>) target(%dma_start3A_267 : memref<10000x128xf32, #tpu.memory_space<vmem_shared>>) offsets(%arg16 : memref<40xi32, #tpu.memory_space<vmem>>) semaphore(%arg29 : memref<!tpu.dma_semaphore, #tpu.memory_space<semaphore_mem>>) {add = true}
      %add3A_268 = arith.addi %mul3A_56, %sub3A_258 : i32
      %mul3A_269 = arith.constant 40 : i32
      %mul3A_270 = arith.muli %add3A_268, %mul3A_269 : i32
      %dma_start3A_271 = arith.constant 0 : i32
      %dma_start3A_272 = tpu.memref_slice %arg9[%mul3A_270, %dma_start3A_271] : memref<320000x128xf32, #tpu.memory_space<hbm>> -> memref<40x128xf32, #tpu.memory_space<hbm>>
      %dma_start3A_273 = arith.constant 0 : i32
      %dma_start3A_274 = tpu.memref_slice %arg9[%mul3A_270, %dma_start3A_273] : memref<320000x128xf32, #tpu.memory_space<hbm>> -> memref<40x128xf32, #tpu.memory_space<hbm>>
      tpu.enqueue_dma source(%arg20 : memref<40x128xf32, #tpu.memory_space<vmem>>) target(%dma_start3A_274 : memref<40x128xf32, #tpu.memory_space<hbm>>) target_semaphore(%arg31 : memref<!tpu.dma_semaphore, #tpu.memory_space<semaphore_mem>>)
      %dma_wait3A_275 = arith.constant 0 : i32
      %dma_wait3A_276 = tpu.memref_slice %arg2[%mul3A_237, %dma_wait3A_275] : memref<320000x128xf32, #tpu.memory_space<hbm>> -> memref<40x128xf32, #tpu.memory_space<hbm>>
      %dma_wait3A_277 = arith.constant 0 : i32
      %dma_wait3A_278 = tpu.memref_slice %arg2[%mul3A_237, %dma_wait3A_277] : memref<320000x128xf32, #tpu.memory_space<hbm>> -> memref<40x128xf32, #tpu.memory_space<hbm>>
      tpu.wait_dma2 semaphore(%arg26 : memref<!tpu.dma_semaphore, #tpu.memory_space<semaphore_mem>>) src(%dma_wait3A_278 : memref<40x128xf32, #tpu.memory_space<hbm>>) dst(%arg17 : memref<40x128xf32, #tpu.memory_space<vmem>>)
      %dma_wait3A_279 = arith.constant 0 : i32
      %dma_wait3A_280 = arith.constant 0 : i32
      %dma_wait3A_281 = tpu.memref_slice %arg3[%dma_wait3A_279, %dma_wait3A_280] : memref<10000x128xf32, #tpu.memory_space<hbm>> -> memref<10000x128xf32, #tpu.memory_space<hbm>>
      tpu.wait_indirect_dma semaphore(%arg26 : memref<!tpu.dma_semaphore, #tpu.memory_space<semaphore_mem>>) src(%dma_wait3A_281 : memref<10000x128xf32, #tpu.memory_space<hbm>>) dst(%arg19 : memref<40x128xf32, #tpu.memory_space<vmem>>)
      %dma_wait3A_282 = arith.constant 0 : i32
      %dma_wait3A_283 = arith.constant 0 : i32
      %dma_wait3A_284 = tpu.memref_slice %arg4[%dma_wait3A_282, %dma_wait3A_283] : memref<320000x128xf32, #tpu.memory_space<hbm>> -> memref<320000x128xf32, #tpu.memory_space<hbm>>
      tpu.wait_indirect_dma semaphore(%arg26 : memref<!tpu.dma_semaphore, #tpu.memory_space<semaphore_mem>>) src(%dma_wait3A_284 : memref<320000x128xf32, #tpu.memory_space<hbm>>) dst(%arg21 : memref<40x128xf32, #tpu.memory_space<vmem>>)
      %dma_wait3A_285 = arith.constant 0 : i32
      %dma_wait3A_286 = arith.constant 0 : i32
      %dma_wait3A_287 = tpu.memref_slice %arg23[%dma_wait3A_285, %dma_wait3A_286] : memref<10000x128xf32, #tpu.memory_space<vmem_shared>> -> memref<10000x128xf32, #tpu.memory_space<vmem_shared>>
      tpu.wait_indirect_dma semaphore(%arg29 : memref<!tpu.dma_semaphore, #tpu.memory_space<semaphore_mem>>) src(%arg20 : memref<40x128xf32, #tpu.memory_space<vmem>>) dst(%dma_wait3A_287 : memref<10000x128xf32, #tpu.memory_space<vmem_shared>>)
      %add3A_288 = arith.constant 1 : i32
      %add3A_289 = arith.addi %mul3A_214, %add3A_288 : i32
      %add3A_290 = arith.addi %mul3A_56, %add3A_289 : i32
      %mul3A_291 = arith.constant 40 : i32
      %mul3A_292 = arith.muli %add3A_290, %mul3A_291 : i32
      %dma_start3A_293 = tpu.memref_slice %arg7[%mul3A_292] : memref<320000xi32, #tpu.memory_space<hbm>> -> memref<40xi32, #tpu.memory_space<hbm>>
      %dma_start3A_294 = tpu.memref_slice %arg7[%mul3A_292] : memref<320000xi32, #tpu.memory_space<hbm>> -> memref<40xi32, #tpu.memory_space<hbm>>
      tpu.enqueue_dma source(%dma_start3A_294 : memref<40xi32, #tpu.memory_space<hbm>>) target(%arg16 : memref<40xi32, #tpu.memory_space<vmem>>) target_semaphore(%arg25 : memref<!tpu.dma_semaphore, #tpu.memory_space<semaphore_mem>>)
      %dma_wait3A_295 = arith.constant 0 : i32
      %dma_wait3A_296 = tpu.memref_slice %arg5[%dma_wait3A_295] : memref<320000xi32, #tpu.memory_space<hbm>> -> memref<40xi32, #tpu.memory_space<hbm>>
      %dma_wait3A_297 = arith.constant 0 : i32
      %dma_wait3A_298 = tpu.memref_slice %arg5[%dma_wait3A_297] : memref<320000xi32, #tpu.memory_space<hbm>> -> memref<40xi32, #tpu.memory_space<hbm>>
      tpu.wait_dma2 semaphore(%arg25 : memref<!tpu.dma_semaphore, #tpu.memory_space<semaphore_mem>>) src(%dma_wait3A_298 : memref<40xi32, #tpu.memory_space<hbm>>) dst(%arg12 : memref<40xi32, #tpu.memory_space<vmem>>)
      %dma_wait3A_299 = arith.constant 0 : i32
      %dma_wait3A_300 = tpu.memref_slice %arg5[%dma_wait3A_299] : memref<320000xi32, #tpu.memory_space<hbm>> -> memref<40xi32, #tpu.memory_space<hbm>>
      %dma_wait3A_301 = arith.constant 0 : i32
      %dma_wait3A_302 = tpu.memref_slice %arg5[%dma_wait3A_301] : memref<320000xi32, #tpu.memory_space<hbm>> -> memref<40xi32, #tpu.memory_space<hbm>>
      tpu.wait_dma2 semaphore(%arg25 : memref<!tpu.dma_semaphore, #tpu.memory_space<semaphore_mem>>) src(%dma_wait3A_302 : memref<40xi32, #tpu.memory_space<hbm>>) dst(%arg14 : memref<40xi32, #tpu.memory_space<vmem>>)
      %dma_wait3A_303 = arith.constant 0 : i32
      %dma_wait3A_304 = tpu.memref_slice %arg5[%dma_wait3A_303] : memref<320000xi32, #tpu.memory_space<hbm>> -> memref<40xi32, #tpu.memory_space<hbm>>
      %dma_wait3A_305 = arith.constant 0 : i32
      %dma_wait3A_306 = tpu.memref_slice %arg5[%dma_wait3A_305] : memref<320000xi32, #tpu.memory_space<hbm>> -> memref<40xi32, #tpu.memory_space<hbm>>
      tpu.wait_dma2 semaphore(%arg25 : memref<!tpu.dma_semaphore, #tpu.memory_space<semaphore_mem>>) src(%dma_wait3A_306 : memref<40xi32, #tpu.memory_space<hbm>>) dst(%arg16 : memref<40xi32, #tpu.memory_space<vmem>>)
      %dma_wait3A_307 = arith.constant 0 : i32
      %dma_wait3A_308 = arith.constant 0 : i32
      %dma_wait3A_309 = tpu.memref_slice %arg2[%dma_wait3A_307, %dma_wait3A_308] : memref<320000x128xf32, #tpu.memory_space<hbm>> -> memref<40x128xf32, #tpu.memory_space<hbm>>
      %dma_wait3A_310 = arith.constant 0 : i32
      %dma_wait3A_311 = arith.constant 0 : i32
      %dma_wait3A_312 = tpu.memref_slice %arg2[%dma_wait3A_310, %dma_wait3A_311] : memref<320000x128xf32, #tpu.memory_space<hbm>> -> memref<40x128xf32, #tpu.memory_space<hbm>>
      tpu.wait_dma2 semaphore(%arg31 : memref<!tpu.dma_semaphore, #tpu.memory_space<semaphore_mem>>) src(%dma_wait3A_312 : memref<40x128xf32, #tpu.memory_space<hbm>>) dst(%arg20 : memref<40x128xf32, #tpu.memory_space<vmem>>)
      %add3A_313 = arith.addi %mul3A_56, %add3A_216 : i32
      %mul3A_314 = arith.constant 40 : i32
      %mul3A_315 = arith.muli %add3A_313, %mul3A_314 : i32
      %dma_start3A_316 = arith.constant 0 : i32
      %dma_start3A_317 = tpu.memref_slice %arg2[%mul3A_315, %dma_start3A_316] : memref<320000x128xf32, #tpu.memory_space<hbm>> -> memref<40x128xf32, #tpu.memory_space<hbm>>
      %dma_start3A_318 = arith.constant 0 : i32
      %dma_start3A_319 = tpu.memref_slice %arg2[%mul3A_315, %dma_start3A_318] : memref<320000x128xf32, #tpu.memory_space<hbm>> -> memref<40x128xf32, #tpu.memory_space<hbm>>
      tpu.enqueue_dma source(%dma_start3A_319 : memref<40x128xf32, #tpu.memory_space<hbm>>) target(%arg18 : memref<40x128xf32, #tpu.memory_space<vmem>>) target_semaphore(%arg27 : memref<!tpu.dma_semaphore, #tpu.memory_space<semaphore_mem>>)
      %dma_start3A_320 = arith.constant 0 : i32
      %dma_start3A_321 = arith.constant 0 : i32
      %dma_start3A_322 = tpu.memref_slice %arg3[%dma_start3A_320, %dma_start3A_321] : memref<10000x128xf32, #tpu.memory_space<hbm>> -> memref<10000x128xf32, #tpu.memory_space<hbm>>
      tpu.enqueue_indirect_dma source(%dma_start3A_322 : memref<10000x128xf32, #tpu.memory_space<hbm>>) target(%arg20 : memref<40x128xf32, #tpu.memory_space<vmem>>) offsets(%arg12 : memref<40xi32, #tpu.memory_space<vmem>>) semaphore(%arg27 : memref<!tpu.dma_semaphore, #tpu.memory_space<semaphore_mem>>)
      %dma_start3A_323 = arith.constant 0 : i32
      %dma_start3A_324 = arith.constant 0 : i32
      %dma_start3A_325 = tpu.memref_slice %arg4[%dma_start3A_323, %dma_start3A_324] : memref<320000x128xf32, #tpu.memory_space<hbm>> -> memref<320000x128xf32, #tpu.memory_space<hbm>>
      tpu.enqueue_indirect_dma source(%dma_start3A_325 : memref<320000x128xf32, #tpu.memory_space<hbm>>) target(%arg22 : memref<40x128xf32, #tpu.memory_space<vmem>>) offsets(%arg14 : memref<40xi32, #tpu.memory_space<vmem>>) semaphore(%arg27 : memref<!tpu.dma_semaphore, #tpu.memory_space<semaphore_mem>>)
      %lt3A = arith.constant 124 : i32
      %lt3A_326 = arith.cmpi slt, %scan3A_212, %lt3A : i32
      %convert_element_type3A = arith.extui %lt3A_326 : i1 to i32
      %cond3A = arith.constant 0 : i32
      %cond3A_327 = arith.cmpi ne, %convert_element_type3A, %cond3A : i32
      scf.if %cond3A_327 {
        %add3A_362 = arith.constant 1 : i32
        %add3A_363 = arith.addi %add3A_216, %add3A_362 : i32
        %add3A_364 = arith.addi %mul3A_56, %add3A_363 : i32
        %mul3A_365 = arith.constant 40 : i32
        %mul3A_366 = arith.muli %add3A_364, %mul3A_365 : i32
        %dma_start3A_367 = tpu.memref_slice %arg5[%mul3A_366] : memref<320000xi32, #tpu.memory_space<hbm>> -> memref<40xi32, #tpu.memory_space<hbm>>
        %dma_start3A_368 = tpu.memref_slice %arg5[%mul3A_366] : memref<320000xi32, #tpu.memory_space<hbm>> -> memref<40xi32, #tpu.memory_space<hbm>>
        tpu.enqueue_dma source(%dma_start3A_368 : memref<40xi32, #tpu.memory_space<hbm>>) target(%arg11 : memref<40xi32, #tpu.memory_space<vmem>>) target_semaphore(%arg24 : memref<!tpu.dma_semaphore, #tpu.memory_space<semaphore_mem>>)
        %dma_start3A_369 = tpu.memref_slice %arg6[%mul3A_366] : memref<320000xi32, #tpu.memory_space<hbm>> -> memref<40xi32, #tpu.memory_space<hbm>>
        %dma_start3A_370 = tpu.memref_slice %arg6[%mul3A_366] : memref<320000xi32, #tpu.memory_space<hbm>> -> memref<40xi32, #tpu.memory_space<hbm>>
        tpu.enqueue_dma source(%dma_start3A_370 : memref<40xi32, #tpu.memory_space<hbm>>) target(%arg13 : memref<40xi32, #tpu.memory_space<vmem>>) target_semaphore(%arg24 : memref<!tpu.dma_semaphore, #tpu.memory_space<semaphore_mem>>)
      } else {
      }
      %scan3A_328 = arith.constant 0 : i32
      %scan3A_329 = arith.constant 0 : i32
      %scan3A_330 = arith.constant 40 : i32
      %scan3A_331 = arith.addi %scan3A_329, %scan3A_330 : i32
      %scan3A_332 = arith.constant 1 : i32
      scf.for %scan3A_362 = %scan3A_329 to %scan3A_331 step %scan3A_332  : i32 {
        %get3A = arith.index_cast %scan3A_362 : i32 to index
        %get3A_363 = arith.constant 0 : index
        %get3A_364 = tpu.vector_load %arg17[%get3A, %get3A_363] {strides = array<i32>} : memref<40x128xf32, #tpu.memory_space<vmem>>, vector<1x16xf32>,
        %get3A_365 = vector.shape_cast %get3A_364 : vector<1x16xf32> to vector<16xf32>
        %get3A_366 = arith.index_cast %scan3A_362 : i32 to index
        %get3A_367 = arith.constant 0 : index
        %get3A_368 = tpu.vector_load %arg19[%get3A_366, %get3A_367] {strides = array<i32>} : memref<40x128xf32, #tpu.memory_space<vmem>>, vector<1x16xf32>,
        %get3A_369 = vector.shape_cast %get3A_368 : vector<1x16xf32> to vector<16xf32>
        %add3A_370 = arith.addf %get3A_365, %get3A_369 : vector<16xf32>
        %get3A_371 = arith.index_cast %scan3A_362 : i32 to index
        %get3A_372 = arith.constant 0 : index
        %get3A_373 = tpu.vector_load %arg21[%get3A_371, %get3A_372] {strides = array<i32>} : memref<40x128xf32, #tpu.memory_space<vmem>>, vector<1x16xf32>,
        %get3A_374 = vector.shape_cast %get3A_373 : vector<1x16xf32> to vector<16xf32>
        %sub3A_375 = arith.subf %add3A_370, %get3A_374 : vector<16xf32>
        %max3A = arith.constant 0.000000e+00 : f32
        %max3A_376 = vector.broadcast %max3A : f32 to vector<16xf32>
        %max3A_377 = arith.maximumf %sub3A_375, %max3A_376 : vector<16xf32>
        %swap3A = arith.index_cast %scan3A_362 : i32 to index
        %swap3A_378 = arith.constant 0 : index
        %swap3A_379 = tpu.vector_load %arg19[%swap3A, %swap3A_378] {strides = array<i32>} : memref<40x128xf32, #tpu.memory_space<vmem>>, vector<1x16xf32>,
        %swap3A_380 = vector.shape_cast %swap3A_379 : vector<1x16xf32> to vector<16xf32>
        %swap3A_381 = vector.shape_cast %max3A_377 : vector<16xf32> to vector<1x16xf32>
        tpu.vector_store %arg19[%swap3A, %swap3A_378], %swap3A_381 {strides = array<i32>} : memref<40x128xf32, #tpu.memory_space<vmem>>, vector<1x16xf32>,
        %get3A_382 = arith.index_cast %scan3A_362 : i32 to index
        %get3A_383 = arith.constant 16 : index
        %get3A_384 = tpu.vector_load %arg17[%get3A_382, %get3A_383] {strides = array<i32>} : memref<40x128xf32, #tpu.memory_space<vmem>>, vector<1x16xf32>,
        %get3A_385 = vector.shape_cast %get3A_384 : vector<1x16xf32> to vector<16xf32>
        %get3A_386 = arith.index_cast %scan3A_362 : i32 to index
        %get3A_387 = arith.constant 16 : index
        %get3A_388 = tpu.vector_load %arg19[%get3A_386, %get3A_387] {strides = array<i32>} : memref<40x128xf32, #tpu.memory_space<vmem>>, vector<1x16xf32>,
        %get3A_389 = vector.shape_cast %get3A_388 : vector<1x16xf32> to vector<16xf32>
        %add3A_390 = arith.addf %get3A_385, %get3A_389 : vector<16xf32>
        %get3A_391 = arith.index_cast %scan3A_362 : i32 to index
        %get3A_392 = arith.constant 16 : index
        %get3A_393 = tpu.vector_load %arg21[%get3A_391, %get3A_392] {strides = array<i32>} : memref<40x128xf32, #tpu.memory_space<vmem>>, vector<1x16xf32>,
        %get3A_394 = vector.shape_cast %get3A_393 : vector<1x16xf32> to vector<16xf32>
        %sub3A_395 = arith.subf %add3A_390, %get3A_394 : vector<16xf32>
        %max3A_396 = arith.constant 0.000000e+00 : f32
        %max3A_397 = vector.broadcast %max3A_396 : f32 to vector<16xf32>
        %max3A_398 = arith.maximumf %sub3A_395, %max3A_397 : vector<16xf32>
        %swap3A_399 = arith.index_cast %scan3A_362 : i32 to index
        %swap3A_400 = arith.constant 16 : index
        %swap3A_401 = tpu.vector_load %arg19[%swap3A_399, %swap3A_400] {strides = array<i32>} : memref<40x128xf32, #tpu.memory_space<vmem>>, vector<1x16xf32>,
        %swap3A_402 = vector.shape_cast %swap3A_401 : vector<1x16xf32> to vector<16xf32>
        %swap3A_403 = vector.shape_cast %max3A_398 : vector<16xf32> to vector<1x16xf32>
        tpu.vector_store %arg19[%swap3A_399, %swap3A_400], %swap3A_403 {strides = array<i32>} : memref<40x128xf32, #tpu.memory_space<vmem>>, vector<1x16xf32>,
        %get3A_404 = arith.index_cast %scan3A_362 : i32 to index
        %get3A_405 = arith.constant 32 : index
        %get3A_406 = tpu.vector_load %arg17[%get3A_404, %get3A_405] {strides = array<i32>} : memref<40x128xf32, #tpu.memory_space<vmem>>, vector<1x16xf32>,
        %get3A_407 = vector.shape_cast %get3A_406 : vector<1x16xf32> to vector<16xf32>
        %get3A_408 = arith.index_cast %scan3A_362 : i32 to index
        %get3A_409 = arith.constant 32 : index
        %get3A_410 = tpu.vector_load %arg19[%get3A_408, %get3A_409] {strides = array<i32>} : memref<40x128xf32, #tpu.memory_space<vmem>>, vector<1x16xf32>,
        %get3A_411 = vector.shape_cast %get3A_410 : vector<1x16xf32> to vector<16xf32>
        %add3A_412 = arith.addf %get3A_407, %get3A_411 : vector<16xf32>
        %get3A_413 = arith.index_cast %scan3A_362 : i32 to index
        %get3A_414 = arith.constant 32 : index
        %get3A_415 = tpu.vector_load %arg21[%get3A_413, %get3A_414] {strides = array<i32>} : memref<40x128xf32, #tpu.memory_space<vmem>>, vector<1x16xf32>,
        %get3A_416 = vector.shape_cast %get3A_415 : vector<1x16xf32> to vector<16xf32>
        %sub3A_417 = arith.subf %add3A_412, %get3A_416 : vector<16xf32>
        %max3A_418 = arith.constant 0.000000e+00 : f32
        %max3A_419 = vector.broadcast %max3A_418 : f32 to vector<16xf32>
        %max3A_420 = arith.maximumf %sub3A_417, %max3A_419 : vector<16xf32>
        %swap3A_421 = arith.index_cast %scan3A_362 : i32 to index
        %swap3A_422 = arith.constant 32 : index
        %swap3A_423 = tpu.vector_load %arg19[%swap3A_421, %swap3A_422] {strides = array<i32>} : memref<40x128xf32, #tpu.memory_space<vmem>>, vector<1x16xf32>,
        %swap3A_424 = vector.shape_cast %swap3A_423 : vector<1x16xf32> to vector<16xf32>
        %swap3A_425 = vector.shape_cast %max3A_420 : vector<16xf32> to vector<1x16xf32>
        tpu.vector_store %arg19[%swap3A_421, %swap3A_422], %swap3A_425 {strides = array<i32>} : memref<40x128xf32, #tpu.memory_space<vmem>>, vector<1x16xf32>,
        %get3A_426 = arith.index_cast %scan3A_362 : i32 to index
        %get3A_427 = arith.constant 48 : index
        %get3A_428 = tpu.vector_load %arg17[%get3A_426, %get3A_427] {strides = array<i32>} : memref<40x128xf32, #tpu.memory_space<vmem>>, vector<1x16xf32>,
        %get3A_429 = vector.shape_cast %get3A_428 : vector<1x16xf32> to vector<16xf32>
        %get3A_430 = arith.index_cast %scan3A_362 : i32 to index
        %get3A_431 = arith.constant 48 : index
        %get3A_432 = tpu.vector_load %arg19[%get3A_430, %get3A_431] {strides = array<i32>} : memref<40x128xf32, #tpu.memory_space<vmem>>, vector<1x16xf32>,
        %get3A_433 = vector.shape_cast %get3A_432 : vector<1x16xf32> to vector<16xf32>
        %add3A_434 = arith.addf %get3A_429, %get3A_433 : vector<16xf32>
        %get3A_435 = arith.index_cast %scan3A_362 : i32 to index
        %get3A_436 = arith.constant 48 : index
        %get3A_437 = tpu.vector_load %arg21[%get3A_435, %get3A_436] {strides = array<i32>} : memref<40x128xf32, #tpu.memory_space<vmem>>, vector<1x16xf32>,
        %get3A_438 = vector.shape_cast %get3A_437 : vector<1x16xf32> to vector<16xf32>
        %sub3A_439 = arith.subf %add3A_434, %get3A_438 : vector<16xf32>
        %max3A_440 = arith.constant 0.000000e+00 : f32
        %max3A_441 = vector.broadcast %max3A_440 : f32 to vector<16xf32>
        %max3A_442 = arith.maximumf %sub3A_439, %max3A_441 : vector<16xf32>
        %swap3A_443 = arith.index_cast %scan3A_362 : i32 to index
        %swap3A_444 = arith.constant 48 : index
        %swap3A_445 = tpu.vector_load %arg19[%swap3A_443, %swap3A_444] {strides = array<i32>} : memref<40x128xf32, #tpu.memory_space<vmem>>, vector<1x16xf32>,
        %swap3A_446 = vector.shape_cast %swap3A_445 : vector<1x16xf32> to vector<16xf32>
        %swap3A_447 = vector.shape_cast %max3A_442 : vector<16xf32> to vector<1x16xf32>
        tpu.vector_store %arg19[%swap3A_443, %swap3A_444], %swap3A_447 {strides = array<i32>} : memref<40x128xf32, #tpu.memory_space<vmem>>, vector<1x16xf32>,
        %get3A_448 = arith.index_cast %scan3A_362 : i32 to index
        %get3A_449 = arith.constant 64 : index
        %get3A_450 = tpu.vector_load %arg17[%get3A_448, %get3A_449] {strides = array<i32>} : memref<40x128xf32, #tpu.memory_space<vmem>>, vector<1x16xf32>,
        %get3A_451 = vector.shape_cast %get3A_450 : vector<1x16xf32> to vector<16xf32>
        %get3A_452 = arith.index_cast %scan3A_362 : i32 to index
        %get3A_453 = arith.constant 64 : index
        %get3A_454 = tpu.vector_load %arg19[%get3A_452, %get3A_453] {strides = array<i32>} : memref<40x128xf32, #tpu.memory_space<vmem>>, vector<1x16xf32>,
        %get3A_455 = vector.shape_cast %get3A_454 : vector<1x16xf32> to vector<16xf32>
        %add3A_456 = arith.addf %get3A_451, %get3A_455 : vector<16xf32>
        %get3A_457 = arith.index_cast %scan3A_362 : i32 to index
        %get3A_458 = arith.constant 64 : index
        %get3A_459 = tpu.vector_load %arg21[%get3A_457, %get3A_458] {strides = array<i32>} : memref<40x128xf32, #tpu.memory_space<vmem>>, vector<1x16xf32>,
        %get3A_460 = vector.shape_cast %get3A_459 : vector<1x16xf32> to vector<16xf32>
        %sub3A_461 = arith.subf %add3A_456, %get3A_460 : vector<16xf32>
        %max3A_462 = arith.constant 0.000000e+00 : f32
        %max3A_463 = vector.broadcast %max3A_462 : f32 to vector<16xf32>
        %max3A_464 = arith.maximumf %sub3A_461, %max3A_463 : vector<16xf32>
        %swap3A_465 = arith.index_cast %scan3A_362 : i32 to index
        %swap3A_466 = arith.constant 64 : index
        %swap3A_467 = tpu.vector_load %arg19[%swap3A_465, %swap3A_466] {strides = array<i32>} : memref<40x128xf32, #tpu.memory_space<vmem>>, vector<1x16xf32>,
        %swap3A_468 = vector.shape_cast %swap3A_467 : vector<1x16xf32> to vector<16xf32>
        %swap3A_469 = vector.shape_cast %max3A_464 : vector<16xf32> to vector<1x16xf32>
        tpu.vector_store %arg19[%swap3A_465, %swap3A_466], %swap3A_469 {strides = array<i32>} : memref<40x128xf32, #tpu.memory_space<vmem>>, vector<1x16xf32>,
        %get3A_470 = arith.index_cast %scan3A_362 : i32 to index
        %get3A_471 = arith.constant 80 : index
        %get3A_472 = tpu.vector_load %arg17[%get3A_470, %get3A_471] {strides = array<i32>} : memref<40x128xf32, #tpu.memory_space<vmem>>, vector<1x16xf32>,
        %get3A_473 = vector.shape_cast %get3A_472 : vector<1x16xf32> to vector<16xf32>
        %get3A_474 = arith.index_cast %scan3A_362 : i32 to index
        %get3A_475 = arith.constant 80 : index
        %get3A_476 = tpu.vector_load %arg19[%get3A_474, %get3A_475] {strides = array<i32>} : memref<40x128xf32, #tpu.memory_space<vmem>>, vector<1x16xf32>,
        %get3A_477 = vector.shape_cast %get3A_476 : vector<1x16xf32> to vector<16xf32>
        %add3A_478 = arith.addf %get3A_473, %get3A_477 : vector<16xf32>
        %get3A_479 = arith.index_cast %scan3A_362 : i32 to index
        %get3A_480 = arith.constant 80 : index
        %get3A_481 = tpu.vector_load %arg21[%get3A_479, %get3A_480] {strides = array<i32>} : memref<40x128xf32, #tpu.memory_space<vmem>>, vector<1x16xf32>,
        %get3A_482 = vector.shape_cast %get3A_481 : vector<1x16xf32> to vector<16xf32>
        %sub3A_483 = arith.subf %add3A_478, %get3A_482 : vector<16xf32>
        %max3A_484 = arith.constant 0.000000e+00 : f32
        %max3A_485 = vector.broadcast %max3A_484 : f32 to vector<16xf32>
        %max3A_486 = arith.maximumf %sub3A_483, %max3A_485 : vector<16xf32>
        %swap3A_487 = arith.index_cast %scan3A_362 : i32 to index
        %swap3A_488 = arith.constant 80 : index
        %swap3A_489 = tpu.vector_load %arg19[%swap3A_487, %swap3A_488] {strides = array<i32>} : memref<40x128xf32, #tpu.memory_space<vmem>>, vector<1x16xf32>,
        %swap3A_490 = vector.shape_cast %swap3A_489 : vector<1x16xf32> to vector<16xf32>
        %swap3A_491 = vector.shape_cast %max3A_486 : vector<16xf32> to vector<1x16xf32>
        tpu.vector_store %arg19[%swap3A_487, %swap3A_488], %swap3A_491 {strides = array<i32>} : memref<40x128xf32, #tpu.memory_space<vmem>>, vector<1x16xf32>,
        %get3A_492 = arith.index_cast %scan3A_362 : i32 to index
        %get3A_493 = arith.constant 96 : index
        %get3A_494 = tpu.vector_load %arg17[%get3A_492, %get3A_493] {strides = array<i32>} : memref<40x128xf32, #tpu.memory_space<vmem>>, vector<1x16xf32>,
        %get3A_495 = vector.shape_cast %get3A_494 : vector<1x16xf32> to vector<16xf32>
        %get3A_496 = arith.index_cast %scan3A_362 : i32 to index
        %get3A_497 = arith.constant 96 : index
        %get3A_498 = tpu.vector_load %arg19[%get3A_496, %get3A_497] {strides = array<i32>} : memref<40x128xf32, #tpu.memory_space<vmem>>, vector<1x16xf32>,
        %get3A_499 = vector.shape_cast %get3A_498 : vector<1x16xf32> to vector<16xf32>
        %add3A_500 = arith.addf %get3A_495, %get3A_499 : vector<16xf32>
        %get3A_501 = arith.index_cast %scan3A_362 : i32 to index
        %get3A_502 = arith.constant 96 : index
        %get3A_503 = tpu.vector_load %arg21[%get3A_501, %get3A_502] {strides = array<i32>} : memref<40x128xf32, #tpu.memory_space<vmem>>, vector<1x16xf32>,
        %get3A_504 = vector.shape_cast %get3A_503 : vector<1x16xf32> to vector<16xf32>
        %sub3A_505 = arith.subf %add3A_500, %get3A_504 : vector<16xf32>
        %max3A_506 = arith.constant 0.000000e+00 : f32
        %max3A_507 = vector.broadcast %max3A_506 : f32 to vector<16xf32>
        %max3A_508 = arith.maximumf %sub3A_505, %max3A_507 : vector<16xf32>
        %swap3A_509 = arith.index_cast %scan3A_362 : i32 to index
        %swap3A_510 = arith.constant 96 : index
        %swap3A_511 = tpu.vector_load %arg19[%swap3A_509, %swap3A_510] {strides = array<i32>} : memref<40x128xf32, #tpu.memory_space<vmem>>, vector<1x16xf32>,
        %swap3A_512 = vector.shape_cast %swap3A_511 : vector<1x16xf32> to vector<16xf32>
        %swap3A_513 = vector.shape_cast %max3A_508 : vector<16xf32> to vector<1x16xf32>
        tpu.vector_store %arg19[%swap3A_509, %swap3A_510], %swap3A_513 {strides = array<i32>} : memref<40x128xf32, #tpu.memory_space<vmem>>, vector<1x16xf32>,
        %get3A_514 = arith.index_cast %scan3A_362 : i32 to index
        %get3A_515 = arith.constant 112 : index
        %get3A_516 = tpu.vector_load %arg17[%get3A_514, %get3A_515] {strides = array<i32>} : memref<40x128xf32, #tpu.memory_space<vmem>>, vector<1x16xf32>,
        %get3A_517 = vector.shape_cast %get3A_516 : vector<1x16xf32> to vector<16xf32>
        %get3A_518 = arith.index_cast %scan3A_362 : i32 to index
        %get3A_519 = arith.constant 112 : index
        %get3A_520 = tpu.vector_load %arg19[%get3A_518, %get3A_519] {strides = array<i32>} : memref<40x128xf32, #tpu.memory_space<vmem>>, vector<1x16xf32>,
        %get3A_521 = vector.shape_cast %get3A_520 : vector<1x16xf32> to vector<16xf32>
        %add3A_522 = arith.addf %get3A_517, %get3A_521 : vector<16xf32>
        %get3A_523 = arith.index_cast %scan3A_362 : i32 to index
        %get3A_524 = arith.constant 112 : index
        %get3A_525 = tpu.vector_load %arg21[%get3A_523, %get3A_524] {strides = array<i32>} : memref<40x128xf32, #tpu.memory_space<vmem>>, vector<1x16xf32>,
        %get3A_526 = vector.shape_cast %get3A_525 : vector<1x16xf32> to vector<16xf32>
        %sub3A_527 = arith.subf %add3A_522, %get3A_526 : vector<16xf32>
        %max3A_528 = arith.constant 0.000000e+00 : f32
        %max3A_529 = vector.broadcast %max3A_528 : f32 to vector<16xf32>
        %max3A_530 = arith.maximumf %sub3A_527, %max3A_529 : vector<16xf32>
        %swap3A_531 = arith.index_cast %scan3A_362 : i32 to index
        %swap3A_532 = arith.constant 112 : index
        %swap3A_533 = tpu.vector_load %arg19[%swap3A_531, %swap3A_532] {strides = array<i32>} : memref<40x128xf32, #tpu.memory_space<vmem>>, vector<1x16xf32>,
        %swap3A_534 = vector.shape_cast %swap3A_533 : vector<1x16xf32> to vector<16xf32>
        %swap3A_535 = vector.shape_cast %max3A_530 : vector<16xf32> to vector<1x16xf32>
        tpu.vector_store %arg19[%swap3A_531, %swap3A_532], %swap3A_535 {strides = array<i32>} : memref<40x128xf32, #tpu.memory_space<vmem>>, vector<1x16xf32>,
      }
      %scan3A_333 = arith.constant 40 : i32
      %dma_start3A_334 = arith.constant 0 : i32
      %dma_start3A_335 = arith.constant 0 : i32
      %dma_start3A_336 = tpu.memref_slice %arg23[%dma_start3A_334, %dma_start3A_335] : memref<10000x128xf32, #tpu.memory_space<vmem_shared>> -> memref<10000x128xf32, #tpu.memory_space<vmem_shared>>
      tpu.enqueue_indirect_dma source(%arg19 : memref<40x128xf32, #tpu.memory_space<vmem>>) target(%dma_start3A_336 : memref<10000x128xf32, #tpu.memory_space<vmem_shared>>) offsets(%arg15 : memref<40xi32, #tpu.memory_space<vmem>>) semaphore(%arg28 : memref<!tpu.dma_semaphore, #tpu.memory_space<semaphore_mem>>) {add = true}
      %add3A_337 = arith.addi %mul3A_56, %mul3A_214 : i32
      %mul3A_338 = arith.constant 40 : i32
      %mul3A_339 = arith.muli %add3A_337, %mul3A_338 : i32
      %dma_start3A_340 = arith.constant 0 : i32
      %dma_start3A_341 = tpu.memref_slice %arg9[%mul3A_339, %dma_start3A_340] : memref<320000x128xf32, #tpu.memory_space<hbm>> -> memref<40x128xf32, #tpu.memory_space<hbm>>
      %dma_start3A_342 = arith.constant 0 : i32
      %dma_start3A_343 = tpu.memref_slice %arg9[%mul3A_339, %dma_start3A_342] : memref<320000x128xf32, #tpu.memory_space<hbm>> -> memref<40x128xf32, #tpu.memory_space<hbm>>
      tpu.enqueue_dma source(%arg19 : memref<40x128xf32, #tpu.memory_space<vmem>>) target(%dma_start3A_343 : memref<40x128xf32, #tpu.memory_space<hbm>>) target_semaphore(%arg30 : memref<!tpu.dma_semaphore, #tpu.memory_space<semaphore_mem>>)
      %dma_wait3A_344 = arith.constant 0 : i32
      %dma_wait3A_345 = tpu.memref_slice %arg2[%mul3A_315, %dma_wait3A_344] : memref<320000x128xf32, #tpu.memory_space<hbm>> -> memref<40x128xf32, #tpu.memory_space<hbm>>
      %dma_wait3A_346 = arith.constant 0 : i32
      %dma_wait3A_347 = tpu.memref_slice %arg2[%mul3A_315, %dma_wait3A_346] : memref<320000x128xf32, #tpu.memory_space<hbm>> -> memref<40x128xf32, #tpu.memory_space<hbm>>
      tpu.wait_dma2 semaphore(%arg27 : memref<!tpu.dma_semaphore, #tpu.memory_space<semaphore_mem>>) src(%dma_wait3A_347 : memref<40x128xf32, #tpu.memory_space<hbm>>) dst(%arg18 : memref<40x128xf32, #tpu.memory_space<vmem>>)
      %dma_wait3A_348 = arith.constant 0 : i32
      %dma_wait3A_349 = arith.constant 0 : i32
      %dma_wait3A_350 = tpu.memref_slice %arg3[%dma_wait3A_348, %dma_wait3A_349] : memref<10000x128xf32, #tpu.memory_space<hbm>> -> memref<10000x128xf32, #tpu.memory_space<hbm>>
      tpu.wait_indirect_dma semaphore(%arg27 : memref<!tpu.dma_semaphore, #tpu.memory_space<semaphore_mem>>) src(%dma_wait3A_350 : memref<10000x128xf32, #tpu.memory_space<hbm>>) dst(%arg20 : memref<40x128xf32, #tpu.memory_space<vmem>>)
      %dma_wait3A_351 = arith.constant 0 : i32
      %dma_wait3A_352 = arith.constant 0 : i32
      %dma_wait3A_353 = tpu.memref_slice %arg4[%dma_wait3A_351, %dma_wait3A_352] : memref<320000x128xf32, #tpu.memory_space<hbm>> -> memref<320000x128xf32, #tpu.memory_space<hbm>>
      tpu.wait_indirect_dma semaphore(%arg27 : memref<!tpu.dma_semaphore, #tpu.memory_space<semaphore_mem>>) src(%dma_wait3A_353 : memref<320000x128xf32, #tpu.memory_space<hbm>>) dst(%arg22 : memref<40x128xf32, #tpu.memory_space<vmem>>)
      %dma_wait3A_354 = arith.constant 0 : i32
      %dma_wait3A_355 = arith.constant 0 : i32
      %dma_wait3A_356 = tpu.memref_slice %arg23[%dma_wait3A_354, %dma_wait3A_355] : memref<10000x128xf32, #tpu.memory_space<vmem_shared>> -> memref<10000x128xf32, #tpu.memory_space<vmem_shared>>
      tpu.wait_indirect_dma semaphore(%arg28 : memref<!tpu.dma_semaphore, #tpu.memory_space<semaphore_mem>>) src(%arg19 : memref<40x128xf32, #tpu.memory_space<vmem>>) dst(%dma_wait3A_356 : memref<10000x128xf32, #tpu.memory_space<vmem_shared>>)
      %lt3A_357 = arith.constant 124 : i32
      %lt3A_358 = arith.cmpi slt, %scan3A_212, %lt3A_357 : i32
      %convert_element_type3A_359 = arith.extui %lt3A_358 : i1 to i32
      %cond3A_360 = arith.constant 0 : i32
      %cond3A_361 = arith.cmpi ne, %convert_element_type3A_359, %cond3A_360 : i32
      scf.if %cond3A_361 {
        %add3A_362 = arith.constant 1 : i32
        %add3A_363 = arith.addi %add3A_216, %add3A_362 : i32
        %add3A_364 = arith.addi %mul3A_56, %add3A_363 : i32
        %mul3A_365 = arith.constant 40 : i32
        %mul3A_366 = arith.muli %add3A_364, %mul3A_365 : i32
        %dma_start3A_367 = tpu.memref_slice %arg7[%mul3A_366] : memref<320000xi32, #tpu.memory_space<hbm>> -> memref<40xi32, #tpu.memory_space<hbm>>
        %dma_start3A_368 = tpu.memref_slice %arg7[%mul3A_366] : memref<320000xi32, #tpu.memory_space<hbm>> -> memref<40xi32, #tpu.memory_space<hbm>>
        tpu.enqueue_dma source(%dma_start3A_368 : memref<40xi32, #tpu.memory_space<hbm>>) target(%arg15 : memref<40xi32, #tpu.memory_space<vmem>>) target_semaphore(%arg24 : memref<!tpu.dma_semaphore, #tpu.memory_space<semaphore_mem>>)
      } else {
      }
    }
    %scan3A_169 = arith.constant 124 : i32
    %scan3A_170 = arith.constant 0 : i32
    %scan3A_171 = arith.constant 0 : i32
    %scan3A_172 = arith.constant 40 : i32
    %scan3A_173 = arith.addi %scan3A_171, %scan3A_172 : i32
    %scan3A_174 = arith.constant 1 : i32
    scf.for %scan3A_212 = %scan3A_171 to %scan3A_173 step %scan3A_174  : i32 {
      %get3A = arith.index_cast %scan3A_212 : i32 to index
      %get3A_213 = arith.constant 0 : index
      %get3A_214 = tpu.vector_load %arg18[%get3A, %get3A_213] {strides = array<i32>} : memref<40x128xf32, #tpu.memory_space<vmem>>, vector<1x16xf32>,
      %get3A_215 = vector.shape_cast %get3A_214 : vector<1x16xf32> to vector<16xf32>
      %get3A_216 = arith.index_cast %scan3A_212 : i32 to index
      %get3A_217 = arith.constant 0 : index
      %get3A_218 = tpu.vector_load %arg20[%get3A_216, %get3A_217] {strides = array<i32>} : memref<40x128xf32, #tpu.memory_space<vmem>>, vector<1x16xf32>,
      %get3A_219 = vector.shape_cast %get3A_218 : vector<1x16xf32> to vector<16xf32>
      %add3A_220 = arith.addf %get3A_215, %get3A_219 : vector<16xf32>
      %get3A_221 = arith.index_cast %scan3A_212 : i32 to index
      %get3A_222 = arith.constant 0 : index
      %get3A_223 = tpu.vector_load %arg22[%get3A_221, %get3A_222] {strides = array<i32>} : memref<40x128xf32, #tpu.memory_space<vmem>>, vector<1x16xf32>,
      %get3A_224 = vector.shape_cast %get3A_223 : vector<1x16xf32> to vector<16xf32>
      %sub3A_225 = arith.subf %add3A_220, %get3A_224 : vector<16xf32>
      %max3A = arith.constant 0.000000e+00 : f32
      %max3A_226 = vector.broadcast %max3A : f32 to vector<16xf32>
      %max3A_227 = arith.maximumf %sub3A_225, %max3A_226 : vector<16xf32>
      %swap3A = arith.index_cast %scan3A_212 : i32 to index
      %swap3A_228 = arith.constant 0 : index
      %swap3A_229 = tpu.vector_load %arg20[%swap3A, %swap3A_228] {strides = array<i32>} : memref<40x128xf32, #tpu.memory_space<vmem>>, vector<1x16xf32>,
      %swap3A_230 = vector.shape_cast %swap3A_229 : vector<1x16xf32> to vector<16xf32>
      %swap3A_231 = vector.shape_cast %max3A_227 : vector<16xf32> to vector<1x16xf32>
      tpu.vector_store %arg20[%swap3A, %swap3A_228], %swap3A_231 {strides = array<i32>} : memref<40x128xf32, #tpu.memory_space<vmem>>, vector<1x16xf32>,
      %get3A_232 = arith.index_cast %scan3A_212 : i32 to index
      %get3A_233 = arith.constant 16 : index
      %get3A_234 = tpu.vector_load %arg18[%get3A_232, %get3A_233] {strides = array<i32>} : memref<40x128xf32, #tpu.memory_space<vmem>>, vector<1x16xf32>,
      %get3A_235 = vector.shape_cast %get3A_234 : vector<1x16xf32> to vector<16xf32>
      %get3A_236 = arith.index_cast %scan3A_212 : i32 to index
      %get3A_237 = arith.constant 16 : index
      %get3A_238 = tpu.vector_load %arg20[%get3A_236, %get3A_237] {strides = array<i32>} : memref<40x128xf32, #tpu.memory_space<vmem>>, vector<1x16xf32>,
      %get3A_239 = vector.shape_cast %get3A_238 : vector<1x16xf32> to vector<16xf32>
      %add3A_240 = arith.addf %get3A_235, %get3A_239 : vector<16xf32>
      %get3A_241 = arith.index_cast %scan3A_212 : i32 to index
      %get3A_242 = arith.constant 16 : index
      %get3A_243 = tpu.vector_load %arg22[%get3A_241, %get3A_242] {strides = array<i32>} : memref<40x128xf32, #tpu.memory_space<vmem>>, vector<1x16xf32>,
      %get3A_244 = vector.shape_cast %get3A_243 : vector<1x16xf32> to vector<16xf32>
      %sub3A_245 = arith.subf %add3A_240, %get3A_244 : vector<16xf32>
      %max3A_246 = arith.constant 0.000000e+00 : f32
      %max3A_247 = vector.broadcast %max3A_246 : f32 to vector<16xf32>
      %max3A_248 = arith.maximumf %sub3A_245, %max3A_247 : vector<16xf32>
      %swap3A_249 = arith.index_cast %scan3A_212 : i32 to index
      %swap3A_250 = arith.constant 16 : index
      %swap3A_251 = tpu.vector_load %arg20[%swap3A_249, %swap3A_250] {strides = array<i32>} : memref<40x128xf32, #tpu.memory_space<vmem>>, vector<1x16xf32>,
      %swap3A_252 = vector.shape_cast %swap3A_251 : vector<1x16xf32> to vector<16xf32>
      %swap3A_253 = vector.shape_cast %max3A_248 : vector<16xf32> to vector<1x16xf32>
      tpu.vector_store %arg20[%swap3A_249, %swap3A_250], %swap3A_253 {strides = array<i32>} : memref<40x128xf32, #tpu.memory_space<vmem>>, vector<1x16xf32>,
      %get3A_254 = arith.index_cast %scan3A_212 : i32 to index
      %get3A_255 = arith.constant 32 : index
      %get3A_256 = tpu.vector_load %arg18[%get3A_254, %get3A_255] {strides = array<i32>} : memref<40x128xf32, #tpu.memory_space<vmem>>, vector<1x16xf32>,
      %get3A_257 = vector.shape_cast %get3A_256 : vector<1x16xf32> to vector<16xf32>
      %get3A_258 = arith.index_cast %scan3A_212 : i32 to index
      %get3A_259 = arith.constant 32 : index
      %get3A_260 = tpu.vector_load %arg20[%get3A_258, %get3A_259] {strides = array<i32>} : memref<40x128xf32, #tpu.memory_space<vmem>>, vector<1x16xf32>,
      %get3A_261 = vector.shape_cast %get3A_260 : vector<1x16xf32> to vector<16xf32>
      %add3A_262 = arith.addf %get3A_257, %get3A_261 : vector<16xf32>
      %get3A_263 = arith.index_cast %scan3A_212 : i32 to index
      %get3A_264 = arith.constant 32 : index
      %get3A_265 = tpu.vector_load %arg22[%get3A_263, %get3A_264] {strides = array<i32>} : memref<40x128xf32, #tpu.memory_space<vmem>>, vector<1x16xf32>,
      %get3A_266 = vector.shape_cast %get3A_265 : vector<1x16xf32> to vector<16xf32>
      %sub3A_267 = arith.subf %add3A_262, %get3A_266 : vector<16xf32>
      %max3A_268 = arith.constant 0.000000e+00 : f32
      %max3A_269 = vector.broadcast %max3A_268 : f32 to vector<16xf32>
      %max3A_270 = arith.maximumf %sub3A_267, %max3A_269 : vector<16xf32>
      %swap3A_271 = arith.index_cast %scan3A_212 : i32 to index
      %swap3A_272 = arith.constant 32 : index
      %swap3A_273 = tpu.vector_load %arg20[%swap3A_271, %swap3A_272] {strides = array<i32>} : memref<40x128xf32, #tpu.memory_space<vmem>>, vector<1x16xf32>,
      %swap3A_274 = vector.shape_cast %swap3A_273 : vector<1x16xf32> to vector<16xf32>
      %swap3A_275 = vector.shape_cast %max3A_270 : vector<16xf32> to vector<1x16xf32>
      tpu.vector_store %arg20[%swap3A_271, %swap3A_272], %swap3A_275 {strides = array<i32>} : memref<40x128xf32, #tpu.memory_space<vmem>>, vector<1x16xf32>,
      %get3A_276 = arith.index_cast %scan3A_212 : i32 to index
      %get3A_277 = arith.constant 48 : index
      %get3A_278 = tpu.vector_load %arg18[%get3A_276, %get3A_277] {strides = array<i32>} : memref<40x128xf32, #tpu.memory_space<vmem>>, vector<1x16xf32>,
      %get3A_279 = vector.shape_cast %get3A_278 : vector<1x16xf32> to vector<16xf32>
      %get3A_280 = arith.index_cast %scan3A_212 : i32 to index
      %get3A_281 = arith.constant 48 : index
      %get3A_282 = tpu.vector_load %arg20[%get3A_280, %get3A_281] {strides = array<i32>} : memref<40x128xf32, #tpu.memory_space<vmem>>, vector<1x16xf32>,
      %get3A_283 = vector.shape_cast %get3A_282 : vector<1x16xf32> to vector<16xf32>
      %add3A_284 = arith.addf %get3A_279, %get3A_283 : vector<16xf32>
      %get3A_285 = arith.index_cast %scan3A_212 : i32 to index
      %get3A_286 = arith.constant 48 : index
      %get3A_287 = tpu.vector_load %arg22[%get3A_285, %get3A_286] {strides = array<i32>} : memref<40x128xf32, #tpu.memory_space<vmem>>, vector<1x16xf32>,
      %get3A_288 = vector.shape_cast %get3A_287 : vector<1x16xf32> to vector<16xf32>
      %sub3A_289 = arith.subf %add3A_284, %get3A_288 : vector<16xf32>
      %max3A_290 = arith.constant 0.000000e+00 : f32
      %max3A_291 = vector.broadcast %max3A_290 : f32 to vector<16xf32>
      %max3A_292 = arith.maximumf %sub3A_289, %max3A_291 : vector<16xf32>
      %swap3A_293 = arith.index_cast %scan3A_212 : i32 to index
      %swap3A_294 = arith.constant 48 : index
      %swap3A_295 = tpu.vector_load %arg20[%swap3A_293, %swap3A_294] {strides = array<i32>} : memref<40x128xf32, #tpu.memory_space<vmem>>, vector<1x16xf32>,
      %swap3A_296 = vector.shape_cast %swap3A_295 : vector<1x16xf32> to vector<16xf32>
      %swap3A_297 = vector.shape_cast %max3A_292 : vector<16xf32> to vector<1x16xf32>
      tpu.vector_store %arg20[%swap3A_293, %swap3A_294], %swap3A_297 {strides = array<i32>} : memref<40x128xf32, #tpu.memory_space<vmem>>, vector<1x16xf32>,
      %get3A_298 = arith.index_cast %scan3A_212 : i32 to index
      %get3A_299 = arith.constant 64 : index
      %get3A_300 = tpu.vector_load %arg18[%get3A_298, %get3A_299] {strides = array<i32>} : memref<40x128xf32, #tpu.memory_space<vmem>>, vector<1x16xf32>,
      %get3A_301 = vector.shape_cast %get3A_300 : vector<1x16xf32> to vector<16xf32>
      %get3A_302 = arith.index_cast %scan3A_212 : i32 to index
      %get3A_303 = arith.constant 64 : index
      %get3A_304 = tpu.vector_load %arg20[%get3A_302, %get3A_303] {strides = array<i32>} : memref<40x128xf32, #tpu.memory_space<vmem>>, vector<1x16xf32>,
      %get3A_305 = vector.shape_cast %get3A_304 : vector<1x16xf32> to vector<16xf32>
      %add3A_306 = arith.addf %get3A_301, %get3A_305 : vector<16xf32>
      %get3A_307 = arith.index_cast %scan3A_212 : i32 to index
      %get3A_308 = arith.constant 64 : index
      %get3A_309 = tpu.vector_load %arg22[%get3A_307, %get3A_308] {strides = array<i32>} : memref<40x128xf32, #tpu.memory_space<vmem>>, vector<1x16xf32>,
      %get3A_310 = vector.shape_cast %get3A_309 : vector<1x16xf32> to vector<16xf32>
      %sub3A_311 = arith.subf %add3A_306, %get3A_310 : vector<16xf32>
      %max3A_312 = arith.constant 0.000000e+00 : f32
      %max3A_313 = vector.broadcast %max3A_312 : f32 to vector<16xf32>
      %max3A_314 = arith.maximumf %sub3A_311, %max3A_313 : vector<16xf32>
      %swap3A_315 = arith.index_cast %scan3A_212 : i32 to index
      %swap3A_316 = arith.constant 64 : index
      %swap3A_317 = tpu.vector_load %arg20[%swap3A_315, %swap3A_316] {strides = array<i32>} : memref<40x128xf32, #tpu.memory_space<vmem>>, vector<1x16xf32>,
      %swap3A_318 = vector.shape_cast %swap3A_317 : vector<1x16xf32> to vector<16xf32>
      %swap3A_319 = vector.shape_cast %max3A_314 : vector<16xf32> to vector<1x16xf32>
      tpu.vector_store %arg20[%swap3A_315, %swap3A_316], %swap3A_319 {strides = array<i32>} : memref<40x128xf32, #tpu.memory_space<vmem>>, vector<1x16xf32>,
      %get3A_320 = arith.index_cast %scan3A_212 : i32 to index
      %get3A_321 = arith.constant 80 : index
      %get3A_322 = tpu.vector_load %arg18[%get3A_320, %get3A_321] {strides = array<i32>} : memref<40x128xf32, #tpu.memory_space<vmem>>, vector<1x16xf32>,
      %get3A_323 = vector.shape_cast %get3A_322 : vector<1x16xf32> to vector<16xf32>
      %get3A_324 = arith.index_cast %scan3A_212 : i32 to index
      %get3A_325 = arith.constant 80 : index
      %get3A_326 = tpu.vector_load %arg20[%get3A_324, %get3A_325] {strides = array<i32>} : memref<40x128xf32, #tpu.memory_space<vmem>>, vector<1x16xf32>,
      %get3A_327 = vector.shape_cast %get3A_326 : vector<1x16xf32> to vector<16xf32>
      %add3A_328 = arith.addf %get3A_323, %get3A_327 : vector<16xf32>
      %get3A_329 = arith.index_cast %scan3A_212 : i32 to index
      %get3A_330 = arith.constant 80 : index
      %get3A_331 = tpu.vector_load %arg22[%get3A_329, %get3A_330] {strides = array<i32>} : memref<40x128xf32, #tpu.memory_space<vmem>>, vector<1x16xf32>,
      %get3A_332 = vector.shape_cast %get3A_331 : vector<1x16xf32> to vector<16xf32>
      %sub3A_333 = arith.subf %add3A_328, %get3A_332 : vector<16xf32>
      %max3A_334 = arith.constant 0.000000e+00 : f32
      %max3A_335 = vector.broadcast %max3A_334 : f32 to vector<16xf32>
      %max3A_336 = arith.maximumf %sub3A_333, %max3A_335 : vector<16xf32>
      %swap3A_337 = arith.index_cast %scan3A_212 : i32 to index
      %swap3A_338 = arith.constant 80 : index
      %swap3A_339 = tpu.vector_load %arg20[%swap3A_337, %swap3A_338] {strides = array<i32>} : memref<40x128xf32, #tpu.memory_space<vmem>>, vector<1x16xf32>,
      %swap3A_340 = vector.shape_cast %swap3A_339 : vector<1x16xf32> to vector<16xf32>
      %swap3A_341 = vector.shape_cast %max3A_336 : vector<16xf32> to vector<1x16xf32>
      tpu.vector_store %arg20[%swap3A_337, %swap3A_338], %swap3A_341 {strides = array<i32>} : memref<40x128xf32, #tpu.memory_space<vmem>>, vector<1x16xf32>,
      %get3A_342 = arith.index_cast %scan3A_212 : i32 to index
      %get3A_343 = arith.constant 96 : index
      %get3A_344 = tpu.vector_load %arg18[%get3A_342, %get3A_343] {strides = array<i32>} : memref<40x128xf32, #tpu.memory_space<vmem>>, vector<1x16xf32>,
      %get3A_345 = vector.shape_cast %get3A_344 : vector<1x16xf32> to vector<16xf32>
      %get3A_346 = arith.index_cast %scan3A_212 : i32 to index
      %get3A_347 = arith.constant 96 : index
      %get3A_348 = tpu.vector_load %arg20[%get3A_346, %get3A_347] {strides = array<i32>} : memref<40x128xf32, #tpu.memory_space<vmem>>, vector<1x16xf32>,
      %get3A_349 = vector.shape_cast %get3A_348 : vector<1x16xf32> to vector<16xf32>
      %add3A_350 = arith.addf %get3A_345, %get3A_349 : vector<16xf32>
      %get3A_351 = arith.index_cast %scan3A_212 : i32 to index
      %get3A_352 = arith.constant 96 : index
      %get3A_353 = tpu.vector_load %arg22[%get3A_351, %get3A_352] {strides = array<i32>} : memref<40x128xf32, #tpu.memory_space<vmem>>, vector<1x16xf32>,
      %get3A_354 = vector.shape_cast %get3A_353 : vector<1x16xf32> to vector<16xf32>
      %sub3A_355 = arith.subf %add3A_350, %get3A_354 : vector<16xf32>
      %max3A_356 = arith.constant 0.000000e+00 : f32
      %max3A_357 = vector.broadcast %max3A_356 : f32 to vector<16xf32>
      %max3A_358 = arith.maximumf %sub3A_355, %max3A_357 : vector<16xf32>
      %swap3A_359 = arith.index_cast %scan3A_212 : i32 to index
      %swap3A_360 = arith.constant 96 : index
      %swap3A_361 = tpu.vector_load %arg20[%swap3A_359, %swap3A_360] {strides = array<i32>} : memref<40x128xf32, #tpu.memory_space<vmem>>, vector<1x16xf32>,
      %swap3A_362 = vector.shape_cast %swap3A_361 : vector<1x16xf32> to vector<16xf32>
      %swap3A_363 = vector.shape_cast %max3A_358 : vector<16xf32> to vector<1x16xf32>
      tpu.vector_store %arg20[%swap3A_359, %swap3A_360], %swap3A_363 {strides = array<i32>} : memref<40x128xf32, #tpu.memory_space<vmem>>, vector<1x16xf32>,
      %get3A_364 = arith.index_cast %scan3A_212 : i32 to index
      %get3A_365 = arith.constant 112 : index
      %get3A_366 = tpu.vector_load %arg18[%get3A_364, %get3A_365] {strides = array<i32>} : memref<40x128xf32, #tpu.memory_space<vmem>>, vector<1x16xf32>,
      %get3A_367 = vector.shape_cast %get3A_366 : vector<1x16xf32> to vector<16xf32>
      %get3A_368 = arith.index_cast %scan3A_212 : i32 to index
      %get3A_369 = arith.constant 112 : index
      %get3A_370 = tpu.vector_load %arg20[%get3A_368, %get3A_369] {strides = array<i32>} : memref<40x128xf32, #tpu.memory_space<vmem>>, vector<1x16xf32>,
      %get3A_371 = vector.shape_cast %get3A_370 : vector<1x16xf32> to vector<16xf32>
      %add3A_372 = arith.addf %get3A_367, %get3A_371 : vector<16xf32>
      %get3A_373 = arith.index_cast %scan3A_212 : i32 to index
      %get3A_374 = arith.constant 112 : index
      %get3A_375 = tpu.vector_load %arg22[%get3A_373, %get3A_374] {strides = array<i32>} : memref<40x128xf32, #tpu.memory_space<vmem>>, vector<1x16xf32>,
      %get3A_376 = vector.shape_cast %get3A_375 : vector<1x16xf32> to vector<16xf32>
      %sub3A_377 = arith.subf %add3A_372, %get3A_376 : vector<16xf32>
      %max3A_378 = arith.constant 0.000000e+00 : f32
      %max3A_379 = vector.broadcast %max3A_378 : f32 to vector<16xf32>
      %max3A_380 = arith.maximumf %sub3A_377, %max3A_379 : vector<16xf32>
      %swap3A_381 = arith.index_cast %scan3A_212 : i32 to index
      %swap3A_382 = arith.constant 112 : index
      %swap3A_383 = tpu.vector_load %arg20[%swap3A_381, %swap3A_382] {strides = array<i32>} : memref<40x128xf32, #tpu.memory_space<vmem>>, vector<1x16xf32>,
      %swap3A_384 = vector.shape_cast %swap3A_383 : vector<1x16xf32> to vector<16xf32>
      %swap3A_385 = vector.shape_cast %max3A_380 : vector<16xf32> to vector<1x16xf32>
      tpu.vector_store %arg20[%swap3A_381, %swap3A_382], %swap3A_385 {strides = array<i32>} : memref<40x128xf32, #tpu.memory_space<vmem>>, vector<1x16xf32>,
    }
    %scan3A_175 = arith.constant 40 : i32
    %dma_start3A_176 = arith.constant 0 : i32
    %dma_start3A_177 = arith.constant 0 : i32
    %dma_start3A_178 = tpu.memref_slice %arg23[%dma_start3A_176, %dma_start3A_177] : memref<10000x128xf32, #tpu.memory_space<vmem_shared>> -> memref<10000x128xf32, #tpu.memory_space<vmem_shared>>
    tpu.enqueue_indirect_dma source(%arg20 : memref<40x128xf32, #tpu.memory_space<vmem>>) target(%dma_start3A_178 : memref<10000x128xf32, #tpu.memory_space<vmem_shared>>) offsets(%arg16 : memref<40xi32, #tpu.memory_space<vmem>>) semaphore(%arg29 : memref<!tpu.dma_semaphore, #tpu.memory_space<semaphore_mem>>) {add = true}
    %add3A_179 = arith.constant 249 : i32
    %add3A_180 = arith.addi %mul3A_56, %add3A_179 : i32
    %mul3A_181 = arith.constant 40 : i32
    %mul3A_182 = arith.muli %add3A_180, %mul3A_181 : i32
    %dma_start3A_183 = arith.constant 0 : i32
    %dma_start3A_184 = tpu.memref_slice %arg9[%mul3A_182, %dma_start3A_183] : memref<320000x128xf32, #tpu.memory_space<hbm>> -> memref<40x128xf32, #tpu.memory_space<hbm>>
    %dma_start3A_185 = arith.constant 0 : i32
    %dma_start3A_186 = tpu.memref_slice %arg9[%mul3A_182, %dma_start3A_185] : memref<320000x128xf32, #tpu.memory_space<hbm>> -> memref<40x128xf32, #tpu.memory_space<hbm>>
    tpu.enqueue_dma source(%arg20 : memref<40x128xf32, #tpu.memory_space<vmem>>) target(%dma_start3A_186 : memref<40x128xf32, #tpu.memory_space<hbm>>) target_semaphore(%arg31 : memref<!tpu.dma_semaphore, #tpu.memory_space<semaphore_mem>>)
    %dma_wait3A_187 = arith.constant 0 : i32
    %dma_wait3A_188 = arith.constant 0 : i32
    %dma_wait3A_189 = tpu.memref_slice %arg23[%dma_wait3A_187, %dma_wait3A_188] : memref<10000x128xf32, #tpu.memory_space<vmem_shared>> -> memref<10000x128xf32, #tpu.memory_space<vmem_shared>>
    tpu.wait_indirect_dma semaphore(%arg29 : memref<!tpu.dma_semaphore, #tpu.memory_space<semaphore_mem>>) src(%arg20 : memref<40x128xf32, #tpu.memory_space<vmem>>) dst(%dma_wait3A_189 : memref<10000x128xf32, #tpu.memory_space<vmem_shared>>)
    %dma_wait3A_190 = arith.constant 0 : i32
    %dma_wait3A_191 = arith.constant 0 : i32
    %dma_wait3A_192 = tpu.memref_slice %arg2[%dma_wait3A_190, %dma_wait3A_191] : memref<320000x128xf32, #tpu.memory_space<hbm>> -> memref<40x128xf32, #tpu.memory_space<hbm>>
    %dma_wait3A_193 = arith.constant 0 : i32
    %dma_wait3A_194 = arith.constant 0 : i32
    %dma_wait3A_195 = tpu.memref_slice %arg2[%dma_wait3A_193, %dma_wait3A_194] : memref<320000x128xf32, #tpu.memory_space<hbm>> -> memref<40x128xf32, #tpu.memory_space<hbm>>
    tpu.wait_dma2 semaphore(%arg30 : memref<!tpu.dma_semaphore, #tpu.memory_space<semaphore_mem>>) src(%dma_wait3A_195 : memref<40x128xf32, #tpu.memory_space<hbm>>) dst(%arg19 : memref<40x128xf32, #tpu.memory_space<vmem>>)
    %dma_wait3A_196 = arith.constant 0 : i32
    %dma_wait3A_197 = arith.constant 0 : i32
    %dma_wait3A_198 = tpu.memref_slice %arg2[%dma_wait3A_196, %dma_wait3A_197] : memref<320000x128xf32, #tpu.memory_space<hbm>> -> memref<40x128xf32, #tpu.memory_space<hbm>>
    %dma_wait3A_199 = arith.constant 0 : i32
    %dma_wait3A_200 = arith.constant 0 : i32
    %dma_wait3A_201 = tpu.memref_slice %arg2[%dma_wait3A_199, %dma_wait3A_200] : memref<320000x128xf32, #tpu.memory_space<hbm>> -> memref<40x128xf32, #tpu.memory_space<hbm>>
    tpu.wait_dma2 semaphore(%arg31 : memref<!tpu.dma_semaphore, #tpu.memory_space<semaphore_mem>>) src(%dma_wait3A_201 : memref<40x128xf32, #tpu.memory_space<hbm>>) dst(%arg20 : memref<40x128xf32, #tpu.memory_space<vmem>>)
    %barrier3A_202 = arith.constant 0 : index
    tpu.barrier barrier_id(%barrier3A_202)
    %while3A_203 = arith.constant 0 : i32
    %while3A_204 = arith.subi %select_n3A_46, %select_n3A : i32
    %while3A_205 = arith.addi %select_n3A, %while3A_204 : i32
    %while3A_206 = arith.constant 1 : i32
    %while3A_207 = arith.divsi %while3A_204, %while3A_206 : i32
    %while3A_208 = arith.muli %while3A_207, %while3A_206 : i32
    %while3A_209 = arith.addi %select_n3A, %while3A_208 : i32
    %while3A_210 = arith.constant 1 : i32
    scf.for %while3A_212 = %select_n3A to %while3A_209 step %while3A_210  : i32 {
      %mul3A_213 = arith.constant 400 : i32
      %mul3A_214 = arith.muli %while3A_212, %mul3A_213 : i32
      "tpu.region"() ({
        %run_scoped3A = tpu.sem_alloc : memref<!tpu.dma_semaphore, #tpu.memory_space<semaphore_mem>>
        %dma_start3A_215 = arith.constant 0 : i32
        %dma_start3A_216 = tpu.memref_slice %arg10[%arg0, %mul3A_214, %dma_start3A_215] : memref<2x10000x128xf32, #tpu.memory_space<hbm>> -> memref<1x400x128xf32, #tpu.memory_space<hbm>>
        %dma_start3A_217 = tpu.memref_squeeze %dma_start3A_216 : memref<1x400x128xf32, #tpu.memory_space<hbm>> -> memref<400x128xf32, #tpu.memory_space<hbm>>
        %dma_start3A_218 = arith.constant 0 : i32
        %dma_start3A_219 = tpu.memref_slice %arg23[%mul3A_214, %dma_start3A_218] : memref<10000x128xf32, #tpu.memory_space<vmem_shared>> -> memref<400x128xf32, #tpu.memory_space<vmem_shared>>
        tpu.enqueue_dma source(%dma_start3A_219 : memref<400x128xf32, #tpu.memory_space<vmem_shared>>) target(%dma_start3A_217 : memref<400x128xf32, #tpu.memory_space<hbm>>) target_semaphore(%run_scoped3A : memref<!tpu.dma_semaphore, #tpu.memory_space<semaphore_mem>>)
        %dma_wait3A_220 = arith.constant 0 : i32
        %dma_wait3A_221 = tpu.memref_slice %arg10[%arg0, %mul3A_214, %dma_wait3A_220] : memref<2x10000x128xf32, #tpu.memory_space<hbm>> -> memref<1x400x128xf32, #tpu.memory_space<hbm>>
        %dma_wait3A_222 = tpu.memref_squeeze %dma_wait3A_221 : memref<1x400x128xf32, #tpu.memory_space<hbm>> -> memref<400x128xf32, #tpu.memory_space<hbm>>
        %dma_wait3A_223 = arith.constant 0 : i32
        %dma_wait3A_224 = tpu.memref_slice %arg23[%mul3A_214, %dma_wait3A_223] : memref<10000x128xf32, #tpu.memory_space<vmem_shared>> -> memref<400x128xf32, #tpu.memory_space<vmem_shared>>
        tpu.wait_dma2 semaphore(%run_scoped3A : memref<!tpu.dma_semaphore, #tpu.memory_space<semaphore_mem>>) src(%dma_wait3A_224 : memref<400x128xf32, #tpu.memory_space<vmem_shared>>) dst(%dma_wait3A_222 : memref<400x128xf32, #tpu.memory_space<hbm>>)
        tpu.yield
      }) : () -> ()
    }
    %while3A_211 = arith.constant 1 : i32
    scf.for %while3A_212 = %while3A_209 to %while3A_205 step %while3A_211  : i32 {
      %mul3A_213 = arith.constant 400 : i32
      %mul3A_214 = arith.muli %while3A_212, %mul3A_213 : i32
      "tpu.region"() ({
        %run_scoped3A = tpu.sem_alloc : memref<!tpu.dma_semaphore, #tpu.memory_space<semaphore_mem>>
        %dma_start3A_215 = arith.constant 0 : i32
        %dma_start3A_216 = tpu.memref_slice %arg10[%arg0, %mul3A_214, %dma_start3A_215] : memref<2x10000x128xf32, #tpu.memory_space<hbm>> -> memref<1x400x128xf32, #tpu.memory_space<hbm>>
        %dma_start3A_217 = tpu.memref_squeeze %dma_start3A_216 : memref<1x400x128xf32, #tpu.memory_space<hbm>> -> memref<400x128xf32, #tpu.memory_space<hbm>>
        %dma_start3A_218 = arith.constant 0 : i32
        %dma_start3A_219 = tpu.memref_slice %arg23[%mul3A_214, %dma_start3A_218] : memref<10000x128xf32, #tpu.memory_space<vmem_shared>> -> memref<400x128xf32, #tpu.memory_space<vmem_shared>>
        tpu.enqueue_dma source(%dma_start3A_219 : memref<400x128xf32, #tpu.memory_space<vmem_shared>>) target(%dma_start3A_217 : memref<400x128xf32, #tpu.memory_space<hbm>>) target_semaphore(%run_scoped3A : memref<!tpu.dma_semaphore, #tpu.memory_space<semaphore_mem>>)
        %dma_wait3A_220 = arith.constant 0 : i32
        %dma_wait3A_221 = tpu.memref_slice %arg10[%arg0, %mul3A_214, %dma_wait3A_220] : memref<2x10000x128xf32, #tpu.memory_space<hbm>> -> memref<1x400x128xf32, #tpu.memory_space<hbm>>
        %dma_wait3A_222 = tpu.memref_squeeze %dma_wait3A_221 : memref<1x400x128xf32, #tpu.memory_space<hbm>> -> memref<400x128xf32, #tpu.memory_space<hbm>>
        %dma_wait3A_223 = arith.constant 0 : i32
        %dma_wait3A_224 = tpu.memref_slice %arg23[%mul3A_214, %dma_wait3A_223] : memref<10000x128xf32, #tpu.memory_space<vmem_shared>> -> memref<400x128xf32, #tpu.memory_space<vmem_shared>>
        tpu.wait_dma2 semaphore(%run_scoped3A : memref<!tpu.dma_semaphore, #tpu.memory_space<semaphore_mem>>) src(%dma_wait3A_224 : memref<400x128xf32, #tpu.memory_space<vmem_shared>>) dst(%dma_wait3A_222 : memref<400x128xf32, #tpu.memory_space<hbm>>)
        tpu.yield
      }) : () -> ()
    }
    return
  }
}

#map = affine_map<(d0, d1) -> (0, 0)>
#map1 = affine_map<(d0, d1) -> (0)>
#map2 = affine_map<(d0, d1) -> (0, 0, 0)>
module attributes {stable_mosaic.version = 14 : i64} {
  func.func @k(%arg0: i32, %arg1: i32, %arg2: memref<320000x128xf32, #tpu.memory_space<hbm>>, %arg3: memref<10000x128xf32, #tpu.memory_space<hbm>>, %arg4: memref<320000xi32, #tpu.memory_space<hbm>>, %arg5: memref<320000xi32, #tpu.memory_space<hbm>>, %arg6: memref<10000x128xf32, #tpu.memory_space<hbm>>, %arg7: memref<320000x128xf32, #tpu.memory_space<hbm>>, %arg8: memref<2x10000x128xf32, #tpu.memory_space<hbm>>, %arg9: memref<40xi32, #tpu.memory_space<vmem>>, %arg10: memref<40xi32, #tpu.memory_space<vmem>>, %arg11: memref<40xi32, #tpu.memory_space<vmem>>, %arg12: memref<40xi32, #tpu.memory_space<vmem>>, %arg13: memref<40x128xf32, #tpu.memory_space<vmem>>, %arg14: memref<40x128xf32, #tpu.memory_space<vmem>>, %arg15: memref<40x128xf32, #tpu.memory_space<vmem>>, %arg16: memref<40x128xf32, #tpu.memory_space<vmem>>, %arg17: memref<10000x128xf32, #tpu.memory_space<vmem_shared>>, %arg18: memref<!tpu.dma_semaphore, #tpu.memory_space<semaphore_mem>>, %arg19: memref<!tpu.dma_semaphore, #tpu.memory_space<semaphore_mem>>, %arg20: memref<!tpu.dma_semaphore, #tpu.memory_space<semaphore_mem>>, %arg21: memref<!tpu.dma_semaphore, #tpu.memory_space<semaphore_mem>>, %arg22: memref<!tpu.dma_semaphore, #tpu.memory_space<semaphore_mem>>, %arg23: memref<!tpu.dma_semaphore, #tpu.memory_space<semaphore_mem>>, %arg24: memref<!tpu.dma_semaphore, #tpu.memory_space<semaphore_mem>>, %arg25: memref<!tpu.dma_semaphore, #tpu.memory_space<semaphore_mem>>) attributes {dimension_semantics = [#tpu.dimension_semantics<core_parallel>, #tpu.dimension_semantics<subcore_parallel>], iteration_bounds = array<i64: 2, 16>, scalar_prefetch = 0 : i64, scratch_operands = 17 : i64, tpu.core_type = #tpu.core_type<sc_vector_subcore>, window_params = [{transform_indices = #map}, {transform_indices = #map}, {transform_indices = #map1}, {transform_indices = #map1}, {transform_indices = #map}, {transform_indices = #map}, {transform_indices = #map2}]} {
    %mul3A = arith.constant 2 : i32
    %mul3A_0 = arith.muli %arg1, %mul3A : i32
    %add3A = arith.addi %mul3A_0, %arg0 : i32
    %mul3A_1 = arith.constant 25 : i32
    %mul3A_2 = arith.muli %arg1, %mul3A_1 : i32
    %jit3A = arith.constant 16 : i32
    %div3A = arith.divsi %mul3A_2, %jit3A : i32
    %sign3A = arith.constant 0 : i32
    %sign3A_3 = arith.cmpi sgt, %mul3A_2, %sign3A : i32
    %sign3A_4 = arith.extui %sign3A_3 : i1 to i32
    %sign3A_5 = arith.constant 0 : i32
    %sign3A_6 = arith.cmpi slt, %mul3A_2, %sign3A_5 : i32
    %sign3A_7 = arith.extui %sign3A_6 : i1 to i32
    %sign3A_8 = arith.subi %sign3A_4, %sign3A_7 : i32
    %sign3A_9 = arith.constant 0 : i32
    %sign3A_10 = arith.cmpi sgt, %jit3A, %sign3A_9 : i32
    %sign3A_11 = arith.extui %sign3A_10 : i1 to i32
    %sign3A_12 = arith.constant 0 : i32
    %sign3A_13 = arith.cmpi slt, %jit3A, %sign3A_12 : i32
    %sign3A_14 = arith.extui %sign3A_13 : i1 to i32
    %sign3A_15 = arith.subi %sign3A_11, %sign3A_14 : i32
    %ne3A = arith.cmpi ne, %sign3A_8, %sign3A_15 : i32
    %rem3A = arith.remsi %mul3A_2, %jit3A : i32
    %ne3A_16 = arith.constant 0 : i32
    %ne3A_17 = arith.cmpi ne, %rem3A, %ne3A_16 : i32
    %and3A = arith.andi %ne3A, %ne3A_17 : i1
    %sub3A = arith.constant 1 : i32
    %sub3A_18 = arith.subi %div3A, %sub3A : i32
    %select_n3A = arith.select %and3A, %sub3A_18, %div3A : i32
    %add3A_19 = arith.constant 1 : i32
    %add3A_20 = arith.addi %arg1, %add3A_19 : i32
    %mul3A_21 = arith.constant 25 : i32
    %mul3A_22 = arith.muli %add3A_20, %mul3A_21 : i32
    %jit3A_23 = arith.constant 16 : i32
    %div3A_24 = arith.divsi %mul3A_22, %jit3A_23 : i32
    %sign3A_25 = arith.constant 0 : i32
    %sign3A_26 = arith.cmpi sgt, %mul3A_22, %sign3A_25 : i32
    %sign3A_27 = arith.extui %sign3A_26 : i1 to i32
    %sign3A_28 = arith.constant 0 : i32
    %sign3A_29 = arith.cmpi slt, %mul3A_22, %sign3A_28 : i32
    %sign3A_30 = arith.extui %sign3A_29 : i1 to i32
    %sign3A_31 = arith.subi %sign3A_27, %sign3A_30 : i32
    %sign3A_32 = arith.constant 0 : i32
    %sign3A_33 = arith.cmpi sgt, %jit3A_23, %sign3A_32 : i32
    %sign3A_34 = arith.extui %sign3A_33 : i1 to i32
    %sign3A_35 = arith.constant 0 : i32
    %sign3A_36 = arith.cmpi slt, %jit3A_23, %sign3A_35 : i32
    %sign3A_37 = arith.extui %sign3A_36 : i1 to i32
    %sign3A_38 = arith.subi %sign3A_34, %sign3A_37 : i32
    %ne3A_39 = arith.cmpi ne, %sign3A_31, %sign3A_38 : i32
    %rem3A_40 = arith.remsi %mul3A_22, %jit3A_23 : i32
    %ne3A_41 = arith.constant 0 : i32
    %ne3A_42 = arith.cmpi ne, %rem3A_40, %ne3A_41 : i32
    %and3A_43 = arith.andi %ne3A_39, %ne3A_42 : i1
    %sub3A_44 = arith.constant 1 : i32
    %sub3A_45 = arith.subi %div3A_24, %sub3A_44 : i32
    %select_n3A_46 = arith.select %and3A_43, %sub3A_45, %div3A_24 : i32
    %while3A = arith.constant 0 : i32
    %while3A_47 = arith.subi %select_n3A_46, %select_n3A : i32
    %while3A_48 = arith.addi %select_n3A, %while3A_47 : i32
    %while3A_49 = arith.constant 1 : i32
    %while3A_50 = arith.divsi %while3A_47, %while3A_49 : i32
    %while3A_51 = arith.muli %while3A_50, %while3A_49 : i32
    %while3A_52 = arith.addi %select_n3A, %while3A_51 : i32
    %while3A_53 = arith.constant 1 : i32
    scf.for %while3A_192 = %select_n3A to %while3A_52 step %while3A_53  : i32 {
      %mul3A_193 = arith.constant 400 : i32
      %mul3A_194 = arith.muli %while3A_192, %mul3A_193 : i32
      "tpu.region"() ({
        %run_scoped3A = tpu.sem_alloc : memref<!tpu.dma_semaphore, #tpu.memory_space<semaphore_mem>>
        %dma_start3A_195 = arith.constant 0 : i32
        %dma_start3A_196 = tpu.memref_slice %arg17[%mul3A_194, %dma_start3A_195] : memref<10000x128xf32, #tpu.memory_space<vmem_shared>> -> memref<400x128xf32, #tpu.memory_space<vmem_shared>>
        %dma_start3A_197 = arith.constant 0 : i32
        %dma_start3A_198 = tpu.memref_slice %arg6[%mul3A_194, %dma_start3A_197] : memref<10000x128xf32, #tpu.memory_space<hbm>> -> memref<400x128xf32, #tpu.memory_space<hbm>>
        tpu.enqueue_dma source(%dma_start3A_198 : memref<400x128xf32, #tpu.memory_space<hbm>>) target(%dma_start3A_196 : memref<400x128xf32, #tpu.memory_space<vmem_shared>>) target_semaphore(%run_scoped3A : memref<!tpu.dma_semaphore, #tpu.memory_space<semaphore_mem>>)
        %dma_wait3A_199 = arith.constant 0 : i32
        %dma_wait3A_200 = tpu.memref_slice %arg17[%mul3A_194, %dma_wait3A_199] : memref<10000x128xf32, #tpu.memory_space<vmem_shared>> -> memref<400x128xf32, #tpu.memory_space<vmem_shared>>
        %dma_wait3A_201 = arith.constant 0 : i32
        %dma_wait3A_202 = tpu.memref_slice %arg6[%mul3A_194, %dma_wait3A_201] : memref<10000x128xf32, #tpu.memory_space<hbm>> -> memref<400x128xf32, #tpu.memory_space<hbm>>
        tpu.wait_dma2 semaphore(%run_scoped3A : memref<!tpu.dma_semaphore, #tpu.memory_space<semaphore_mem>>) src(%dma_wait3A_202 : memref<400x128xf32, #tpu.memory_space<hbm>>) dst(%dma_wait3A_200 : memref<400x128xf32, #tpu.memory_space<vmem_shared>>)
        tpu.yield
      }) : () -> ()
    }
    %while3A_54 = arith.constant 1 : i32
    scf.for %while3A_192 = %while3A_52 to %while3A_48 step %while3A_54  : i32 {
      %mul3A_193 = arith.constant 400 : i32
      %mul3A_194 = arith.muli %while3A_192, %mul3A_193 : i32
      "tpu.region"() ({
        %run_scoped3A = tpu.sem_alloc : memref<!tpu.dma_semaphore, #tpu.memory_space<semaphore_mem>>
        %dma_start3A_195 = arith.constant 0 : i32
        %dma_start3A_196 = tpu.memref_slice %arg17[%mul3A_194, %dma_start3A_195] : memref<10000x128xf32, #tpu.memory_space<vmem_shared>> -> memref<400x128xf32, #tpu.memory_space<vmem_shared>>
        %dma_start3A_197 = arith.constant 0 : i32
        %dma_start3A_198 = tpu.memref_slice %arg6[%mul3A_194, %dma_start3A_197] : memref<10000x128xf32, #tpu.memory_space<hbm>> -> memref<400x128xf32, #tpu.memory_space<hbm>>
        tpu.enqueue_dma source(%dma_start3A_198 : memref<400x128xf32, #tpu.memory_space<hbm>>) target(%dma_start3A_196 : memref<400x128xf32, #tpu.memory_space<vmem_shared>>) target_semaphore(%run_scoped3A : memref<!tpu.dma_semaphore, #tpu.memory_space<semaphore_mem>>)
        %dma_wait3A_199 = arith.constant 0 : i32
        %dma_wait3A_200 = tpu.memref_slice %arg17[%mul3A_194, %dma_wait3A_199] : memref<10000x128xf32, #tpu.memory_space<vmem_shared>> -> memref<400x128xf32, #tpu.memory_space<vmem_shared>>
        %dma_wait3A_201 = arith.constant 0 : i32
        %dma_wait3A_202 = tpu.memref_slice %arg6[%mul3A_194, %dma_wait3A_201] : memref<10000x128xf32, #tpu.memory_space<hbm>> -> memref<400x128xf32, #tpu.memory_space<hbm>>
        tpu.wait_dma2 semaphore(%run_scoped3A : memref<!tpu.dma_semaphore, #tpu.memory_space<semaphore_mem>>) src(%dma_wait3A_202 : memref<400x128xf32, #tpu.memory_space<hbm>>) dst(%dma_wait3A_200 : memref<400x128xf32, #tpu.memory_space<vmem_shared>>)
        tpu.yield
      }) : () -> ()
    }
    %barrier3A = arith.constant 0 : index
    tpu.barrier barrier_id(%barrier3A)
    %mul3A_55 = arith.constant 250 : i32
    %mul3A_56 = arith.muli %add3A, %mul3A_55 : i32
    %mul3A_57 = arith.constant 40 : i32
    %mul3A_58 = arith.muli %mul3A_56, %mul3A_57 : i32
    "tpu.region"() ({
      %run_scoped3A = tpu.sem_alloc : memref<!tpu.dma_semaphore, #tpu.memory_space<semaphore_mem>>
      %dma_start3A_192 = tpu.memref_slice %arg4[%mul3A_58] : memref<320000xi32, #tpu.memory_space<hbm>> -> memref<40xi32, #tpu.memory_space<hbm>>
      %dma_start3A_193 = tpu.memref_slice %arg4[%mul3A_58] : memref<320000xi32, #tpu.memory_space<hbm>> -> memref<40xi32, #tpu.memory_space<hbm>>
      tpu.enqueue_dma source(%dma_start3A_193 : memref<40xi32, #tpu.memory_space<hbm>>) target(%arg9 : memref<40xi32, #tpu.memory_space<vmem>>) target_semaphore(%run_scoped3A : memref<!tpu.dma_semaphore, #tpu.memory_space<semaphore_mem>>)
      %dma_wait3A_194 = tpu.memref_slice %arg4[%mul3A_58] : memref<320000xi32, #tpu.memory_space<hbm>> -> memref<40xi32, #tpu.memory_space<hbm>>
      %dma_wait3A_195 = tpu.memref_slice %arg4[%mul3A_58] : memref<320000xi32, #tpu.memory_space<hbm>> -> memref<40xi32, #tpu.memory_space<hbm>>
      tpu.wait_dma2 semaphore(%run_scoped3A : memref<!tpu.dma_semaphore, #tpu.memory_space<semaphore_mem>>) src(%dma_wait3A_195 : memref<40xi32, #tpu.memory_space<hbm>>) dst(%arg9 : memref<40xi32, #tpu.memory_space<vmem>>)
      tpu.yield
    }) : () -> ()
    "tpu.region"() ({
      %run_scoped3A = tpu.sem_alloc : memref<!tpu.dma_semaphore, #tpu.memory_space<semaphore_mem>>
      %dma_start3A_192 = tpu.memref_slice %arg5[%mul3A_58] : memref<320000xi32, #tpu.memory_space<hbm>> -> memref<40xi32, #tpu.memory_space<hbm>>
      %dma_start3A_193 = tpu.memref_slice %arg5[%mul3A_58] : memref<320000xi32, #tpu.memory_space<hbm>> -> memref<40xi32, #tpu.memory_space<hbm>>
      tpu.enqueue_dma source(%dma_start3A_193 : memref<40xi32, #tpu.memory_space<hbm>>) target(%arg11 : memref<40xi32, #tpu.memory_space<vmem>>) target_semaphore(%run_scoped3A : memref<!tpu.dma_semaphore, #tpu.memory_space<semaphore_mem>>)
      %dma_wait3A_194 = tpu.memref_slice %arg5[%mul3A_58] : memref<320000xi32, #tpu.memory_space<hbm>> -> memref<40xi32, #tpu.memory_space<hbm>>
      %dma_wait3A_195 = tpu.memref_slice %arg5[%mul3A_58] : memref<320000xi32, #tpu.memory_space<hbm>> -> memref<40xi32, #tpu.memory_space<hbm>>
      tpu.wait_dma2 semaphore(%run_scoped3A : memref<!tpu.dma_semaphore, #tpu.memory_space<semaphore_mem>>) src(%dma_wait3A_195 : memref<40xi32, #tpu.memory_space<hbm>>) dst(%arg11 : memref<40xi32, #tpu.memory_space<vmem>>)
      tpu.yield
    }) : () -> ()
    %add3A_59 = arith.constant 0 : i32
    %add3A_60 = arith.addi %mul3A_56, %add3A_59 : i32
    %mul3A_61 = arith.constant 40 : i32
    %mul3A_62 = arith.muli %add3A_60, %mul3A_61 : i32
    %dma_start3A = arith.constant 0 : i32
    %dma_start3A_63 = tpu.memref_slice %arg2[%mul3A_62, %dma_start3A] : memref<320000x128xf32, #tpu.memory_space<hbm>> -> memref<40x128xf32, #tpu.memory_space<hbm>>
    %dma_start3A_64 = arith.constant 0 : i32
    %dma_start3A_65 = tpu.memref_slice %arg2[%mul3A_62, %dma_start3A_64] : memref<320000x128xf32, #tpu.memory_space<hbm>> -> memref<40x128xf32, #tpu.memory_space<hbm>>
    tpu.enqueue_dma source(%dma_start3A_65 : memref<40x128xf32, #tpu.memory_space<hbm>>) target(%arg13 : memref<40x128xf32, #tpu.memory_space<vmem>>) target_semaphore(%arg20 : memref<!tpu.dma_semaphore, #tpu.memory_space<semaphore_mem>>)
    %dma_start3A_66 = arith.constant 0 : i32
    %dma_start3A_67 = arith.constant 0 : i32
    %dma_start3A_68 = tpu.memref_slice %arg3[%dma_start3A_66, %dma_start3A_67] : memref<10000x128xf32, #tpu.memory_space<hbm>> -> memref<10000x128xf32, #tpu.memory_space<hbm>>
    tpu.enqueue_indirect_dma source(%dma_start3A_68 : memref<10000x128xf32, #tpu.memory_space<hbm>>) target(%arg15 : memref<40x128xf32, #tpu.memory_space<vmem>>) offsets(%arg9 : memref<40xi32, #tpu.memory_space<vmem>>) semaphore(%arg20 : memref<!tpu.dma_semaphore, #tpu.memory_space<semaphore_mem>>)
    %add3A_69 = arith.constant 1 : i32
    %add3A_70 = arith.addi %mul3A_56, %add3A_69 : i32
    %mul3A_71 = arith.constant 40 : i32
    %mul3A_72 = arith.muli %add3A_70, %mul3A_71 : i32
    %dma_start3A_73 = tpu.memref_slice %arg4[%mul3A_72] : memref<320000xi32, #tpu.memory_space<hbm>> -> memref<40xi32, #tpu.memory_space<hbm>>
    %dma_start3A_74 = tpu.memref_slice %arg4[%mul3A_72] : memref<320000xi32, #tpu.memory_space<hbm>> -> memref<40xi32, #tpu.memory_space<hbm>>
    tpu.enqueue_dma source(%dma_start3A_74 : memref<40xi32, #tpu.memory_space<hbm>>) target(%arg10 : memref<40xi32, #tpu.memory_space<vmem>>) target_semaphore(%arg19 : memref<!tpu.dma_semaphore, #tpu.memory_space<semaphore_mem>>)
    %dma_wait3A = arith.constant 0 : i32
    %dma_wait3A_75 = tpu.memref_slice %arg2[%mul3A_62, %dma_wait3A] : memref<320000x128xf32, #tpu.memory_space<hbm>> -> memref<40x128xf32, #tpu.memory_space<hbm>>
    %dma_wait3A_76 = arith.constant 0 : i32
    %dma_wait3A_77 = tpu.memref_slice %arg2[%mul3A_62, %dma_wait3A_76] : memref<320000x128xf32, #tpu.memory_space<hbm>> -> memref<40x128xf32, #tpu.memory_space<hbm>>
    tpu.wait_dma2 semaphore(%arg20 : memref<!tpu.dma_semaphore, #tpu.memory_space<semaphore_mem>>) src(%dma_wait3A_77 : memref<40x128xf32, #tpu.memory_space<hbm>>) dst(%arg13 : memref<40x128xf32, #tpu.memory_space<vmem>>)
    %dma_wait3A_78 = arith.constant 0 : i32
    %dma_wait3A_79 = arith.constant 0 : i32
    %dma_wait3A_80 = tpu.memref_slice %arg3[%dma_wait3A_78, %dma_wait3A_79] : memref<10000x128xf32, #tpu.memory_space<hbm>> -> memref<10000x128xf32, #tpu.memory_space<hbm>>
    tpu.wait_indirect_dma semaphore(%arg20 : memref<!tpu.dma_semaphore, #tpu.memory_space<semaphore_mem>>) src(%dma_wait3A_80 : memref<10000x128xf32, #tpu.memory_space<hbm>>) dst(%arg15 : memref<40x128xf32, #tpu.memory_space<vmem>>)
    %add3A_81 = arith.constant 1 : i32
    %add3A_82 = arith.addi %mul3A_56, %add3A_81 : i32
    %mul3A_83 = arith.constant 40 : i32
    %mul3A_84 = arith.muli %add3A_82, %mul3A_83 : i32
    %dma_start3A_85 = tpu.memref_slice %arg5[%mul3A_84] : memref<320000xi32, #tpu.memory_space<hbm>> -> memref<40xi32, #tpu.memory_space<hbm>>
    %dma_start3A_86 = tpu.memref_slice %arg5[%mul3A_84] : memref<320000xi32, #tpu.memory_space<hbm>> -> memref<40xi32, #tpu.memory_space<hbm>>
    tpu.enqueue_dma source(%dma_start3A_86 : memref<40xi32, #tpu.memory_space<hbm>>) target(%arg12 : memref<40xi32, #tpu.memory_space<vmem>>) target_semaphore(%arg19 : memref<!tpu.dma_semaphore, #tpu.memory_space<semaphore_mem>>)
    %dma_wait3A_87 = arith.constant 0 : i32
    %dma_wait3A_88 = tpu.memref_slice %arg4[%dma_wait3A_87] : memref<320000xi32, #tpu.memory_space<hbm>> -> memref<40xi32, #tpu.memory_space<hbm>>
    %dma_wait3A_89 = arith.constant 0 : i32
    %dma_wait3A_90 = tpu.memref_slice %arg4[%dma_wait3A_89] : memref<320000xi32, #tpu.memory_space<hbm>> -> memref<40xi32, #tpu.memory_space<hbm>>
    tpu.wait_dma2 semaphore(%arg19 : memref<!tpu.dma_semaphore, #tpu.memory_space<semaphore_mem>>) src(%dma_wait3A_90 : memref<40xi32, #tpu.memory_space<hbm>>) dst(%arg10 : memref<40xi32, #tpu.memory_space<vmem>>)
    %dma_wait3A_91 = arith.constant 0 : i32
    %dma_wait3A_92 = tpu.memref_slice %arg4[%dma_wait3A_91] : memref<320000xi32, #tpu.memory_space<hbm>> -> memref<40xi32, #tpu.memory_space<hbm>>
    %dma_wait3A_93 = arith.constant 0 : i32
    %dma_wait3A_94 = tpu.memref_slice %arg4[%dma_wait3A_93] : memref<320000xi32, #tpu.memory_space<hbm>> -> memref<40xi32, #tpu.memory_space<hbm>>
    tpu.wait_dma2 semaphore(%arg19 : memref<!tpu.dma_semaphore, #tpu.memory_space<semaphore_mem>>) src(%dma_wait3A_94 : memref<40xi32, #tpu.memory_space<hbm>>) dst(%arg12 : memref<40xi32, #tpu.memory_space<vmem>>)
    %add3A_95 = arith.constant 1 : i32
    %add3A_96 = arith.addi %mul3A_56, %add3A_95 : i32
    %mul3A_97 = arith.constant 40 : i32
    %mul3A_98 = arith.muli %add3A_96, %mul3A_97 : i32
    %dma_start3A_99 = arith.constant 0 : i32
    %dma_start3A_100 = tpu.memref_slice %arg2[%mul3A_98, %dma_start3A_99] : memref<320000x128xf32, #tpu.memory_space<hbm>> -> memref<40x128xf32, #tpu.memory_space<hbm>>
    %dma_start3A_101 = arith.constant 0 : i32
    %dma_start3A_102 = tpu.memref_slice %arg2[%mul3A_98, %dma_start3A_101] : memref<320000x128xf32, #tpu.memory_space<hbm>> -> memref<40x128xf32, #tpu.memory_space<hbm>>
    tpu.enqueue_dma source(%dma_start3A_102 : memref<40x128xf32, #tpu.memory_space<hbm>>) target(%arg14 : memref<40x128xf32, #tpu.memory_space<vmem>>) target_semaphore(%arg21 : memref<!tpu.dma_semaphore, #tpu.memory_space<semaphore_mem>>)
    %dma_start3A_103 = arith.constant 0 : i32
    %dma_start3A_104 = arith.constant 0 : i32
    %dma_start3A_105 = tpu.memref_slice %arg3[%dma_start3A_103, %dma_start3A_104] : memref<10000x128xf32, #tpu.memory_space<hbm>> -> memref<10000x128xf32, #tpu.memory_space<hbm>>
    tpu.enqueue_indirect_dma source(%dma_start3A_105 : memref<10000x128xf32, #tpu.memory_space<hbm>>) target(%arg16 : memref<40x128xf32, #tpu.memory_space<vmem>>) offsets(%arg10 : memref<40xi32, #tpu.memory_space<vmem>>) semaphore(%arg21 : memref<!tpu.dma_semaphore, #tpu.memory_space<semaphore_mem>>)
    %add3A_106 = arith.constant 2 : i32
    %add3A_107 = arith.addi %mul3A_56, %add3A_106 : i32
    %mul3A_108 = arith.constant 40 : i32
    %mul3A_109 = arith.muli %add3A_107, %mul3A_108 : i32
    %dma_start3A_110 = tpu.memref_slice %arg4[%mul3A_109] : memref<320000xi32, #tpu.memory_space<hbm>> -> memref<40xi32, #tpu.memory_space<hbm>>
    %dma_start3A_111 = tpu.memref_slice %arg4[%mul3A_109] : memref<320000xi32, #tpu.memory_space<hbm>> -> memref<40xi32, #tpu.memory_space<hbm>>
    tpu.enqueue_dma source(%dma_start3A_111 : memref<40xi32, #tpu.memory_space<hbm>>) target(%arg9 : memref<40xi32, #tpu.memory_space<vmem>>) target_semaphore(%arg18 : memref<!tpu.dma_semaphore, #tpu.memory_space<semaphore_mem>>)
    %scan3A = arith.constant 0 : i32
    %scan3A_112 = arith.constant 0 : i32
    %scan3A_113 = arith.constant 40 : i32
    %scan3A_114 = arith.addi %scan3A_112, %scan3A_113 : i32
    %scan3A_115 = arith.constant 1 : i32
    scf.for %scan3A_192 = %scan3A_112 to %scan3A_114 step %scan3A_115  : i32 {
      %get3A = arith.index_cast %scan3A_192 : i32 to index
      %get3A_193 = arith.constant 0 : index
      %get3A_194 = tpu.vector_load %arg13[%get3A, %get3A_193] {strides = array<i32>} : memref<40x128xf32, #tpu.memory_space<vmem>>, vector<1x16xf32>,
      %get3A_195 = vector.shape_cast %get3A_194 : vector<1x16xf32> to vector<16xf32>
      %get3A_196 = arith.index_cast %scan3A_192 : i32 to index
      %get3A_197 = arith.constant 0 : index
      %get3A_198 = tpu.vector_load %arg15[%get3A_196, %get3A_197] {strides = array<i32>} : memref<40x128xf32, #tpu.memory_space<vmem>>, vector<1x16xf32>,
      %get3A_199 = vector.shape_cast %get3A_198 : vector<1x16xf32> to vector<16xf32>
      %add3A_200 = arith.addf %get3A_195, %get3A_199 : vector<16xf32>
      %max3A = arith.constant 0.000000e+00 : f32
      %max3A_201 = vector.broadcast %max3A : f32 to vector<16xf32>
      %max3A_202 = arith.maximumf %add3A_200, %max3A_201 : vector<16xf32>
      %swap3A = arith.index_cast %scan3A_192 : i32 to index
      %swap3A_203 = arith.constant 0 : index
      %swap3A_204 = tpu.vector_load %arg15[%swap3A, %swap3A_203] {strides = array<i32>} : memref<40x128xf32, #tpu.memory_space<vmem>>, vector<1x16xf32>,
      %swap3A_205 = vector.shape_cast %swap3A_204 : vector<1x16xf32> to vector<16xf32>
      %swap3A_206 = vector.shape_cast %max3A_202 : vector<16xf32> to vector<1x16xf32>
      tpu.vector_store %arg15[%swap3A, %swap3A_203], %swap3A_206 {strides = array<i32>} : memref<40x128xf32, #tpu.memory_space<vmem>>, vector<1x16xf32>,
      %get3A_207 = arith.index_cast %scan3A_192 : i32 to index
      %get3A_208 = arith.constant 16 : index
      %get3A_209 = tpu.vector_load %arg13[%get3A_207, %get3A_208] {strides = array<i32>} : memref<40x128xf32, #tpu.memory_space<vmem>>, vector<1x16xf32>,
      %get3A_210 = vector.shape_cast %get3A_209 : vector<1x16xf32> to vector<16xf32>
      %get3A_211 = arith.index_cast %scan3A_192 : i32 to index
      %get3A_212 = arith.constant 16 : index
      %get3A_213 = tpu.vector_load %arg15[%get3A_211, %get3A_212] {strides = array<i32>} : memref<40x128xf32, #tpu.memory_space<vmem>>, vector<1x16xf32>,
      %get3A_214 = vector.shape_cast %get3A_213 : vector<1x16xf32> to vector<16xf32>
      %add3A_215 = arith.addf %get3A_210, %get3A_214 : vector<16xf32>
      %max3A_216 = arith.constant 0.000000e+00 : f32
      %max3A_217 = vector.broadcast %max3A_216 : f32 to vector<16xf32>
      %max3A_218 = arith.maximumf %add3A_215, %max3A_217 : vector<16xf32>
      %swap3A_219 = arith.index_cast %scan3A_192 : i32 to index
      %swap3A_220 = arith.constant 16 : index
      %swap3A_221 = tpu.vector_load %arg15[%swap3A_219, %swap3A_220] {strides = array<i32>} : memref<40x128xf32, #tpu.memory_space<vmem>>, vector<1x16xf32>,
      %swap3A_222 = vector.shape_cast %swap3A_221 : vector<1x16xf32> to vector<16xf32>
      %swap3A_223 = vector.shape_cast %max3A_218 : vector<16xf32> to vector<1x16xf32>
      tpu.vector_store %arg15[%swap3A_219, %swap3A_220], %swap3A_223 {strides = array<i32>} : memref<40x128xf32, #tpu.memory_space<vmem>>, vector<1x16xf32>,
      %get3A_224 = arith.index_cast %scan3A_192 : i32 to index
      %get3A_225 = arith.constant 32 : index
      %get3A_226 = tpu.vector_load %arg13[%get3A_224, %get3A_225] {strides = array<i32>} : memref<40x128xf32, #tpu.memory_space<vmem>>, vector<1x16xf32>,
      %get3A_227 = vector.shape_cast %get3A_226 : vector<1x16xf32> to vector<16xf32>
      %get3A_228 = arith.index_cast %scan3A_192 : i32 to index
      %get3A_229 = arith.constant 32 : index
      %get3A_230 = tpu.vector_load %arg15[%get3A_228, %get3A_229] {strides = array<i32>} : memref<40x128xf32, #tpu.memory_space<vmem>>, vector<1x16xf32>,
      %get3A_231 = vector.shape_cast %get3A_230 : vector<1x16xf32> to vector<16xf32>
      %add3A_232 = arith.addf %get3A_227, %get3A_231 : vector<16xf32>
      %max3A_233 = arith.constant 0.000000e+00 : f32
      %max3A_234 = vector.broadcast %max3A_233 : f32 to vector<16xf32>
      %max3A_235 = arith.maximumf %add3A_232, %max3A_234 : vector<16xf32>
      %swap3A_236 = arith.index_cast %scan3A_192 : i32 to index
      %swap3A_237 = arith.constant 32 : index
      %swap3A_238 = tpu.vector_load %arg15[%swap3A_236, %swap3A_237] {strides = array<i32>} : memref<40x128xf32, #tpu.memory_space<vmem>>, vector<1x16xf32>,
      %swap3A_239 = vector.shape_cast %swap3A_238 : vector<1x16xf32> to vector<16xf32>
      %swap3A_240 = vector.shape_cast %max3A_235 : vector<16xf32> to vector<1x16xf32>
      tpu.vector_store %arg15[%swap3A_236, %swap3A_237], %swap3A_240 {strides = array<i32>} : memref<40x128xf32, #tpu.memory_space<vmem>>, vector<1x16xf32>,
      %get3A_241 = arith.index_cast %scan3A_192 : i32 to index
      %get3A_242 = arith.constant 48 : index
      %get3A_243 = tpu.vector_load %arg13[%get3A_241, %get3A_242] {strides = array<i32>} : memref<40x128xf32, #tpu.memory_space<vmem>>, vector<1x16xf32>,
      %get3A_244 = vector.shape_cast %get3A_243 : vector<1x16xf32> to vector<16xf32>
      %get3A_245 = arith.index_cast %scan3A_192 : i32 to index
      %get3A_246 = arith.constant 48 : index
      %get3A_247 = tpu.vector_load %arg15[%get3A_245, %get3A_246] {strides = array<i32>} : memref<40x128xf32, #tpu.memory_space<vmem>>, vector<1x16xf32>,
      %get3A_248 = vector.shape_cast %get3A_247 : vector<1x16xf32> to vector<16xf32>
      %add3A_249 = arith.addf %get3A_244, %get3A_248 : vector<16xf32>
      %max3A_250 = arith.constant 0.000000e+00 : f32
      %max3A_251 = vector.broadcast %max3A_250 : f32 to vector<16xf32>
      %max3A_252 = arith.maximumf %add3A_249, %max3A_251 : vector<16xf32>
      %swap3A_253 = arith.index_cast %scan3A_192 : i32 to index
      %swap3A_254 = arith.constant 48 : index
      %swap3A_255 = tpu.vector_load %arg15[%swap3A_253, %swap3A_254] {strides = array<i32>} : memref<40x128xf32, #tpu.memory_space<vmem>>, vector<1x16xf32>,
      %swap3A_256 = vector.shape_cast %swap3A_255 : vector<1x16xf32> to vector<16xf32>
      %swap3A_257 = vector.shape_cast %max3A_252 : vector<16xf32> to vector<1x16xf32>
      tpu.vector_store %arg15[%swap3A_253, %swap3A_254], %swap3A_257 {strides = array<i32>} : memref<40x128xf32, #tpu.memory_space<vmem>>, vector<1x16xf32>,
      %get3A_258 = arith.index_cast %scan3A_192 : i32 to index
      %get3A_259 = arith.constant 64 : index
      %get3A_260 = tpu.vector_load %arg13[%get3A_258, %get3A_259] {strides = array<i32>} : memref<40x128xf32, #tpu.memory_space<vmem>>, vector<1x16xf32>,
      %get3A_261 = vector.shape_cast %get3A_260 : vector<1x16xf32> to vector<16xf32>
      %get3A_262 = arith.index_cast %scan3A_192 : i32 to index
      %get3A_263 = arith.constant 64 : index
      %get3A_264 = tpu.vector_load %arg15[%get3A_262, %get3A_263] {strides = array<i32>} : memref<40x128xf32, #tpu.memory_space<vmem>>, vector<1x16xf32>,
      %get3A_265 = vector.shape_cast %get3A_264 : vector<1x16xf32> to vector<16xf32>
      %add3A_266 = arith.addf %get3A_261, %get3A_265 : vector<16xf32>
      %max3A_267 = arith.constant 0.000000e+00 : f32
      %max3A_268 = vector.broadcast %max3A_267 : f32 to vector<16xf32>
      %max3A_269 = arith.maximumf %add3A_266, %max3A_268 : vector<16xf32>
      %swap3A_270 = arith.index_cast %scan3A_192 : i32 to index
      %swap3A_271 = arith.constant 64 : index
      %swap3A_272 = tpu.vector_load %arg15[%swap3A_270, %swap3A_271] {strides = array<i32>} : memref<40x128xf32, #tpu.memory_space<vmem>>, vector<1x16xf32>,
      %swap3A_273 = vector.shape_cast %swap3A_272 : vector<1x16xf32> to vector<16xf32>
      %swap3A_274 = vector.shape_cast %max3A_269 : vector<16xf32> to vector<1x16xf32>
      tpu.vector_store %arg15[%swap3A_270, %swap3A_271], %swap3A_274 {strides = array<i32>} : memref<40x128xf32, #tpu.memory_space<vmem>>, vector<1x16xf32>,
      %get3A_275 = arith.index_cast %scan3A_192 : i32 to index
      %get3A_276 = arith.constant 80 : index
      %get3A_277 = tpu.vector_load %arg13[%get3A_275, %get3A_276] {strides = array<i32>} : memref<40x128xf32, #tpu.memory_space<vmem>>, vector<1x16xf32>,
      %get3A_278 = vector.shape_cast %get3A_277 : vector<1x16xf32> to vector<16xf32>
      %get3A_279 = arith.index_cast %scan3A_192 : i32 to index
      %get3A_280 = arith.constant 80 : index
      %get3A_281 = tpu.vector_load %arg15[%get3A_279, %get3A_280] {strides = array<i32>} : memref<40x128xf32, #tpu.memory_space<vmem>>, vector<1x16xf32>,
      %get3A_282 = vector.shape_cast %get3A_281 : vector<1x16xf32> to vector<16xf32>
      %add3A_283 = arith.addf %get3A_278, %get3A_282 : vector<16xf32>
      %max3A_284 = arith.constant 0.000000e+00 : f32
      %max3A_285 = vector.broadcast %max3A_284 : f32 to vector<16xf32>
      %max3A_286 = arith.maximumf %add3A_283, %max3A_285 : vector<16xf32>
      %swap3A_287 = arith.index_cast %scan3A_192 : i32 to index
      %swap3A_288 = arith.constant 80 : index
      %swap3A_289 = tpu.vector_load %arg15[%swap3A_287, %swap3A_288] {strides = array<i32>} : memref<40x128xf32, #tpu.memory_space<vmem>>, vector<1x16xf32>,
      %swap3A_290 = vector.shape_cast %swap3A_289 : vector<1x16xf32> to vector<16xf32>
      %swap3A_291 = vector.shape_cast %max3A_286 : vector<16xf32> to vector<1x16xf32>
      tpu.vector_store %arg15[%swap3A_287, %swap3A_288], %swap3A_291 {strides = array<i32>} : memref<40x128xf32, #tpu.memory_space<vmem>>, vector<1x16xf32>,
      %get3A_292 = arith.index_cast %scan3A_192 : i32 to index
      %get3A_293 = arith.constant 96 : index
      %get3A_294 = tpu.vector_load %arg13[%get3A_292, %get3A_293] {strides = array<i32>} : memref<40x128xf32, #tpu.memory_space<vmem>>, vector<1x16xf32>,
      %get3A_295 = vector.shape_cast %get3A_294 : vector<1x16xf32> to vector<16xf32>
      %get3A_296 = arith.index_cast %scan3A_192 : i32 to index
      %get3A_297 = arith.constant 96 : index
      %get3A_298 = tpu.vector_load %arg15[%get3A_296, %get3A_297] {strides = array<i32>} : memref<40x128xf32, #tpu.memory_space<vmem>>, vector<1x16xf32>,
      %get3A_299 = vector.shape_cast %get3A_298 : vector<1x16xf32> to vector<16xf32>
      %add3A_300 = arith.addf %get3A_295, %get3A_299 : vector<16xf32>
      %max3A_301 = arith.constant 0.000000e+00 : f32
      %max3A_302 = vector.broadcast %max3A_301 : f32 to vector<16xf32>
      %max3A_303 = arith.maximumf %add3A_300, %max3A_302 : vector<16xf32>
      %swap3A_304 = arith.index_cast %scan3A_192 : i32 to index
      %swap3A_305 = arith.constant 96 : index
      %swap3A_306 = tpu.vector_load %arg15[%swap3A_304, %swap3A_305] {strides = array<i32>} : memref<40x128xf32, #tpu.memory_space<vmem>>, vector<1x16xf32>,
      %swap3A_307 = vector.shape_cast %swap3A_306 : vector<1x16xf32> to vector<16xf32>
      %swap3A_308 = vector.shape_cast %max3A_303 : vector<16xf32> to vector<1x16xf32>
      tpu.vector_store %arg15[%swap3A_304, %swap3A_305], %swap3A_308 {strides = array<i32>} : memref<40x128xf32, #tpu.memory_space<vmem>>, vector<1x16xf32>,
      %get3A_309 = arith.index_cast %scan3A_192 : i32 to index
      %get3A_310 = arith.constant 112 : index
      %get3A_311 = tpu.vector_load %arg13[%get3A_309, %get3A_310] {strides = array<i32>} : memref<40x128xf32, #tpu.memory_space<vmem>>, vector<1x16xf32>,
      %get3A_312 = vector.shape_cast %get3A_311 : vector<1x16xf32> to vector<16xf32>
      %get3A_313 = arith.index_cast %scan3A_192 : i32 to index
      %get3A_314 = arith.constant 112 : index
      %get3A_315 = tpu.vector_load %arg15[%get3A_313, %get3A_314] {strides = array<i32>} : memref<40x128xf32, #tpu.memory_space<vmem>>, vector<1x16xf32>,
      %get3A_316 = vector.shape_cast %get3A_315 : vector<1x16xf32> to vector<16xf32>
      %add3A_317 = arith.addf %get3A_312, %get3A_316 : vector<16xf32>
      %max3A_318 = arith.constant 0.000000e+00 : f32
      %max3A_319 = vector.broadcast %max3A_318 : f32 to vector<16xf32>
      %max3A_320 = arith.maximumf %add3A_317, %max3A_319 : vector<16xf32>
      %swap3A_321 = arith.index_cast %scan3A_192 : i32 to index
      %swap3A_322 = arith.constant 112 : index
      %swap3A_323 = tpu.vector_load %arg15[%swap3A_321, %swap3A_322] {strides = array<i32>} : memref<40x128xf32, #tpu.memory_space<vmem>>, vector<1x16xf32>,
      %swap3A_324 = vector.shape_cast %swap3A_323 : vector<1x16xf32> to vector<16xf32>
      %swap3A_325 = vector.shape_cast %max3A_320 : vector<16xf32> to vector<1x16xf32>
      tpu.vector_store %arg15[%swap3A_321, %swap3A_322], %swap3A_325 {strides = array<i32>} : memref<40x128xf32, #tpu.memory_space<vmem>>, vector<1x16xf32>,
    }
    %scan3A_116 = arith.constant 40 : i32
    %dma_start3A_117 = arith.constant 0 : i32
    %dma_start3A_118 = arith.constant 0 : i32
    %dma_start3A_119 = tpu.memref_slice %arg17[%dma_start3A_117, %dma_start3A_118] : memref<10000x128xf32, #tpu.memory_space<vmem_shared>> -> memref<10000x128xf32, #tpu.memory_space<vmem_shared>>
    tpu.enqueue_indirect_dma source(%arg15 : memref<40x128xf32, #tpu.memory_space<vmem>>) target(%dma_start3A_119 : memref<10000x128xf32, #tpu.memory_space<vmem_shared>>) offsets(%arg11 : memref<40xi32, #tpu.memory_space<vmem>>) semaphore(%arg22 : memref<!tpu.dma_semaphore, #tpu.memory_space<semaphore_mem>>) {add = true}
    %add3A_120 = arith.constant 0 : i32
    %add3A_121 = arith.addi %mul3A_56, %add3A_120 : i32
    %mul3A_122 = arith.constant 40 : i32
    %mul3A_123 = arith.muli %add3A_121, %mul3A_122 : i32
    %dma_start3A_124 = arith.constant 0 : i32
    %dma_start3A_125 = tpu.memref_slice %arg7[%mul3A_123, %dma_start3A_124] : memref<320000x128xf32, #tpu.memory_space<hbm>> -> memref<40x128xf32, #tpu.memory_space<hbm>>
    %dma_start3A_126 = arith.constant 0 : i32
    %dma_start3A_127 = tpu.memref_slice %arg7[%mul3A_123, %dma_start3A_126] : memref<320000x128xf32, #tpu.memory_space<hbm>> -> memref<40x128xf32, #tpu.memory_space<hbm>>
    tpu.enqueue_dma source(%arg15 : memref<40x128xf32, #tpu.memory_space<vmem>>) target(%dma_start3A_127 : memref<40x128xf32, #tpu.memory_space<hbm>>) target_semaphore(%arg24 : memref<!tpu.dma_semaphore, #tpu.memory_space<semaphore_mem>>)
    %dma_wait3A_128 = arith.constant 0 : i32
    %dma_wait3A_129 = arith.constant 0 : i32
    %dma_wait3A_130 = tpu.memref_slice %arg17[%dma_wait3A_128, %dma_wait3A_129] : memref<10000x128xf32, #tpu.memory_space<vmem_shared>> -> memref<10000x128xf32, #tpu.memory_space<vmem_shared>>
    tpu.wait_indirect_dma semaphore(%arg22 : memref<!tpu.dma_semaphore, #tpu.memory_space<semaphore_mem>>) src(%arg15 : memref<40x128xf32, #tpu.memory_space<vmem>>) dst(%dma_wait3A_130 : memref<10000x128xf32, #tpu.memory_space<vmem_shared>>)
    %dma_wait3A_131 = arith.constant 0 : i32
    %dma_wait3A_132 = tpu.memref_slice %arg2[%mul3A_98, %dma_wait3A_131] : memref<320000x128xf32, #tpu.memory_space<hbm>> -> memref<40x128xf32, #tpu.memory_space<hbm>>
    %dma_wait3A_133 = arith.constant 0 : i32
    %dma_wait3A_134 = tpu.memref_slice %arg2[%mul3A_98, %dma_wait3A_133] : memref<320000x128xf32, #tpu.memory_space<hbm>> -> memref<40x128xf32, #tpu.memory_space<hbm>>
    tpu.wait_dma2 semaphore(%arg21 : memref<!tpu.dma_semaphore, #tpu.memory_space<semaphore_mem>>) src(%dma_wait3A_134 : memref<40x128xf32, #tpu.memory_space<hbm>>) dst(%arg14 : memref<40x128xf32, #tpu.memory_space<vmem>>)
    %dma_wait3A_135 = arith.constant 0 : i32
    %dma_wait3A_136 = arith.constant 0 : i32
    %dma_wait3A_137 = tpu.memref_slice %arg3[%dma_wait3A_135, %dma_wait3A_136] : memref<10000x128xf32, #tpu.memory_space<hbm>> -> memref<10000x128xf32, #tpu.memory_space<hbm>>
    tpu.wait_indirect_dma semaphore(%arg21 : memref<!tpu.dma_semaphore, #tpu.memory_space<semaphore_mem>>) src(%dma_wait3A_137 : memref<10000x128xf32, #tpu.memory_space<hbm>>) dst(%arg16 : memref<40x128xf32, #tpu.memory_space<vmem>>)
    %add3A_138 = arith.constant 2 : i32
    %add3A_139 = arith.addi %mul3A_56, %add3A_138 : i32
    %mul3A_140 = arith.constant 40 : i32
    %mul3A_141 = arith.muli %add3A_139, %mul3A_140 : i32
    %dma_start3A_142 = tpu.memref_slice %arg5[%mul3A_141] : memref<320000xi32, #tpu.memory_space<hbm>> -> memref<40xi32, #tpu.memory_space<hbm>>
    %dma_start3A_143 = tpu.memref_slice %arg5[%mul3A_141] : memref<320000xi32, #tpu.memory_space<hbm>> -> memref<40xi32, #tpu.memory_space<hbm>>
    tpu.enqueue_dma source(%dma_start3A_143 : memref<40xi32, #tpu.memory_space<hbm>>) target(%arg11 : memref<40xi32, #tpu.memory_space<vmem>>) target_semaphore(%arg18 : memref<!tpu.dma_semaphore, #tpu.memory_space<semaphore_mem>>)
    %scan3A_144 = arith.constant 0 : i32
    %scan3A_145 = arith.constant 1 : i32
    %scan3A_146 = arith.constant 124 : i32
    %scan3A_147 = arith.addi %scan3A_145, %scan3A_146 : i32
    %scan3A_148 = arith.constant 1 : i32
    scf.for %scan3A_192 = %scan3A_145 to %scan3A_147 step %scan3A_148  : i32 {
      %mul3A_193 = arith.constant 2 : i32
      %mul3A_194 = arith.muli %mul3A_193, %scan3A_192 : i32
      %add3A_195 = arith.constant 1 : i32
      %add3A_196 = arith.addi %mul3A_194, %add3A_195 : i32
      %dma_wait3A_197 = arith.constant 0 : i32
      %dma_wait3A_198 = tpu.memref_slice %arg4[%dma_wait3A_197] : memref<320000xi32, #tpu.memory_space<hbm>> -> memref<40xi32, #tpu.memory_space<hbm>>
      %dma_wait3A_199 = arith.constant 0 : i32
      %dma_wait3A_200 = tpu.memref_slice %arg4[%dma_wait3A_199] : memref<320000xi32, #tpu.memory_space<hbm>> -> memref<40xi32, #tpu.memory_space<hbm>>
      tpu.wait_dma2 semaphore(%arg18 : memref<!tpu.dma_semaphore, #tpu.memory_space<semaphore_mem>>) src(%dma_wait3A_200 : memref<40xi32, #tpu.memory_space<hbm>>) dst(%arg9 : memref<40xi32, #tpu.memory_space<vmem>>)
      %dma_wait3A_201 = arith.constant 0 : i32
      %dma_wait3A_202 = tpu.memref_slice %arg4[%dma_wait3A_201] : memref<320000xi32, #tpu.memory_space<hbm>> -> memref<40xi32, #tpu.memory_space<hbm>>
      %dma_wait3A_203 = arith.constant 0 : i32
      %dma_wait3A_204 = tpu.memref_slice %arg4[%dma_wait3A_203] : memref<320000xi32, #tpu.memory_space<hbm>> -> memref<40xi32, #tpu.memory_space<hbm>>
      tpu.wait_dma2 semaphore(%arg18 : memref<!tpu.dma_semaphore, #tpu.memory_space<semaphore_mem>>) src(%dma_wait3A_204 : memref<40xi32, #tpu.memory_space<hbm>>) dst(%arg11 : memref<40xi32, #tpu.memory_space<vmem>>)
      %dma_wait3A_205 = arith.constant 0 : i32
      %dma_wait3A_206 = arith.constant 0 : i32
      %dma_wait3A_207 = tpu.memref_slice %arg2[%dma_wait3A_205, %dma_wait3A_206] : memref<320000x128xf32, #tpu.memory_space<hbm>> -> memref<40x128xf32, #tpu.memory_space<hbm>>
      %dma_wait3A_208 = arith.constant 0 : i32
      %dma_wait3A_209 = arith.constant 0 : i32
      %dma_wait3A_210 = tpu.memref_slice %arg2[%dma_wait3A_208, %dma_wait3A_209] : memref<320000x128xf32, #tpu.memory_space<hbm>> -> memref<40x128xf32, #tpu.memory_space<hbm>>
      tpu.wait_dma2 semaphore(%arg24 : memref<!tpu.dma_semaphore, #tpu.memory_space<semaphore_mem>>) src(%dma_wait3A_210 : memref<40x128xf32, #tpu.memory_space<hbm>>) dst(%arg15 : memref<40x128xf32, #tpu.memory_space<vmem>>)
      %add3A_211 = arith.addi %mul3A_56, %mul3A_194 : i32
      %mul3A_212 = arith.constant 40 : i32
      %mul3A_213 = arith.muli %add3A_211, %mul3A_212 : i32
      %dma_start3A_214 = arith.constant 0 : i32
      %dma_start3A_215 = tpu.memref_slice %arg2[%mul3A_213, %dma_start3A_214] : memref<320000x128xf32, #tpu.memory_space<hbm>> -> memref<40x128xf32, #tpu.memory_space<hbm>>
      %dma_start3A_216 = arith.constant 0 : i32
      %dma_start3A_217 = tpu.memref_slice %arg2[%mul3A_213, %dma_start3A_216] : memref<320000x128xf32, #tpu.memory_space<hbm>> -> memref<40x128xf32, #tpu.memory_space<hbm>>
      tpu.enqueue_dma source(%dma_start3A_217 : memref<40x128xf32, #tpu.memory_space<hbm>>) target(%arg13 : memref<40x128xf32, #tpu.memory_space<vmem>>) target_semaphore(%arg20 : memref<!tpu.dma_semaphore, #tpu.memory_space<semaphore_mem>>)
      %dma_start3A_218 = arith.constant 0 : i32
      %dma_start3A_219 = arith.constant 0 : i32
      %dma_start3A_220 = tpu.memref_slice %arg3[%dma_start3A_218, %dma_start3A_219] : memref<10000x128xf32, #tpu.memory_space<hbm>> -> memref<10000x128xf32, #tpu.memory_space<hbm>>
      tpu.enqueue_indirect_dma source(%dma_start3A_220 : memref<10000x128xf32, #tpu.memory_space<hbm>>) target(%arg15 : memref<40x128xf32, #tpu.memory_space<vmem>>) offsets(%arg9 : memref<40xi32, #tpu.memory_space<vmem>>) semaphore(%arg20 : memref<!tpu.dma_semaphore, #tpu.memory_space<semaphore_mem>>)
      %add3A_221 = arith.constant 1 : i32
      %add3A_222 = arith.addi %mul3A_194, %add3A_221 : i32
      %add3A_223 = arith.addi %mul3A_56, %add3A_222 : i32
      %mul3A_224 = arith.constant 40 : i32
      %mul3A_225 = arith.muli %add3A_223, %mul3A_224 : i32
      %dma_start3A_226 = tpu.memref_slice %arg4[%mul3A_225] : memref<320000xi32, #tpu.memory_space<hbm>> -> memref<40xi32, #tpu.memory_space<hbm>>
      %dma_start3A_227 = tpu.memref_slice %arg4[%mul3A_225] : memref<320000xi32, #tpu.memory_space<hbm>> -> memref<40xi32, #tpu.memory_space<hbm>>
      tpu.enqueue_dma source(%dma_start3A_227 : memref<40xi32, #tpu.memory_space<hbm>>) target(%arg10 : memref<40xi32, #tpu.memory_space<vmem>>) target_semaphore(%arg19 : memref<!tpu.dma_semaphore, #tpu.memory_space<semaphore_mem>>)
      %sub3A_228 = arith.constant 1 : i32
      %sub3A_229 = arith.subi %mul3A_194, %sub3A_228 : i32
      %scan3A_230 = arith.constant 0 : i32
      %scan3A_231 = arith.constant 0 : i32
      %scan3A_232 = arith.constant 40 : i32
      %scan3A_233 = arith.addi %scan3A_231, %scan3A_232 : i32
      %scan3A_234 = arith.constant 1 : i32
      scf.for %scan3A_320 = %scan3A_231 to %scan3A_233 step %scan3A_234  : i32 {
        %get3A = arith.index_cast %scan3A_320 : i32 to index
        %get3A_321 = arith.constant 0 : index
        %get3A_322 = tpu.vector_load %arg14[%get3A, %get3A_321] {strides = array<i32>} : memref<40x128xf32, #tpu.memory_space<vmem>>, vector<1x16xf32>,
        %get3A_323 = vector.shape_cast %get3A_322 : vector<1x16xf32> to vector<16xf32>
        %get3A_324 = arith.index_cast %scan3A_320 : i32 to index
        %get3A_325 = arith.constant 0 : index
        %get3A_326 = tpu.vector_load %arg16[%get3A_324, %get3A_325] {strides = array<i32>} : memref<40x128xf32, #tpu.memory_space<vmem>>, vector<1x16xf32>,
        %get3A_327 = vector.shape_cast %get3A_326 : vector<1x16xf32> to vector<16xf32>
        %add3A_328 = arith.addf %get3A_323, %get3A_327 : vector<16xf32>
        %max3A = arith.constant 0.000000e+00 : f32
        %max3A_329 = vector.broadcast %max3A : f32 to vector<16xf32>
        %max3A_330 = arith.maximumf %add3A_328, %max3A_329 : vector<16xf32>
        %swap3A = arith.index_cast %scan3A_320 : i32 to index
        %swap3A_331 = arith.constant 0 : index
        %swap3A_332 = tpu.vector_load %arg16[%swap3A, %swap3A_331] {strides = array<i32>} : memref<40x128xf32, #tpu.memory_space<vmem>>, vector<1x16xf32>,
        %swap3A_333 = vector.shape_cast %swap3A_332 : vector<1x16xf32> to vector<16xf32>
        %swap3A_334 = vector.shape_cast %max3A_330 : vector<16xf32> to vector<1x16xf32>
        tpu.vector_store %arg16[%swap3A, %swap3A_331], %swap3A_334 {strides = array<i32>} : memref<40x128xf32, #tpu.memory_space<vmem>>, vector<1x16xf32>,
        %get3A_335 = arith.index_cast %scan3A_320 : i32 to index
        %get3A_336 = arith.constant 16 : index
        %get3A_337 = tpu.vector_load %arg14[%get3A_335, %get3A_336] {strides = array<i32>} : memref<40x128xf32, #tpu.memory_space<vmem>>, vector<1x16xf32>,
        %get3A_338 = vector.shape_cast %get3A_337 : vector<1x16xf32> to vector<16xf32>
        %get3A_339 = arith.index_cast %scan3A_320 : i32 to index
        %get3A_340 = arith.constant 16 : index
        %get3A_341 = tpu.vector_load %arg16[%get3A_339, %get3A_340] {strides = array<i32>} : memref<40x128xf32, #tpu.memory_space<vmem>>, vector<1x16xf32>,
        %get3A_342 = vector.shape_cast %get3A_341 : vector<1x16xf32> to vector<16xf32>
        %add3A_343 = arith.addf %get3A_338, %get3A_342 : vector<16xf32>
        %max3A_344 = arith.constant 0.000000e+00 : f32
        %max3A_345 = vector.broadcast %max3A_344 : f32 to vector<16xf32>
        %max3A_346 = arith.maximumf %add3A_343, %max3A_345 : vector<16xf32>
        %swap3A_347 = arith.index_cast %scan3A_320 : i32 to index
        %swap3A_348 = arith.constant 16 : index
        %swap3A_349 = tpu.vector_load %arg16[%swap3A_347, %swap3A_348] {strides = array<i32>} : memref<40x128xf32, #tpu.memory_space<vmem>>, vector<1x16xf32>,
        %swap3A_350 = vector.shape_cast %swap3A_349 : vector<1x16xf32> to vector<16xf32>
        %swap3A_351 = vector.shape_cast %max3A_346 : vector<16xf32> to vector<1x16xf32>
        tpu.vector_store %arg16[%swap3A_347, %swap3A_348], %swap3A_351 {strides = array<i32>} : memref<40x128xf32, #tpu.memory_space<vmem>>, vector<1x16xf32>,
        %get3A_352 = arith.index_cast %scan3A_320 : i32 to index
        %get3A_353 = arith.constant 32 : index
        %get3A_354 = tpu.vector_load %arg14[%get3A_352, %get3A_353] {strides = array<i32>} : memref<40x128xf32, #tpu.memory_space<vmem>>, vector<1x16xf32>,
        %get3A_355 = vector.shape_cast %get3A_354 : vector<1x16xf32> to vector<16xf32>
        %get3A_356 = arith.index_cast %scan3A_320 : i32 to index
        %get3A_357 = arith.constant 32 : index
        %get3A_358 = tpu.vector_load %arg16[%get3A_356, %get3A_357] {strides = array<i32>} : memref<40x128xf32, #tpu.memory_space<vmem>>, vector<1x16xf32>,
        %get3A_359 = vector.shape_cast %get3A_358 : vector<1x16xf32> to vector<16xf32>
        %add3A_360 = arith.addf %get3A_355, %get3A_359 : vector<16xf32>
        %max3A_361 = arith.constant 0.000000e+00 : f32
        %max3A_362 = vector.broadcast %max3A_361 : f32 to vector<16xf32>
        %max3A_363 = arith.maximumf %add3A_360, %max3A_362 : vector<16xf32>
        %swap3A_364 = arith.index_cast %scan3A_320 : i32 to index
        %swap3A_365 = arith.constant 32 : index
        %swap3A_366 = tpu.vector_load %arg16[%swap3A_364, %swap3A_365] {strides = array<i32>} : memref<40x128xf32, #tpu.memory_space<vmem>>, vector<1x16xf32>,
        %swap3A_367 = vector.shape_cast %swap3A_366 : vector<1x16xf32> to vector<16xf32>
        %swap3A_368 = vector.shape_cast %max3A_363 : vector<16xf32> to vector<1x16xf32>
        tpu.vector_store %arg16[%swap3A_364, %swap3A_365], %swap3A_368 {strides = array<i32>} : memref<40x128xf32, #tpu.memory_space<vmem>>, vector<1x16xf32>,
        %get3A_369 = arith.index_cast %scan3A_320 : i32 to index
        %get3A_370 = arith.constant 48 : index
        %get3A_371 = tpu.vector_load %arg14[%get3A_369, %get3A_370] {strides = array<i32>} : memref<40x128xf32, #tpu.memory_space<vmem>>, vector<1x16xf32>,
        %get3A_372 = vector.shape_cast %get3A_371 : vector<1x16xf32> to vector<16xf32>
        %get3A_373 = arith.index_cast %scan3A_320 : i32 to index
        %get3A_374 = arith.constant 48 : index
        %get3A_375 = tpu.vector_load %arg16[%get3A_373, %get3A_374] {strides = array<i32>} : memref<40x128xf32, #tpu.memory_space<vmem>>, vector<1x16xf32>,
        %get3A_376 = vector.shape_cast %get3A_375 : vector<1x16xf32> to vector<16xf32>
        %add3A_377 = arith.addf %get3A_372, %get3A_376 : vector<16xf32>
        %max3A_378 = arith.constant 0.000000e+00 : f32
        %max3A_379 = vector.broadcast %max3A_378 : f32 to vector<16xf32>
        %max3A_380 = arith.maximumf %add3A_377, %max3A_379 : vector<16xf32>
        %swap3A_381 = arith.index_cast %scan3A_320 : i32 to index
        %swap3A_382 = arith.constant 48 : index
        %swap3A_383 = tpu.vector_load %arg16[%swap3A_381, %swap3A_382] {strides = array<i32>} : memref<40x128xf32, #tpu.memory_space<vmem>>, vector<1x16xf32>,
        %swap3A_384 = vector.shape_cast %swap3A_383 : vector<1x16xf32> to vector<16xf32>
        %swap3A_385 = vector.shape_cast %max3A_380 : vector<16xf32> to vector<1x16xf32>
        tpu.vector_store %arg16[%swap3A_381, %swap3A_382], %swap3A_385 {strides = array<i32>} : memref<40x128xf32, #tpu.memory_space<vmem>>, vector<1x16xf32>,
        %get3A_386 = arith.index_cast %scan3A_320 : i32 to index
        %get3A_387 = arith.constant 64 : index
        %get3A_388 = tpu.vector_load %arg14[%get3A_386, %get3A_387] {strides = array<i32>} : memref<40x128xf32, #tpu.memory_space<vmem>>, vector<1x16xf32>,
        %get3A_389 = vector.shape_cast %get3A_388 : vector<1x16xf32> to vector<16xf32>
        %get3A_390 = arith.index_cast %scan3A_320 : i32 to index
        %get3A_391 = arith.constant 64 : index
        %get3A_392 = tpu.vector_load %arg16[%get3A_390, %get3A_391] {strides = array<i32>} : memref<40x128xf32, #tpu.memory_space<vmem>>, vector<1x16xf32>,
        %get3A_393 = vector.shape_cast %get3A_392 : vector<1x16xf32> to vector<16xf32>
        %add3A_394 = arith.addf %get3A_389, %get3A_393 : vector<16xf32>
        %max3A_395 = arith.constant 0.000000e+00 : f32
        %max3A_396 = vector.broadcast %max3A_395 : f32 to vector<16xf32>
        %max3A_397 = arith.maximumf %add3A_394, %max3A_396 : vector<16xf32>
        %swap3A_398 = arith.index_cast %scan3A_320 : i32 to index
        %swap3A_399 = arith.constant 64 : index
        %swap3A_400 = tpu.vector_load %arg16[%swap3A_398, %swap3A_399] {strides = array<i32>} : memref<40x128xf32, #tpu.memory_space<vmem>>, vector<1x16xf32>,
        %swap3A_401 = vector.shape_cast %swap3A_400 : vector<1x16xf32> to vector<16xf32>
        %swap3A_402 = vector.shape_cast %max3A_397 : vector<16xf32> to vector<1x16xf32>
        tpu.vector_store %arg16[%swap3A_398, %swap3A_399], %swap3A_402 {strides = array<i32>} : memref<40x128xf32, #tpu.memory_space<vmem>>, vector<1x16xf32>,
        %get3A_403 = arith.index_cast %scan3A_320 : i32 to index
        %get3A_404 = arith.constant 80 : index
        %get3A_405 = tpu.vector_load %arg14[%get3A_403, %get3A_404] {strides = array<i32>} : memref<40x128xf32, #tpu.memory_space<vmem>>, vector<1x16xf32>,
        %get3A_406 = vector.shape_cast %get3A_405 : vector<1x16xf32> to vector<16xf32>
        %get3A_407 = arith.index_cast %scan3A_320 : i32 to index
        %get3A_408 = arith.constant 80 : index
        %get3A_409 = tpu.vector_load %arg16[%get3A_407, %get3A_408] {strides = array<i32>} : memref<40x128xf32, #tpu.memory_space<vmem>>, vector<1x16xf32>,
        %get3A_410 = vector.shape_cast %get3A_409 : vector<1x16xf32> to vector<16xf32>
        %add3A_411 = arith.addf %get3A_406, %get3A_410 : vector<16xf32>
        %max3A_412 = arith.constant 0.000000e+00 : f32
        %max3A_413 = vector.broadcast %max3A_412 : f32 to vector<16xf32>
        %max3A_414 = arith.maximumf %add3A_411, %max3A_413 : vector<16xf32>
        %swap3A_415 = arith.index_cast %scan3A_320 : i32 to index
        %swap3A_416 = arith.constant 80 : index
        %swap3A_417 = tpu.vector_load %arg16[%swap3A_415, %swap3A_416] {strides = array<i32>} : memref<40x128xf32, #tpu.memory_space<vmem>>, vector<1x16xf32>,
        %swap3A_418 = vector.shape_cast %swap3A_417 : vector<1x16xf32> to vector<16xf32>
        %swap3A_419 = vector.shape_cast %max3A_414 : vector<16xf32> to vector<1x16xf32>
        tpu.vector_store %arg16[%swap3A_415, %swap3A_416], %swap3A_419 {strides = array<i32>} : memref<40x128xf32, #tpu.memory_space<vmem>>, vector<1x16xf32>,
        %get3A_420 = arith.index_cast %scan3A_320 : i32 to index
        %get3A_421 = arith.constant 96 : index
        %get3A_422 = tpu.vector_load %arg14[%get3A_420, %get3A_421] {strides = array<i32>} : memref<40x128xf32, #tpu.memory_space<vmem>>, vector<1x16xf32>,
        %get3A_423 = vector.shape_cast %get3A_422 : vector<1x16xf32> to vector<16xf32>
        %get3A_424 = arith.index_cast %scan3A_320 : i32 to index
        %get3A_425 = arith.constant 96 : index
        %get3A_426 = tpu.vector_load %arg16[%get3A_424, %get3A_425] {strides = array<i32>} : memref<40x128xf32, #tpu.memory_space<vmem>>, vector<1x16xf32>,
        %get3A_427 = vector.shape_cast %get3A_426 : vector<1x16xf32> to vector<16xf32>
        %add3A_428 = arith.addf %get3A_423, %get3A_427 : vector<16xf32>
        %max3A_429 = arith.constant 0.000000e+00 : f32
        %max3A_430 = vector.broadcast %max3A_429 : f32 to vector<16xf32>
        %max3A_431 = arith.maximumf %add3A_428, %max3A_430 : vector<16xf32>
        %swap3A_432 = arith.index_cast %scan3A_320 : i32 to index
        %swap3A_433 = arith.constant 96 : index
        %swap3A_434 = tpu.vector_load %arg16[%swap3A_432, %swap3A_433] {strides = array<i32>} : memref<40x128xf32, #tpu.memory_space<vmem>>, vector<1x16xf32>,
        %swap3A_435 = vector.shape_cast %swap3A_434 : vector<1x16xf32> to vector<16xf32>
        %swap3A_436 = vector.shape_cast %max3A_431 : vector<16xf32> to vector<1x16xf32>
        tpu.vector_store %arg16[%swap3A_432, %swap3A_433], %swap3A_436 {strides = array<i32>} : memref<40x128xf32, #tpu.memory_space<vmem>>, vector<1x16xf32>,
        %get3A_437 = arith.index_cast %scan3A_320 : i32 to index
        %get3A_438 = arith.constant 112 : index
        %get3A_439 = tpu.vector_load %arg14[%get3A_437, %get3A_438] {strides = array<i32>} : memref<40x128xf32, #tpu.memory_space<vmem>>, vector<1x16xf32>,
        %get3A_440 = vector.shape_cast %get3A_439 : vector<1x16xf32> to vector<16xf32>
        %get3A_441 = arith.index_cast %scan3A_320 : i32 to index
        %get3A_442 = arith.constant 112 : index
        %get3A_443 = tpu.vector_load %arg16[%get3A_441, %get3A_442] {strides = array<i32>} : memref<40x128xf32, #tpu.memory_space<vmem>>, vector<1x16xf32>,
        %get3A_444 = vector.shape_cast %get3A_443 : vector<1x16xf32> to vector<16xf32>
        %add3A_445 = arith.addf %get3A_440, %get3A_444 : vector<16xf32>
        %max3A_446 = arith.constant 0.000000e+00 : f32
        %max3A_447 = vector.broadcast %max3A_446 : f32 to vector<16xf32>
        %max3A_448 = arith.maximumf %add3A_445, %max3A_447 : vector<16xf32>
        %swap3A_449 = arith.index_cast %scan3A_320 : i32 to index
        %swap3A_450 = arith.constant 112 : index
        %swap3A_451 = tpu.vector_load %arg16[%swap3A_449, %swap3A_450] {strides = array<i32>} : memref<40x128xf32, #tpu.memory_space<vmem>>, vector<1x16xf32>,
        %swap3A_452 = vector.shape_cast %swap3A_451 : vector<1x16xf32> to vector<16xf32>
        %swap3A_453 = vector.shape_cast %max3A_448 : vector<16xf32> to vector<1x16xf32>
        tpu.vector_store %arg16[%swap3A_449, %swap3A_450], %swap3A_453 {strides = array<i32>} : memref<40x128xf32, #tpu.memory_space<vmem>>, vector<1x16xf32>,
      }
      %scan3A_235 = arith.constant 40 : i32
      %dma_start3A_236 = arith.constant 0 : i32
      %dma_start3A_237 = arith.constant 0 : i32
      %dma_start3A_238 = tpu.memref_slice %arg17[%dma_start3A_236, %dma_start3A_237] : memref<10000x128xf32, #tpu.memory_space<vmem_shared>> -> memref<10000x128xf32, #tpu.memory_space<vmem_shared>>
      tpu.enqueue_indirect_dma source(%arg16 : memref<40x128xf32, #tpu.memory_space<vmem>>) target(%dma_start3A_238 : memref<10000x128xf32, #tpu.memory_space<vmem_shared>>) offsets(%arg12 : memref<40xi32, #tpu.memory_space<vmem>>) semaphore(%arg23 : memref<!tpu.dma_semaphore, #tpu.memory_space<semaphore_mem>>) {add = true}
      %add3A_239 = arith.addi %mul3A_56, %sub3A_229 : i32
      %mul3A_240 = arith.constant 40 : i32
      %mul3A_241 = arith.muli %add3A_239, %mul3A_240 : i32
      %dma_start3A_242 = arith.constant 0 : i32
      %dma_start3A_243 = tpu.memref_slice %arg7[%mul3A_241, %dma_start3A_242] : memref<320000x128xf32, #tpu.memory_space<hbm>> -> memref<40x128xf32, #tpu.memory_space<hbm>>
      %dma_start3A_244 = arith.constant 0 : i32
      %dma_start3A_245 = tpu.memref_slice %arg7[%mul3A_241, %dma_start3A_244] : memref<320000x128xf32, #tpu.memory_space<hbm>> -> memref<40x128xf32, #tpu.memory_space<hbm>>
      tpu.enqueue_dma source(%arg16 : memref<40x128xf32, #tpu.memory_space<vmem>>) target(%dma_start3A_245 : memref<40x128xf32, #tpu.memory_space<hbm>>) target_semaphore(%arg25 : memref<!tpu.dma_semaphore, #tpu.memory_space<semaphore_mem>>)
      %dma_wait3A_246 = arith.constant 0 : i32
      %dma_wait3A_247 = tpu.memref_slice %arg2[%mul3A_213, %dma_wait3A_246] : memref<320000x128xf32, #tpu.memory_space<hbm>> -> memref<40x128xf32, #tpu.memory_space<hbm>>
      %dma_wait3A_248 = arith.constant 0 : i32
      %dma_wait3A_249 = tpu.memref_slice %arg2[%mul3A_213, %dma_wait3A_248] : memref<320000x128xf32, #tpu.memory_space<hbm>> -> memref<40x128xf32, #tpu.memory_space<hbm>>
      tpu.wait_dma2 semaphore(%arg20 : memref<!tpu.dma_semaphore, #tpu.memory_space<semaphore_mem>>) src(%dma_wait3A_249 : memref<40x128xf32, #tpu.memory_space<hbm>>) dst(%arg13 : memref<40x128xf32, #tpu.memory_space<vmem>>)
      %dma_wait3A_250 = arith.constant 0 : i32
      %dma_wait3A_251 = arith.constant 0 : i32
      %dma_wait3A_252 = tpu.memref_slice %arg3[%dma_wait3A_250, %dma_wait3A_251] : memref<10000x128xf32, #tpu.memory_space<hbm>> -> memref<10000x128xf32, #tpu.memory_space<hbm>>
      tpu.wait_indirect_dma semaphore(%arg20 : memref<!tpu.dma_semaphore, #tpu.memory_space<semaphore_mem>>) src(%dma_wait3A_252 : memref<10000x128xf32, #tpu.memory_space<hbm>>) dst(%arg15 : memref<40x128xf32, #tpu.memory_space<vmem>>)
      %dma_wait3A_253 = arith.constant 0 : i32
      %dma_wait3A_254 = arith.constant 0 : i32
      %dma_wait3A_255 = tpu.memref_slice %arg17[%dma_wait3A_253, %dma_wait3A_254] : memref<10000x128xf32, #tpu.memory_space<vmem_shared>> -> memref<10000x128xf32, #tpu.memory_space<vmem_shared>>
      tpu.wait_indirect_dma semaphore(%arg23 : memref<!tpu.dma_semaphore, #tpu.memory_space<semaphore_mem>>) src(%arg16 : memref<40x128xf32, #tpu.memory_space<vmem>>) dst(%dma_wait3A_255 : memref<10000x128xf32, #tpu.memory_space<vmem_shared>>)
      %add3A_256 = arith.constant 1 : i32
      %add3A_257 = arith.addi %mul3A_194, %add3A_256 : i32
      %add3A_258 = arith.addi %mul3A_56, %add3A_257 : i32
      %mul3A_259 = arith.constant 40 : i32
      %mul3A_260 = arith.muli %add3A_258, %mul3A_259 : i32
      %dma_start3A_261 = tpu.memref_slice %arg5[%mul3A_260] : memref<320000xi32, #tpu.memory_space<hbm>> -> memref<40xi32, #tpu.memory_space<hbm>>
      %dma_start3A_262 = tpu.memref_slice %arg5[%mul3A_260] : memref<320000xi32, #tpu.memory_space<hbm>> -> memref<40xi32, #tpu.memory_space<hbm>>
      tpu.enqueue_dma source(%dma_start3A_262 : memref<40xi32, #tpu.memory_space<hbm>>) target(%arg12 : memref<40xi32, #tpu.memory_space<vmem>>) target_semaphore(%arg19 : memref<!tpu.dma_semaphore, #tpu.memory_space<semaphore_mem>>)
      %dma_wait3A_263 = arith.constant 0 : i32
      %dma_wait3A_264 = tpu.memref_slice %arg4[%dma_wait3A_263] : memref<320000xi32, #tpu.memory_space<hbm>> -> memref<40xi32, #tpu.memory_space<hbm>>
      %dma_wait3A_265 = arith.constant 0 : i32
      %dma_wait3A_266 = tpu.memref_slice %arg4[%dma_wait3A_265] : memref<320000xi32, #tpu.memory_space<hbm>> -> memref<40xi32, #tpu.memory_space<hbm>>
      tpu.wait_dma2 semaphore(%arg19 : memref<!tpu.dma_semaphore, #tpu.memory_space<semaphore_mem>>) src(%dma_wait3A_266 : memref<40xi32, #tpu.memory_space<hbm>>) dst(%arg10 : memref<40xi32, #tpu.memory_space<vmem>>)
      %dma_wait3A_267 = arith.constant 0 : i32
      %dma_wait3A_268 = tpu.memref_slice %arg4[%dma_wait3A_267] : memref<320000xi32, #tpu.memory_space<hbm>> -> memref<40xi32, #tpu.memory_space<hbm>>
      %dma_wait3A_269 = arith.constant 0 : i32
      %dma_wait3A_270 = tpu.memref_slice %arg4[%dma_wait3A_269] : memref<320000xi32, #tpu.memory_space<hbm>> -> memref<40xi32, #tpu.memory_space<hbm>>
      tpu.wait_dma2 semaphore(%arg19 : memref<!tpu.dma_semaphore, #tpu.memory_space<semaphore_mem>>) src(%dma_wait3A_270 : memref<40xi32, #tpu.memory_space<hbm>>) dst(%arg12 : memref<40xi32, #tpu.memory_space<vmem>>)
      %dma_wait3A_271 = arith.constant 0 : i32
      %dma_wait3A_272 = arith.constant 0 : i32
      %dma_wait3A_273 = tpu.memref_slice %arg2[%dma_wait3A_271, %dma_wait3A_272] : memref<320000x128xf32, #tpu.memory_space<hbm>> -> memref<40x128xf32, #tpu.memory_space<hbm>>
      %dma_wait3A_274 = arith.constant 0 : i32
      %dma_wait3A_275 = arith.constant 0 : i32
      %dma_wait3A_276 = tpu.memref_slice %arg2[%dma_wait3A_274, %dma_wait3A_275] : memref<320000x128xf32, #tpu.memory_space<hbm>> -> memref<40x128xf32, #tpu.memory_space<hbm>>
      tpu.wait_dma2 semaphore(%arg25 : memref<!tpu.dma_semaphore, #tpu.memory_space<semaphore_mem>>) src(%dma_wait3A_276 : memref<40x128xf32, #tpu.memory_space<hbm>>) dst(%arg16 : memref<40x128xf32, #tpu.memory_space<vmem>>)
      %add3A_277 = arith.addi %mul3A_56, %add3A_196 : i32
      %mul3A_278 = arith.constant 40 : i32
      %mul3A_279 = arith.muli %add3A_277, %mul3A_278 : i32
      %dma_start3A_280 = arith.constant 0 : i32
      %dma_start3A_281 = tpu.memref_slice %arg2[%mul3A_279, %dma_start3A_280] : memref<320000x128xf32, #tpu.memory_space<hbm>> -> memref<40x128xf32, #tpu.memory_space<hbm>>
      %dma_start3A_282 = arith.constant 0 : i32
      %dma_start3A_283 = tpu.memref_slice %arg2[%mul3A_279, %dma_start3A_282] : memref<320000x128xf32, #tpu.memory_space<hbm>> -> memref<40x128xf32, #tpu.memory_space<hbm>>
      tpu.enqueue_dma source(%dma_start3A_283 : memref<40x128xf32, #tpu.memory_space<hbm>>) target(%arg14 : memref<40x128xf32, #tpu.memory_space<vmem>>) target_semaphore(%arg21 : memref<!tpu.dma_semaphore, #tpu.memory_space<semaphore_mem>>)
      %dma_start3A_284 = arith.constant 0 : i32
      %dma_start3A_285 = arith.constant 0 : i32
      %dma_start3A_286 = tpu.memref_slice %arg3[%dma_start3A_284, %dma_start3A_285] : memref<10000x128xf32, #tpu.memory_space<hbm>> -> memref<10000x128xf32, #tpu.memory_space<hbm>>
      tpu.enqueue_indirect_dma source(%dma_start3A_286 : memref<10000x128xf32, #tpu.memory_space<hbm>>) target(%arg16 : memref<40x128xf32, #tpu.memory_space<vmem>>) offsets(%arg10 : memref<40xi32, #tpu.memory_space<vmem>>) semaphore(%arg21 : memref<!tpu.dma_semaphore, #tpu.memory_space<semaphore_mem>>)
      %lt3A = arith.constant 124 : i32
      %lt3A_287 = arith.cmpi slt, %scan3A_192, %lt3A : i32
      %convert_element_type3A = arith.extui %lt3A_287 : i1 to i32
      %cond3A = arith.constant 0 : i32
      %cond3A_288 = arith.cmpi ne, %convert_element_type3A, %cond3A : i32
      scf.if %cond3A_288 {
        %add3A_320 = arith.constant 1 : i32
        %add3A_321 = arith.addi %add3A_196, %add3A_320 : i32
        %add3A_322 = arith.addi %mul3A_56, %add3A_321 : i32
        %mul3A_323 = arith.constant 40 : i32
        %mul3A_324 = arith.muli %add3A_322, %mul3A_323 : i32
        %dma_start3A_325 = tpu.memref_slice %arg4[%mul3A_324] : memref<320000xi32, #tpu.memory_space<hbm>> -> memref<40xi32, #tpu.memory_space<hbm>>
        %dma_start3A_326 = tpu.memref_slice %arg4[%mul3A_324] : memref<320000xi32, #tpu.memory_space<hbm>> -> memref<40xi32, #tpu.memory_space<hbm>>
        tpu.enqueue_dma source(%dma_start3A_326 : memref<40xi32, #tpu.memory_space<hbm>>) target(%arg9 : memref<40xi32, #tpu.memory_space<vmem>>) target_semaphore(%arg18 : memref<!tpu.dma_semaphore, #tpu.memory_space<semaphore_mem>>)
      } else {
      }
      %scan3A_289 = arith.constant 0 : i32
      %scan3A_290 = arith.constant 0 : i32
      %scan3A_291 = arith.constant 40 : i32
      %scan3A_292 = arith.addi %scan3A_290, %scan3A_291 : i32
      %scan3A_293 = arith.constant 1 : i32
      scf.for %scan3A_320 = %scan3A_290 to %scan3A_292 step %scan3A_293  : i32 {
        %get3A = arith.index_cast %scan3A_320 : i32 to index
        %get3A_321 = arith.constant 0 : index
        %get3A_322 = tpu.vector_load %arg13[%get3A, %get3A_321] {strides = array<i32>} : memref<40x128xf32, #tpu.memory_space<vmem>>, vector<1x16xf32>,
        %get3A_323 = vector.shape_cast %get3A_322 : vector<1x16xf32> to vector<16xf32>
        %get3A_324 = arith.index_cast %scan3A_320 : i32 to index
        %get3A_325 = arith.constant 0 : index
        %get3A_326 = tpu.vector_load %arg15[%get3A_324, %get3A_325] {strides = array<i32>} : memref<40x128xf32, #tpu.memory_space<vmem>>, vector<1x16xf32>,
        %get3A_327 = vector.shape_cast %get3A_326 : vector<1x16xf32> to vector<16xf32>
        %add3A_328 = arith.addf %get3A_323, %get3A_327 : vector<16xf32>
        %max3A = arith.constant 0.000000e+00 : f32
        %max3A_329 = vector.broadcast %max3A : f32 to vector<16xf32>
        %max3A_330 = arith.maximumf %add3A_328, %max3A_329 : vector<16xf32>
        %swap3A = arith.index_cast %scan3A_320 : i32 to index
        %swap3A_331 = arith.constant 0 : index
        %swap3A_332 = tpu.vector_load %arg15[%swap3A, %swap3A_331] {strides = array<i32>} : memref<40x128xf32, #tpu.memory_space<vmem>>, vector<1x16xf32>,
        %swap3A_333 = vector.shape_cast %swap3A_332 : vector<1x16xf32> to vector<16xf32>
        %swap3A_334 = vector.shape_cast %max3A_330 : vector<16xf32> to vector<1x16xf32>
        tpu.vector_store %arg15[%swap3A, %swap3A_331], %swap3A_334 {strides = array<i32>} : memref<40x128xf32, #tpu.memory_space<vmem>>, vector<1x16xf32>,
        %get3A_335 = arith.index_cast %scan3A_320 : i32 to index
        %get3A_336 = arith.constant 16 : index
        %get3A_337 = tpu.vector_load %arg13[%get3A_335, %get3A_336] {strides = array<i32>} : memref<40x128xf32, #tpu.memory_space<vmem>>, vector<1x16xf32>,
        %get3A_338 = vector.shape_cast %get3A_337 : vector<1x16xf32> to vector<16xf32>
        %get3A_339 = arith.index_cast %scan3A_320 : i32 to index
        %get3A_340 = arith.constant 16 : index
        %get3A_341 = tpu.vector_load %arg15[%get3A_339, %get3A_340] {strides = array<i32>} : memref<40x128xf32, #tpu.memory_space<vmem>>, vector<1x16xf32>,
        %get3A_342 = vector.shape_cast %get3A_341 : vector<1x16xf32> to vector<16xf32>
        %add3A_343 = arith.addf %get3A_338, %get3A_342 : vector<16xf32>
        %max3A_344 = arith.constant 0.000000e+00 : f32
        %max3A_345 = vector.broadcast %max3A_344 : f32 to vector<16xf32>
        %max3A_346 = arith.maximumf %add3A_343, %max3A_345 : vector<16xf32>
        %swap3A_347 = arith.index_cast %scan3A_320 : i32 to index
        %swap3A_348 = arith.constant 16 : index
        %swap3A_349 = tpu.vector_load %arg15[%swap3A_347, %swap3A_348] {strides = array<i32>} : memref<40x128xf32, #tpu.memory_space<vmem>>, vector<1x16xf32>,
        %swap3A_350 = vector.shape_cast %swap3A_349 : vector<1x16xf32> to vector<16xf32>
        %swap3A_351 = vector.shape_cast %max3A_346 : vector<16xf32> to vector<1x16xf32>
        tpu.vector_store %arg15[%swap3A_347, %swap3A_348], %swap3A_351 {strides = array<i32>} : memref<40x128xf32, #tpu.memory_space<vmem>>, vector<1x16xf32>,
        %get3A_352 = arith.index_cast %scan3A_320 : i32 to index
        %get3A_353 = arith.constant 32 : index
        %get3A_354 = tpu.vector_load %arg13[%get3A_352, %get3A_353] {strides = array<i32>} : memref<40x128xf32, #tpu.memory_space<vmem>>, vector<1x16xf32>,
        %get3A_355 = vector.shape_cast %get3A_354 : vector<1x16xf32> to vector<16xf32>
        %get3A_356 = arith.index_cast %scan3A_320 : i32 to index
        %get3A_357 = arith.constant 32 : index
        %get3A_358 = tpu.vector_load %arg15[%get3A_356, %get3A_357] {strides = array<i32>} : memref<40x128xf32, #tpu.memory_space<vmem>>, vector<1x16xf32>,
        %get3A_359 = vector.shape_cast %get3A_358 : vector<1x16xf32> to vector<16xf32>
        %add3A_360 = arith.addf %get3A_355, %get3A_359 : vector<16xf32>
        %max3A_361 = arith.constant 0.000000e+00 : f32
        %max3A_362 = vector.broadcast %max3A_361 : f32 to vector<16xf32>
        %max3A_363 = arith.maximumf %add3A_360, %max3A_362 : vector<16xf32>
        %swap3A_364 = arith.index_cast %scan3A_320 : i32 to index
        %swap3A_365 = arith.constant 32 : index
        %swap3A_366 = tpu.vector_load %arg15[%swap3A_364, %swap3A_365] {strides = array<i32>} : memref<40x128xf32, #tpu.memory_space<vmem>>, vector<1x16xf32>,
        %swap3A_367 = vector.shape_cast %swap3A_366 : vector<1x16xf32> to vector<16xf32>
        %swap3A_368 = vector.shape_cast %max3A_363 : vector<16xf32> to vector<1x16xf32>
        tpu.vector_store %arg15[%swap3A_364, %swap3A_365], %swap3A_368 {strides = array<i32>} : memref<40x128xf32, #tpu.memory_space<vmem>>, vector<1x16xf32>,
        %get3A_369 = arith.index_cast %scan3A_320 : i32 to index
        %get3A_370 = arith.constant 48 : index
        %get3A_371 = tpu.vector_load %arg13[%get3A_369, %get3A_370] {strides = array<i32>} : memref<40x128xf32, #tpu.memory_space<vmem>>, vector<1x16xf32>,
        %get3A_372 = vector.shape_cast %get3A_371 : vector<1x16xf32> to vector<16xf32>
        %get3A_373 = arith.index_cast %scan3A_320 : i32 to index
        %get3A_374 = arith.constant 48 : index
        %get3A_375 = tpu.vector_load %arg15[%get3A_373, %get3A_374] {strides = array<i32>} : memref<40x128xf32, #tpu.memory_space<vmem>>, vector<1x16xf32>,
        %get3A_376 = vector.shape_cast %get3A_375 : vector<1x16xf32> to vector<16xf32>
        %add3A_377 = arith.addf %get3A_372, %get3A_376 : vector<16xf32>
        %max3A_378 = arith.constant 0.000000e+00 : f32
        %max3A_379 = vector.broadcast %max3A_378 : f32 to vector<16xf32>
        %max3A_380 = arith.maximumf %add3A_377, %max3A_379 : vector<16xf32>
        %swap3A_381 = arith.index_cast %scan3A_320 : i32 to index
        %swap3A_382 = arith.constant 48 : index
        %swap3A_383 = tpu.vector_load %arg15[%swap3A_381, %swap3A_382] {strides = array<i32>} : memref<40x128xf32, #tpu.memory_space<vmem>>, vector<1x16xf32>,
        %swap3A_384 = vector.shape_cast %swap3A_383 : vector<1x16xf32> to vector<16xf32>
        %swap3A_385 = vector.shape_cast %max3A_380 : vector<16xf32> to vector<1x16xf32>
        tpu.vector_store %arg15[%swap3A_381, %swap3A_382], %swap3A_385 {strides = array<i32>} : memref<40x128xf32, #tpu.memory_space<vmem>>, vector<1x16xf32>,
        %get3A_386 = arith.index_cast %scan3A_320 : i32 to index
        %get3A_387 = arith.constant 64 : index
        %get3A_388 = tpu.vector_load %arg13[%get3A_386, %get3A_387] {strides = array<i32>} : memref<40x128xf32, #tpu.memory_space<vmem>>, vector<1x16xf32>,
        %get3A_389 = vector.shape_cast %get3A_388 : vector<1x16xf32> to vector<16xf32>
        %get3A_390 = arith.index_cast %scan3A_320 : i32 to index
        %get3A_391 = arith.constant 64 : index
        %get3A_392 = tpu.vector_load %arg15[%get3A_390, %get3A_391] {strides = array<i32>} : memref<40x128xf32, #tpu.memory_space<vmem>>, vector<1x16xf32>,
        %get3A_393 = vector.shape_cast %get3A_392 : vector<1x16xf32> to vector<16xf32>
        %add3A_394 = arith.addf %get3A_389, %get3A_393 : vector<16xf32>
        %max3A_395 = arith.constant 0.000000e+00 : f32
        %max3A_396 = vector.broadcast %max3A_395 : f32 to vector<16xf32>
        %max3A_397 = arith.maximumf %add3A_394, %max3A_396 : vector<16xf32>
        %swap3A_398 = arith.index_cast %scan3A_320 : i32 to index
        %swap3A_399 = arith.constant 64 : index
        %swap3A_400 = tpu.vector_load %arg15[%swap3A_398, %swap3A_399] {strides = array<i32>} : memref<40x128xf32, #tpu.memory_space<vmem>>, vector<1x16xf32>,
        %swap3A_401 = vector.shape_cast %swap3A_400 : vector<1x16xf32> to vector<16xf32>
        %swap3A_402 = vector.shape_cast %max3A_397 : vector<16xf32> to vector<1x16xf32>
        tpu.vector_store %arg15[%swap3A_398, %swap3A_399], %swap3A_402 {strides = array<i32>} : memref<40x128xf32, #tpu.memory_space<vmem>>, vector<1x16xf32>,
        %get3A_403 = arith.index_cast %scan3A_320 : i32 to index
        %get3A_404 = arith.constant 80 : index
        %get3A_405 = tpu.vector_load %arg13[%get3A_403, %get3A_404] {strides = array<i32>} : memref<40x128xf32, #tpu.memory_space<vmem>>, vector<1x16xf32>,
        %get3A_406 = vector.shape_cast %get3A_405 : vector<1x16xf32> to vector<16xf32>
        %get3A_407 = arith.index_cast %scan3A_320 : i32 to index
        %get3A_408 = arith.constant 80 : index
        %get3A_409 = tpu.vector_load %arg15[%get3A_407, %get3A_408] {strides = array<i32>} : memref<40x128xf32, #tpu.memory_space<vmem>>, vector<1x16xf32>,
        %get3A_410 = vector.shape_cast %get3A_409 : vector<1x16xf32> to vector<16xf32>
        %add3A_411 = arith.addf %get3A_406, %get3A_410 : vector<16xf32>
        %max3A_412 = arith.constant 0.000000e+00 : f32
        %max3A_413 = vector.broadcast %max3A_412 : f32 to vector<16xf32>
        %max3A_414 = arith.maximumf %add3A_411, %max3A_413 : vector<16xf32>
        %swap3A_415 = arith.index_cast %scan3A_320 : i32 to index
        %swap3A_416 = arith.constant 80 : index
        %swap3A_417 = tpu.vector_load %arg15[%swap3A_415, %swap3A_416] {strides = array<i32>} : memref<40x128xf32, #tpu.memory_space<vmem>>, vector<1x16xf32>,
        %swap3A_418 = vector.shape_cast %swap3A_417 : vector<1x16xf32> to vector<16xf32>
        %swap3A_419 = vector.shape_cast %max3A_414 : vector<16xf32> to vector<1x16xf32>
        tpu.vector_store %arg15[%swap3A_415, %swap3A_416], %swap3A_419 {strides = array<i32>} : memref<40x128xf32, #tpu.memory_space<vmem>>, vector<1x16xf32>,
        %get3A_420 = arith.index_cast %scan3A_320 : i32 to index
        %get3A_421 = arith.constant 96 : index
        %get3A_422 = tpu.vector_load %arg13[%get3A_420, %get3A_421] {strides = array<i32>} : memref<40x128xf32, #tpu.memory_space<vmem>>, vector<1x16xf32>,
        %get3A_423 = vector.shape_cast %get3A_422 : vector<1x16xf32> to vector<16xf32>
        %get3A_424 = arith.index_cast %scan3A_320 : i32 to index
        %get3A_425 = arith.constant 96 : index
        %get3A_426 = tpu.vector_load %arg15[%get3A_424, %get3A_425] {strides = array<i32>} : memref<40x128xf32, #tpu.memory_space<vmem>>, vector<1x16xf32>,
        %get3A_427 = vector.shape_cast %get3A_426 : vector<1x16xf32> to vector<16xf32>
        %add3A_428 = arith.addf %get3A_423, %get3A_427 : vector<16xf32>
        %max3A_429 = arith.constant 0.000000e+00 : f32
        %max3A_430 = vector.broadcast %max3A_429 : f32 to vector<16xf32>
        %max3A_431 = arith.maximumf %add3A_428, %max3A_430 : vector<16xf32>
        %swap3A_432 = arith.index_cast %scan3A_320 : i32 to index
        %swap3A_433 = arith.constant 96 : index
        %swap3A_434 = tpu.vector_load %arg15[%swap3A_432, %swap3A_433] {strides = array<i32>} : memref<40x128xf32, #tpu.memory_space<vmem>>, vector<1x16xf32>,
        %swap3A_435 = vector.shape_cast %swap3A_434 : vector<1x16xf32> to vector<16xf32>
        %swap3A_436 = vector.shape_cast %max3A_431 : vector<16xf32> to vector<1x16xf32>
        tpu.vector_store %arg15[%swap3A_432, %swap3A_433], %swap3A_436 {strides = array<i32>} : memref<40x128xf32, #tpu.memory_space<vmem>>, vector<1x16xf32>,
        %get3A_437 = arith.index_cast %scan3A_320 : i32 to index
        %get3A_438 = arith.constant 112 : index
        %get3A_439 = tpu.vector_load %arg13[%get3A_437, %get3A_438] {strides = array<i32>} : memref<40x128xf32, #tpu.memory_space<vmem>>, vector<1x16xf32>,
        %get3A_440 = vector.shape_cast %get3A_439 : vector<1x16xf32> to vector<16xf32>
        %get3A_441 = arith.index_cast %scan3A_320 : i32 to index
        %get3A_442 = arith.constant 112 : index
        %get3A_443 = tpu.vector_load %arg15[%get3A_441, %get3A_442] {strides = array<i32>} : memref<40x128xf32, #tpu.memory_space<vmem>>, vector<1x16xf32>,
        %get3A_444 = vector.shape_cast %get3A_443 : vector<1x16xf32> to vector<16xf32>
        %add3A_445 = arith.addf %get3A_440, %get3A_444 : vector<16xf32>
        %max3A_446 = arith.constant 0.000000e+00 : f32
        %max3A_447 = vector.broadcast %max3A_446 : f32 to vector<16xf32>
        %max3A_448 = arith.maximumf %add3A_445, %max3A_447 : vector<16xf32>
        %swap3A_449 = arith.index_cast %scan3A_320 : i32 to index
        %swap3A_450 = arith.constant 112 : index
        %swap3A_451 = tpu.vector_load %arg15[%swap3A_449, %swap3A_450] {strides = array<i32>} : memref<40x128xf32, #tpu.memory_space<vmem>>, vector<1x16xf32>,
        %swap3A_452 = vector.shape_cast %swap3A_451 : vector<1x16xf32> to vector<16xf32>
        %swap3A_453 = vector.shape_cast %max3A_448 : vector<16xf32> to vector<1x16xf32>
        tpu.vector_store %arg15[%swap3A_449, %swap3A_450], %swap3A_453 {strides = array<i32>} : memref<40x128xf32, #tpu.memory_space<vmem>>, vector<1x16xf32>,
      }
      %scan3A_294 = arith.constant 40 : i32
      %dma_start3A_295 = arith.constant 0 : i32
      %dma_start3A_296 = arith.constant 0 : i32
      %dma_start3A_297 = tpu.memref_slice %arg17[%dma_start3A_295, %dma_start3A_296] : memref<10000x128xf32, #tpu.memory_space<vmem_shared>> -> memref<10000x128xf32, #tpu.memory_space<vmem_shared>>
      tpu.enqueue_indirect_dma source(%arg15 : memref<40x128xf32, #tpu.memory_space<vmem>>) target(%dma_start3A_297 : memref<10000x128xf32, #tpu.memory_space<vmem_shared>>) offsets(%arg11 : memref<40xi32, #tpu.memory_space<vmem>>) semaphore(%arg22 : memref<!tpu.dma_semaphore, #tpu.memory_space<semaphore_mem>>) {add = true}
      %add3A_298 = arith.addi %mul3A_56, %mul3A_194 : i32
      %mul3A_299 = arith.constant 40 : i32
      %mul3A_300 = arith.muli %add3A_298, %mul3A_299 : i32
      %dma_start3A_301 = arith.constant 0 : i32
      %dma_start3A_302 = tpu.memref_slice %arg7[%mul3A_300, %dma_start3A_301] : memref<320000x128xf32, #tpu.memory_space<hbm>> -> memref<40x128xf32, #tpu.memory_space<hbm>>
      %dma_start3A_303 = arith.constant 0 : i32
      %dma_start3A_304 = tpu.memref_slice %arg7[%mul3A_300, %dma_start3A_303] : memref<320000x128xf32, #tpu.memory_space<hbm>> -> memref<40x128xf32, #tpu.memory_space<hbm>>
      tpu.enqueue_dma source(%arg15 : memref<40x128xf32, #tpu.memory_space<vmem>>) target(%dma_start3A_304 : memref<40x128xf32, #tpu.memory_space<hbm>>) target_semaphore(%arg24 : memref<!tpu.dma_semaphore, #tpu.memory_space<semaphore_mem>>)
      %dma_wait3A_305 = arith.constant 0 : i32
      %dma_wait3A_306 = tpu.memref_slice %arg2[%mul3A_279, %dma_wait3A_305] : memref<320000x128xf32, #tpu.memory_space<hbm>> -> memref<40x128xf32, #tpu.memory_space<hbm>>
      %dma_wait3A_307 = arith.constant 0 : i32
      %dma_wait3A_308 = tpu.memref_slice %arg2[%mul3A_279, %dma_wait3A_307] : memref<320000x128xf32, #tpu.memory_space<hbm>> -> memref<40x128xf32, #tpu.memory_space<hbm>>
      tpu.wait_dma2 semaphore(%arg21 : memref<!tpu.dma_semaphore, #tpu.memory_space<semaphore_mem>>) src(%dma_wait3A_308 : memref<40x128xf32, #tpu.memory_space<hbm>>) dst(%arg14 : memref<40x128xf32, #tpu.memory_space<vmem>>)
      %dma_wait3A_309 = arith.constant 0 : i32
      %dma_wait3A_310 = arith.constant 0 : i32
      %dma_wait3A_311 = tpu.memref_slice %arg3[%dma_wait3A_309, %dma_wait3A_310] : memref<10000x128xf32, #tpu.memory_space<hbm>> -> memref<10000x128xf32, #tpu.memory_space<hbm>>
      tpu.wait_indirect_dma semaphore(%arg21 : memref<!tpu.dma_semaphore, #tpu.memory_space<semaphore_mem>>) src(%dma_wait3A_311 : memref<10000x128xf32, #tpu.memory_space<hbm>>) dst(%arg16 : memref<40x128xf32, #tpu.memory_space<vmem>>)
      %dma_wait3A_312 = arith.constant 0 : i32
      %dma_wait3A_313 = arith.constant 0 : i32
      %dma_wait3A_314 = tpu.memref_slice %arg17[%dma_wait3A_312, %dma_wait3A_313] : memref<10000x128xf32, #tpu.memory_space<vmem_shared>> -> memref<10000x128xf32, #tpu.memory_space<vmem_shared>>
      tpu.wait_indirect_dma semaphore(%arg22 : memref<!tpu.dma_semaphore, #tpu.memory_space<semaphore_mem>>) src(%arg15 : memref<40x128xf32, #tpu.memory_space<vmem>>) dst(%dma_wait3A_314 : memref<10000x128xf32, #tpu.memory_space<vmem_shared>>)
      %lt3A_315 = arith.constant 124 : i32
      %lt3A_316 = arith.cmpi slt, %scan3A_192, %lt3A_315 : i32
      %convert_element_type3A_317 = arith.extui %lt3A_316 : i1 to i32
      %cond3A_318 = arith.constant 0 : i32
      %cond3A_319 = arith.cmpi ne, %convert_element_type3A_317, %cond3A_318 : i32
      scf.if %cond3A_319 {
        %add3A_320 = arith.constant 1 : i32
        %add3A_321 = arith.addi %add3A_196, %add3A_320 : i32
        %add3A_322 = arith.addi %mul3A_56, %add3A_321 : i32
        %mul3A_323 = arith.constant 40 : i32
        %mul3A_324 = arith.muli %add3A_322, %mul3A_323 : i32
        %dma_start3A_325 = tpu.memref_slice %arg5[%mul3A_324] : memref<320000xi32, #tpu.memory_space<hbm>> -> memref<40xi32, #tpu.memory_space<hbm>>
        %dma_start3A_326 = tpu.memref_slice %arg5[%mul3A_324] : memref<320000xi32, #tpu.memory_space<hbm>> -> memref<40xi32, #tpu.memory_space<hbm>>
        tpu.enqueue_dma source(%dma_start3A_326 : memref<40xi32, #tpu.memory_space<hbm>>) target(%arg11 : memref<40xi32, #tpu.memory_space<vmem>>) target_semaphore(%arg18 : memref<!tpu.dma_semaphore, #tpu.memory_space<semaphore_mem>>)
      } else {
      }
    }
    %scan3A_149 = arith.constant 124 : i32
    %scan3A_150 = arith.constant 0 : i32
    %scan3A_151 = arith.constant 0 : i32
    %scan3A_152 = arith.constant 40 : i32
    %scan3A_153 = arith.addi %scan3A_151, %scan3A_152 : i32
    %scan3A_154 = arith.constant 1 : i32
    scf.for %scan3A_192 = %scan3A_151 to %scan3A_153 step %scan3A_154  : i32 {
      %get3A = arith.index_cast %scan3A_192 : i32 to index
      %get3A_193 = arith.constant 0 : index
      %get3A_194 = tpu.vector_load %arg14[%get3A, %get3A_193] {strides = array<i32>} : memref<40x128xf32, #tpu.memory_space<vmem>>, vector<1x16xf32>,
      %get3A_195 = vector.shape_cast %get3A_194 : vector<1x16xf32> to vector<16xf32>
      %get3A_196 = arith.index_cast %scan3A_192 : i32 to index
      %get3A_197 = arith.constant 0 : index
      %get3A_198 = tpu.vector_load %arg16[%get3A_196, %get3A_197] {strides = array<i32>} : memref<40x128xf32, #tpu.memory_space<vmem>>, vector<1x16xf32>,
      %get3A_199 = vector.shape_cast %get3A_198 : vector<1x16xf32> to vector<16xf32>
      %add3A_200 = arith.addf %get3A_195, %get3A_199 : vector<16xf32>
      %max3A = arith.constant 0.000000e+00 : f32
      %max3A_201 = vector.broadcast %max3A : f32 to vector<16xf32>
      %max3A_202 = arith.maximumf %add3A_200, %max3A_201 : vector<16xf32>
      %swap3A = arith.index_cast %scan3A_192 : i32 to index
      %swap3A_203 = arith.constant 0 : index
      %swap3A_204 = tpu.vector_load %arg16[%swap3A, %swap3A_203] {strides = array<i32>} : memref<40x128xf32, #tpu.memory_space<vmem>>, vector<1x16xf32>,
      %swap3A_205 = vector.shape_cast %swap3A_204 : vector<1x16xf32> to vector<16xf32>
      %swap3A_206 = vector.shape_cast %max3A_202 : vector<16xf32> to vector<1x16xf32>
      tpu.vector_store %arg16[%swap3A, %swap3A_203], %swap3A_206 {strides = array<i32>} : memref<40x128xf32, #tpu.memory_space<vmem>>, vector<1x16xf32>,
      %get3A_207 = arith.index_cast %scan3A_192 : i32 to index
      %get3A_208 = arith.constant 16 : index
      %get3A_209 = tpu.vector_load %arg14[%get3A_207, %get3A_208] {strides = array<i32>} : memref<40x128xf32, #tpu.memory_space<vmem>>, vector<1x16xf32>,
      %get3A_210 = vector.shape_cast %get3A_209 : vector<1x16xf32> to vector<16xf32>
      %get3A_211 = arith.index_cast %scan3A_192 : i32 to index
      %get3A_212 = arith.constant 16 : index
      %get3A_213 = tpu.vector_load %arg16[%get3A_211, %get3A_212] {strides = array<i32>} : memref<40x128xf32, #tpu.memory_space<vmem>>, vector<1x16xf32>,
      %get3A_214 = vector.shape_cast %get3A_213 : vector<1x16xf32> to vector<16xf32>
      %add3A_215 = arith.addf %get3A_210, %get3A_214 : vector<16xf32>
      %max3A_216 = arith.constant 0.000000e+00 : f32
      %max3A_217 = vector.broadcast %max3A_216 : f32 to vector<16xf32>
      %max3A_218 = arith.maximumf %add3A_215, %max3A_217 : vector<16xf32>
      %swap3A_219 = arith.index_cast %scan3A_192 : i32 to index
      %swap3A_220 = arith.constant 16 : index
      %swap3A_221 = tpu.vector_load %arg16[%swap3A_219, %swap3A_220] {strides = array<i32>} : memref<40x128xf32, #tpu.memory_space<vmem>>, vector<1x16xf32>,
      %swap3A_222 = vector.shape_cast %swap3A_221 : vector<1x16xf32> to vector<16xf32>
      %swap3A_223 = vector.shape_cast %max3A_218 : vector<16xf32> to vector<1x16xf32>
      tpu.vector_store %arg16[%swap3A_219, %swap3A_220], %swap3A_223 {strides = array<i32>} : memref<40x128xf32, #tpu.memory_space<vmem>>, vector<1x16xf32>,
      %get3A_224 = arith.index_cast %scan3A_192 : i32 to index
      %get3A_225 = arith.constant 32 : index
      %get3A_226 = tpu.vector_load %arg14[%get3A_224, %get3A_225] {strides = array<i32>} : memref<40x128xf32, #tpu.memory_space<vmem>>, vector<1x16xf32>,
      %get3A_227 = vector.shape_cast %get3A_226 : vector<1x16xf32> to vector<16xf32>
      %get3A_228 = arith.index_cast %scan3A_192 : i32 to index
      %get3A_229 = arith.constant 32 : index
      %get3A_230 = tpu.vector_load %arg16[%get3A_228, %get3A_229] {strides = array<i32>} : memref<40x128xf32, #tpu.memory_space<vmem>>, vector<1x16xf32>,
      %get3A_231 = vector.shape_cast %get3A_230 : vector<1x16xf32> to vector<16xf32>
      %add3A_232 = arith.addf %get3A_227, %get3A_231 : vector<16xf32>
      %max3A_233 = arith.constant 0.000000e+00 : f32
      %max3A_234 = vector.broadcast %max3A_233 : f32 to vector<16xf32>
      %max3A_235 = arith.maximumf %add3A_232, %max3A_234 : vector<16xf32>
      %swap3A_236 = arith.index_cast %scan3A_192 : i32 to index
      %swap3A_237 = arith.constant 32 : index
      %swap3A_238 = tpu.vector_load %arg16[%swap3A_236, %swap3A_237] {strides = array<i32>} : memref<40x128xf32, #tpu.memory_space<vmem>>, vector<1x16xf32>,
      %swap3A_239 = vector.shape_cast %swap3A_238 : vector<1x16xf32> to vector<16xf32>
      %swap3A_240 = vector.shape_cast %max3A_235 : vector<16xf32> to vector<1x16xf32>
      tpu.vector_store %arg16[%swap3A_236, %swap3A_237], %swap3A_240 {strides = array<i32>} : memref<40x128xf32, #tpu.memory_space<vmem>>, vector<1x16xf32>,
      %get3A_241 = arith.index_cast %scan3A_192 : i32 to index
      %get3A_242 = arith.constant 48 : index
      %get3A_243 = tpu.vector_load %arg14[%get3A_241, %get3A_242] {strides = array<i32>} : memref<40x128xf32, #tpu.memory_space<vmem>>, vector<1x16xf32>,
      %get3A_244 = vector.shape_cast %get3A_243 : vector<1x16xf32> to vector<16xf32>
      %get3A_245 = arith.index_cast %scan3A_192 : i32 to index
      %get3A_246 = arith.constant 48 : index
      %get3A_247 = tpu.vector_load %arg16[%get3A_245, %get3A_246] {strides = array<i32>} : memref<40x128xf32, #tpu.memory_space<vmem>>, vector<1x16xf32>,
      %get3A_248 = vector.shape_cast %get3A_247 : vector<1x16xf32> to vector<16xf32>
      %add3A_249 = arith.addf %get3A_244, %get3A_248 : vector<16xf32>
      %max3A_250 = arith.constant 0.000000e+00 : f32
      %max3A_251 = vector.broadcast %max3A_250 : f32 to vector<16xf32>
      %max3A_252 = arith.maximumf %add3A_249, %max3A_251 : vector<16xf32>
      %swap3A_253 = arith.index_cast %scan3A_192 : i32 to index
      %swap3A_254 = arith.constant 48 : index
      %swap3A_255 = tpu.vector_load %arg16[%swap3A_253, %swap3A_254] {strides = array<i32>} : memref<40x128xf32, #tpu.memory_space<vmem>>, vector<1x16xf32>,
      %swap3A_256 = vector.shape_cast %swap3A_255 : vector<1x16xf32> to vector<16xf32>
      %swap3A_257 = vector.shape_cast %max3A_252 : vector<16xf32> to vector<1x16xf32>
      tpu.vector_store %arg16[%swap3A_253, %swap3A_254], %swap3A_257 {strides = array<i32>} : memref<40x128xf32, #tpu.memory_space<vmem>>, vector<1x16xf32>,
      %get3A_258 = arith.index_cast %scan3A_192 : i32 to index
      %get3A_259 = arith.constant 64 : index
      %get3A_260 = tpu.vector_load %arg14[%get3A_258, %get3A_259] {strides = array<i32>} : memref<40x128xf32, #tpu.memory_space<vmem>>, vector<1x16xf32>,
      %get3A_261 = vector.shape_cast %get3A_260 : vector<1x16xf32> to vector<16xf32>
      %get3A_262 = arith.index_cast %scan3A_192 : i32 to index
      %get3A_263 = arith.constant 64 : index
      %get3A_264 = tpu.vector_load %arg16[%get3A_262, %get3A_263] {strides = array<i32>} : memref<40x128xf32, #tpu.memory_space<vmem>>, vector<1x16xf32>,
      %get3A_265 = vector.shape_cast %get3A_264 : vector<1x16xf32> to vector<16xf32>
      %add3A_266 = arith.addf %get3A_261, %get3A_265 : vector<16xf32>
      %max3A_267 = arith.constant 0.000000e+00 : f32
      %max3A_268 = vector.broadcast %max3A_267 : f32 to vector<16xf32>
      %max3A_269 = arith.maximumf %add3A_266, %max3A_268 : vector<16xf32>
      %swap3A_270 = arith.index_cast %scan3A_192 : i32 to index
      %swap3A_271 = arith.constant 64 : index
      %swap3A_272 = tpu.vector_load %arg16[%swap3A_270, %swap3A_271] {strides = array<i32>} : memref<40x128xf32, #tpu.memory_space<vmem>>, vector<1x16xf32>,
      %swap3A_273 = vector.shape_cast %swap3A_272 : vector<1x16xf32> to vector<16xf32>
      %swap3A_274 = vector.shape_cast %max3A_269 : vector<16xf32> to vector<1x16xf32>
      tpu.vector_store %arg16[%swap3A_270, %swap3A_271], %swap3A_274 {strides = array<i32>} : memref<40x128xf32, #tpu.memory_space<vmem>>, vector<1x16xf32>,
      %get3A_275 = arith.index_cast %scan3A_192 : i32 to index
      %get3A_276 = arith.constant 80 : index
      %get3A_277 = tpu.vector_load %arg14[%get3A_275, %get3A_276] {strides = array<i32>} : memref<40x128xf32, #tpu.memory_space<vmem>>, vector<1x16xf32>,
      %get3A_278 = vector.shape_cast %get3A_277 : vector<1x16xf32> to vector<16xf32>
      %get3A_279 = arith.index_cast %scan3A_192 : i32 to index
      %get3A_280 = arith.constant 80 : index
      %get3A_281 = tpu.vector_load %arg16[%get3A_279, %get3A_280] {strides = array<i32>} : memref<40x128xf32, #tpu.memory_space<vmem>>, vector<1x16xf32>,
      %get3A_282 = vector.shape_cast %get3A_281 : vector<1x16xf32> to vector<16xf32>
      %add3A_283 = arith.addf %get3A_278, %get3A_282 : vector<16xf32>
      %max3A_284 = arith.constant 0.000000e+00 : f32
      %max3A_285 = vector.broadcast %max3A_284 : f32 to vector<16xf32>
      %max3A_286 = arith.maximumf %add3A_283, %max3A_285 : vector<16xf32>
      %swap3A_287 = arith.index_cast %scan3A_192 : i32 to index
      %swap3A_288 = arith.constant 80 : index
      %swap3A_289 = tpu.vector_load %arg16[%swap3A_287, %swap3A_288] {strides = array<i32>} : memref<40x128xf32, #tpu.memory_space<vmem>>, vector<1x16xf32>,
      %swap3A_290 = vector.shape_cast %swap3A_289 : vector<1x16xf32> to vector<16xf32>
      %swap3A_291 = vector.shape_cast %max3A_286 : vector<16xf32> to vector<1x16xf32>
      tpu.vector_store %arg16[%swap3A_287, %swap3A_288], %swap3A_291 {strides = array<i32>} : memref<40x128xf32, #tpu.memory_space<vmem>>, vector<1x16xf32>,
      %get3A_292 = arith.index_cast %scan3A_192 : i32 to index
      %get3A_293 = arith.constant 96 : index
      %get3A_294 = tpu.vector_load %arg14[%get3A_292, %get3A_293] {strides = array<i32>} : memref<40x128xf32, #tpu.memory_space<vmem>>, vector<1x16xf32>,
      %get3A_295 = vector.shape_cast %get3A_294 : vector<1x16xf32> to vector<16xf32>
      %get3A_296 = arith.index_cast %scan3A_192 : i32 to index
      %get3A_297 = arith.constant 96 : index
      %get3A_298 = tpu.vector_load %arg16[%get3A_296, %get3A_297] {strides = array<i32>} : memref<40x128xf32, #tpu.memory_space<vmem>>, vector<1x16xf32>,
      %get3A_299 = vector.shape_cast %get3A_298 : vector<1x16xf32> to vector<16xf32>
      %add3A_300 = arith.addf %get3A_295, %get3A_299 : vector<16xf32>
      %max3A_301 = arith.constant 0.000000e+00 : f32
      %max3A_302 = vector.broadcast %max3A_301 : f32 to vector<16xf32>
      %max3A_303 = arith.maximumf %add3A_300, %max3A_302 : vector<16xf32>
      %swap3A_304 = arith.index_cast %scan3A_192 : i32 to index
      %swap3A_305 = arith.constant 96 : index
      %swap3A_306 = tpu.vector_load %arg16[%swap3A_304, %swap3A_305] {strides = array<i32>} : memref<40x128xf32, #tpu.memory_space<vmem>>, vector<1x16xf32>,
      %swap3A_307 = vector.shape_cast %swap3A_306 : vector<1x16xf32> to vector<16xf32>
      %swap3A_308 = vector.shape_cast %max3A_303 : vector<16xf32> to vector<1x16xf32>
      tpu.vector_store %arg16[%swap3A_304, %swap3A_305], %swap3A_308 {strides = array<i32>} : memref<40x128xf32, #tpu.memory_space<vmem>>, vector<1x16xf32>,
      %get3A_309 = arith.index_cast %scan3A_192 : i32 to index
      %get3A_310 = arith.constant 112 : index
      %get3A_311 = tpu.vector_load %arg14[%get3A_309, %get3A_310] {strides = array<i32>} : memref<40x128xf32, #tpu.memory_space<vmem>>, vector<1x16xf32>,
      %get3A_312 = vector.shape_cast %get3A_311 : vector<1x16xf32> to vector<16xf32>
      %get3A_313 = arith.index_cast %scan3A_192 : i32 to index
      %get3A_314 = arith.constant 112 : index
      %get3A_315 = tpu.vector_load %arg16[%get3A_313, %get3A_314] {strides = array<i32>} : memref<40x128xf32, #tpu.memory_space<vmem>>, vector<1x16xf32>,
      %get3A_316 = vector.shape_cast %get3A_315 : vector<1x16xf32> to vector<16xf32>
      %add3A_317 = arith.addf %get3A_312, %get3A_316 : vector<16xf32>
      %max3A_318 = arith.constant 0.000000e+00 : f32
      %max3A_319 = vector.broadcast %max3A_318 : f32 to vector<16xf32>
      %max3A_320 = arith.maximumf %add3A_317, %max3A_319 : vector<16xf32>
      %swap3A_321 = arith.index_cast %scan3A_192 : i32 to index
      %swap3A_322 = arith.constant 112 : index
      %swap3A_323 = tpu.vector_load %arg16[%swap3A_321, %swap3A_322] {strides = array<i32>} : memref<40x128xf32, #tpu.memory_space<vmem>>, vector<1x16xf32>,
      %swap3A_324 = vector.shape_cast %swap3A_323 : vector<1x16xf32> to vector<16xf32>
      %swap3A_325 = vector.shape_cast %max3A_320 : vector<16xf32> to vector<1x16xf32>
      tpu.vector_store %arg16[%swap3A_321, %swap3A_322], %swap3A_325 {strides = array<i32>} : memref<40x128xf32, #tpu.memory_space<vmem>>, vector<1x16xf32>,
    }
    %scan3A_155 = arith.constant 40 : i32
    %dma_start3A_156 = arith.constant 0 : i32
    %dma_start3A_157 = arith.constant 0 : i32
    %dma_start3A_158 = tpu.memref_slice %arg17[%dma_start3A_156, %dma_start3A_157] : memref<10000x128xf32, #tpu.memory_space<vmem_shared>> -> memref<10000x128xf32, #tpu.memory_space<vmem_shared>>
    tpu.enqueue_indirect_dma source(%arg16 : memref<40x128xf32, #tpu.memory_space<vmem>>) target(%dma_start3A_158 : memref<10000x128xf32, #tpu.memory_space<vmem_shared>>) offsets(%arg12 : memref<40xi32, #tpu.memory_space<vmem>>) semaphore(%arg23 : memref<!tpu.dma_semaphore, #tpu.memory_space<semaphore_mem>>) {add = true}
    %add3A_159 = arith.constant 249 : i32
    %add3A_160 = arith.addi %mul3A_56, %add3A_159 : i32
    %mul3A_161 = arith.constant 40 : i32
    %mul3A_162 = arith.muli %add3A_160, %mul3A_161 : i32
    %dma_start3A_163 = arith.constant 0 : i32
    %dma_start3A_164 = tpu.memref_slice %arg7[%mul3A_162, %dma_start3A_163] : memref<320000x128xf32, #tpu.memory_space<hbm>> -> memref<40x128xf32, #tpu.memory_space<hbm>>
    %dma_start3A_165 = arith.constant 0 : i32
    %dma_start3A_166 = tpu.memref_slice %arg7[%mul3A_162, %dma_start3A_165] : memref<320000x128xf32, #tpu.memory_space<hbm>> -> memref<40x128xf32, #tpu.memory_space<hbm>>
    tpu.enqueue_dma source(%arg16 : memref<40x128xf32, #tpu.memory_space<vmem>>) target(%dma_start3A_166 : memref<40x128xf32, #tpu.memory_space<hbm>>) target_semaphore(%arg25 : memref<!tpu.dma_semaphore, #tpu.memory_space<semaphore_mem>>)
    %dma_wait3A_167 = arith.constant 0 : i32
    %dma_wait3A_168 = arith.constant 0 : i32
    %dma_wait3A_169 = tpu.memref_slice %arg17[%dma_wait3A_167, %dma_wait3A_168] : memref<10000x128xf32, #tpu.memory_space<vmem_shared>> -> memref<10000x128xf32, #tpu.memory_space<vmem_shared>>
    tpu.wait_indirect_dma semaphore(%arg23 : memref<!tpu.dma_semaphore, #tpu.memory_space<semaphore_mem>>) src(%arg16 : memref<40x128xf32, #tpu.memory_space<vmem>>) dst(%dma_wait3A_169 : memref<10000x128xf32, #tpu.memory_space<vmem_shared>>)
    %dma_wait3A_170 = arith.constant 0 : i32
    %dma_wait3A_171 = arith.constant 0 : i32
    %dma_wait3A_172 = tpu.memref_slice %arg2[%dma_wait3A_170, %dma_wait3A_171] : memref<320000x128xf32, #tpu.memory_space<hbm>> -> memref<40x128xf32, #tpu.memory_space<hbm>>
    %dma_wait3A_173 = arith.constant 0 : i32
    %dma_wait3A_174 = arith.constant 0 : i32
    %dma_wait3A_175 = tpu.memref_slice %arg2[%dma_wait3A_173, %dma_wait3A_174] : memref<320000x128xf32, #tpu.memory_space<hbm>> -> memref<40x128xf32, #tpu.memory_space<hbm>>
    tpu.wait_dma2 semaphore(%arg24 : memref<!tpu.dma_semaphore, #tpu.memory_space<semaphore_mem>>) src(%dma_wait3A_175 : memref<40x128xf32, #tpu.memory_space<hbm>>) dst(%arg15 : memref<40x128xf32, #tpu.memory_space<vmem>>)
    %dma_wait3A_176 = arith.constant 0 : i32
    %dma_wait3A_177 = arith.constant 0 : i32
    %dma_wait3A_178 = tpu.memref_slice %arg2[%dma_wait3A_176, %dma_wait3A_177] : memref<320000x128xf32, #tpu.memory_space<hbm>> -> memref<40x128xf32, #tpu.memory_space<hbm>>
    %dma_wait3A_179 = arith.constant 0 : i32
    %dma_wait3A_180 = arith.constant 0 : i32
    %dma_wait3A_181 = tpu.memref_slice %arg2[%dma_wait3A_179, %dma_wait3A_180] : memref<320000x128xf32, #tpu.memory_space<hbm>> -> memref<40x128xf32, #tpu.memory_space<hbm>>
    tpu.wait_dma2 semaphore(%arg25 : memref<!tpu.dma_semaphore, #tpu.memory_space<semaphore_mem>>) src(%dma_wait3A_181 : memref<40x128xf32, #tpu.memory_space<hbm>>) dst(%arg16 : memref<40x128xf32, #tpu.memory_space<vmem>>)
    %barrier3A_182 = arith.constant 0 : index
    tpu.barrier barrier_id(%barrier3A_182)
    %while3A_183 = arith.constant 0 : i32
    %while3A_184 = arith.subi %select_n3A_46, %select_n3A : i32
    %while3A_185 = arith.addi %select_n3A, %while3A_184 : i32
    %while3A_186 = arith.constant 1 : i32
    %while3A_187 = arith.divsi %while3A_184, %while3A_186 : i32
    %while3A_188 = arith.muli %while3A_187, %while3A_186 : i32
    %while3A_189 = arith.addi %select_n3A, %while3A_188 : i32
    %while3A_190 = arith.constant 1 : i32
    scf.for %while3A_192 = %select_n3A to %while3A_189 step %while3A_190  : i32 {
      %mul3A_193 = arith.constant 400 : i32
      %mul3A_194 = arith.muli %while3A_192, %mul3A_193 : i32
      "tpu.region"() ({
        %run_scoped3A = tpu.sem_alloc : memref<!tpu.dma_semaphore, #tpu.memory_space<semaphore_mem>>
        %dma_start3A_195 = arith.constant 0 : i32
        %dma_start3A_196 = tpu.memref_slice %arg8[%arg0, %mul3A_194, %dma_start3A_195] : memref<2x10000x128xf32, #tpu.memory_space<hbm>> -> memref<1x400x128xf32, #tpu.memory_space<hbm>>
        %dma_start3A_197 = tpu.memref_squeeze %dma_start3A_196 : memref<1x400x128xf32, #tpu.memory_space<hbm>> -> memref<400x128xf32, #tpu.memory_space<hbm>>
        %dma_start3A_198 = arith.constant 0 : i32
        %dma_start3A_199 = tpu.memref_slice %arg17[%mul3A_194, %dma_start3A_198] : memref<10000x128xf32, #tpu.memory_space<vmem_shared>> -> memref<400x128xf32, #tpu.memory_space<vmem_shared>>
        tpu.enqueue_dma source(%dma_start3A_199 : memref<400x128xf32, #tpu.memory_space<vmem_shared>>) target(%dma_start3A_197 : memref<400x128xf32, #tpu.memory_space<hbm>>) target_semaphore(%run_scoped3A : memref<!tpu.dma_semaphore, #tpu.memory_space<semaphore_mem>>)
        %dma_wait3A_200 = arith.constant 0 : i32
        %dma_wait3A_201 = tpu.memref_slice %arg8[%arg0, %mul3A_194, %dma_wait3A_200] : memref<2x10000x128xf32, #tpu.memory_space<hbm>> -> memref<1x400x128xf32, #tpu.memory_space<hbm>>
        %dma_wait3A_202 = tpu.memref_squeeze %dma_wait3A_201 : memref<1x400x128xf32, #tpu.memory_space<hbm>> -> memref<400x128xf32, #tpu.memory_space<hbm>>
        %dma_wait3A_203 = arith.constant 0 : i32
        %dma_wait3A_204 = tpu.memref_slice %arg17[%mul3A_194, %dma_wait3A_203] : memref<10000x128xf32, #tpu.memory_space<vmem_shared>> -> memref<400x128xf32, #tpu.memory_space<vmem_shared>>
        tpu.wait_dma2 semaphore(%run_scoped3A : memref<!tpu.dma_semaphore, #tpu.memory_space<semaphore_mem>>) src(%dma_wait3A_204 : memref<400x128xf32, #tpu.memory_space<vmem_shared>>) dst(%dma_wait3A_202 : memref<400x128xf32, #tpu.memory_space<hbm>>)
        tpu.yield
      }) : () -> ()
    }
    %while3A_191 = arith.constant 1 : i32
    scf.for %while3A_192 = %while3A_189 to %while3A_185 step %while3A_191  : i32 {
      %mul3A_193 = arith.constant 400 : i32
      %mul3A_194 = arith.muli %while3A_192, %mul3A_193 : i32
      "tpu.region"() ({
        %run_scoped3A = tpu.sem_alloc : memref<!tpu.dma_semaphore, #tpu.memory_space<semaphore_mem>>
        %dma_start3A_195 = arith.constant 0 : i32
        %dma_start3A_196 = tpu.memref_slice %arg8[%arg0, %mul3A_194, %dma_start3A_195] : memref<2x10000x128xf32, #tpu.memory_space<hbm>> -> memref<1x400x128xf32, #tpu.memory_space<hbm>>
        %dma_start3A_197 = tpu.memref_squeeze %dma_start3A_196 : memref<1x400x128xf32, #tpu.memory_space<hbm>> -> memref<400x128xf32, #tpu.memory_space<hbm>>
        %dma_start3A_198 = arith.constant 0 : i32
        %dma_start3A_199 = tpu.memref_slice %arg17[%mul3A_194, %dma_start3A_198] : memref<10000x128xf32, #tpu.memory_space<vmem_shared>> -> memref<400x128xf32, #tpu.memory_space<vmem_shared>>
        tpu.enqueue_dma source(%dma_start3A_199 : memref<400x128xf32, #tpu.memory_space<vmem_shared>>) target(%dma_start3A_197 : memref<400x128xf32, #tpu.memory_space<hbm>>) target_semaphore(%run_scoped3A : memref<!tpu.dma_semaphore, #tpu.memory_space<semaphore_mem>>)
        %dma_wait3A_200 = arith.constant 0 : i32
        %dma_wait3A_201 = tpu.memref_slice %arg8[%arg0, %mul3A_194, %dma_wait3A_200] : memref<2x10000x128xf32, #tpu.memory_space<hbm>> -> memref<1x400x128xf32, #tpu.memory_space<hbm>>
        %dma_wait3A_202 = tpu.memref_squeeze %dma_wait3A_201 : memref<1x400x128xf32, #tpu.memory_space<hbm>> -> memref<400x128xf32, #tpu.memory_space<hbm>>
        %dma_wait3A_203 = arith.constant 0 : i32
        %dma_wait3A_204 = tpu.memref_slice %arg17[%mul3A_194, %dma_wait3A_203] : memref<10000x128xf32, #tpu.memory_space<vmem_shared>> -> memref<400x128xf32, #tpu.memory_space<vmem_shared>>
        tpu.wait_dma2 semaphore(%run_scoped3A : memref<!tpu.dma_semaphore, #tpu.memory_space<semaphore_mem>>) src(%dma_wait3A_204 : memref<400x128xf32, #tpu.memory_space<vmem_shared>>) dst(%dma_wait3A_202 : memref<400x128xf32, #tpu.memory_space<hbm>>)
        tpu.yield
      }) : () -> ()
    }
    return
  }
}

#map = affine_map<(d0, d1) -> (0, 0)>
#map1 = affine_map<(d0, d1) -> (0)>
#map2 = affine_map<(d0, d1) -> (0, 0, 0)>
module attributes {stable_mosaic.version = 14 : i64} {
  func.func @k(%arg0: i32, %arg1: i32, %arg2: memref<320000x128xf32, #tpu.memory_space<hbm>>, %arg3: memref<10000x128xf32, #tpu.memory_space<hbm>>, %arg4: memref<320000x128xf32, #tpu.memory_space<hbm>>, %arg5: memref<320000xi32, #tpu.memory_space<hbm>>, %arg6: memref<320000xi32, #tpu.memory_space<hbm>>, %arg7: memref<320000xi32, #tpu.memory_space<hbm>>, %arg8: memref<10000x128xf32, #tpu.memory_space<hbm>>, %arg9: memref<2x10000x128xf32, #tpu.memory_space<hbm>>, %arg10: memref<40xi32, #tpu.memory_space<vmem>>, %arg11: memref<40xi32, #tpu.memory_space<vmem>>, %arg12: memref<40xi32, #tpu.memory_space<vmem>>, %arg13: memref<40xi32, #tpu.memory_space<vmem>>, %arg14: memref<40xi32, #tpu.memory_space<vmem>>, %arg15: memref<40xi32, #tpu.memory_space<vmem>>, %arg16: memref<40x128xf32, #tpu.memory_space<vmem>>, %arg17: memref<40x128xf32, #tpu.memory_space<vmem>>, %arg18: memref<40x128xf32, #tpu.memory_space<vmem>>, %arg19: memref<40x128xf32, #tpu.memory_space<vmem>>, %arg20: memref<40x128xf32, #tpu.memory_space<vmem>>, %arg21: memref<40x128xf32, #tpu.memory_space<vmem>>, %arg22: memref<10000x128xf32, #tpu.memory_space<vmem_shared>>, %arg23: memref<!tpu.dma_semaphore, #tpu.memory_space<semaphore_mem>>, %arg24: memref<!tpu.dma_semaphore, #tpu.memory_space<semaphore_mem>>, %arg25: memref<!tpu.dma_semaphore, #tpu.memory_space<semaphore_mem>>, %arg26: memref<!tpu.dma_semaphore, #tpu.memory_space<semaphore_mem>>, %arg27: memref<!tpu.dma_semaphore, #tpu.memory_space<semaphore_mem>>, %arg28: memref<!tpu.dma_semaphore, #tpu.memory_space<semaphore_mem>>, %arg29: memref<!tpu.dma_semaphore, #tpu.memory_space<semaphore_mem>>, %arg30: memref<!tpu.dma_semaphore, #tpu.memory_space<semaphore_mem>>) attributes {dimension_semantics = [#tpu.dimension_semantics<core_parallel>, #tpu.dimension_semantics<subcore_parallel>], iteration_bounds = array<i64: 2, 16>, scalar_prefetch = 0 : i64, scratch_operands = 21 : i64, tpu.core_type = #tpu.core_type<sc_vector_subcore>, window_params = [{transform_indices = #map}, {transform_indices = #map}, {transform_indices = #map}, {transform_indices = #map1}, {transform_indices = #map1}, {transform_indices = #map1}, {transform_indices = #map}, {transform_indices = #map2}]} {
    %mul3A = arith.constant 2 : i32
    %mul3A_0 = arith.muli %arg1, %mul3A : i32
    %add3A = arith.addi %mul3A_0, %arg0 : i32
    %mul3A_1 = arith.constant 25 : i32
    %mul3A_2 = arith.muli %arg1, %mul3A_1 : i32
    %jit3A = arith.constant 16 : i32
    %div3A = arith.divsi %mul3A_2, %jit3A : i32
    %sign3A = arith.constant 0 : i32
    %sign3A_3 = arith.cmpi sgt, %mul3A_2, %sign3A : i32
    %sign3A_4 = arith.extui %sign3A_3 : i1 to i32
    %sign3A_5 = arith.constant 0 : i32
    %sign3A_6 = arith.cmpi slt, %mul3A_2, %sign3A_5 : i32
    %sign3A_7 = arith.extui %sign3A_6 : i1 to i32
    %sign3A_8 = arith.subi %sign3A_4, %sign3A_7 : i32
    %sign3A_9 = arith.constant 0 : i32
    %sign3A_10 = arith.cmpi sgt, %jit3A, %sign3A_9 : i32
    %sign3A_11 = arith.extui %sign3A_10 : i1 to i32
    %sign3A_12 = arith.constant 0 : i32
    %sign3A_13 = arith.cmpi slt, %jit3A, %sign3A_12 : i32
    %sign3A_14 = arith.extui %sign3A_13 : i1 to i32
    %sign3A_15 = arith.subi %sign3A_11, %sign3A_14 : i32
    %ne3A = arith.cmpi ne, %sign3A_8, %sign3A_15 : i32
    %rem3A = arith.remsi %mul3A_2, %jit3A : i32
    %ne3A_16 = arith.constant 0 : i32
    %ne3A_17 = arith.cmpi ne, %rem3A, %ne3A_16 : i32
    %and3A = arith.andi %ne3A, %ne3A_17 : i1
    %sub3A = arith.constant 1 : i32
    %sub3A_18 = arith.subi %div3A, %sub3A : i32
    %select_n3A = arith.select %and3A, %sub3A_18, %div3A : i32
    %add3A_19 = arith.constant 1 : i32
    %add3A_20 = arith.addi %arg1, %add3A_19 : i32
    %mul3A_21 = arith.constant 25 : i32
    %mul3A_22 = arith.muli %add3A_20, %mul3A_21 : i32
    %jit3A_23 = arith.constant 16 : i32
    %div3A_24 = arith.divsi %mul3A_22, %jit3A_23 : i32
    %sign3A_25 = arith.constant 0 : i32
    %sign3A_26 = arith.cmpi sgt, %mul3A_22, %sign3A_25 : i32
    %sign3A_27 = arith.extui %sign3A_26 : i1 to i32
    %sign3A_28 = arith.constant 0 : i32
    %sign3A_29 = arith.cmpi slt, %mul3A_22, %sign3A_28 : i32
    %sign3A_30 = arith.extui %sign3A_29 : i1 to i32
    %sign3A_31 = arith.subi %sign3A_27, %sign3A_30 : i32
    %sign3A_32 = arith.constant 0 : i32
    %sign3A_33 = arith.cmpi sgt, %jit3A_23, %sign3A_32 : i32
    %sign3A_34 = arith.extui %sign3A_33 : i1 to i32
    %sign3A_35 = arith.constant 0 : i32
    %sign3A_36 = arith.cmpi slt, %jit3A_23, %sign3A_35 : i32
    %sign3A_37 = arith.extui %sign3A_36 : i1 to i32
    %sign3A_38 = arith.subi %sign3A_34, %sign3A_37 : i32
    %ne3A_39 = arith.cmpi ne, %sign3A_31, %sign3A_38 : i32
    %rem3A_40 = arith.remsi %mul3A_22, %jit3A_23 : i32
    %ne3A_41 = arith.constant 0 : i32
    %ne3A_42 = arith.cmpi ne, %rem3A_40, %ne3A_41 : i32
    %and3A_43 = arith.andi %ne3A_39, %ne3A_42 : i1
    %sub3A_44 = arith.constant 1 : i32
    %sub3A_45 = arith.subi %div3A_24, %sub3A_44 : i32
    %select_n3A_46 = arith.select %and3A_43, %sub3A_45, %div3A_24 : i32
    %while3A = arith.constant 0 : i32
    %while3A_47 = arith.subi %select_n3A_46, %select_n3A : i32
    %while3A_48 = arith.addi %select_n3A, %while3A_47 : i32
    %while3A_49 = arith.constant 1 : i32
    %while3A_50 = arith.divsi %while3A_47, %while3A_49 : i32
    %while3A_51 = arith.muli %while3A_50, %while3A_49 : i32
    %while3A_52 = arith.addi %select_n3A, %while3A_51 : i32
    %while3A_53 = arith.constant 1 : i32
    scf.for %while3A_184 = %select_n3A to %while3A_52 step %while3A_53  : i32 {
      %mul3A_185 = arith.constant 400 : i32
      %mul3A_186 = arith.muli %while3A_184, %mul3A_185 : i32
      "tpu.region"() ({
        %run_scoped3A = tpu.sem_alloc : memref<!tpu.dma_semaphore, #tpu.memory_space<semaphore_mem>>
        %dma_start3A_187 = arith.constant 0 : i32
        %dma_start3A_188 = tpu.memref_slice %arg22[%mul3A_186, %dma_start3A_187] : memref<10000x128xf32, #tpu.memory_space<vmem_shared>> -> memref<400x128xf32, #tpu.memory_space<vmem_shared>>
        %dma_start3A_189 = arith.constant 0 : i32
        %dma_start3A_190 = tpu.memref_slice %arg8[%mul3A_186, %dma_start3A_189] : memref<10000x128xf32, #tpu.memory_space<hbm>> -> memref<400x128xf32, #tpu.memory_space<hbm>>
        tpu.enqueue_dma source(%dma_start3A_190 : memref<400x128xf32, #tpu.memory_space<hbm>>) target(%dma_start3A_188 : memref<400x128xf32, #tpu.memory_space<vmem_shared>>) target_semaphore(%run_scoped3A : memref<!tpu.dma_semaphore, #tpu.memory_space<semaphore_mem>>)
        %dma_wait3A_191 = arith.constant 0 : i32
        %dma_wait3A_192 = tpu.memref_slice %arg22[%mul3A_186, %dma_wait3A_191] : memref<10000x128xf32, #tpu.memory_space<vmem_shared>> -> memref<400x128xf32, #tpu.memory_space<vmem_shared>>
        %dma_wait3A_193 = arith.constant 0 : i32
        %dma_wait3A_194 = tpu.memref_slice %arg8[%mul3A_186, %dma_wait3A_193] : memref<10000x128xf32, #tpu.memory_space<hbm>> -> memref<400x128xf32, #tpu.memory_space<hbm>>
        tpu.wait_dma2 semaphore(%run_scoped3A : memref<!tpu.dma_semaphore, #tpu.memory_space<semaphore_mem>>) src(%dma_wait3A_194 : memref<400x128xf32, #tpu.memory_space<hbm>>) dst(%dma_wait3A_192 : memref<400x128xf32, #tpu.memory_space<vmem_shared>>)
        tpu.yield
      }) : () -> ()
    }
    %while3A_54 = arith.constant 1 : i32
    scf.for %while3A_184 = %while3A_52 to %while3A_48 step %while3A_54  : i32 {
      %mul3A_185 = arith.constant 400 : i32
      %mul3A_186 = arith.muli %while3A_184, %mul3A_185 : i32
      "tpu.region"() ({
        %run_scoped3A = tpu.sem_alloc : memref<!tpu.dma_semaphore, #tpu.memory_space<semaphore_mem>>
        %dma_start3A_187 = arith.constant 0 : i32
        %dma_start3A_188 = tpu.memref_slice %arg22[%mul3A_186, %dma_start3A_187] : memref<10000x128xf32, #tpu.memory_space<vmem_shared>> -> memref<400x128xf32, #tpu.memory_space<vmem_shared>>
        %dma_start3A_189 = arith.constant 0 : i32
        %dma_start3A_190 = tpu.memref_slice %arg8[%mul3A_186, %dma_start3A_189] : memref<10000x128xf32, #tpu.memory_space<hbm>> -> memref<400x128xf32, #tpu.memory_space<hbm>>
        tpu.enqueue_dma source(%dma_start3A_190 : memref<400x128xf32, #tpu.memory_space<hbm>>) target(%dma_start3A_188 : memref<400x128xf32, #tpu.memory_space<vmem_shared>>) target_semaphore(%run_scoped3A : memref<!tpu.dma_semaphore, #tpu.memory_space<semaphore_mem>>)
        %dma_wait3A_191 = arith.constant 0 : i32
        %dma_wait3A_192 = tpu.memref_slice %arg22[%mul3A_186, %dma_wait3A_191] : memref<10000x128xf32, #tpu.memory_space<vmem_shared>> -> memref<400x128xf32, #tpu.memory_space<vmem_shared>>
        %dma_wait3A_193 = arith.constant 0 : i32
        %dma_wait3A_194 = tpu.memref_slice %arg8[%mul3A_186, %dma_wait3A_193] : memref<10000x128xf32, #tpu.memory_space<hbm>> -> memref<400x128xf32, #tpu.memory_space<hbm>>
        tpu.wait_dma2 semaphore(%run_scoped3A : memref<!tpu.dma_semaphore, #tpu.memory_space<semaphore_mem>>) src(%dma_wait3A_194 : memref<400x128xf32, #tpu.memory_space<hbm>>) dst(%dma_wait3A_192 : memref<400x128xf32, #tpu.memory_space<vmem_shared>>)
        tpu.yield
      }) : () -> ()
    }
    %barrier3A = arith.constant 0 : index
    tpu.barrier barrier_id(%barrier3A)
    %mul3A_55 = arith.constant 250 : i32
    %mul3A_56 = arith.muli %add3A, %mul3A_55 : i32
    %mul3A_57 = arith.constant 40 : i32
    %mul3A_58 = arith.muli %mul3A_56, %mul3A_57 : i32
    "tpu.region"() ({
      %run_scoped3A = tpu.sem_alloc : memref<!tpu.dma_semaphore, #tpu.memory_space<semaphore_mem>>
      %dma_start3A_184 = tpu.memref_slice %arg5[%mul3A_58] : memref<320000xi32, #tpu.memory_space<hbm>> -> memref<40xi32, #tpu.memory_space<hbm>>
      %dma_start3A_185 = tpu.memref_slice %arg5[%mul3A_58] : memref<320000xi32, #tpu.memory_space<hbm>> -> memref<40xi32, #tpu.memory_space<hbm>>
      tpu.enqueue_dma source(%dma_start3A_185 : memref<40xi32, #tpu.memory_space<hbm>>) target(%arg10 : memref<40xi32, #tpu.memory_space<vmem>>) target_semaphore(%run_scoped3A : memref<!tpu.dma_semaphore, #tpu.memory_space<semaphore_mem>>)
      %dma_wait3A_186 = tpu.memref_slice %arg5[%mul3A_58] : memref<320000xi32, #tpu.memory_space<hbm>> -> memref<40xi32, #tpu.memory_space<hbm>>
      %dma_wait3A_187 = tpu.memref_slice %arg5[%mul3A_58] : memref<320000xi32, #tpu.memory_space<hbm>> -> memref<40xi32, #tpu.memory_space<hbm>>
      tpu.wait_dma2 semaphore(%run_scoped3A : memref<!tpu.dma_semaphore, #tpu.memory_space<semaphore_mem>>) src(%dma_wait3A_187 : memref<40xi32, #tpu.memory_space<hbm>>) dst(%arg10 : memref<40xi32, #tpu.memory_space<vmem>>)
      tpu.yield
    }) : () -> ()
    "tpu.region"() ({
      %run_scoped3A = tpu.sem_alloc : memref<!tpu.dma_semaphore, #tpu.memory_space<semaphore_mem>>
      %dma_start3A_184 = tpu.memref_slice %arg6[%mul3A_58] : memref<320000xi32, #tpu.memory_space<hbm>> -> memref<40xi32, #tpu.memory_space<hbm>>
      %dma_start3A_185 = tpu.memref_slice %arg6[%mul3A_58] : memref<320000xi32, #tpu.memory_space<hbm>> -> memref<40xi32, #tpu.memory_space<hbm>>
      tpu.enqueue_dma source(%dma_start3A_185 : memref<40xi32, #tpu.memory_space<hbm>>) target(%arg12 : memref<40xi32, #tpu.memory_space<vmem>>) target_semaphore(%run_scoped3A : memref<!tpu.dma_semaphore, #tpu.memory_space<semaphore_mem>>)
      %dma_wait3A_186 = tpu.memref_slice %arg6[%mul3A_58] : memref<320000xi32, #tpu.memory_space<hbm>> -> memref<40xi32, #tpu.memory_space<hbm>>
      %dma_wait3A_187 = tpu.memref_slice %arg6[%mul3A_58] : memref<320000xi32, #tpu.memory_space<hbm>> -> memref<40xi32, #tpu.memory_space<hbm>>
      tpu.wait_dma2 semaphore(%run_scoped3A : memref<!tpu.dma_semaphore, #tpu.memory_space<semaphore_mem>>) src(%dma_wait3A_187 : memref<40xi32, #tpu.memory_space<hbm>>) dst(%arg12 : memref<40xi32, #tpu.memory_space<vmem>>)
      tpu.yield
    }) : () -> ()
    "tpu.region"() ({
      %run_scoped3A = tpu.sem_alloc : memref<!tpu.dma_semaphore, #tpu.memory_space<semaphore_mem>>
      %dma_start3A_184 = tpu.memref_slice %arg7[%mul3A_58] : memref<320000xi32, #tpu.memory_space<hbm>> -> memref<40xi32, #tpu.memory_space<hbm>>
      %dma_start3A_185 = tpu.memref_slice %arg7[%mul3A_58] : memref<320000xi32, #tpu.memory_space<hbm>> -> memref<40xi32, #tpu.memory_space<hbm>>
      tpu.enqueue_dma source(%dma_start3A_185 : memref<40xi32, #tpu.memory_space<hbm>>) target(%arg14 : memref<40xi32, #tpu.memory_space<vmem>>) target_semaphore(%run_scoped3A : memref<!tpu.dma_semaphore, #tpu.memory_space<semaphore_mem>>)
      %dma_wait3A_186 = tpu.memref_slice %arg7[%mul3A_58] : memref<320000xi32, #tpu.memory_space<hbm>> -> memref<40xi32, #tpu.memory_space<hbm>>
      %dma_wait3A_187 = tpu.memref_slice %arg7[%mul3A_58] : memref<320000xi32, #tpu.memory_space<hbm>> -> memref<40xi32, #tpu.memory_space<hbm>>
      tpu.wait_dma2 semaphore(%run_scoped3A : memref<!tpu.dma_semaphore, #tpu.memory_space<semaphore_mem>>) src(%dma_wait3A_187 : memref<40xi32, #tpu.memory_space<hbm>>) dst(%arg14 : memref<40xi32, #tpu.memory_space<vmem>>)
      tpu.yield
    }) : () -> ()
    %add3A_59 = arith.constant 0 : i32
    %add3A_60 = arith.addi %mul3A_56, %add3A_59 : i32
    %mul3A_61 = arith.constant 40 : i32
    %mul3A_62 = arith.muli %add3A_60, %mul3A_61 : i32
    %dma_start3A = arith.constant 0 : i32
    %dma_start3A_63 = tpu.memref_slice %arg2[%mul3A_62, %dma_start3A] : memref<320000x128xf32, #tpu.memory_space<hbm>> -> memref<40x128xf32, #tpu.memory_space<hbm>>
    %dma_start3A_64 = arith.constant 0 : i32
    %dma_start3A_65 = tpu.memref_slice %arg2[%mul3A_62, %dma_start3A_64] : memref<320000x128xf32, #tpu.memory_space<hbm>> -> memref<40x128xf32, #tpu.memory_space<hbm>>
    tpu.enqueue_dma source(%dma_start3A_65 : memref<40x128xf32, #tpu.memory_space<hbm>>) target(%arg16 : memref<40x128xf32, #tpu.memory_space<vmem>>) target_semaphore(%arg25 : memref<!tpu.dma_semaphore, #tpu.memory_space<semaphore_mem>>)
    %dma_start3A_66 = arith.constant 0 : i32
    %dma_start3A_67 = arith.constant 0 : i32
    %dma_start3A_68 = tpu.memref_slice %arg3[%dma_start3A_66, %dma_start3A_67] : memref<10000x128xf32, #tpu.memory_space<hbm>> -> memref<10000x128xf32, #tpu.memory_space<hbm>>
    tpu.enqueue_indirect_dma source(%dma_start3A_68 : memref<10000x128xf32, #tpu.memory_space<hbm>>) target(%arg18 : memref<40x128xf32, #tpu.memory_space<vmem>>) offsets(%arg10 : memref<40xi32, #tpu.memory_space<vmem>>) semaphore(%arg25 : memref<!tpu.dma_semaphore, #tpu.memory_space<semaphore_mem>>)
    %dma_start3A_69 = arith.constant 0 : i32
    %dma_start3A_70 = arith.constant 0 : i32
    %dma_start3A_71 = tpu.memref_slice %arg4[%dma_start3A_69, %dma_start3A_70] : memref<320000x128xf32, #tpu.memory_space<hbm>> -> memref<320000x128xf32, #tpu.memory_space<hbm>>
    tpu.enqueue_indirect_dma source(%dma_start3A_71 : memref<320000x128xf32, #tpu.memory_space<hbm>>) target(%arg20 : memref<40x128xf32, #tpu.memory_space<vmem>>) offsets(%arg12 : memref<40xi32, #tpu.memory_space<vmem>>) semaphore(%arg25 : memref<!tpu.dma_semaphore, #tpu.memory_space<semaphore_mem>>)
    %add3A_72 = arith.constant 1 : i32
    %add3A_73 = arith.addi %mul3A_56, %add3A_72 : i32
    %mul3A_74 = arith.constant 40 : i32
    %mul3A_75 = arith.muli %add3A_73, %mul3A_74 : i32
    %dma_start3A_76 = tpu.memref_slice %arg5[%mul3A_75] : memref<320000xi32, #tpu.memory_space<hbm>> -> memref<40xi32, #tpu.memory_space<hbm>>
    %dma_start3A_77 = tpu.memref_slice %arg5[%mul3A_75] : memref<320000xi32, #tpu.memory_space<hbm>> -> memref<40xi32, #tpu.memory_space<hbm>>
    tpu.enqueue_dma source(%dma_start3A_77 : memref<40xi32, #tpu.memory_space<hbm>>) target(%arg11 : memref<40xi32, #tpu.memory_space<vmem>>) target_semaphore(%arg24 : memref<!tpu.dma_semaphore, #tpu.memory_space<semaphore_mem>>)
    %dma_start3A_78 = tpu.memref_slice %arg6[%mul3A_75] : memref<320000xi32, #tpu.memory_space<hbm>> -> memref<40xi32, #tpu.memory_space<hbm>>
    %dma_start3A_79 = tpu.memref_slice %arg6[%mul3A_75] : memref<320000xi32, #tpu.memory_space<hbm>> -> memref<40xi32, #tpu.memory_space<hbm>>
    tpu.enqueue_dma source(%dma_start3A_79 : memref<40xi32, #tpu.memory_space<hbm>>) target(%arg13 : memref<40xi32, #tpu.memory_space<vmem>>) target_semaphore(%arg24 : memref<!tpu.dma_semaphore, #tpu.memory_space<semaphore_mem>>)
    %dma_wait3A = arith.constant 0 : i32
    %dma_wait3A_80 = tpu.memref_slice %arg2[%mul3A_62, %dma_wait3A] : memref<320000x128xf32, #tpu.memory_space<hbm>> -> memref<40x128xf32, #tpu.memory_space<hbm>>
    %dma_wait3A_81 = arith.constant 0 : i32
    %dma_wait3A_82 = tpu.memref_slice %arg2[%mul3A_62, %dma_wait3A_81] : memref<320000x128xf32, #tpu.memory_space<hbm>> -> memref<40x128xf32, #tpu.memory_space<hbm>>
    tpu.wait_dma2 semaphore(%arg25 : memref<!tpu.dma_semaphore, #tpu.memory_space<semaphore_mem>>) src(%dma_wait3A_82 : memref<40x128xf32, #tpu.memory_space<hbm>>) dst(%arg16 : memref<40x128xf32, #tpu.memory_space<vmem>>)
    %dma_wait3A_83 = arith.constant 0 : i32
    %dma_wait3A_84 = arith.constant 0 : i32
    %dma_wait3A_85 = tpu.memref_slice %arg3[%dma_wait3A_83, %dma_wait3A_84] : memref<10000x128xf32, #tpu.memory_space<hbm>> -> memref<10000x128xf32, #tpu.memory_space<hbm>>
    tpu.wait_indirect_dma semaphore(%arg25 : memref<!tpu.dma_semaphore, #tpu.memory_space<semaphore_mem>>) src(%dma_wait3A_85 : memref<10000x128xf32, #tpu.memory_space<hbm>>) dst(%arg18 : memref<40x128xf32, #tpu.memory_space<vmem>>)
    %dma_wait3A_86 = arith.constant 0 : i32
    %dma_wait3A_87 = arith.constant 0 : i32
    %dma_wait3A_88 = tpu.memref_slice %arg4[%dma_wait3A_86, %dma_wait3A_87] : memref<320000x128xf32, #tpu.memory_space<hbm>> -> memref<320000x128xf32, #tpu.memory_space<hbm>>
    tpu.wait_indirect_dma semaphore(%arg25 : memref<!tpu.dma_semaphore, #tpu.memory_space<semaphore_mem>>) src(%dma_wait3A_88 : memref<320000x128xf32, #tpu.memory_space<hbm>>) dst(%arg20 : memref<40x128xf32, #tpu.memory_space<vmem>>)
    %add3A_89 = arith.constant 1 : i32
    %add3A_90 = arith.addi %mul3A_56, %add3A_89 : i32
    %mul3A_91 = arith.constant 40 : i32
    %mul3A_92 = arith.muli %add3A_90, %mul3A_91 : i32
    %dma_start3A_93 = tpu.memref_slice %arg7[%mul3A_92] : memref<320000xi32, #tpu.memory_space<hbm>> -> memref<40xi32, #tpu.memory_space<hbm>>
    %dma_start3A_94 = tpu.memref_slice %arg7[%mul3A_92] : memref<320000xi32, #tpu.memory_space<hbm>> -> memref<40xi32, #tpu.memory_space<hbm>>
    tpu.enqueue_dma source(%dma_start3A_94 : memref<40xi32, #tpu.memory_space<hbm>>) target(%arg15 : memref<40xi32, #tpu.memory_space<vmem>>) target_semaphore(%arg24 : memref<!tpu.dma_semaphore, #tpu.memory_space<semaphore_mem>>)
    %dma_wait3A_95 = arith.constant 0 : i32
    %dma_wait3A_96 = tpu.memref_slice %arg5[%dma_wait3A_95] : memref<320000xi32, #tpu.memory_space<hbm>> -> memref<40xi32, #tpu.memory_space<hbm>>
    %dma_wait3A_97 = arith.constant 0 : i32
    %dma_wait3A_98 = tpu.memref_slice %arg5[%dma_wait3A_97] : memref<320000xi32, #tpu.memory_space<hbm>> -> memref<40xi32, #tpu.memory_space<hbm>>
    tpu.wait_dma2 semaphore(%arg24 : memref<!tpu.dma_semaphore, #tpu.memory_space<semaphore_mem>>) src(%dma_wait3A_98 : memref<40xi32, #tpu.memory_space<hbm>>) dst(%arg11 : memref<40xi32, #tpu.memory_space<vmem>>)
    %dma_wait3A_99 = arith.constant 0 : i32
    %dma_wait3A_100 = tpu.memref_slice %arg5[%dma_wait3A_99] : memref<320000xi32, #tpu.memory_space<hbm>> -> memref<40xi32, #tpu.memory_space<hbm>>
    %dma_wait3A_101 = arith.constant 0 : i32
    %dma_wait3A_102 = tpu.memref_slice %arg5[%dma_wait3A_101] : memref<320000xi32, #tpu.memory_space<hbm>> -> memref<40xi32, #tpu.memory_space<hbm>>
    tpu.wait_dma2 semaphore(%arg24 : memref<!tpu.dma_semaphore, #tpu.memory_space<semaphore_mem>>) src(%dma_wait3A_102 : memref<40xi32, #tpu.memory_space<hbm>>) dst(%arg13 : memref<40xi32, #tpu.memory_space<vmem>>)
    %dma_wait3A_103 = arith.constant 0 : i32
    %dma_wait3A_104 = tpu.memref_slice %arg5[%dma_wait3A_103] : memref<320000xi32, #tpu.memory_space<hbm>> -> memref<40xi32, #tpu.memory_space<hbm>>
    %dma_wait3A_105 = arith.constant 0 : i32
    %dma_wait3A_106 = tpu.memref_slice %arg5[%dma_wait3A_105] : memref<320000xi32, #tpu.memory_space<hbm>> -> memref<40xi32, #tpu.memory_space<hbm>>
    tpu.wait_dma2 semaphore(%arg24 : memref<!tpu.dma_semaphore, #tpu.memory_space<semaphore_mem>>) src(%dma_wait3A_106 : memref<40xi32, #tpu.memory_space<hbm>>) dst(%arg15 : memref<40xi32, #tpu.memory_space<vmem>>)
    %add3A_107 = arith.constant 1 : i32
    %add3A_108 = arith.addi %mul3A_56, %add3A_107 : i32
    %mul3A_109 = arith.constant 40 : i32
    %mul3A_110 = arith.muli %add3A_108, %mul3A_109 : i32
    %dma_start3A_111 = arith.constant 0 : i32
    %dma_start3A_112 = tpu.memref_slice %arg2[%mul3A_110, %dma_start3A_111] : memref<320000x128xf32, #tpu.memory_space<hbm>> -> memref<40x128xf32, #tpu.memory_space<hbm>>
    %dma_start3A_113 = arith.constant 0 : i32
    %dma_start3A_114 = tpu.memref_slice %arg2[%mul3A_110, %dma_start3A_113] : memref<320000x128xf32, #tpu.memory_space<hbm>> -> memref<40x128xf32, #tpu.memory_space<hbm>>
    tpu.enqueue_dma source(%dma_start3A_114 : memref<40x128xf32, #tpu.memory_space<hbm>>) target(%arg17 : memref<40x128xf32, #tpu.memory_space<vmem>>) target_semaphore(%arg26 : memref<!tpu.dma_semaphore, #tpu.memory_space<semaphore_mem>>)
    %dma_start3A_115 = arith.constant 0 : i32
    %dma_start3A_116 = arith.constant 0 : i32
    %dma_start3A_117 = tpu.memref_slice %arg3[%dma_start3A_115, %dma_start3A_116] : memref<10000x128xf32, #tpu.memory_space<hbm>> -> memref<10000x128xf32, #tpu.memory_space<hbm>>
    tpu.enqueue_indirect_dma source(%dma_start3A_117 : memref<10000x128xf32, #tpu.memory_space<hbm>>) target(%arg19 : memref<40x128xf32, #tpu.memory_space<vmem>>) offsets(%arg11 : memref<40xi32, #tpu.memory_space<vmem>>) semaphore(%arg26 : memref<!tpu.dma_semaphore, #tpu.memory_space<semaphore_mem>>)
    %dma_start3A_118 = arith.constant 0 : i32
    %dma_start3A_119 = arith.constant 0 : i32
    %dma_start3A_120 = tpu.memref_slice %arg4[%dma_start3A_118, %dma_start3A_119] : memref<320000x128xf32, #tpu.memory_space<hbm>> -> memref<320000x128xf32, #tpu.memory_space<hbm>>
    tpu.enqueue_indirect_dma source(%dma_start3A_120 : memref<320000x128xf32, #tpu.memory_space<hbm>>) target(%arg21 : memref<40x128xf32, #tpu.memory_space<vmem>>) offsets(%arg13 : memref<40xi32, #tpu.memory_space<vmem>>) semaphore(%arg26 : memref<!tpu.dma_semaphore, #tpu.memory_space<semaphore_mem>>)
    %add3A_121 = arith.constant 2 : i32
    %add3A_122 = arith.addi %mul3A_56, %add3A_121 : i32
    %mul3A_123 = arith.constant 40 : i32
    %mul3A_124 = arith.muli %add3A_122, %mul3A_123 : i32
    %dma_start3A_125 = tpu.memref_slice %arg5[%mul3A_124] : memref<320000xi32, #tpu.memory_space<hbm>> -> memref<40xi32, #tpu.memory_space<hbm>>
    %dma_start3A_126 = tpu.memref_slice %arg5[%mul3A_124] : memref<320000xi32, #tpu.memory_space<hbm>> -> memref<40xi32, #tpu.memory_space<hbm>>
    tpu.enqueue_dma source(%dma_start3A_126 : memref<40xi32, #tpu.memory_space<hbm>>) target(%arg10 : memref<40xi32, #tpu.memory_space<vmem>>) target_semaphore(%arg23 : memref<!tpu.dma_semaphore, #tpu.memory_space<semaphore_mem>>)
    %dma_start3A_127 = tpu.memref_slice %arg6[%mul3A_124] : memref<320000xi32, #tpu.memory_space<hbm>> -> memref<40xi32, #tpu.memory_space<hbm>>
    %dma_start3A_128 = tpu.memref_slice %arg6[%mul3A_124] : memref<320000xi32, #tpu.memory_space<hbm>> -> memref<40xi32, #tpu.memory_space<hbm>>
    tpu.enqueue_dma source(%dma_start3A_128 : memref<40xi32, #tpu.memory_space<hbm>>) target(%arg12 : memref<40xi32, #tpu.memory_space<vmem>>) target_semaphore(%arg23 : memref<!tpu.dma_semaphore, #tpu.memory_space<semaphore_mem>>)
    %scan3A = arith.constant 0 : i32
    %scan3A_129 = arith.constant 0 : i32
    %scan3A_130 = arith.constant 40 : i32
    %scan3A_131 = arith.addi %scan3A_129, %scan3A_130 : i32
    %scan3A_132 = arith.constant 1 : i32
    scf.for %scan3A_184 = %scan3A_129 to %scan3A_131 step %scan3A_132  : i32 {
      %get3A = arith.index_cast %scan3A_184 : i32 to index
      %get3A_185 = arith.constant 0 : index
      %get3A_186 = tpu.vector_load %arg16[%get3A, %get3A_185] {strides = array<i32>} : memref<40x128xf32, #tpu.memory_space<vmem>>, vector<1x16xf32>,
      %get3A_187 = vector.shape_cast %get3A_186 : vector<1x16xf32> to vector<16xf32>
      %get3A_188 = arith.index_cast %scan3A_184 : i32 to index
      %get3A_189 = arith.constant 0 : index
      %get3A_190 = tpu.vector_load %arg18[%get3A_188, %get3A_189] {strides = array<i32>} : memref<40x128xf32, #tpu.memory_space<vmem>>, vector<1x16xf32>,
      %get3A_191 = vector.shape_cast %get3A_190 : vector<1x16xf32> to vector<16xf32>
      %add3A_192 = arith.addf %get3A_187, %get3A_191 : vector<16xf32>
      %get3A_193 = arith.index_cast %scan3A_184 : i32 to index
      %get3A_194 = arith.constant 0 : index
      %get3A_195 = tpu.vector_load %arg20[%get3A_193, %get3A_194] {strides = array<i32>} : memref<40x128xf32, #tpu.memory_space<vmem>>, vector<1x16xf32>,
      %get3A_196 = vector.shape_cast %get3A_195 : vector<1x16xf32> to vector<16xf32>
      %sub3A_197 = arith.subf %add3A_192, %get3A_196 : vector<16xf32>
      %max3A = arith.constant 0.000000e+00 : f32
      %max3A_198 = vector.broadcast %max3A : f32 to vector<16xf32>
      %max3A_199 = arith.maximumf %sub3A_197, %max3A_198 : vector<16xf32>
      %swap3A = arith.index_cast %scan3A_184 : i32 to index
      %swap3A_200 = arith.constant 0 : index
      %swap3A_201 = tpu.vector_load %arg18[%swap3A, %swap3A_200] {strides = array<i32>} : memref<40x128xf32, #tpu.memory_space<vmem>>, vector<1x16xf32>,
      %swap3A_202 = vector.shape_cast %swap3A_201 : vector<1x16xf32> to vector<16xf32>
      %swap3A_203 = vector.shape_cast %max3A_199 : vector<16xf32> to vector<1x16xf32>
      tpu.vector_store %arg18[%swap3A, %swap3A_200], %swap3A_203 {strides = array<i32>} : memref<40x128xf32, #tpu.memory_space<vmem>>, vector<1x16xf32>,
      %get3A_204 = arith.index_cast %scan3A_184 : i32 to index
      %get3A_205 = arith.constant 16 : index
      %get3A_206 = tpu.vector_load %arg16[%get3A_204, %get3A_205] {strides = array<i32>} : memref<40x128xf32, #tpu.memory_space<vmem>>, vector<1x16xf32>,
      %get3A_207 = vector.shape_cast %get3A_206 : vector<1x16xf32> to vector<16xf32>
      %get3A_208 = arith.index_cast %scan3A_184 : i32 to index
      %get3A_209 = arith.constant 16 : index
      %get3A_210 = tpu.vector_load %arg18[%get3A_208, %get3A_209] {strides = array<i32>} : memref<40x128xf32, #tpu.memory_space<vmem>>, vector<1x16xf32>,
      %get3A_211 = vector.shape_cast %get3A_210 : vector<1x16xf32> to vector<16xf32>
      %add3A_212 = arith.addf %get3A_207, %get3A_211 : vector<16xf32>
      %get3A_213 = arith.index_cast %scan3A_184 : i32 to index
      %get3A_214 = arith.constant 16 : index
      %get3A_215 = tpu.vector_load %arg20[%get3A_213, %get3A_214] {strides = array<i32>} : memref<40x128xf32, #tpu.memory_space<vmem>>, vector<1x16xf32>,
      %get3A_216 = vector.shape_cast %get3A_215 : vector<1x16xf32> to vector<16xf32>
      %sub3A_217 = arith.subf %add3A_212, %get3A_216 : vector<16xf32>
      %max3A_218 = arith.constant 0.000000e+00 : f32
      %max3A_219 = vector.broadcast %max3A_218 : f32 to vector<16xf32>
      %max3A_220 = arith.maximumf %sub3A_217, %max3A_219 : vector<16xf32>
      %swap3A_221 = arith.index_cast %scan3A_184 : i32 to index
      %swap3A_222 = arith.constant 16 : index
      %swap3A_223 = tpu.vector_load %arg18[%swap3A_221, %swap3A_222] {strides = array<i32>} : memref<40x128xf32, #tpu.memory_space<vmem>>, vector<1x16xf32>,
      %swap3A_224 = vector.shape_cast %swap3A_223 : vector<1x16xf32> to vector<16xf32>
      %swap3A_225 = vector.shape_cast %max3A_220 : vector<16xf32> to vector<1x16xf32>
      tpu.vector_store %arg18[%swap3A_221, %swap3A_222], %swap3A_225 {strides = array<i32>} : memref<40x128xf32, #tpu.memory_space<vmem>>, vector<1x16xf32>,
      %get3A_226 = arith.index_cast %scan3A_184 : i32 to index
      %get3A_227 = arith.constant 32 : index
      %get3A_228 = tpu.vector_load %arg16[%get3A_226, %get3A_227] {strides = array<i32>} : memref<40x128xf32, #tpu.memory_space<vmem>>, vector<1x16xf32>,
      %get3A_229 = vector.shape_cast %get3A_228 : vector<1x16xf32> to vector<16xf32>
      %get3A_230 = arith.index_cast %scan3A_184 : i32 to index
      %get3A_231 = arith.constant 32 : index
      %get3A_232 = tpu.vector_load %arg18[%get3A_230, %get3A_231] {strides = array<i32>} : memref<40x128xf32, #tpu.memory_space<vmem>>, vector<1x16xf32>,
      %get3A_233 = vector.shape_cast %get3A_232 : vector<1x16xf32> to vector<16xf32>
      %add3A_234 = arith.addf %get3A_229, %get3A_233 : vector<16xf32>
      %get3A_235 = arith.index_cast %scan3A_184 : i32 to index
      %get3A_236 = arith.constant 32 : index
      %get3A_237 = tpu.vector_load %arg20[%get3A_235, %get3A_236] {strides = array<i32>} : memref<40x128xf32, #tpu.memory_space<vmem>>, vector<1x16xf32>,
      %get3A_238 = vector.shape_cast %get3A_237 : vector<1x16xf32> to vector<16xf32>
      %sub3A_239 = arith.subf %add3A_234, %get3A_238 : vector<16xf32>
      %max3A_240 = arith.constant 0.000000e+00 : f32
      %max3A_241 = vector.broadcast %max3A_240 : f32 to vector<16xf32>
      %max3A_242 = arith.maximumf %sub3A_239, %max3A_241 : vector<16xf32>
      %swap3A_243 = arith.index_cast %scan3A_184 : i32 to index
      %swap3A_244 = arith.constant 32 : index
      %swap3A_245 = tpu.vector_load %arg18[%swap3A_243, %swap3A_244] {strides = array<i32>} : memref<40x128xf32, #tpu.memory_space<vmem>>, vector<1x16xf32>,
      %swap3A_246 = vector.shape_cast %swap3A_245 : vector<1x16xf32> to vector<16xf32>
      %swap3A_247 = vector.shape_cast %max3A_242 : vector<16xf32> to vector<1x16xf32>
      tpu.vector_store %arg18[%swap3A_243, %swap3A_244], %swap3A_247 {strides = array<i32>} : memref<40x128xf32, #tpu.memory_space<vmem>>, vector<1x16xf32>,
      %get3A_248 = arith.index_cast %scan3A_184 : i32 to index
      %get3A_249 = arith.constant 48 : index
      %get3A_250 = tpu.vector_load %arg16[%get3A_248, %get3A_249] {strides = array<i32>} : memref<40x128xf32, #tpu.memory_space<vmem>>, vector<1x16xf32>,
      %get3A_251 = vector.shape_cast %get3A_250 : vector<1x16xf32> to vector<16xf32>
      %get3A_252 = arith.index_cast %scan3A_184 : i32 to index
      %get3A_253 = arith.constant 48 : index
      %get3A_254 = tpu.vector_load %arg18[%get3A_252, %get3A_253] {strides = array<i32>} : memref<40x128xf32, #tpu.memory_space<vmem>>, vector<1x16xf32>,
      %get3A_255 = vector.shape_cast %get3A_254 : vector<1x16xf32> to vector<16xf32>
      %add3A_256 = arith.addf %get3A_251, %get3A_255 : vector<16xf32>
      %get3A_257 = arith.index_cast %scan3A_184 : i32 to index
      %get3A_258 = arith.constant 48 : index
      %get3A_259 = tpu.vector_load %arg20[%get3A_257, %get3A_258] {strides = array<i32>} : memref<40x128xf32, #tpu.memory_space<vmem>>, vector<1x16xf32>,
      %get3A_260 = vector.shape_cast %get3A_259 : vector<1x16xf32> to vector<16xf32>
      %sub3A_261 = arith.subf %add3A_256, %get3A_260 : vector<16xf32>
      %max3A_262 = arith.constant 0.000000e+00 : f32
      %max3A_263 = vector.broadcast %max3A_262 : f32 to vector<16xf32>
      %max3A_264 = arith.maximumf %sub3A_261, %max3A_263 : vector<16xf32>
      %swap3A_265 = arith.index_cast %scan3A_184 : i32 to index
      %swap3A_266 = arith.constant 48 : index
      %swap3A_267 = tpu.vector_load %arg18[%swap3A_265, %swap3A_266] {strides = array<i32>} : memref<40x128xf32, #tpu.memory_space<vmem>>, vector<1x16xf32>,
      %swap3A_268 = vector.shape_cast %swap3A_267 : vector<1x16xf32> to vector<16xf32>
      %swap3A_269 = vector.shape_cast %max3A_264 : vector<16xf32> to vector<1x16xf32>
      tpu.vector_store %arg18[%swap3A_265, %swap3A_266], %swap3A_269 {strides = array<i32>} : memref<40x128xf32, #tpu.memory_space<vmem>>, vector<1x16xf32>,
      %get3A_270 = arith.index_cast %scan3A_184 : i32 to index
      %get3A_271 = arith.constant 64 : index
      %get3A_272 = tpu.vector_load %arg16[%get3A_270, %get3A_271] {strides = array<i32>} : memref<40x128xf32, #tpu.memory_space<vmem>>, vector<1x16xf32>,
      %get3A_273 = vector.shape_cast %get3A_272 : vector<1x16xf32> to vector<16xf32>
      %get3A_274 = arith.index_cast %scan3A_184 : i32 to index
      %get3A_275 = arith.constant 64 : index
      %get3A_276 = tpu.vector_load %arg18[%get3A_274, %get3A_275] {strides = array<i32>} : memref<40x128xf32, #tpu.memory_space<vmem>>, vector<1x16xf32>,
      %get3A_277 = vector.shape_cast %get3A_276 : vector<1x16xf32> to vector<16xf32>
      %add3A_278 = arith.addf %get3A_273, %get3A_277 : vector<16xf32>
      %get3A_279 = arith.index_cast %scan3A_184 : i32 to index
      %get3A_280 = arith.constant 64 : index
      %get3A_281 = tpu.vector_load %arg20[%get3A_279, %get3A_280] {strides = array<i32>} : memref<40x128xf32, #tpu.memory_space<vmem>>, vector<1x16xf32>,
      %get3A_282 = vector.shape_cast %get3A_281 : vector<1x16xf32> to vector<16xf32>
      %sub3A_283 = arith.subf %add3A_278, %get3A_282 : vector<16xf32>
      %max3A_284 = arith.constant 0.000000e+00 : f32
      %max3A_285 = vector.broadcast %max3A_284 : f32 to vector<16xf32>
      %max3A_286 = arith.maximumf %sub3A_283, %max3A_285 : vector<16xf32>
      %swap3A_287 = arith.index_cast %scan3A_184 : i32 to index
      %swap3A_288 = arith.constant 64 : index
      %swap3A_289 = tpu.vector_load %arg18[%swap3A_287, %swap3A_288] {strides = array<i32>} : memref<40x128xf32, #tpu.memory_space<vmem>>, vector<1x16xf32>,
      %swap3A_290 = vector.shape_cast %swap3A_289 : vector<1x16xf32> to vector<16xf32>
      %swap3A_291 = vector.shape_cast %max3A_286 : vector<16xf32> to vector<1x16xf32>
      tpu.vector_store %arg18[%swap3A_287, %swap3A_288], %swap3A_291 {strides = array<i32>} : memref<40x128xf32, #tpu.memory_space<vmem>>, vector<1x16xf32>,
      %get3A_292 = arith.index_cast %scan3A_184 : i32 to index
      %get3A_293 = arith.constant 80 : index
      %get3A_294 = tpu.vector_load %arg16[%get3A_292, %get3A_293] {strides = array<i32>} : memref<40x128xf32, #tpu.memory_space<vmem>>, vector<1x16xf32>,
      %get3A_295 = vector.shape_cast %get3A_294 : vector<1x16xf32> to vector<16xf32>
      %get3A_296 = arith.index_cast %scan3A_184 : i32 to index
      %get3A_297 = arith.constant 80 : index
      %get3A_298 = tpu.vector_load %arg18[%get3A_296, %get3A_297] {strides = array<i32>} : memref<40x128xf32, #tpu.memory_space<vmem>>, vector<1x16xf32>,
      %get3A_299 = vector.shape_cast %get3A_298 : vector<1x16xf32> to vector<16xf32>
      %add3A_300 = arith.addf %get3A_295, %get3A_299 : vector<16xf32>
      %get3A_301 = arith.index_cast %scan3A_184 : i32 to index
      %get3A_302 = arith.constant 80 : index
      %get3A_303 = tpu.vector_load %arg20[%get3A_301, %get3A_302] {strides = array<i32>} : memref<40x128xf32, #tpu.memory_space<vmem>>, vector<1x16xf32>,
      %get3A_304 = vector.shape_cast %get3A_303 : vector<1x16xf32> to vector<16xf32>
      %sub3A_305 = arith.subf %add3A_300, %get3A_304 : vector<16xf32>
      %max3A_306 = arith.constant 0.000000e+00 : f32
      %max3A_307 = vector.broadcast %max3A_306 : f32 to vector<16xf32>
      %max3A_308 = arith.maximumf %sub3A_305, %max3A_307 : vector<16xf32>
      %swap3A_309 = arith.index_cast %scan3A_184 : i32 to index
      %swap3A_310 = arith.constant 80 : index
      %swap3A_311 = tpu.vector_load %arg18[%swap3A_309, %swap3A_310] {strides = array<i32>} : memref<40x128xf32, #tpu.memory_space<vmem>>, vector<1x16xf32>,
      %swap3A_312 = vector.shape_cast %swap3A_311 : vector<1x16xf32> to vector<16xf32>
      %swap3A_313 = vector.shape_cast %max3A_308 : vector<16xf32> to vector<1x16xf32>
      tpu.vector_store %arg18[%swap3A_309, %swap3A_310], %swap3A_313 {strides = array<i32>} : memref<40x128xf32, #tpu.memory_space<vmem>>, vector<1x16xf32>,
      %get3A_314 = arith.index_cast %scan3A_184 : i32 to index
      %get3A_315 = arith.constant 96 : index
      %get3A_316 = tpu.vector_load %arg16[%get3A_314, %get3A_315] {strides = array<i32>} : memref<40x128xf32, #tpu.memory_space<vmem>>, vector<1x16xf32>,
      %get3A_317 = vector.shape_cast %get3A_316 : vector<1x16xf32> to vector<16xf32>
      %get3A_318 = arith.index_cast %scan3A_184 : i32 to index
      %get3A_319 = arith.constant 96 : index
      %get3A_320 = tpu.vector_load %arg18[%get3A_318, %get3A_319] {strides = array<i32>} : memref<40x128xf32, #tpu.memory_space<vmem>>, vector<1x16xf32>,
      %get3A_321 = vector.shape_cast %get3A_320 : vector<1x16xf32> to vector<16xf32>
      %add3A_322 = arith.addf %get3A_317, %get3A_321 : vector<16xf32>
      %get3A_323 = arith.index_cast %scan3A_184 : i32 to index
      %get3A_324 = arith.constant 96 : index
      %get3A_325 = tpu.vector_load %arg20[%get3A_323, %get3A_324] {strides = array<i32>} : memref<40x128xf32, #tpu.memory_space<vmem>>, vector<1x16xf32>,
      %get3A_326 = vector.shape_cast %get3A_325 : vector<1x16xf32> to vector<16xf32>
      %sub3A_327 = arith.subf %add3A_322, %get3A_326 : vector<16xf32>
      %max3A_328 = arith.constant 0.000000e+00 : f32
      %max3A_329 = vector.broadcast %max3A_328 : f32 to vector<16xf32>
      %max3A_330 = arith.maximumf %sub3A_327, %max3A_329 : vector<16xf32>
      %swap3A_331 = arith.index_cast %scan3A_184 : i32 to index
      %swap3A_332 = arith.constant 96 : index
      %swap3A_333 = tpu.vector_load %arg18[%swap3A_331, %swap3A_332] {strides = array<i32>} : memref<40x128xf32, #tpu.memory_space<vmem>>, vector<1x16xf32>,
      %swap3A_334 = vector.shape_cast %swap3A_333 : vector<1x16xf32> to vector<16xf32>
      %swap3A_335 = vector.shape_cast %max3A_330 : vector<16xf32> to vector<1x16xf32>
      tpu.vector_store %arg18[%swap3A_331, %swap3A_332], %swap3A_335 {strides = array<i32>} : memref<40x128xf32, #tpu.memory_space<vmem>>, vector<1x16xf32>,
      %get3A_336 = arith.index_cast %scan3A_184 : i32 to index
      %get3A_337 = arith.constant 112 : index
      %get3A_338 = tpu.vector_load %arg16[%get3A_336, %get3A_337] {strides = array<i32>} : memref<40x128xf32, #tpu.memory_space<vmem>>, vector<1x16xf32>,
      %get3A_339 = vector.shape_cast %get3A_338 : vector<1x16xf32> to vector<16xf32>
      %get3A_340 = arith.index_cast %scan3A_184 : i32 to index
      %get3A_341 = arith.constant 112 : index
      %get3A_342 = tpu.vector_load %arg18[%get3A_340, %get3A_341] {strides = array<i32>} : memref<40x128xf32, #tpu.memory_space<vmem>>, vector<1x16xf32>,
      %get3A_343 = vector.shape_cast %get3A_342 : vector<1x16xf32> to vector<16xf32>
      %add3A_344 = arith.addf %get3A_339, %get3A_343 : vector<16xf32>
      %get3A_345 = arith.index_cast %scan3A_184 : i32 to index
      %get3A_346 = arith.constant 112 : index
      %get3A_347 = tpu.vector_load %arg20[%get3A_345, %get3A_346] {strides = array<i32>} : memref<40x128xf32, #tpu.memory_space<vmem>>, vector<1x16xf32>,
      %get3A_348 = vector.shape_cast %get3A_347 : vector<1x16xf32> to vector<16xf32>
      %sub3A_349 = arith.subf %add3A_344, %get3A_348 : vector<16xf32>
      %max3A_350 = arith.constant 0.000000e+00 : f32
      %max3A_351 = vector.broadcast %max3A_350 : f32 to vector<16xf32>
      %max3A_352 = arith.maximumf %sub3A_349, %max3A_351 : vector<16xf32>
      %swap3A_353 = arith.index_cast %scan3A_184 : i32 to index
      %swap3A_354 = arith.constant 112 : index
      %swap3A_355 = tpu.vector_load %arg18[%swap3A_353, %swap3A_354] {strides = array<i32>} : memref<40x128xf32, #tpu.memory_space<vmem>>, vector<1x16xf32>,
      %swap3A_356 = vector.shape_cast %swap3A_355 : vector<1x16xf32> to vector<16xf32>
      %swap3A_357 = vector.shape_cast %max3A_352 : vector<16xf32> to vector<1x16xf32>
      tpu.vector_store %arg18[%swap3A_353, %swap3A_354], %swap3A_357 {strides = array<i32>} : memref<40x128xf32, #tpu.memory_space<vmem>>, vector<1x16xf32>,
    }
    %scan3A_133 = arith.constant 40 : i32
    %dma_start3A_134 = arith.constant 0 : i32
    %dma_start3A_135 = arith.constant 0 : i32
    %dma_start3A_136 = tpu.memref_slice %arg22[%dma_start3A_134, %dma_start3A_135] : memref<10000x128xf32, #tpu.memory_space<vmem_shared>> -> memref<10000x128xf32, #tpu.memory_space<vmem_shared>>
    tpu.enqueue_indirect_dma source(%arg18 : memref<40x128xf32, #tpu.memory_space<vmem>>) target(%dma_start3A_136 : memref<10000x128xf32, #tpu.memory_space<vmem_shared>>) offsets(%arg14 : memref<40xi32, #tpu.memory_space<vmem>>) semaphore(%arg27 : memref<!tpu.dma_semaphore, #tpu.memory_space<semaphore_mem>>) {add = true}
    %dma_wait3A_137 = arith.constant 0 : i32
    %dma_wait3A_138 = arith.constant 0 : i32
    %dma_wait3A_139 = tpu.memref_slice %arg22[%dma_wait3A_137, %dma_wait3A_138] : memref<10000x128xf32, #tpu.memory_space<vmem_shared>> -> memref<10000x128xf32, #tpu.memory_space<vmem_shared>>
    tpu.wait_indirect_dma semaphore(%arg27 : memref<!tpu.dma_semaphore, #tpu.memory_space<semaphore_mem>>) src(%arg18 : memref<40x128xf32, #tpu.memory_space<vmem>>) dst(%dma_wait3A_139 : memref<10000x128xf32, #tpu.memory_space<vmem_shared>>)
    %dma_wait3A_140 = arith.constant 0 : i32
    %dma_wait3A_141 = tpu.memref_slice %arg2[%mul3A_110, %dma_wait3A_140] : memref<320000x128xf32, #tpu.memory_space<hbm>> -> memref<40x128xf32, #tpu.memory_space<hbm>>
    %dma_wait3A_142 = arith.constant 0 : i32
    %dma_wait3A_143 = tpu.memref_slice %arg2[%mul3A_110, %dma_wait3A_142] : memref<320000x128xf32, #tpu.memory_space<hbm>> -> memref<40x128xf32, #tpu.memory_space<hbm>>
    tpu.wait_dma2 semaphore(%arg26 : memref<!tpu.dma_semaphore, #tpu.memory_space<semaphore_mem>>) src(%dma_wait3A_143 : memref<40x128xf32, #tpu.memory_space<hbm>>) dst(%arg17 : memref<40x128xf32, #tpu.memory_space<vmem>>)
    %dma_wait3A_144 = arith.constant 0 : i32
    %dma_wait3A_145 = arith.constant 0 : i32
    %dma_wait3A_146 = tpu.memref_slice %arg3[%dma_wait3A_144, %dma_wait3A_145] : memref<10000x128xf32, #tpu.memory_space<hbm>> -> memref<10000x128xf32, #tpu.memory_space<hbm>>
    tpu.wait_indirect_dma semaphore(%arg26 : memref<!tpu.dma_semaphore, #tpu.memory_space<semaphore_mem>>) src(%dma_wait3A_146 : memref<10000x128xf32, #tpu.memory_space<hbm>>) dst(%arg19 : memref<40x128xf32, #tpu.memory_space<vmem>>)
    %dma_wait3A_147 = arith.constant 0 : i32
    %dma_wait3A_148 = arith.constant 0 : i32
    %dma_wait3A_149 = tpu.memref_slice %arg4[%dma_wait3A_147, %dma_wait3A_148] : memref<320000x128xf32, #tpu.memory_space<hbm>> -> memref<320000x128xf32, #tpu.memory_space<hbm>>
    tpu.wait_indirect_dma semaphore(%arg26 : memref<!tpu.dma_semaphore, #tpu.memory_space<semaphore_mem>>) src(%dma_wait3A_149 : memref<320000x128xf32, #tpu.memory_space<hbm>>) dst(%arg21 : memref<40x128xf32, #tpu.memory_space<vmem>>)
    %add3A_150 = arith.constant 2 : i32
    %add3A_151 = arith.addi %mul3A_56, %add3A_150 : i32
    %mul3A_152 = arith.constant 40 : i32
    %mul3A_153 = arith.muli %add3A_151, %mul3A_152 : i32
    %dma_start3A_154 = tpu.memref_slice %arg7[%mul3A_153] : memref<320000xi32, #tpu.memory_space<hbm>> -> memref<40xi32, #tpu.memory_space<hbm>>
    %dma_start3A_155 = tpu.memref_slice %arg7[%mul3A_153] : memref<320000xi32, #tpu.memory_space<hbm>> -> memref<40xi32, #tpu.memory_space<hbm>>
    tpu.enqueue_dma source(%dma_start3A_155 : memref<40xi32, #tpu.memory_space<hbm>>) target(%arg14 : memref<40xi32, #tpu.memory_space<vmem>>) target_semaphore(%arg23 : memref<!tpu.dma_semaphore, #tpu.memory_space<semaphore_mem>>)
    %scan3A_156 = arith.constant 0 : i32
    %scan3A_157 = arith.constant 1 : i32
    %scan3A_158 = arith.constant 124 : i32
    %scan3A_159 = arith.addi %scan3A_157, %scan3A_158 : i32
    %scan3A_160 = arith.constant 1 : i32
    scf.for %scan3A_184 = %scan3A_157 to %scan3A_159 step %scan3A_160  : i32 {
      %mul3A_185 = arith.constant 2 : i32
      %mul3A_186 = arith.muli %mul3A_185, %scan3A_184 : i32
      %add3A_187 = arith.constant 1 : i32
      %add3A_188 = arith.addi %mul3A_186, %add3A_187 : i32
      %dma_wait3A_189 = arith.constant 0 : i32
      %dma_wait3A_190 = tpu.memref_slice %arg5[%dma_wait3A_189] : memref<320000xi32, #tpu.memory_space<hbm>> -> memref<40xi32, #tpu.memory_space<hbm>>
      %dma_wait3A_191 = arith.constant 0 : i32
      %dma_wait3A_192 = tpu.memref_slice %arg5[%dma_wait3A_191] : memref<320000xi32, #tpu.memory_space<hbm>> -> memref<40xi32, #tpu.memory_space<hbm>>
      tpu.wait_dma2 semaphore(%arg23 : memref<!tpu.dma_semaphore, #tpu.memory_space<semaphore_mem>>) src(%dma_wait3A_192 : memref<40xi32, #tpu.memory_space<hbm>>) dst(%arg10 : memref<40xi32, #tpu.memory_space<vmem>>)
      %dma_wait3A_193 = arith.constant 0 : i32
      %dma_wait3A_194 = tpu.memref_slice %arg5[%dma_wait3A_193] : memref<320000xi32, #tpu.memory_space<hbm>> -> memref<40xi32, #tpu.memory_space<hbm>>
      %dma_wait3A_195 = arith.constant 0 : i32
      %dma_wait3A_196 = tpu.memref_slice %arg5[%dma_wait3A_195] : memref<320000xi32, #tpu.memory_space<hbm>> -> memref<40xi32, #tpu.memory_space<hbm>>
      tpu.wait_dma2 semaphore(%arg23 : memref<!tpu.dma_semaphore, #tpu.memory_space<semaphore_mem>>) src(%dma_wait3A_196 : memref<40xi32, #tpu.memory_space<hbm>>) dst(%arg12 : memref<40xi32, #tpu.memory_space<vmem>>)
      %dma_wait3A_197 = arith.constant 0 : i32
      %dma_wait3A_198 = tpu.memref_slice %arg5[%dma_wait3A_197] : memref<320000xi32, #tpu.memory_space<hbm>> -> memref<40xi32, #tpu.memory_space<hbm>>
      %dma_wait3A_199 = arith.constant 0 : i32
      %dma_wait3A_200 = tpu.memref_slice %arg5[%dma_wait3A_199] : memref<320000xi32, #tpu.memory_space<hbm>> -> memref<40xi32, #tpu.memory_space<hbm>>
      tpu.wait_dma2 semaphore(%arg23 : memref<!tpu.dma_semaphore, #tpu.memory_space<semaphore_mem>>) src(%dma_wait3A_200 : memref<40xi32, #tpu.memory_space<hbm>>) dst(%arg14 : memref<40xi32, #tpu.memory_space<vmem>>)
      %add3A_201 = arith.addi %mul3A_56, %mul3A_186 : i32
      %mul3A_202 = arith.constant 40 : i32
      %mul3A_203 = arith.muli %add3A_201, %mul3A_202 : i32
      %dma_start3A_204 = arith.constant 0 : i32
      %dma_start3A_205 = tpu.memref_slice %arg2[%mul3A_203, %dma_start3A_204] : memref<320000x128xf32, #tpu.memory_space<hbm>> -> memref<40x128xf32, #tpu.memory_space<hbm>>
      %dma_start3A_206 = arith.constant 0 : i32
      %dma_start3A_207 = tpu.memref_slice %arg2[%mul3A_203, %dma_start3A_206] : memref<320000x128xf32, #tpu.memory_space<hbm>> -> memref<40x128xf32, #tpu.memory_space<hbm>>
      tpu.enqueue_dma source(%dma_start3A_207 : memref<40x128xf32, #tpu.memory_space<hbm>>) target(%arg16 : memref<40x128xf32, #tpu.memory_space<vmem>>) target_semaphore(%arg25 : memref<!tpu.dma_semaphore, #tpu.memory_space<semaphore_mem>>)
      %dma_start3A_208 = arith.constant 0 : i32
      %dma_start3A_209 = arith.constant 0 : i32
      %dma_start3A_210 = tpu.memref_slice %arg3[%dma_start3A_208, %dma_start3A_209] : memref<10000x128xf32, #tpu.memory_space<hbm>> -> memref<10000x128xf32, #tpu.memory_space<hbm>>
      tpu.enqueue_indirect_dma source(%dma_start3A_210 : memref<10000x128xf32, #tpu.memory_space<hbm>>) target(%arg18 : memref<40x128xf32, #tpu.memory_space<vmem>>) offsets(%arg10 : memref<40xi32, #tpu.memory_space<vmem>>) semaphore(%arg25 : memref<!tpu.dma_semaphore, #tpu.memory_space<semaphore_mem>>)
      %dma_start3A_211 = arith.constant 0 : i32
      %dma_start3A_212 = arith.constant 0 : i32
      %dma_start3A_213 = tpu.memref_slice %arg4[%dma_start3A_211, %dma_start3A_212] : memref<320000x128xf32, #tpu.memory_space<hbm>> -> memref<320000x128xf32, #tpu.memory_space<hbm>>
      tpu.enqueue_indirect_dma source(%dma_start3A_213 : memref<320000x128xf32, #tpu.memory_space<hbm>>) target(%arg20 : memref<40x128xf32, #tpu.memory_space<vmem>>) offsets(%arg12 : memref<40xi32, #tpu.memory_space<vmem>>) semaphore(%arg25 : memref<!tpu.dma_semaphore, #tpu.memory_space<semaphore_mem>>)
      %add3A_214 = arith.constant 1 : i32
      %add3A_215 = arith.addi %mul3A_186, %add3A_214 : i32
      %add3A_216 = arith.addi %mul3A_56, %add3A_215 : i32
      %mul3A_217 = arith.constant 40 : i32
      %mul3A_218 = arith.muli %add3A_216, %mul3A_217 : i32
      %dma_start3A_219 = tpu.memref_slice %arg5[%mul3A_218] : memref<320000xi32, #tpu.memory_space<hbm>> -> memref<40xi32, #tpu.memory_space<hbm>>
      %dma_start3A_220 = tpu.memref_slice %arg5[%mul3A_218] : memref<320000xi32, #tpu.memory_space<hbm>> -> memref<40xi32, #tpu.memory_space<hbm>>
      tpu.enqueue_dma source(%dma_start3A_220 : memref<40xi32, #tpu.memory_space<hbm>>) target(%arg11 : memref<40xi32, #tpu.memory_space<vmem>>) target_semaphore(%arg24 : memref<!tpu.dma_semaphore, #tpu.memory_space<semaphore_mem>>)
      %dma_start3A_221 = tpu.memref_slice %arg6[%mul3A_218] : memref<320000xi32, #tpu.memory_space<hbm>> -> memref<40xi32, #tpu.memory_space<hbm>>
      %dma_start3A_222 = tpu.memref_slice %arg6[%mul3A_218] : memref<320000xi32, #tpu.memory_space<hbm>> -> memref<40xi32, #tpu.memory_space<hbm>>
      tpu.enqueue_dma source(%dma_start3A_222 : memref<40xi32, #tpu.memory_space<hbm>>) target(%arg13 : memref<40xi32, #tpu.memory_space<vmem>>) target_semaphore(%arg24 : memref<!tpu.dma_semaphore, #tpu.memory_space<semaphore_mem>>)
      %sub3A_223 = arith.constant 1 : i32
      %sub3A_224 = arith.subi %mul3A_186, %sub3A_223 : i32
      %scan3A_225 = arith.constant 0 : i32
      %scan3A_226 = arith.constant 0 : i32
      %scan3A_227 = arith.constant 40 : i32
      %scan3A_228 = arith.addi %scan3A_226, %scan3A_227 : i32
      %scan3A_229 = arith.constant 1 : i32
      scf.for %scan3A_308 = %scan3A_226 to %scan3A_228 step %scan3A_229  : i32 {
        %get3A = arith.index_cast %scan3A_308 : i32 to index
        %get3A_309 = arith.constant 0 : index
        %get3A_310 = tpu.vector_load %arg17[%get3A, %get3A_309] {strides = array<i32>} : memref<40x128xf32, #tpu.memory_space<vmem>>, vector<1x16xf32>,
        %get3A_311 = vector.shape_cast %get3A_310 : vector<1x16xf32> to vector<16xf32>
        %get3A_312 = arith.index_cast %scan3A_308 : i32 to index
        %get3A_313 = arith.constant 0 : index
        %get3A_314 = tpu.vector_load %arg19[%get3A_312, %get3A_313] {strides = array<i32>} : memref<40x128xf32, #tpu.memory_space<vmem>>, vector<1x16xf32>,
        %get3A_315 = vector.shape_cast %get3A_314 : vector<1x16xf32> to vector<16xf32>
        %add3A_316 = arith.addf %get3A_311, %get3A_315 : vector<16xf32>
        %get3A_317 = arith.index_cast %scan3A_308 : i32 to index
        %get3A_318 = arith.constant 0 : index
        %get3A_319 = tpu.vector_load %arg21[%get3A_317, %get3A_318] {strides = array<i32>} : memref<40x128xf32, #tpu.memory_space<vmem>>, vector<1x16xf32>,
        %get3A_320 = vector.shape_cast %get3A_319 : vector<1x16xf32> to vector<16xf32>
        %sub3A_321 = arith.subf %add3A_316, %get3A_320 : vector<16xf32>
        %max3A = arith.constant 0.000000e+00 : f32
        %max3A_322 = vector.broadcast %max3A : f32 to vector<16xf32>
        %max3A_323 = arith.maximumf %sub3A_321, %max3A_322 : vector<16xf32>
        %swap3A = arith.index_cast %scan3A_308 : i32 to index
        %swap3A_324 = arith.constant 0 : index
        %swap3A_325 = tpu.vector_load %arg19[%swap3A, %swap3A_324] {strides = array<i32>} : memref<40x128xf32, #tpu.memory_space<vmem>>, vector<1x16xf32>,
        %swap3A_326 = vector.shape_cast %swap3A_325 : vector<1x16xf32> to vector<16xf32>
        %swap3A_327 = vector.shape_cast %max3A_323 : vector<16xf32> to vector<1x16xf32>
        tpu.vector_store %arg19[%swap3A, %swap3A_324], %swap3A_327 {strides = array<i32>} : memref<40x128xf32, #tpu.memory_space<vmem>>, vector<1x16xf32>,
        %get3A_328 = arith.index_cast %scan3A_308 : i32 to index
        %get3A_329 = arith.constant 16 : index
        %get3A_330 = tpu.vector_load %arg17[%get3A_328, %get3A_329] {strides = array<i32>} : memref<40x128xf32, #tpu.memory_space<vmem>>, vector<1x16xf32>,
        %get3A_331 = vector.shape_cast %get3A_330 : vector<1x16xf32> to vector<16xf32>
        %get3A_332 = arith.index_cast %scan3A_308 : i32 to index
        %get3A_333 = arith.constant 16 : index
        %get3A_334 = tpu.vector_load %arg19[%get3A_332, %get3A_333] {strides = array<i32>} : memref<40x128xf32, #tpu.memory_space<vmem>>, vector<1x16xf32>,
        %get3A_335 = vector.shape_cast %get3A_334 : vector<1x16xf32> to vector<16xf32>
        %add3A_336 = arith.addf %get3A_331, %get3A_335 : vector<16xf32>
        %get3A_337 = arith.index_cast %scan3A_308 : i32 to index
        %get3A_338 = arith.constant 16 : index
        %get3A_339 = tpu.vector_load %arg21[%get3A_337, %get3A_338] {strides = array<i32>} : memref<40x128xf32, #tpu.memory_space<vmem>>, vector<1x16xf32>,
        %get3A_340 = vector.shape_cast %get3A_339 : vector<1x16xf32> to vector<16xf32>
        %sub3A_341 = arith.subf %add3A_336, %get3A_340 : vector<16xf32>
        %max3A_342 = arith.constant 0.000000e+00 : f32
        %max3A_343 = vector.broadcast %max3A_342 : f32 to vector<16xf32>
        %max3A_344 = arith.maximumf %sub3A_341, %max3A_343 : vector<16xf32>
        %swap3A_345 = arith.index_cast %scan3A_308 : i32 to index
        %swap3A_346 = arith.constant 16 : index
        %swap3A_347 = tpu.vector_load %arg19[%swap3A_345, %swap3A_346] {strides = array<i32>} : memref<40x128xf32, #tpu.memory_space<vmem>>, vector<1x16xf32>,
        %swap3A_348 = vector.shape_cast %swap3A_347 : vector<1x16xf32> to vector<16xf32>
        %swap3A_349 = vector.shape_cast %max3A_344 : vector<16xf32> to vector<1x16xf32>
        tpu.vector_store %arg19[%swap3A_345, %swap3A_346], %swap3A_349 {strides = array<i32>} : memref<40x128xf32, #tpu.memory_space<vmem>>, vector<1x16xf32>,
        %get3A_350 = arith.index_cast %scan3A_308 : i32 to index
        %get3A_351 = arith.constant 32 : index
        %get3A_352 = tpu.vector_load %arg17[%get3A_350, %get3A_351] {strides = array<i32>} : memref<40x128xf32, #tpu.memory_space<vmem>>, vector<1x16xf32>,
        %get3A_353 = vector.shape_cast %get3A_352 : vector<1x16xf32> to vector<16xf32>
        %get3A_354 = arith.index_cast %scan3A_308 : i32 to index
        %get3A_355 = arith.constant 32 : index
        %get3A_356 = tpu.vector_load %arg19[%get3A_354, %get3A_355] {strides = array<i32>} : memref<40x128xf32, #tpu.memory_space<vmem>>, vector<1x16xf32>,
        %get3A_357 = vector.shape_cast %get3A_356 : vector<1x16xf32> to vector<16xf32>
        %add3A_358 = arith.addf %get3A_353, %get3A_357 : vector<16xf32>
        %get3A_359 = arith.index_cast %scan3A_308 : i32 to index
        %get3A_360 = arith.constant 32 : index
        %get3A_361 = tpu.vector_load %arg21[%get3A_359, %get3A_360] {strides = array<i32>} : memref<40x128xf32, #tpu.memory_space<vmem>>, vector<1x16xf32>,
        %get3A_362 = vector.shape_cast %get3A_361 : vector<1x16xf32> to vector<16xf32>
        %sub3A_363 = arith.subf %add3A_358, %get3A_362 : vector<16xf32>
        %max3A_364 = arith.constant 0.000000e+00 : f32
        %max3A_365 = vector.broadcast %max3A_364 : f32 to vector<16xf32>
        %max3A_366 = arith.maximumf %sub3A_363, %max3A_365 : vector<16xf32>
        %swap3A_367 = arith.index_cast %scan3A_308 : i32 to index
        %swap3A_368 = arith.constant 32 : index
        %swap3A_369 = tpu.vector_load %arg19[%swap3A_367, %swap3A_368] {strides = array<i32>} : memref<40x128xf32, #tpu.memory_space<vmem>>, vector<1x16xf32>,
        %swap3A_370 = vector.shape_cast %swap3A_369 : vector<1x16xf32> to vector<16xf32>
        %swap3A_371 = vector.shape_cast %max3A_366 : vector<16xf32> to vector<1x16xf32>
        tpu.vector_store %arg19[%swap3A_367, %swap3A_368], %swap3A_371 {strides = array<i32>} : memref<40x128xf32, #tpu.memory_space<vmem>>, vector<1x16xf32>,
        %get3A_372 = arith.index_cast %scan3A_308 : i32 to index
        %get3A_373 = arith.constant 48 : index
        %get3A_374 = tpu.vector_load %arg17[%get3A_372, %get3A_373] {strides = array<i32>} : memref<40x128xf32, #tpu.memory_space<vmem>>, vector<1x16xf32>,
        %get3A_375 = vector.shape_cast %get3A_374 : vector<1x16xf32> to vector<16xf32>
        %get3A_376 = arith.index_cast %scan3A_308 : i32 to index
        %get3A_377 = arith.constant 48 : index
        %get3A_378 = tpu.vector_load %arg19[%get3A_376, %get3A_377] {strides = array<i32>} : memref<40x128xf32, #tpu.memory_space<vmem>>, vector<1x16xf32>,
        %get3A_379 = vector.shape_cast %get3A_378 : vector<1x16xf32> to vector<16xf32>
        %add3A_380 = arith.addf %get3A_375, %get3A_379 : vector<16xf32>
        %get3A_381 = arith.index_cast %scan3A_308 : i32 to index
        %get3A_382 = arith.constant 48 : index
        %get3A_383 = tpu.vector_load %arg21[%get3A_381, %get3A_382] {strides = array<i32>} : memref<40x128xf32, #tpu.memory_space<vmem>>, vector<1x16xf32>,
        %get3A_384 = vector.shape_cast %get3A_383 : vector<1x16xf32> to vector<16xf32>
        %sub3A_385 = arith.subf %add3A_380, %get3A_384 : vector<16xf32>
        %max3A_386 = arith.constant 0.000000e+00 : f32
        %max3A_387 = vector.broadcast %max3A_386 : f32 to vector<16xf32>
        %max3A_388 = arith.maximumf %sub3A_385, %max3A_387 : vector<16xf32>
        %swap3A_389 = arith.index_cast %scan3A_308 : i32 to index
        %swap3A_390 = arith.constant 48 : index
        %swap3A_391 = tpu.vector_load %arg19[%swap3A_389, %swap3A_390] {strides = array<i32>} : memref<40x128xf32, #tpu.memory_space<vmem>>, vector<1x16xf32>,
        %swap3A_392 = vector.shape_cast %swap3A_391 : vector<1x16xf32> to vector<16xf32>
        %swap3A_393 = vector.shape_cast %max3A_388 : vector<16xf32> to vector<1x16xf32>
        tpu.vector_store %arg19[%swap3A_389, %swap3A_390], %swap3A_393 {strides = array<i32>} : memref<40x128xf32, #tpu.memory_space<vmem>>, vector<1x16xf32>,
        %get3A_394 = arith.index_cast %scan3A_308 : i32 to index
        %get3A_395 = arith.constant 64 : index
        %get3A_396 = tpu.vector_load %arg17[%get3A_394, %get3A_395] {strides = array<i32>} : memref<40x128xf32, #tpu.memory_space<vmem>>, vector<1x16xf32>,
        %get3A_397 = vector.shape_cast %get3A_396 : vector<1x16xf32> to vector<16xf32>
        %get3A_398 = arith.index_cast %scan3A_308 : i32 to index
        %get3A_399 = arith.constant 64 : index
        %get3A_400 = tpu.vector_load %arg19[%get3A_398, %get3A_399] {strides = array<i32>} : memref<40x128xf32, #tpu.memory_space<vmem>>, vector<1x16xf32>,
        %get3A_401 = vector.shape_cast %get3A_400 : vector<1x16xf32> to vector<16xf32>
        %add3A_402 = arith.addf %get3A_397, %get3A_401 : vector<16xf32>
        %get3A_403 = arith.index_cast %scan3A_308 : i32 to index
        %get3A_404 = arith.constant 64 : index
        %get3A_405 = tpu.vector_load %arg21[%get3A_403, %get3A_404] {strides = array<i32>} : memref<40x128xf32, #tpu.memory_space<vmem>>, vector<1x16xf32>,
        %get3A_406 = vector.shape_cast %get3A_405 : vector<1x16xf32> to vector<16xf32>
        %sub3A_407 = arith.subf %add3A_402, %get3A_406 : vector<16xf32>
        %max3A_408 = arith.constant 0.000000e+00 : f32
        %max3A_409 = vector.broadcast %max3A_408 : f32 to vector<16xf32>
        %max3A_410 = arith.maximumf %sub3A_407, %max3A_409 : vector<16xf32>
        %swap3A_411 = arith.index_cast %scan3A_308 : i32 to index
        %swap3A_412 = arith.constant 64 : index
        %swap3A_413 = tpu.vector_load %arg19[%swap3A_411, %swap3A_412] {strides = array<i32>} : memref<40x128xf32, #tpu.memory_space<vmem>>, vector<1x16xf32>,
        %swap3A_414 = vector.shape_cast %swap3A_413 : vector<1x16xf32> to vector<16xf32>
        %swap3A_415 = vector.shape_cast %max3A_410 : vector<16xf32> to vector<1x16xf32>
        tpu.vector_store %arg19[%swap3A_411, %swap3A_412], %swap3A_415 {strides = array<i32>} : memref<40x128xf32, #tpu.memory_space<vmem>>, vector<1x16xf32>,
        %get3A_416 = arith.index_cast %scan3A_308 : i32 to index
        %get3A_417 = arith.constant 80 : index
        %get3A_418 = tpu.vector_load %arg17[%get3A_416, %get3A_417] {strides = array<i32>} : memref<40x128xf32, #tpu.memory_space<vmem>>, vector<1x16xf32>,
        %get3A_419 = vector.shape_cast %get3A_418 : vector<1x16xf32> to vector<16xf32>
        %get3A_420 = arith.index_cast %scan3A_308 : i32 to index
        %get3A_421 = arith.constant 80 : index
        %get3A_422 = tpu.vector_load %arg19[%get3A_420, %get3A_421] {strides = array<i32>} : memref<40x128xf32, #tpu.memory_space<vmem>>, vector<1x16xf32>,
        %get3A_423 = vector.shape_cast %get3A_422 : vector<1x16xf32> to vector<16xf32>
        %add3A_424 = arith.addf %get3A_419, %get3A_423 : vector<16xf32>
        %get3A_425 = arith.index_cast %scan3A_308 : i32 to index
        %get3A_426 = arith.constant 80 : index
        %get3A_427 = tpu.vector_load %arg21[%get3A_425, %get3A_426] {strides = array<i32>} : memref<40x128xf32, #tpu.memory_space<vmem>>, vector<1x16xf32>,
        %get3A_428 = vector.shape_cast %get3A_427 : vector<1x16xf32> to vector<16xf32>
        %sub3A_429 = arith.subf %add3A_424, %get3A_428 : vector<16xf32>
        %max3A_430 = arith.constant 0.000000e+00 : f32
        %max3A_431 = vector.broadcast %max3A_430 : f32 to vector<16xf32>
        %max3A_432 = arith.maximumf %sub3A_429, %max3A_431 : vector<16xf32>
        %swap3A_433 = arith.index_cast %scan3A_308 : i32 to index
        %swap3A_434 = arith.constant 80 : index
        %swap3A_435 = tpu.vector_load %arg19[%swap3A_433, %swap3A_434] {strides = array<i32>} : memref<40x128xf32, #tpu.memory_space<vmem>>, vector<1x16xf32>,
        %swap3A_436 = vector.shape_cast %swap3A_435 : vector<1x16xf32> to vector<16xf32>
        %swap3A_437 = vector.shape_cast %max3A_432 : vector<16xf32> to vector<1x16xf32>
        tpu.vector_store %arg19[%swap3A_433, %swap3A_434], %swap3A_437 {strides = array<i32>} : memref<40x128xf32, #tpu.memory_space<vmem>>, vector<1x16xf32>,
        %get3A_438 = arith.index_cast %scan3A_308 : i32 to index
        %get3A_439 = arith.constant 96 : index
        %get3A_440 = tpu.vector_load %arg17[%get3A_438, %get3A_439] {strides = array<i32>} : memref<40x128xf32, #tpu.memory_space<vmem>>, vector<1x16xf32>,
        %get3A_441 = vector.shape_cast %get3A_440 : vector<1x16xf32> to vector<16xf32>
        %get3A_442 = arith.index_cast %scan3A_308 : i32 to index
        %get3A_443 = arith.constant 96 : index
        %get3A_444 = tpu.vector_load %arg19[%get3A_442, %get3A_443] {strides = array<i32>} : memref<40x128xf32, #tpu.memory_space<vmem>>, vector<1x16xf32>,
        %get3A_445 = vector.shape_cast %get3A_444 : vector<1x16xf32> to vector<16xf32>
        %add3A_446 = arith.addf %get3A_441, %get3A_445 : vector<16xf32>
        %get3A_447 = arith.index_cast %scan3A_308 : i32 to index
        %get3A_448 = arith.constant 96 : index
        %get3A_449 = tpu.vector_load %arg21[%get3A_447, %get3A_448] {strides = array<i32>} : memref<40x128xf32, #tpu.memory_space<vmem>>, vector<1x16xf32>,
        %get3A_450 = vector.shape_cast %get3A_449 : vector<1x16xf32> to vector<16xf32>
        %sub3A_451 = arith.subf %add3A_446, %get3A_450 : vector<16xf32>
        %max3A_452 = arith.constant 0.000000e+00 : f32
        %max3A_453 = vector.broadcast %max3A_452 : f32 to vector<16xf32>
        %max3A_454 = arith.maximumf %sub3A_451, %max3A_453 : vector<16xf32>
        %swap3A_455 = arith.index_cast %scan3A_308 : i32 to index
        %swap3A_456 = arith.constant 96 : index
        %swap3A_457 = tpu.vector_load %arg19[%swap3A_455, %swap3A_456] {strides = array<i32>} : memref<40x128xf32, #tpu.memory_space<vmem>>, vector<1x16xf32>,
        %swap3A_458 = vector.shape_cast %swap3A_457 : vector<1x16xf32> to vector<16xf32>
        %swap3A_459 = vector.shape_cast %max3A_454 : vector<16xf32> to vector<1x16xf32>
        tpu.vector_store %arg19[%swap3A_455, %swap3A_456], %swap3A_459 {strides = array<i32>} : memref<40x128xf32, #tpu.memory_space<vmem>>, vector<1x16xf32>,
        %get3A_460 = arith.index_cast %scan3A_308 : i32 to index
        %get3A_461 = arith.constant 112 : index
        %get3A_462 = tpu.vector_load %arg17[%get3A_460, %get3A_461] {strides = array<i32>} : memref<40x128xf32, #tpu.memory_space<vmem>>, vector<1x16xf32>,
        %get3A_463 = vector.shape_cast %get3A_462 : vector<1x16xf32> to vector<16xf32>
        %get3A_464 = arith.index_cast %scan3A_308 : i32 to index
        %get3A_465 = arith.constant 112 : index
        %get3A_466 = tpu.vector_load %arg19[%get3A_464, %get3A_465] {strides = array<i32>} : memref<40x128xf32, #tpu.memory_space<vmem>>, vector<1x16xf32>,
        %get3A_467 = vector.shape_cast %get3A_466 : vector<1x16xf32> to vector<16xf32>
        %add3A_468 = arith.addf %get3A_463, %get3A_467 : vector<16xf32>
        %get3A_469 = arith.index_cast %scan3A_308 : i32 to index
        %get3A_470 = arith.constant 112 : index
        %get3A_471 = tpu.vector_load %arg21[%get3A_469, %get3A_470] {strides = array<i32>} : memref<40x128xf32, #tpu.memory_space<vmem>>, vector<1x16xf32>,
        %get3A_472 = vector.shape_cast %get3A_471 : vector<1x16xf32> to vector<16xf32>
        %sub3A_473 = arith.subf %add3A_468, %get3A_472 : vector<16xf32>
        %max3A_474 = arith.constant 0.000000e+00 : f32
        %max3A_475 = vector.broadcast %max3A_474 : f32 to vector<16xf32>
        %max3A_476 = arith.maximumf %sub3A_473, %max3A_475 : vector<16xf32>
        %swap3A_477 = arith.index_cast %scan3A_308 : i32 to index
        %swap3A_478 = arith.constant 112 : index
        %swap3A_479 = tpu.vector_load %arg19[%swap3A_477, %swap3A_478] {strides = array<i32>} : memref<40x128xf32, #tpu.memory_space<vmem>>, vector<1x16xf32>,
        %swap3A_480 = vector.shape_cast %swap3A_479 : vector<1x16xf32> to vector<16xf32>
        %swap3A_481 = vector.shape_cast %max3A_476 : vector<16xf32> to vector<1x16xf32>
        tpu.vector_store %arg19[%swap3A_477, %swap3A_478], %swap3A_481 {strides = array<i32>} : memref<40x128xf32, #tpu.memory_space<vmem>>, vector<1x16xf32>,
      }
      %scan3A_230 = arith.constant 40 : i32
      %dma_start3A_231 = arith.constant 0 : i32
      %dma_start3A_232 = arith.constant 0 : i32
      %dma_start3A_233 = tpu.memref_slice %arg22[%dma_start3A_231, %dma_start3A_232] : memref<10000x128xf32, #tpu.memory_space<vmem_shared>> -> memref<10000x128xf32, #tpu.memory_space<vmem_shared>>
      tpu.enqueue_indirect_dma source(%arg19 : memref<40x128xf32, #tpu.memory_space<vmem>>) target(%dma_start3A_233 : memref<10000x128xf32, #tpu.memory_space<vmem_shared>>) offsets(%arg15 : memref<40xi32, #tpu.memory_space<vmem>>) semaphore(%arg28 : memref<!tpu.dma_semaphore, #tpu.memory_space<semaphore_mem>>) {add = true}
      %dma_wait3A_234 = arith.constant 0 : i32
      %dma_wait3A_235 = tpu.memref_slice %arg2[%mul3A_203, %dma_wait3A_234] : memref<320000x128xf32, #tpu.memory_space<hbm>> -> memref<40x128xf32, #tpu.memory_space<hbm>>
      %dma_wait3A_236 = arith.constant 0 : i32
      %dma_wait3A_237 = tpu.memref_slice %arg2[%mul3A_203, %dma_wait3A_236] : memref<320000x128xf32, #tpu.memory_space<hbm>> -> memref<40x128xf32, #tpu.memory_space<hbm>>
      tpu.wait_dma2 semaphore(%arg25 : memref<!tpu.dma_semaphore, #tpu.memory_space<semaphore_mem>>) src(%dma_wait3A_237 : memref<40x128xf32, #tpu.memory_space<hbm>>) dst(%arg16 : memref<40x128xf32, #tpu.memory_space<vmem>>)
      %dma_wait3A_238 = arith.constant 0 : i32
      %dma_wait3A_239 = arith.constant 0 : i32
      %dma_wait3A_240 = tpu.memref_slice %arg3[%dma_wait3A_238, %dma_wait3A_239] : memref<10000x128xf32, #tpu.memory_space<hbm>> -> memref<10000x128xf32, #tpu.memory_space<hbm>>
      tpu.wait_indirect_dma semaphore(%arg25 : memref<!tpu.dma_semaphore, #tpu.memory_space<semaphore_mem>>) src(%dma_wait3A_240 : memref<10000x128xf32, #tpu.memory_space<hbm>>) dst(%arg18 : memref<40x128xf32, #tpu.memory_space<vmem>>)
      %dma_wait3A_241 = arith.constant 0 : i32
      %dma_wait3A_242 = arith.constant 0 : i32
      %dma_wait3A_243 = tpu.memref_slice %arg4[%dma_wait3A_241, %dma_wait3A_242] : memref<320000x128xf32, #tpu.memory_space<hbm>> -> memref<320000x128xf32, #tpu.memory_space<hbm>>
      tpu.wait_indirect_dma semaphore(%arg25 : memref<!tpu.dma_semaphore, #tpu.memory_space<semaphore_mem>>) src(%dma_wait3A_243 : memref<320000x128xf32, #tpu.memory_space<hbm>>) dst(%arg20 : memref<40x128xf32, #tpu.memory_space<vmem>>)
      %dma_wait3A_244 = arith.constant 0 : i32
      %dma_wait3A_245 = arith.constant 0 : i32
      %dma_wait3A_246 = tpu.memref_slice %arg22[%dma_wait3A_244, %dma_wait3A_245] : memref<10000x128xf32, #tpu.memory_space<vmem_shared>> -> memref<10000x128xf32, #tpu.memory_space<vmem_shared>>
      tpu.wait_indirect_dma semaphore(%arg28 : memref<!tpu.dma_semaphore, #tpu.memory_space<semaphore_mem>>) src(%arg19 : memref<40x128xf32, #tpu.memory_space<vmem>>) dst(%dma_wait3A_246 : memref<10000x128xf32, #tpu.memory_space<vmem_shared>>)
      %add3A_247 = arith.constant 1 : i32
      %add3A_248 = arith.addi %mul3A_186, %add3A_247 : i32
      %add3A_249 = arith.addi %mul3A_56, %add3A_248 : i32
      %mul3A_250 = arith.constant 40 : i32
      %mul3A_251 = arith.muli %add3A_249, %mul3A_250 : i32
      %dma_start3A_252 = tpu.memref_slice %arg7[%mul3A_251] : memref<320000xi32, #tpu.memory_space<hbm>> -> memref<40xi32, #tpu.memory_space<hbm>>
      %dma_start3A_253 = tpu.memref_slice %arg7[%mul3A_251] : memref<320000xi32, #tpu.memory_space<hbm>> -> memref<40xi32, #tpu.memory_space<hbm>>
      tpu.enqueue_dma source(%dma_start3A_253 : memref<40xi32, #tpu.memory_space<hbm>>) target(%arg15 : memref<40xi32, #tpu.memory_space<vmem>>) target_semaphore(%arg24 : memref<!tpu.dma_semaphore, #tpu.memory_space<semaphore_mem>>)
      %dma_wait3A_254 = arith.constant 0 : i32
      %dma_wait3A_255 = tpu.memref_slice %arg5[%dma_wait3A_254] : memref<320000xi32, #tpu.memory_space<hbm>> -> memref<40xi32, #tpu.memory_space<hbm>>
      %dma_wait3A_256 = arith.constant 0 : i32
      %dma_wait3A_257 = tpu.memref_slice %arg5[%dma_wait3A_256] : memref<320000xi32, #tpu.memory_space<hbm>> -> memref<40xi32, #tpu.memory_space<hbm>>
      tpu.wait_dma2 semaphore(%arg24 : memref<!tpu.dma_semaphore, #tpu.memory_space<semaphore_mem>>) src(%dma_wait3A_257 : memref<40xi32, #tpu.memory_space<hbm>>) dst(%arg11 : memref<40xi32, #tpu.memory_space<vmem>>)
      %dma_wait3A_258 = arith.constant 0 : i32
      %dma_wait3A_259 = tpu.memref_slice %arg5[%dma_wait3A_258] : memref<320000xi32, #tpu.memory_space<hbm>> -> memref<40xi32, #tpu.memory_space<hbm>>
      %dma_wait3A_260 = arith.constant 0 : i32
      %dma_wait3A_261 = tpu.memref_slice %arg5[%dma_wait3A_260] : memref<320000xi32, #tpu.memory_space<hbm>> -> memref<40xi32, #tpu.memory_space<hbm>>
      tpu.wait_dma2 semaphore(%arg24 : memref<!tpu.dma_semaphore, #tpu.memory_space<semaphore_mem>>) src(%dma_wait3A_261 : memref<40xi32, #tpu.memory_space<hbm>>) dst(%arg13 : memref<40xi32, #tpu.memory_space<vmem>>)
      %dma_wait3A_262 = arith.constant 0 : i32
      %dma_wait3A_263 = tpu.memref_slice %arg5[%dma_wait3A_262] : memref<320000xi32, #tpu.memory_space<hbm>> -> memref<40xi32, #tpu.memory_space<hbm>>
      %dma_wait3A_264 = arith.constant 0 : i32
      %dma_wait3A_265 = tpu.memref_slice %arg5[%dma_wait3A_264] : memref<320000xi32, #tpu.memory_space<hbm>> -> memref<40xi32, #tpu.memory_space<hbm>>
      tpu.wait_dma2 semaphore(%arg24 : memref<!tpu.dma_semaphore, #tpu.memory_space<semaphore_mem>>) src(%dma_wait3A_265 : memref<40xi32, #tpu.memory_space<hbm>>) dst(%arg15 : memref<40xi32, #tpu.memory_space<vmem>>)
      %add3A_266 = arith.addi %mul3A_56, %add3A_188 : i32
      %mul3A_267 = arith.constant 40 : i32
      %mul3A_268 = arith.muli %add3A_266, %mul3A_267 : i32
      %dma_start3A_269 = arith.constant 0 : i32
      %dma_start3A_270 = tpu.memref_slice %arg2[%mul3A_268, %dma_start3A_269] : memref<320000x128xf32, #tpu.memory_space<hbm>> -> memref<40x128xf32, #tpu.memory_space<hbm>>
      %dma_start3A_271 = arith.constant 0 : i32
      %dma_start3A_272 = tpu.memref_slice %arg2[%mul3A_268, %dma_start3A_271] : memref<320000x128xf32, #tpu.memory_space<hbm>> -> memref<40x128xf32, #tpu.memory_space<hbm>>
      tpu.enqueue_dma source(%dma_start3A_272 : memref<40x128xf32, #tpu.memory_space<hbm>>) target(%arg17 : memref<40x128xf32, #tpu.memory_space<vmem>>) target_semaphore(%arg26 : memref<!tpu.dma_semaphore, #tpu.memory_space<semaphore_mem>>)
      %dma_start3A_273 = arith.constant 0 : i32
      %dma_start3A_274 = arith.constant 0 : i32
      %dma_start3A_275 = tpu.memref_slice %arg3[%dma_start3A_273, %dma_start3A_274] : memref<10000x128xf32, #tpu.memory_space<hbm>> -> memref<10000x128xf32, #tpu.memory_space<hbm>>
      tpu.enqueue_indirect_dma source(%dma_start3A_275 : memref<10000x128xf32, #tpu.memory_space<hbm>>) target(%arg19 : memref<40x128xf32, #tpu.memory_space<vmem>>) offsets(%arg11 : memref<40xi32, #tpu.memory_space<vmem>>) semaphore(%arg26 : memref<!tpu.dma_semaphore, #tpu.memory_space<semaphore_mem>>)
      %dma_start3A_276 = arith.constant 0 : i32
      %dma_start3A_277 = arith.constant 0 : i32
      %dma_start3A_278 = tpu.memref_slice %arg4[%dma_start3A_276, %dma_start3A_277] : memref<320000x128xf32, #tpu.memory_space<hbm>> -> memref<320000x128xf32, #tpu.memory_space<hbm>>
      tpu.enqueue_indirect_dma source(%dma_start3A_278 : memref<320000x128xf32, #tpu.memory_space<hbm>>) target(%arg21 : memref<40x128xf32, #tpu.memory_space<vmem>>) offsets(%arg13 : memref<40xi32, #tpu.memory_space<vmem>>) semaphore(%arg26 : memref<!tpu.dma_semaphore, #tpu.memory_space<semaphore_mem>>)
      %lt3A = arith.constant 124 : i32
      %lt3A_279 = arith.cmpi slt, %scan3A_184, %lt3A : i32
      %convert_element_type3A = arith.extui %lt3A_279 : i1 to i32
      %cond3A = arith.constant 0 : i32
      %cond3A_280 = arith.cmpi ne, %convert_element_type3A, %cond3A : i32
      scf.if %cond3A_280 {
        %add3A_308 = arith.constant 1 : i32
        %add3A_309 = arith.addi %add3A_188, %add3A_308 : i32
        %add3A_310 = arith.addi %mul3A_56, %add3A_309 : i32
        %mul3A_311 = arith.constant 40 : i32
        %mul3A_312 = arith.muli %add3A_310, %mul3A_311 : i32
        %dma_start3A_313 = tpu.memref_slice %arg5[%mul3A_312] : memref<320000xi32, #tpu.memory_space<hbm>> -> memref<40xi32, #tpu.memory_space<hbm>>
        %dma_start3A_314 = tpu.memref_slice %arg5[%mul3A_312] : memref<320000xi32, #tpu.memory_space<hbm>> -> memref<40xi32, #tpu.memory_space<hbm>>
        tpu.enqueue_dma source(%dma_start3A_314 : memref<40xi32, #tpu.memory_space<hbm>>) target(%arg10 : memref<40xi32, #tpu.memory_space<vmem>>) target_semaphore(%arg23 : memref<!tpu.dma_semaphore, #tpu.memory_space<semaphore_mem>>)
        %dma_start3A_315 = tpu.memref_slice %arg6[%mul3A_312] : memref<320000xi32, #tpu.memory_space<hbm>> -> memref<40xi32, #tpu.memory_space<hbm>>
        %dma_start3A_316 = tpu.memref_slice %arg6[%mul3A_312] : memref<320000xi32, #tpu.memory_space<hbm>> -> memref<40xi32, #tpu.memory_space<hbm>>
        tpu.enqueue_dma source(%dma_start3A_316 : memref<40xi32, #tpu.memory_space<hbm>>) target(%arg12 : memref<40xi32, #tpu.memory_space<vmem>>) target_semaphore(%arg23 : memref<!tpu.dma_semaphore, #tpu.memory_space<semaphore_mem>>)
      } else {
      }
      %scan3A_281 = arith.constant 0 : i32
      %scan3A_282 = arith.constant 0 : i32
      %scan3A_283 = arith.constant 40 : i32
      %scan3A_284 = arith.addi %scan3A_282, %scan3A_283 : i32
      %scan3A_285 = arith.constant 1 : i32
      scf.for %scan3A_308 = %scan3A_282 to %scan3A_284 step %scan3A_285  : i32 {
        %get3A = arith.index_cast %scan3A_308 : i32 to index
        %get3A_309 = arith.constant 0 : index
        %get3A_310 = tpu.vector_load %arg16[%get3A, %get3A_309] {strides = array<i32>} : memref<40x128xf32, #tpu.memory_space<vmem>>, vector<1x16xf32>,
        %get3A_311 = vector.shape_cast %get3A_310 : vector<1x16xf32> to vector<16xf32>
        %get3A_312 = arith.index_cast %scan3A_308 : i32 to index
        %get3A_313 = arith.constant 0 : index
        %get3A_314 = tpu.vector_load %arg18[%get3A_312, %get3A_313] {strides = array<i32>} : memref<40x128xf32, #tpu.memory_space<vmem>>, vector<1x16xf32>,
        %get3A_315 = vector.shape_cast %get3A_314 : vector<1x16xf32> to vector<16xf32>
        %add3A_316 = arith.addf %get3A_311, %get3A_315 : vector<16xf32>
        %get3A_317 = arith.index_cast %scan3A_308 : i32 to index
        %get3A_318 = arith.constant 0 : index
        %get3A_319 = tpu.vector_load %arg20[%get3A_317, %get3A_318] {strides = array<i32>} : memref<40x128xf32, #tpu.memory_space<vmem>>, vector<1x16xf32>,
        %get3A_320 = vector.shape_cast %get3A_319 : vector<1x16xf32> to vector<16xf32>
        %sub3A_321 = arith.subf %add3A_316, %get3A_320 : vector<16xf32>
        %max3A = arith.constant 0.000000e+00 : f32
        %max3A_322 = vector.broadcast %max3A : f32 to vector<16xf32>
        %max3A_323 = arith.maximumf %sub3A_321, %max3A_322 : vector<16xf32>
        %swap3A = arith.index_cast %scan3A_308 : i32 to index
        %swap3A_324 = arith.constant 0 : index
        %swap3A_325 = tpu.vector_load %arg18[%swap3A, %swap3A_324] {strides = array<i32>} : memref<40x128xf32, #tpu.memory_space<vmem>>, vector<1x16xf32>,
        %swap3A_326 = vector.shape_cast %swap3A_325 : vector<1x16xf32> to vector<16xf32>
        %swap3A_327 = vector.shape_cast %max3A_323 : vector<16xf32> to vector<1x16xf32>
        tpu.vector_store %arg18[%swap3A, %swap3A_324], %swap3A_327 {strides = array<i32>} : memref<40x128xf32, #tpu.memory_space<vmem>>, vector<1x16xf32>,
        %get3A_328 = arith.index_cast %scan3A_308 : i32 to index
        %get3A_329 = arith.constant 16 : index
        %get3A_330 = tpu.vector_load %arg16[%get3A_328, %get3A_329] {strides = array<i32>} : memref<40x128xf32, #tpu.memory_space<vmem>>, vector<1x16xf32>,
        %get3A_331 = vector.shape_cast %get3A_330 : vector<1x16xf32> to vector<16xf32>
        %get3A_332 = arith.index_cast %scan3A_308 : i32 to index
        %get3A_333 = arith.constant 16 : index
        %get3A_334 = tpu.vector_load %arg18[%get3A_332, %get3A_333] {strides = array<i32>} : memref<40x128xf32, #tpu.memory_space<vmem>>, vector<1x16xf32>,
        %get3A_335 = vector.shape_cast %get3A_334 : vector<1x16xf32> to vector<16xf32>
        %add3A_336 = arith.addf %get3A_331, %get3A_335 : vector<16xf32>
        %get3A_337 = arith.index_cast %scan3A_308 : i32 to index
        %get3A_338 = arith.constant 16 : index
        %get3A_339 = tpu.vector_load %arg20[%get3A_337, %get3A_338] {strides = array<i32>} : memref<40x128xf32, #tpu.memory_space<vmem>>, vector<1x16xf32>,
        %get3A_340 = vector.shape_cast %get3A_339 : vector<1x16xf32> to vector<16xf32>
        %sub3A_341 = arith.subf %add3A_336, %get3A_340 : vector<16xf32>
        %max3A_342 = arith.constant 0.000000e+00 : f32
        %max3A_343 = vector.broadcast %max3A_342 : f32 to vector<16xf32>
        %max3A_344 = arith.maximumf %sub3A_341, %max3A_343 : vector<16xf32>
        %swap3A_345 = arith.index_cast %scan3A_308 : i32 to index
        %swap3A_346 = arith.constant 16 : index
        %swap3A_347 = tpu.vector_load %arg18[%swap3A_345, %swap3A_346] {strides = array<i32>} : memref<40x128xf32, #tpu.memory_space<vmem>>, vector<1x16xf32>,
        %swap3A_348 = vector.shape_cast %swap3A_347 : vector<1x16xf32> to vector<16xf32>
        %swap3A_349 = vector.shape_cast %max3A_344 : vector<16xf32> to vector<1x16xf32>
        tpu.vector_store %arg18[%swap3A_345, %swap3A_346], %swap3A_349 {strides = array<i32>} : memref<40x128xf32, #tpu.memory_space<vmem>>, vector<1x16xf32>,
        %get3A_350 = arith.index_cast %scan3A_308 : i32 to index
        %get3A_351 = arith.constant 32 : index
        %get3A_352 = tpu.vector_load %arg16[%get3A_350, %get3A_351] {strides = array<i32>} : memref<40x128xf32, #tpu.memory_space<vmem>>, vector<1x16xf32>,
        %get3A_353 = vector.shape_cast %get3A_352 : vector<1x16xf32> to vector<16xf32>
        %get3A_354 = arith.index_cast %scan3A_308 : i32 to index
        %get3A_355 = arith.constant 32 : index
        %get3A_356 = tpu.vector_load %arg18[%get3A_354, %get3A_355] {strides = array<i32>} : memref<40x128xf32, #tpu.memory_space<vmem>>, vector<1x16xf32>,
        %get3A_357 = vector.shape_cast %get3A_356 : vector<1x16xf32> to vector<16xf32>
        %add3A_358 = arith.addf %get3A_353, %get3A_357 : vector<16xf32>
        %get3A_359 = arith.index_cast %scan3A_308 : i32 to index
        %get3A_360 = arith.constant 32 : index
        %get3A_361 = tpu.vector_load %arg20[%get3A_359, %get3A_360] {strides = array<i32>} : memref<40x128xf32, #tpu.memory_space<vmem>>, vector<1x16xf32>,
        %get3A_362 = vector.shape_cast %get3A_361 : vector<1x16xf32> to vector<16xf32>
        %sub3A_363 = arith.subf %add3A_358, %get3A_362 : vector<16xf32>
        %max3A_364 = arith.constant 0.000000e+00 : f32
        %max3A_365 = vector.broadcast %max3A_364 : f32 to vector<16xf32>
        %max3A_366 = arith.maximumf %sub3A_363, %max3A_365 : vector<16xf32>
        %swap3A_367 = arith.index_cast %scan3A_308 : i32 to index
        %swap3A_368 = arith.constant 32 : index
        %swap3A_369 = tpu.vector_load %arg18[%swap3A_367, %swap3A_368] {strides = array<i32>} : memref<40x128xf32, #tpu.memory_space<vmem>>, vector<1x16xf32>,
        %swap3A_370 = vector.shape_cast %swap3A_369 : vector<1x16xf32> to vector<16xf32>
        %swap3A_371 = vector.shape_cast %max3A_366 : vector<16xf32> to vector<1x16xf32>
        tpu.vector_store %arg18[%swap3A_367, %swap3A_368], %swap3A_371 {strides = array<i32>} : memref<40x128xf32, #tpu.memory_space<vmem>>, vector<1x16xf32>,
        %get3A_372 = arith.index_cast %scan3A_308 : i32 to index
        %get3A_373 = arith.constant 48 : index
        %get3A_374 = tpu.vector_load %arg16[%get3A_372, %get3A_373] {strides = array<i32>} : memref<40x128xf32, #tpu.memory_space<vmem>>, vector<1x16xf32>,
        %get3A_375 = vector.shape_cast %get3A_374 : vector<1x16xf32> to vector<16xf32>
        %get3A_376 = arith.index_cast %scan3A_308 : i32 to index
        %get3A_377 = arith.constant 48 : index
        %get3A_378 = tpu.vector_load %arg18[%get3A_376, %get3A_377] {strides = array<i32>} : memref<40x128xf32, #tpu.memory_space<vmem>>, vector<1x16xf32>,
        %get3A_379 = vector.shape_cast %get3A_378 : vector<1x16xf32> to vector<16xf32>
        %add3A_380 = arith.addf %get3A_375, %get3A_379 : vector<16xf32>
        %get3A_381 = arith.index_cast %scan3A_308 : i32 to index
        %get3A_382 = arith.constant 48 : index
        %get3A_383 = tpu.vector_load %arg20[%get3A_381, %get3A_382] {strides = array<i32>} : memref<40x128xf32, #tpu.memory_space<vmem>>, vector<1x16xf32>,
        %get3A_384 = vector.shape_cast %get3A_383 : vector<1x16xf32> to vector<16xf32>
        %sub3A_385 = arith.subf %add3A_380, %get3A_384 : vector<16xf32>
        %max3A_386 = arith.constant 0.000000e+00 : f32
        %max3A_387 = vector.broadcast %max3A_386 : f32 to vector<16xf32>
        %max3A_388 = arith.maximumf %sub3A_385, %max3A_387 : vector<16xf32>
        %swap3A_389 = arith.index_cast %scan3A_308 : i32 to index
        %swap3A_390 = arith.constant 48 : index
        %swap3A_391 = tpu.vector_load %arg18[%swap3A_389, %swap3A_390] {strides = array<i32>} : memref<40x128xf32, #tpu.memory_space<vmem>>, vector<1x16xf32>,
        %swap3A_392 = vector.shape_cast %swap3A_391 : vector<1x16xf32> to vector<16xf32>
        %swap3A_393 = vector.shape_cast %max3A_388 : vector<16xf32> to vector<1x16xf32>
        tpu.vector_store %arg18[%swap3A_389, %swap3A_390], %swap3A_393 {strides = array<i32>} : memref<40x128xf32, #tpu.memory_space<vmem>>, vector<1x16xf32>,
        %get3A_394 = arith.index_cast %scan3A_308 : i32 to index
        %get3A_395 = arith.constant 64 : index
        %get3A_396 = tpu.vector_load %arg16[%get3A_394, %get3A_395] {strides = array<i32>} : memref<40x128xf32, #tpu.memory_space<vmem>>, vector<1x16xf32>,
        %get3A_397 = vector.shape_cast %get3A_396 : vector<1x16xf32> to vector<16xf32>
        %get3A_398 = arith.index_cast %scan3A_308 : i32 to index
        %get3A_399 = arith.constant 64 : index
        %get3A_400 = tpu.vector_load %arg18[%get3A_398, %get3A_399] {strides = array<i32>} : memref<40x128xf32, #tpu.memory_space<vmem>>, vector<1x16xf32>,
        %get3A_401 = vector.shape_cast %get3A_400 : vector<1x16xf32> to vector<16xf32>
        %add3A_402 = arith.addf %get3A_397, %get3A_401 : vector<16xf32>
        %get3A_403 = arith.index_cast %scan3A_308 : i32 to index
        %get3A_404 = arith.constant 64 : index
        %get3A_405 = tpu.vector_load %arg20[%get3A_403, %get3A_404] {strides = array<i32>} : memref<40x128xf32, #tpu.memory_space<vmem>>, vector<1x16xf32>,
        %get3A_406 = vector.shape_cast %get3A_405 : vector<1x16xf32> to vector<16xf32>
        %sub3A_407 = arith.subf %add3A_402, %get3A_406 : vector<16xf32>
        %max3A_408 = arith.constant 0.000000e+00 : f32
        %max3A_409 = vector.broadcast %max3A_408 : f32 to vector<16xf32>
        %max3A_410 = arith.maximumf %sub3A_407, %max3A_409 : vector<16xf32>
        %swap3A_411 = arith.index_cast %scan3A_308 : i32 to index
        %swap3A_412 = arith.constant 64 : index
        %swap3A_413 = tpu.vector_load %arg18[%swap3A_411, %swap3A_412] {strides = array<i32>} : memref<40x128xf32, #tpu.memory_space<vmem>>, vector<1x16xf32>,
        %swap3A_414 = vector.shape_cast %swap3A_413 : vector<1x16xf32> to vector<16xf32>
        %swap3A_415 = vector.shape_cast %max3A_410 : vector<16xf32> to vector<1x16xf32>
        tpu.vector_store %arg18[%swap3A_411, %swap3A_412], %swap3A_415 {strides = array<i32>} : memref<40x128xf32, #tpu.memory_space<vmem>>, vector<1x16xf32>,
        %get3A_416 = arith.index_cast %scan3A_308 : i32 to index
        %get3A_417 = arith.constant 80 : index
        %get3A_418 = tpu.vector_load %arg16[%get3A_416, %get3A_417] {strides = array<i32>} : memref<40x128xf32, #tpu.memory_space<vmem>>, vector<1x16xf32>,
        %get3A_419 = vector.shape_cast %get3A_418 : vector<1x16xf32> to vector<16xf32>
        %get3A_420 = arith.index_cast %scan3A_308 : i32 to index
        %get3A_421 = arith.constant 80 : index
        %get3A_422 = tpu.vector_load %arg18[%get3A_420, %get3A_421] {strides = array<i32>} : memref<40x128xf32, #tpu.memory_space<vmem>>, vector<1x16xf32>,
        %get3A_423 = vector.shape_cast %get3A_422 : vector<1x16xf32> to vector<16xf32>
        %add3A_424 = arith.addf %get3A_419, %get3A_423 : vector<16xf32>
        %get3A_425 = arith.index_cast %scan3A_308 : i32 to index
        %get3A_426 = arith.constant 80 : index
        %get3A_427 = tpu.vector_load %arg20[%get3A_425, %get3A_426] {strides = array<i32>} : memref<40x128xf32, #tpu.memory_space<vmem>>, vector<1x16xf32>,
        %get3A_428 = vector.shape_cast %get3A_427 : vector<1x16xf32> to vector<16xf32>
        %sub3A_429 = arith.subf %add3A_424, %get3A_428 : vector<16xf32>
        %max3A_430 = arith.constant 0.000000e+00 : f32
        %max3A_431 = vector.broadcast %max3A_430 : f32 to vector<16xf32>
        %max3A_432 = arith.maximumf %sub3A_429, %max3A_431 : vector<16xf32>
        %swap3A_433 = arith.index_cast %scan3A_308 : i32 to index
        %swap3A_434 = arith.constant 80 : index
        %swap3A_435 = tpu.vector_load %arg18[%swap3A_433, %swap3A_434] {strides = array<i32>} : memref<40x128xf32, #tpu.memory_space<vmem>>, vector<1x16xf32>,
        %swap3A_436 = vector.shape_cast %swap3A_435 : vector<1x16xf32> to vector<16xf32>
        %swap3A_437 = vector.shape_cast %max3A_432 : vector<16xf32> to vector<1x16xf32>
        tpu.vector_store %arg18[%swap3A_433, %swap3A_434], %swap3A_437 {strides = array<i32>} : memref<40x128xf32, #tpu.memory_space<vmem>>, vector<1x16xf32>,
        %get3A_438 = arith.index_cast %scan3A_308 : i32 to index
        %get3A_439 = arith.constant 96 : index
        %get3A_440 = tpu.vector_load %arg16[%get3A_438, %get3A_439] {strides = array<i32>} : memref<40x128xf32, #tpu.memory_space<vmem>>, vector<1x16xf32>,
        %get3A_441 = vector.shape_cast %get3A_440 : vector<1x16xf32> to vector<16xf32>
        %get3A_442 = arith.index_cast %scan3A_308 : i32 to index
        %get3A_443 = arith.constant 96 : index
        %get3A_444 = tpu.vector_load %arg18[%get3A_442, %get3A_443] {strides = array<i32>} : memref<40x128xf32, #tpu.memory_space<vmem>>, vector<1x16xf32>,
        %get3A_445 = vector.shape_cast %get3A_444 : vector<1x16xf32> to vector<16xf32>
        %add3A_446 = arith.addf %get3A_441, %get3A_445 : vector<16xf32>
        %get3A_447 = arith.index_cast %scan3A_308 : i32 to index
        %get3A_448 = arith.constant 96 : index
        %get3A_449 = tpu.vector_load %arg20[%get3A_447, %get3A_448] {strides = array<i32>} : memref<40x128xf32, #tpu.memory_space<vmem>>, vector<1x16xf32>,
        %get3A_450 = vector.shape_cast %get3A_449 : vector<1x16xf32> to vector<16xf32>
        %sub3A_451 = arith.subf %add3A_446, %get3A_450 : vector<16xf32>
        %max3A_452 = arith.constant 0.000000e+00 : f32
        %max3A_453 = vector.broadcast %max3A_452 : f32 to vector<16xf32>
        %max3A_454 = arith.maximumf %sub3A_451, %max3A_453 : vector<16xf32>
        %swap3A_455 = arith.index_cast %scan3A_308 : i32 to index
        %swap3A_456 = arith.constant 96 : index
        %swap3A_457 = tpu.vector_load %arg18[%swap3A_455, %swap3A_456] {strides = array<i32>} : memref<40x128xf32, #tpu.memory_space<vmem>>, vector<1x16xf32>,
        %swap3A_458 = vector.shape_cast %swap3A_457 : vector<1x16xf32> to vector<16xf32>
        %swap3A_459 = vector.shape_cast %max3A_454 : vector<16xf32> to vector<1x16xf32>
        tpu.vector_store %arg18[%swap3A_455, %swap3A_456], %swap3A_459 {strides = array<i32>} : memref<40x128xf32, #tpu.memory_space<vmem>>, vector<1x16xf32>,
        %get3A_460 = arith.index_cast %scan3A_308 : i32 to index
        %get3A_461 = arith.constant 112 : index
        %get3A_462 = tpu.vector_load %arg16[%get3A_460, %get3A_461] {strides = array<i32>} : memref<40x128xf32, #tpu.memory_space<vmem>>, vector<1x16xf32>,
        %get3A_463 = vector.shape_cast %get3A_462 : vector<1x16xf32> to vector<16xf32>
        %get3A_464 = arith.index_cast %scan3A_308 : i32 to index
        %get3A_465 = arith.constant 112 : index
        %get3A_466 = tpu.vector_load %arg18[%get3A_464, %get3A_465] {strides = array<i32>} : memref<40x128xf32, #tpu.memory_space<vmem>>, vector<1x16xf32>,
        %get3A_467 = vector.shape_cast %get3A_466 : vector<1x16xf32> to vector<16xf32>
        %add3A_468 = arith.addf %get3A_463, %get3A_467 : vector<16xf32>
        %get3A_469 = arith.index_cast %scan3A_308 : i32 to index
        %get3A_470 = arith.constant 112 : index
        %get3A_471 = tpu.vector_load %arg20[%get3A_469, %get3A_470] {strides = array<i32>} : memref<40x128xf32, #tpu.memory_space<vmem>>, vector<1x16xf32>,
        %get3A_472 = vector.shape_cast %get3A_471 : vector<1x16xf32> to vector<16xf32>
        %sub3A_473 = arith.subf %add3A_468, %get3A_472 : vector<16xf32>
        %max3A_474 = arith.constant 0.000000e+00 : f32
        %max3A_475 = vector.broadcast %max3A_474 : f32 to vector<16xf32>
        %max3A_476 = arith.maximumf %sub3A_473, %max3A_475 : vector<16xf32>
        %swap3A_477 = arith.index_cast %scan3A_308 : i32 to index
        %swap3A_478 = arith.constant 112 : index
        %swap3A_479 = tpu.vector_load %arg18[%swap3A_477, %swap3A_478] {strides = array<i32>} : memref<40x128xf32, #tpu.memory_space<vmem>>, vector<1x16xf32>,
        %swap3A_480 = vector.shape_cast %swap3A_479 : vector<1x16xf32> to vector<16xf32>
        %swap3A_481 = vector.shape_cast %max3A_476 : vector<16xf32> to vector<1x16xf32>
        tpu.vector_store %arg18[%swap3A_477, %swap3A_478], %swap3A_481 {strides = array<i32>} : memref<40x128xf32, #tpu.memory_space<vmem>>, vector<1x16xf32>,
      }
      %scan3A_286 = arith.constant 40 : i32
      %dma_start3A_287 = arith.constant 0 : i32
      %dma_start3A_288 = arith.constant 0 : i32
      %dma_start3A_289 = tpu.memref_slice %arg22[%dma_start3A_287, %dma_start3A_288] : memref<10000x128xf32, #tpu.memory_space<vmem_shared>> -> memref<10000x128xf32, #tpu.memory_space<vmem_shared>>
      tpu.enqueue_indirect_dma source(%arg18 : memref<40x128xf32, #tpu.memory_space<vmem>>) target(%dma_start3A_289 : memref<10000x128xf32, #tpu.memory_space<vmem_shared>>) offsets(%arg14 : memref<40xi32, #tpu.memory_space<vmem>>) semaphore(%arg27 : memref<!tpu.dma_semaphore, #tpu.memory_space<semaphore_mem>>) {add = true}
      %dma_wait3A_290 = arith.constant 0 : i32
      %dma_wait3A_291 = tpu.memref_slice %arg2[%mul3A_268, %dma_wait3A_290] : memref<320000x128xf32, #tpu.memory_space<hbm>> -> memref<40x128xf32, #tpu.memory_space<hbm>>
      %dma_wait3A_292 = arith.constant 0 : i32
      %dma_wait3A_293 = tpu.memref_slice %arg2[%mul3A_268, %dma_wait3A_292] : memref<320000x128xf32, #tpu.memory_space<hbm>> -> memref<40x128xf32, #tpu.memory_space<hbm>>
      tpu.wait_dma2 semaphore(%arg26 : memref<!tpu.dma_semaphore, #tpu.memory_space<semaphore_mem>>) src(%dma_wait3A_293 : memref<40x128xf32, #tpu.memory_space<hbm>>) dst(%arg17 : memref<40x128xf32, #tpu.memory_space<vmem>>)
      %dma_wait3A_294 = arith.constant 0 : i32
      %dma_wait3A_295 = arith.constant 0 : i32
      %dma_wait3A_296 = tpu.memref_slice %arg3[%dma_wait3A_294, %dma_wait3A_295] : memref<10000x128xf32, #tpu.memory_space<hbm>> -> memref<10000x128xf32, #tpu.memory_space<hbm>>
      tpu.wait_indirect_dma semaphore(%arg26 : memref<!tpu.dma_semaphore, #tpu.memory_space<semaphore_mem>>) src(%dma_wait3A_296 : memref<10000x128xf32, #tpu.memory_space<hbm>>) dst(%arg19 : memref<40x128xf32, #tpu.memory_space<vmem>>)
      %dma_wait3A_297 = arith.constant 0 : i32
      %dma_wait3A_298 = arith.constant 0 : i32
      %dma_wait3A_299 = tpu.memref_slice %arg4[%dma_wait3A_297, %dma_wait3A_298] : memref<320000x128xf32, #tpu.memory_space<hbm>> -> memref<320000x128xf32, #tpu.memory_space<hbm>>
      tpu.wait_indirect_dma semaphore(%arg26 : memref<!tpu.dma_semaphore, #tpu.memory_space<semaphore_mem>>) src(%dma_wait3A_299 : memref<320000x128xf32, #tpu.memory_space<hbm>>) dst(%arg21 : memref<40x128xf32, #tpu.memory_space<vmem>>)
      %dma_wait3A_300 = arith.constant 0 : i32
      %dma_wait3A_301 = arith.constant 0 : i32
      %dma_wait3A_302 = tpu.memref_slice %arg22[%dma_wait3A_300, %dma_wait3A_301] : memref<10000x128xf32, #tpu.memory_space<vmem_shared>> -> memref<10000x128xf32, #tpu.memory_space<vmem_shared>>
      tpu.wait_indirect_dma semaphore(%arg27 : memref<!tpu.dma_semaphore, #tpu.memory_space<semaphore_mem>>) src(%arg18 : memref<40x128xf32, #tpu.memory_space<vmem>>) dst(%dma_wait3A_302 : memref<10000x128xf32, #tpu.memory_space<vmem_shared>>)
      %lt3A_303 = arith.constant 124 : i32
      %lt3A_304 = arith.cmpi slt, %scan3A_184, %lt3A_303 : i32
      %convert_element_type3A_305 = arith.extui %lt3A_304 : i1 to i32
      %cond3A_306 = arith.constant 0 : i32
      %cond3A_307 = arith.cmpi ne, %convert_element_type3A_305, %cond3A_306 : i32
      scf.if %cond3A_307 {
        %add3A_308 = arith.constant 1 : i32
        %add3A_309 = arith.addi %add3A_188, %add3A_308 : i32
        %add3A_310 = arith.addi %mul3A_56, %add3A_309 : i32
        %mul3A_311 = arith.constant 40 : i32
        %mul3A_312 = arith.muli %add3A_310, %mul3A_311 : i32
        %dma_start3A_313 = tpu.memref_slice %arg7[%mul3A_312] : memref<320000xi32, #tpu.memory_space<hbm>> -> memref<40xi32, #tpu.memory_space<hbm>>
        %dma_start3A_314 = tpu.memref_slice %arg7[%mul3A_312] : memref<320000xi32, #tpu.memory_space<hbm>> -> memref<40xi32, #tpu.memory_space<hbm>>
        tpu.enqueue_dma source(%dma_start3A_314 : memref<40xi32, #tpu.memory_space<hbm>>) target(%arg14 : memref<40xi32, #tpu.memory_space<vmem>>) target_semaphore(%arg23 : memref<!tpu.dma_semaphore, #tpu.memory_space<semaphore_mem>>)
      } else {
      }
    }
    %scan3A_161 = arith.constant 124 : i32
    %scan3A_162 = arith.constant 0 : i32
    %scan3A_163 = arith.constant 0 : i32
    %scan3A_164 = arith.constant 40 : i32
    %scan3A_165 = arith.addi %scan3A_163, %scan3A_164 : i32
    %scan3A_166 = arith.constant 1 : i32
    scf.for %scan3A_184 = %scan3A_163 to %scan3A_165 step %scan3A_166  : i32 {
      %get3A = arith.index_cast %scan3A_184 : i32 to index
      %get3A_185 = arith.constant 0 : index
      %get3A_186 = tpu.vector_load %arg17[%get3A, %get3A_185] {strides = array<i32>} : memref<40x128xf32, #tpu.memory_space<vmem>>, vector<1x16xf32>,
      %get3A_187 = vector.shape_cast %get3A_186 : vector<1x16xf32> to vector<16xf32>
      %get3A_188 = arith.index_cast %scan3A_184 : i32 to index
      %get3A_189 = arith.constant 0 : index
      %get3A_190 = tpu.vector_load %arg19[%get3A_188, %get3A_189] {strides = array<i32>} : memref<40x128xf32, #tpu.memory_space<vmem>>, vector<1x16xf32>,
      %get3A_191 = vector.shape_cast %get3A_190 : vector<1x16xf32> to vector<16xf32>
      %add3A_192 = arith.addf %get3A_187, %get3A_191 : vector<16xf32>
      %get3A_193 = arith.index_cast %scan3A_184 : i32 to index
      %get3A_194 = arith.constant 0 : index
      %get3A_195 = tpu.vector_load %arg21[%get3A_193, %get3A_194] {strides = array<i32>} : memref<40x128xf32, #tpu.memory_space<vmem>>, vector<1x16xf32>,
      %get3A_196 = vector.shape_cast %get3A_195 : vector<1x16xf32> to vector<16xf32>
      %sub3A_197 = arith.subf %add3A_192, %get3A_196 : vector<16xf32>
      %max3A = arith.constant 0.000000e+00 : f32
      %max3A_198 = vector.broadcast %max3A : f32 to vector<16xf32>
      %max3A_199 = arith.maximumf %sub3A_197, %max3A_198 : vector<16xf32>
      %swap3A = arith.index_cast %scan3A_184 : i32 to index
      %swap3A_200 = arith.constant 0 : index
      %swap3A_201 = tpu.vector_load %arg19[%swap3A, %swap3A_200] {strides = array<i32>} : memref<40x128xf32, #tpu.memory_space<vmem>>, vector<1x16xf32>,
      %swap3A_202 = vector.shape_cast %swap3A_201 : vector<1x16xf32> to vector<16xf32>
      %swap3A_203 = vector.shape_cast %max3A_199 : vector<16xf32> to vector<1x16xf32>
      tpu.vector_store %arg19[%swap3A, %swap3A_200], %swap3A_203 {strides = array<i32>} : memref<40x128xf32, #tpu.memory_space<vmem>>, vector<1x16xf32>,
      %get3A_204 = arith.index_cast %scan3A_184 : i32 to index
      %get3A_205 = arith.constant 16 : index
      %get3A_206 = tpu.vector_load %arg17[%get3A_204, %get3A_205] {strides = array<i32>} : memref<40x128xf32, #tpu.memory_space<vmem>>, vector<1x16xf32>,
      %get3A_207 = vector.shape_cast %get3A_206 : vector<1x16xf32> to vector<16xf32>
      %get3A_208 = arith.index_cast %scan3A_184 : i32 to index
      %get3A_209 = arith.constant 16 : index
      %get3A_210 = tpu.vector_load %arg19[%get3A_208, %get3A_209] {strides = array<i32>} : memref<40x128xf32, #tpu.memory_space<vmem>>, vector<1x16xf32>,
      %get3A_211 = vector.shape_cast %get3A_210 : vector<1x16xf32> to vector<16xf32>
      %add3A_212 = arith.addf %get3A_207, %get3A_211 : vector<16xf32>
      %get3A_213 = arith.index_cast %scan3A_184 : i32 to index
      %get3A_214 = arith.constant 16 : index
      %get3A_215 = tpu.vector_load %arg21[%get3A_213, %get3A_214] {strides = array<i32>} : memref<40x128xf32, #tpu.memory_space<vmem>>, vector<1x16xf32>,
      %get3A_216 = vector.shape_cast %get3A_215 : vector<1x16xf32> to vector<16xf32>
      %sub3A_217 = arith.subf %add3A_212, %get3A_216 : vector<16xf32>
      %max3A_218 = arith.constant 0.000000e+00 : f32
      %max3A_219 = vector.broadcast %max3A_218 : f32 to vector<16xf32>
      %max3A_220 = arith.maximumf %sub3A_217, %max3A_219 : vector<16xf32>
      %swap3A_221 = arith.index_cast %scan3A_184 : i32 to index
      %swap3A_222 = arith.constant 16 : index
      %swap3A_223 = tpu.vector_load %arg19[%swap3A_221, %swap3A_222] {strides = array<i32>} : memref<40x128xf32, #tpu.memory_space<vmem>>, vector<1x16xf32>,
      %swap3A_224 = vector.shape_cast %swap3A_223 : vector<1x16xf32> to vector<16xf32>
      %swap3A_225 = vector.shape_cast %max3A_220 : vector<16xf32> to vector<1x16xf32>
      tpu.vector_store %arg19[%swap3A_221, %swap3A_222], %swap3A_225 {strides = array<i32>} : memref<40x128xf32, #tpu.memory_space<vmem>>, vector<1x16xf32>,
      %get3A_226 = arith.index_cast %scan3A_184 : i32 to index
      %get3A_227 = arith.constant 32 : index
      %get3A_228 = tpu.vector_load %arg17[%get3A_226, %get3A_227] {strides = array<i32>} : memref<40x128xf32, #tpu.memory_space<vmem>>, vector<1x16xf32>,
      %get3A_229 = vector.shape_cast %get3A_228 : vector<1x16xf32> to vector<16xf32>
      %get3A_230 = arith.index_cast %scan3A_184 : i32 to index
      %get3A_231 = arith.constant 32 : index
      %get3A_232 = tpu.vector_load %arg19[%get3A_230, %get3A_231] {strides = array<i32>} : memref<40x128xf32, #tpu.memory_space<vmem>>, vector<1x16xf32>,
      %get3A_233 = vector.shape_cast %get3A_232 : vector<1x16xf32> to vector<16xf32>
      %add3A_234 = arith.addf %get3A_229, %get3A_233 : vector<16xf32>
      %get3A_235 = arith.index_cast %scan3A_184 : i32 to index
      %get3A_236 = arith.constant 32 : index
      %get3A_237 = tpu.vector_load %arg21[%get3A_235, %get3A_236] {strides = array<i32>} : memref<40x128xf32, #tpu.memory_space<vmem>>, vector<1x16xf32>,
      %get3A_238 = vector.shape_cast %get3A_237 : vector<1x16xf32> to vector<16xf32>
      %sub3A_239 = arith.subf %add3A_234, %get3A_238 : vector<16xf32>
      %max3A_240 = arith.constant 0.000000e+00 : f32
      %max3A_241 = vector.broadcast %max3A_240 : f32 to vector<16xf32>
      %max3A_242 = arith.maximumf %sub3A_239, %max3A_241 : vector<16xf32>
      %swap3A_243 = arith.index_cast %scan3A_184 : i32 to index
      %swap3A_244 = arith.constant 32 : index
      %swap3A_245 = tpu.vector_load %arg19[%swap3A_243, %swap3A_244] {strides = array<i32>} : memref<40x128xf32, #tpu.memory_space<vmem>>, vector<1x16xf32>,
      %swap3A_246 = vector.shape_cast %swap3A_245 : vector<1x16xf32> to vector<16xf32>
      %swap3A_247 = vector.shape_cast %max3A_242 : vector<16xf32> to vector<1x16xf32>
      tpu.vector_store %arg19[%swap3A_243, %swap3A_244], %swap3A_247 {strides = array<i32>} : memref<40x128xf32, #tpu.memory_space<vmem>>, vector<1x16xf32>,
      %get3A_248 = arith.index_cast %scan3A_184 : i32 to index
      %get3A_249 = arith.constant 48 : index
      %get3A_250 = tpu.vector_load %arg17[%get3A_248, %get3A_249] {strides = array<i32>} : memref<40x128xf32, #tpu.memory_space<vmem>>, vector<1x16xf32>,
      %get3A_251 = vector.shape_cast %get3A_250 : vector<1x16xf32> to vector<16xf32>
      %get3A_252 = arith.index_cast %scan3A_184 : i32 to index
      %get3A_253 = arith.constant 48 : index
      %get3A_254 = tpu.vector_load %arg19[%get3A_252, %get3A_253] {strides = array<i32>} : memref<40x128xf32, #tpu.memory_space<vmem>>, vector<1x16xf32>,
      %get3A_255 = vector.shape_cast %get3A_254 : vector<1x16xf32> to vector<16xf32>
      %add3A_256 = arith.addf %get3A_251, %get3A_255 : vector<16xf32>
      %get3A_257 = arith.index_cast %scan3A_184 : i32 to index
      %get3A_258 = arith.constant 48 : index
      %get3A_259 = tpu.vector_load %arg21[%get3A_257, %get3A_258] {strides = array<i32>} : memref<40x128xf32, #tpu.memory_space<vmem>>, vector<1x16xf32>,
      %get3A_260 = vector.shape_cast %get3A_259 : vector<1x16xf32> to vector<16xf32>
      %sub3A_261 = arith.subf %add3A_256, %get3A_260 : vector<16xf32>
      %max3A_262 = arith.constant 0.000000e+00 : f32
      %max3A_263 = vector.broadcast %max3A_262 : f32 to vector<16xf32>
      %max3A_264 = arith.maximumf %sub3A_261, %max3A_263 : vector<16xf32>
      %swap3A_265 = arith.index_cast %scan3A_184 : i32 to index
      %swap3A_266 = arith.constant 48 : index
      %swap3A_267 = tpu.vector_load %arg19[%swap3A_265, %swap3A_266] {strides = array<i32>} : memref<40x128xf32, #tpu.memory_space<vmem>>, vector<1x16xf32>,
      %swap3A_268 = vector.shape_cast %swap3A_267 : vector<1x16xf32> to vector<16xf32>
      %swap3A_269 = vector.shape_cast %max3A_264 : vector<16xf32> to vector<1x16xf32>
      tpu.vector_store %arg19[%swap3A_265, %swap3A_266], %swap3A_269 {strides = array<i32>} : memref<40x128xf32, #tpu.memory_space<vmem>>, vector<1x16xf32>,
      %get3A_270 = arith.index_cast %scan3A_184 : i32 to index
      %get3A_271 = arith.constant 64 : index
      %get3A_272 = tpu.vector_load %arg17[%get3A_270, %get3A_271] {strides = array<i32>} : memref<40x128xf32, #tpu.memory_space<vmem>>, vector<1x16xf32>,
      %get3A_273 = vector.shape_cast %get3A_272 : vector<1x16xf32> to vector<16xf32>
      %get3A_274 = arith.index_cast %scan3A_184 : i32 to index
      %get3A_275 = arith.constant 64 : index
      %get3A_276 = tpu.vector_load %arg19[%get3A_274, %get3A_275] {strides = array<i32>} : memref<40x128xf32, #tpu.memory_space<vmem>>, vector<1x16xf32>,
      %get3A_277 = vector.shape_cast %get3A_276 : vector<1x16xf32> to vector<16xf32>
      %add3A_278 = arith.addf %get3A_273, %get3A_277 : vector<16xf32>
      %get3A_279 = arith.index_cast %scan3A_184 : i32 to index
      %get3A_280 = arith.constant 64 : index
      %get3A_281 = tpu.vector_load %arg21[%get3A_279, %get3A_280] {strides = array<i32>} : memref<40x128xf32, #tpu.memory_space<vmem>>, vector<1x16xf32>,
      %get3A_282 = vector.shape_cast %get3A_281 : vector<1x16xf32> to vector<16xf32>
      %sub3A_283 = arith.subf %add3A_278, %get3A_282 : vector<16xf32>
      %max3A_284 = arith.constant 0.000000e+00 : f32
      %max3A_285 = vector.broadcast %max3A_284 : f32 to vector<16xf32>
      %max3A_286 = arith.maximumf %sub3A_283, %max3A_285 : vector<16xf32>
      %swap3A_287 = arith.index_cast %scan3A_184 : i32 to index
      %swap3A_288 = arith.constant 64 : index
      %swap3A_289 = tpu.vector_load %arg19[%swap3A_287, %swap3A_288] {strides = array<i32>} : memref<40x128xf32, #tpu.memory_space<vmem>>, vector<1x16xf32>,
      %swap3A_290 = vector.shape_cast %swap3A_289 : vector<1x16xf32> to vector<16xf32>
      %swap3A_291 = vector.shape_cast %max3A_286 : vector<16xf32> to vector<1x16xf32>
      tpu.vector_store %arg19[%swap3A_287, %swap3A_288], %swap3A_291 {strides = array<i32>} : memref<40x128xf32, #tpu.memory_space<vmem>>, vector<1x16xf32>,
      %get3A_292 = arith.index_cast %scan3A_184 : i32 to index
      %get3A_293 = arith.constant 80 : index
      %get3A_294 = tpu.vector_load %arg17[%get3A_292, %get3A_293] {strides = array<i32>} : memref<40x128xf32, #tpu.memory_space<vmem>>, vector<1x16xf32>,
      %get3A_295 = vector.shape_cast %get3A_294 : vector<1x16xf32> to vector<16xf32>
      %get3A_296 = arith.index_cast %scan3A_184 : i32 to index
      %get3A_297 = arith.constant 80 : index
      %get3A_298 = tpu.vector_load %arg19[%get3A_296, %get3A_297] {strides = array<i32>} : memref<40x128xf32, #tpu.memory_space<vmem>>, vector<1x16xf32>,
      %get3A_299 = vector.shape_cast %get3A_298 : vector<1x16xf32> to vector<16xf32>
      %add3A_300 = arith.addf %get3A_295, %get3A_299 : vector<16xf32>
      %get3A_301 = arith.index_cast %scan3A_184 : i32 to index
      %get3A_302 = arith.constant 80 : index
      %get3A_303 = tpu.vector_load %arg21[%get3A_301, %get3A_302] {strides = array<i32>} : memref<40x128xf32, #tpu.memory_space<vmem>>, vector<1x16xf32>,
      %get3A_304 = vector.shape_cast %get3A_303 : vector<1x16xf32> to vector<16xf32>
      %sub3A_305 = arith.subf %add3A_300, %get3A_304 : vector<16xf32>
      %max3A_306 = arith.constant 0.000000e+00 : f32
      %max3A_307 = vector.broadcast %max3A_306 : f32 to vector<16xf32>
      %max3A_308 = arith.maximumf %sub3A_305, %max3A_307 : vector<16xf32>
      %swap3A_309 = arith.index_cast %scan3A_184 : i32 to index
      %swap3A_310 = arith.constant 80 : index
      %swap3A_311 = tpu.vector_load %arg19[%swap3A_309, %swap3A_310] {strides = array<i32>} : memref<40x128xf32, #tpu.memory_space<vmem>>, vector<1x16xf32>,
      %swap3A_312 = vector.shape_cast %swap3A_311 : vector<1x16xf32> to vector<16xf32>
      %swap3A_313 = vector.shape_cast %max3A_308 : vector<16xf32> to vector<1x16xf32>
      tpu.vector_store %arg19[%swap3A_309, %swap3A_310], %swap3A_313 {strides = array<i32>} : memref<40x128xf32, #tpu.memory_space<vmem>>, vector<1x16xf32>,
      %get3A_314 = arith.index_cast %scan3A_184 : i32 to index
      %get3A_315 = arith.constant 96 : index
      %get3A_316 = tpu.vector_load %arg17[%get3A_314, %get3A_315] {strides = array<i32>} : memref<40x128xf32, #tpu.memory_space<vmem>>, vector<1x16xf32>,
      %get3A_317 = vector.shape_cast %get3A_316 : vector<1x16xf32> to vector<16xf32>
      %get3A_318 = arith.index_cast %scan3A_184 : i32 to index
      %get3A_319 = arith.constant 96 : index
      %get3A_320 = tpu.vector_load %arg19[%get3A_318, %get3A_319] {strides = array<i32>} : memref<40x128xf32, #tpu.memory_space<vmem>>, vector<1x16xf32>,
      %get3A_321 = vector.shape_cast %get3A_320 : vector<1x16xf32> to vector<16xf32>
      %add3A_322 = arith.addf %get3A_317, %get3A_321 : vector<16xf32>
      %get3A_323 = arith.index_cast %scan3A_184 : i32 to index
      %get3A_324 = arith.constant 96 : index
      %get3A_325 = tpu.vector_load %arg21[%get3A_323, %get3A_324] {strides = array<i32>} : memref<40x128xf32, #tpu.memory_space<vmem>>, vector<1x16xf32>,
      %get3A_326 = vector.shape_cast %get3A_325 : vector<1x16xf32> to vector<16xf32>
      %sub3A_327 = arith.subf %add3A_322, %get3A_326 : vector<16xf32>
      %max3A_328 = arith.constant 0.000000e+00 : f32
      %max3A_329 = vector.broadcast %max3A_328 : f32 to vector<16xf32>
      %max3A_330 = arith.maximumf %sub3A_327, %max3A_329 : vector<16xf32>
      %swap3A_331 = arith.index_cast %scan3A_184 : i32 to index
      %swap3A_332 = arith.constant 96 : index
      %swap3A_333 = tpu.vector_load %arg19[%swap3A_331, %swap3A_332] {strides = array<i32>} : memref<40x128xf32, #tpu.memory_space<vmem>>, vector<1x16xf32>,
      %swap3A_334 = vector.shape_cast %swap3A_333 : vector<1x16xf32> to vector<16xf32>
      %swap3A_335 = vector.shape_cast %max3A_330 : vector<16xf32> to vector<1x16xf32>
      tpu.vector_store %arg19[%swap3A_331, %swap3A_332], %swap3A_335 {strides = array<i32>} : memref<40x128xf32, #tpu.memory_space<vmem>>, vector<1x16xf32>,
      %get3A_336 = arith.index_cast %scan3A_184 : i32 to index
      %get3A_337 = arith.constant 112 : index
      %get3A_338 = tpu.vector_load %arg17[%get3A_336, %get3A_337] {strides = array<i32>} : memref<40x128xf32, #tpu.memory_space<vmem>>, vector<1x16xf32>,
      %get3A_339 = vector.shape_cast %get3A_338 : vector<1x16xf32> to vector<16xf32>
      %get3A_340 = arith.index_cast %scan3A_184 : i32 to index
      %get3A_341 = arith.constant 112 : index
      %get3A_342 = tpu.vector_load %arg19[%get3A_340, %get3A_341] {strides = array<i32>} : memref<40x128xf32, #tpu.memory_space<vmem>>, vector<1x16xf32>,
      %get3A_343 = vector.shape_cast %get3A_342 : vector<1x16xf32> to vector<16xf32>
      %add3A_344 = arith.addf %get3A_339, %get3A_343 : vector<16xf32>
      %get3A_345 = arith.index_cast %scan3A_184 : i32 to index
      %get3A_346 = arith.constant 112 : index
      %get3A_347 = tpu.vector_load %arg21[%get3A_345, %get3A_346] {strides = array<i32>} : memref<40x128xf32, #tpu.memory_space<vmem>>, vector<1x16xf32>,
      %get3A_348 = vector.shape_cast %get3A_347 : vector<1x16xf32> to vector<16xf32>
      %sub3A_349 = arith.subf %add3A_344, %get3A_348 : vector<16xf32>
      %max3A_350 = arith.constant 0.000000e+00 : f32
      %max3A_351 = vector.broadcast %max3A_350 : f32 to vector<16xf32>
      %max3A_352 = arith.maximumf %sub3A_349, %max3A_351 : vector<16xf32>
      %swap3A_353 = arith.index_cast %scan3A_184 : i32 to index
      %swap3A_354 = arith.constant 112 : index
      %swap3A_355 = tpu.vector_load %arg19[%swap3A_353, %swap3A_354] {strides = array<i32>} : memref<40x128xf32, #tpu.memory_space<vmem>>, vector<1x16xf32>,
      %swap3A_356 = vector.shape_cast %swap3A_355 : vector<1x16xf32> to vector<16xf32>
      %swap3A_357 = vector.shape_cast %max3A_352 : vector<16xf32> to vector<1x16xf32>
      tpu.vector_store %arg19[%swap3A_353, %swap3A_354], %swap3A_357 {strides = array<i32>} : memref<40x128xf32, #tpu.memory_space<vmem>>, vector<1x16xf32>,
    }
    %scan3A_167 = arith.constant 40 : i32
    %dma_start3A_168 = arith.constant 0 : i32
    %dma_start3A_169 = arith.constant 0 : i32
    %dma_start3A_170 = tpu.memref_slice %arg22[%dma_start3A_168, %dma_start3A_169] : memref<10000x128xf32, #tpu.memory_space<vmem_shared>> -> memref<10000x128xf32, #tpu.memory_space<vmem_shared>>
    tpu.enqueue_indirect_dma source(%arg19 : memref<40x128xf32, #tpu.memory_space<vmem>>) target(%dma_start3A_170 : memref<10000x128xf32, #tpu.memory_space<vmem_shared>>) offsets(%arg15 : memref<40xi32, #tpu.memory_space<vmem>>) semaphore(%arg28 : memref<!tpu.dma_semaphore, #tpu.memory_space<semaphore_mem>>) {add = true}
    %dma_wait3A_171 = arith.constant 0 : i32
    %dma_wait3A_172 = arith.constant 0 : i32
    %dma_wait3A_173 = tpu.memref_slice %arg22[%dma_wait3A_171, %dma_wait3A_172] : memref<10000x128xf32, #tpu.memory_space<vmem_shared>> -> memref<10000x128xf32, #tpu.memory_space<vmem_shared>>
    tpu.wait_indirect_dma semaphore(%arg28 : memref<!tpu.dma_semaphore, #tpu.memory_space<semaphore_mem>>) src(%arg19 : memref<40x128xf32, #tpu.memory_space<vmem>>) dst(%dma_wait3A_173 : memref<10000x128xf32, #tpu.memory_space<vmem_shared>>)
    %barrier3A_174 = arith.constant 0 : index
    tpu.barrier barrier_id(%barrier3A_174)
    %while3A_175 = arith.constant 0 : i32
    %while3A_176 = arith.subi %select_n3A_46, %select_n3A : i32
    %while3A_177 = arith.addi %select_n3A, %while3A_176 : i32
    %while3A_178 = arith.constant 1 : i32
    %while3A_179 = arith.divsi %while3A_176, %while3A_178 : i32
    %while3A_180 = arith.muli %while3A_179, %while3A_178 : i32
    %while3A_181 = arith.addi %select_n3A, %while3A_180 : i32
    %while3A_182 = arith.constant 1 : i32
    scf.for %while3A_184 = %select_n3A to %while3A_181 step %while3A_182  : i32 {
      %mul3A_185 = arith.constant 400 : i32
      %mul3A_186 = arith.muli %while3A_184, %mul3A_185 : i32
      "tpu.region"() ({
        %run_scoped3A = tpu.sem_alloc : memref<!tpu.dma_semaphore, #tpu.memory_space<semaphore_mem>>
        %dma_start3A_187 = arith.constant 0 : i32
        %dma_start3A_188 = tpu.memref_slice %arg9[%arg0, %mul3A_186, %dma_start3A_187] : memref<2x10000x128xf32, #tpu.memory_space<hbm>> -> memref<1x400x128xf32, #tpu.memory_space<hbm>>
        %dma_start3A_189 = tpu.memref_squeeze %dma_start3A_188 : memref<1x400x128xf32, #tpu.memory_space<hbm>> -> memref<400x128xf32, #tpu.memory_space<hbm>>
        %dma_start3A_190 = arith.constant 0 : i32
        %dma_start3A_191 = tpu.memref_slice %arg22[%mul3A_186, %dma_start3A_190] : memref<10000x128xf32, #tpu.memory_space<vmem_shared>> -> memref<400x128xf32, #tpu.memory_space<vmem_shared>>
        tpu.enqueue_dma source(%dma_start3A_191 : memref<400x128xf32, #tpu.memory_space<vmem_shared>>) target(%dma_start3A_189 : memref<400x128xf32, #tpu.memory_space<hbm>>) target_semaphore(%run_scoped3A : memref<!tpu.dma_semaphore, #tpu.memory_space<semaphore_mem>>)
        %dma_wait3A_192 = arith.constant 0 : i32
        %dma_wait3A_193 = tpu.memref_slice %arg9[%arg0, %mul3A_186, %dma_wait3A_192] : memref<2x10000x128xf32, #tpu.memory_space<hbm>> -> memref<1x400x128xf32, #tpu.memory_space<hbm>>
        %dma_wait3A_194 = tpu.memref_squeeze %dma_wait3A_193 : memref<1x400x128xf32, #tpu.memory_space<hbm>> -> memref<400x128xf32, #tpu.memory_space<hbm>>
        %dma_wait3A_195 = arith.constant 0 : i32
        %dma_wait3A_196 = tpu.memref_slice %arg22[%mul3A_186, %dma_wait3A_195] : memref<10000x128xf32, #tpu.memory_space<vmem_shared>> -> memref<400x128xf32, #tpu.memory_space<vmem_shared>>
        tpu.wait_dma2 semaphore(%run_scoped3A : memref<!tpu.dma_semaphore, #tpu.memory_space<semaphore_mem>>) src(%dma_wait3A_196 : memref<400x128xf32, #tpu.memory_space<vmem_shared>>) dst(%dma_wait3A_194 : memref<400x128xf32, #tpu.memory_space<hbm>>)
        tpu.yield
      }) : () -> ()
    }
    %while3A_183 = arith.constant 1 : i32
    scf.for %while3A_184 = %while3A_181 to %while3A_177 step %while3A_183  : i32 {
      %mul3A_185 = arith.constant 400 : i32
      %mul3A_186 = arith.muli %while3A_184, %mul3A_185 : i32
      "tpu.region"() ({
        %run_scoped3A = tpu.sem_alloc : memref<!tpu.dma_semaphore, #tpu.memory_space<semaphore_mem>>
        %dma_start3A_187 = arith.constant 0 : i32
        %dma_start3A_188 = tpu.memref_slice %arg9[%arg0, %mul3A_186, %dma_start3A_187] : memref<2x10000x128xf32, #tpu.memory_space<hbm>> -> memref<1x400x128xf32, #tpu.memory_space<hbm>>
        %dma_start3A_189 = tpu.memref_squeeze %dma_start3A_188 : memref<1x400x128xf32, #tpu.memory_space<hbm>> -> memref<400x128xf32, #tpu.memory_space<hbm>>
        %dma_start3A_190 = arith.constant 0 : i32
        %dma_start3A_191 = tpu.memref_slice %arg22[%mul3A_186, %dma_start3A_190] : memref<10000x128xf32, #tpu.memory_space<vmem_shared>> -> memref<400x128xf32, #tpu.memory_space<vmem_shared>>
        tpu.enqueue_dma source(%dma_start3A_191 : memref<400x128xf32, #tpu.memory_space<vmem_shared>>) target(%dma_start3A_189 : memref<400x128xf32, #tpu.memory_space<hbm>>) target_semaphore(%run_scoped3A : memref<!tpu.dma_semaphore, #tpu.memory_space<semaphore_mem>>)
        %dma_wait3A_192 = arith.constant 0 : i32
        %dma_wait3A_193 = tpu.memref_slice %arg9[%arg0, %mul3A_186, %dma_wait3A_192] : memref<2x10000x128xf32, #tpu.memory_space<hbm>> -> memref<1x400x128xf32, #tpu.memory_space<hbm>>
        %dma_wait3A_194 = tpu.memref_squeeze %dma_wait3A_193 : memref<1x400x128xf32, #tpu.memory_space<hbm>> -> memref<400x128xf32, #tpu.memory_space<hbm>>
        %dma_wait3A_195 = arith.constant 0 : i32
        %dma_wait3A_196 = tpu.memref_slice %arg22[%mul3A_186, %dma_wait3A_195] : memref<10000x128xf32, #tpu.memory_space<vmem_shared>> -> memref<400x128xf32, #tpu.memory_space<vmem_shared>>
        tpu.wait_dma2 semaphore(%run_scoped3A : memref<!tpu.dma_semaphore, #tpu.memory_space<semaphore_mem>>) src(%dma_wait3A_196 : memref<400x128xf32, #tpu.memory_space<vmem_shared>>) dst(%dma_wait3A_194 : memref<400x128xf32, #tpu.memory_space<hbm>>)
        tpu.yield
      }) : () -> ()
    }
    return
  }
}

module attributes {stable_mosaic.version = 14 : i64} {
  func.func @body(%arg0: i32, %arg1: memref<10000x128xf32, #tpu.memory_space<vmem>>, %arg2: memref<128x128xf32, #tpu.memory_space<vmem>>, %arg3: memref<10000x128xf32, #tpu.memory_space<vmem>>) attributes {dimension_semantics = [#tpu.dimension_semantics<arbitrary>], iteration_bounds = array<i64: 1>, scalar_prefetch = 0 : i64, scratch_operands = 0 : i64, tpu.core_type = #tpu.core_type<tc>, window_params = [{pipeline_mode = #tpu.pipeline_mode<synchronous>, transform_indices = @transform_0, window_bounds = array<i64: 10000, 128>}, {pipeline_mode = #tpu.pipeline_mode<synchronous>, transform_indices = @transform_1, window_bounds = array<i64: 128, 128>}, {pipeline_mode = #tpu.pipeline_mode<synchronous>, transform_indices = @transform_2, window_bounds = array<i64: 10000, 128>}]} {
    %get3A = arith.constant 0 : index
    %get3A_0 = arith.constant 0 : index
    %get3A_1 = vector.load %arg1[%get3A, %get3A_0] : memref<10000x128xf32, #tpu.memory_space<vmem>>, vector<10000x128xf32>
    %get3A_2 = arith.constant 0 : index
    %get3A_3 = arith.constant 0 : index
    %get3A_4 = vector.load %arg2[%get3A_2, %get3A_3] : memref<128x128xf32, #tpu.memory_space<vmem>>, vector<128x128xf32>
    %dot_general3A = arith.constant dense<0.000000e+00> : vector<10000x128xf32>
    %dot_general3A_5 = tpu.matmul %get3A_1, %get3A_4, %dot_general3A {dimension_numbers = #tpu.dot_dimension_numbers<[1], [0], [0], [1], [0, 0, 1, 1], [], []>, transpose_lhs_hint = false} : vector<10000x128xf32>, vector<128x128xf32>, vector<10000x128xf32> -> vector<10000x128xf32>
    %swap3A = arith.constant 0 : index
    %swap3A_6 = arith.constant 0 : index
    %swap3A_7 = vector.load %arg3[%swap3A, %swap3A_6] : memref<10000x128xf32, #tpu.memory_space<vmem>>, vector<10000x128xf32>
    tpu.vector_store %arg3[%swap3A, %swap3A_6], %dot_general3A_5 {strides = array<i32>} : memref<10000x128xf32, #tpu.memory_space<vmem>>, vector<10000x128xf32>,
    return
  }
  func.func @transform_0(%arg0: i32) -> (i32, i32) {
    %c0_i32 = arith.constant 0 : i32
    %c0_i32_0 = arith.constant 0 : i32
    %c0_i32_1 = arith.constant 0 : i32
    return %c0_i32, %c0_i32_0 : i32, i32
  }
  func.func @transform_1(%arg0: i32) -> (i32, i32) {
    %c0_i32 = arith.constant 0 : i32
    %c0_i32_0 = arith.constant 0 : i32
    %c0_i32_1 = arith.constant 0 : i32
    return %c0_i32, %c0_i32_0 : i32, i32
  }
  func.func @transform_2(%arg0: i32) -> (i32, i32) {
    %c0_i32 = arith.constant 0 : i32
    %c0_i32_0 = arith.constant 0 : i32
    %c0_i32_1 = arith.constant 0 : i32
    return %c0_i32, %c0_i32_0 : i32, i32
  }
}

module attributes {stable_mosaic.version = 14 : i64} {
  func.func @body(%arg0: i32, %arg1: memref<8000x16xf32, #tpu.memory_space<vmem>>, %arg2: memref<16x128xf32, #tpu.memory_space<vmem>>, %arg3: memref<1x128xf32, #tpu.memory_space<vmem>>, %arg4: memref<8000x128xf32, #tpu.memory_space<vmem>>) attributes {dimension_semantics = [#tpu.dimension_semantics<arbitrary>], iteration_bounds = array<i64: 40>, scalar_prefetch = 0 : i64, scratch_operands = 0 : i64, tpu.core_type = #tpu.core_type<tc>, window_params = [{transform_indices = @transform_0, window_bounds = array<i64: 8000, 16>}, {pipeline_mode = #tpu.pipeline_mode<synchronous>, transform_indices = @transform_1, window_bounds = array<i64: 16, 128>}, {pipeline_mode = #tpu.pipeline_mode<synchronous>, transform_indices = @transform_2, window_bounds = array<i64: 1, 128>}, {transform_indices = @transform_3, window_bounds = array<i64: 8000, 128>}]} {
    %get3A = arith.constant 0 : index
    %get3A_0 = arith.constant 0 : index
    %get3A_1 = vector.load %arg1[%get3A, %get3A_0] : memref<8000x16xf32, #tpu.memory_space<vmem>>, vector<8000x16xf32>
    %get3A_2 = arith.constant 0 : index
    %get3A_3 = arith.constant 0 : index
    %get3A_4 = vector.load %arg2[%get3A_2, %get3A_3] : memref<16x128xf32, #tpu.memory_space<vmem>>, vector<16x128xf32>
    %dot_general3A = arith.constant dense<0.000000e+00> : vector<8000x128xf32>
    %dot_general3A_5 = tpu.matmul %get3A_1, %get3A_4, %dot_general3A {dimension_numbers = #tpu.dot_dimension_numbers<[1], [0], [0], [1], [0, 0, 1, 1], [], []>, transpose_lhs_hint = false} : vector<8000x16xf32>, vector<16x128xf32>, vector<8000x128xf32> -> vector<8000x128xf32>
    %get3A_6 = arith.constant 0 : index
    %get3A_7 = arith.constant 0 : index
    %get3A_8 = vector.load %arg3[%get3A_6, %get3A_7] : memref<1x128xf32, #tpu.memory_space<vmem>>, vector<1x128xf32>
    %add3A = vector.broadcast %get3A_8 : vector<1x128xf32> to vector<8000x128xf32>
    %add3A_9 = arith.addf %dot_general3A_5, %add3A : vector<8000x128xf32>
    %swap3A = arith.constant 0 : index
    %swap3A_10 = arith.constant 0 : index
    %swap3A_11 = vector.load %arg4[%swap3A, %swap3A_10] : memref<8000x128xf32, #tpu.memory_space<vmem>>, vector<8000x128xf32>
    tpu.vector_store %arg4[%swap3A, %swap3A_10], %add3A_9 {strides = array<i32>} : memref<8000x128xf32, #tpu.memory_space<vmem>>, vector<8000x128xf32>,
    return
  }
  func.func @transform_0(%arg0: i32) -> (i32, i32) {
    %c0_i32 = arith.constant 0 : i32
    %c0_i32_0 = arith.constant 0 : i32
    return %arg0, %c0_i32 : i32, i32
  }
  func.func @transform_1(%arg0: i32) -> (i32, i32) {
    %c0_i32 = arith.constant 0 : i32
    %c0_i32_0 = arith.constant 0 : i32
    %c0_i32_1 = arith.constant 0 : i32
    return %c0_i32, %c0_i32_0 : i32, i32
  }
  func.func @transform_2(%arg0: i32) -> (i32, i32) {
    %c0_i32 = arith.constant 0 : i32
    %c0_i32_0 = arith.constant 0 : i32
    %c0_i32_1 = arith.constant 0 : i32
    return %c0_i32, %c0_i32_0 : i32, i32
  }
  func.func @transform_3(%arg0: i32) -> (i32, i32) {
    %c0_i32 = arith.constant 0 : i32
    %c0_i32_0 = arith.constant 0 : i32
    return %arg0, %c0_i32 : i32, i32
  }
}

module attributes {stable_mosaic.version = 14 : i64} {
  func.func @body(%arg0: i32, %arg1: memref<8000x128xf32, #tpu.memory_space<vmem>>, %arg2: memref<128x128xf32, #tpu.memory_space<vmem>>, %arg3: memref<8000x128xf32, #tpu.memory_space<vmem>>) attributes {dimension_semantics = [#tpu.dimension_semantics<arbitrary>], iteration_bounds = array<i64: 40>, scalar_prefetch = 0 : i64, scratch_operands = 0 : i64, tpu.core_type = #tpu.core_type<tc>, window_params = [{transform_indices = @transform_0, window_bounds = array<i64: 8000, 128>}, {pipeline_mode = #tpu.pipeline_mode<synchronous>, transform_indices = @transform_1, window_bounds = array<i64: 128, 128>}, {transform_indices = @transform_2, window_bounds = array<i64: 8000, 128>}]} {
    %get3A = arith.constant 0 : index
    %get3A_0 = arith.constant 0 : index
    %get3A_1 = vector.load %arg1[%get3A, %get3A_0] : memref<8000x128xf32, #tpu.memory_space<vmem>>, vector<8000x128xf32>
    %get3A_2 = arith.constant 0 : index
    %get3A_3 = arith.constant 0 : index
    %get3A_4 = vector.load %arg2[%get3A_2, %get3A_3] : memref<128x128xf32, #tpu.memory_space<vmem>>, vector<128x128xf32>
    %dot_general3A = arith.constant dense<0.000000e+00> : vector<8000x128xf32>
    %dot_general3A_5 = tpu.matmul %get3A_1, %get3A_4, %dot_general3A {dimension_numbers = #tpu.dot_dimension_numbers<[1], [0], [0], [1], [0, 0, 1, 1], [], []>, transpose_lhs_hint = false} : vector<8000x128xf32>, vector<128x128xf32>, vector<8000x128xf32> -> vector<8000x128xf32>
    %swap3A = arith.constant 0 : index
    %swap3A_6 = arith.constant 0 : index
    %swap3A_7 = vector.load %arg3[%swap3A, %swap3A_6] : memref<8000x128xf32, #tpu.memory_space<vmem>>, vector<8000x128xf32>
    tpu.vector_store %arg3[%swap3A, %swap3A_6], %dot_general3A_5 {strides = array<i32>} : memref<8000x128xf32, #tpu.memory_space<vmem>>, vector<8000x128xf32>,
    return
  }
  func.func @transform_0(%arg0: i32) -> (i32, i32) {
    %c0_i32 = arith.constant 0 : i32
    %c0_i32_0 = arith.constant 0 : i32
    return %arg0, %c0_i32 : i32, i32
  }
  func.func @transform_1(%arg0: i32) -> (i32, i32) {
    %c0_i32 = arith.constant 0 : i32
    %c0_i32_0 = arith.constant 0 : i32
    %c0_i32_1 = arith.constant 0 : i32
    return %c0_i32, %c0_i32_0 : i32, i32
  }
  func.func @transform_2(%arg0: i32) -> (i32, i32) {
    %c0_i32 = arith.constant 0 : i32
    %c0_i32_0 = arith.constant 0 : i32
    return %arg0, %c0_i32 : i32, i32
  }
}

module attributes {stable_mosaic.version = 14 : i64} {
  func.func @body(%arg0: i32, %arg1: memref<2x10000x128xf32, #tpu.memory_space<vmem>>, %arg2: memref<128x128xf32, #tpu.memory_space<vmem>>, %arg3: memref<1x128xf32, #tpu.memory_space<vmem>>, %arg4: memref<10000x128xf32, #tpu.memory_space<vmem>>, %arg5: memref<10000x128xf32, #tpu.memory_space<vmem>>) attributes {dimension_semantics = [#tpu.dimension_semantics<arbitrary>], iteration_bounds = array<i64: 1>, scalar_prefetch = 0 : i64, scratch_operands = 0 : i64, tpu.core_type = #tpu.core_type<tc>, window_params = [{pipeline_mode = #tpu.pipeline_mode<synchronous>, transform_indices = @transform_0, window_bounds = array<i64: 2, 10000, 128>}, {pipeline_mode = #tpu.pipeline_mode<synchronous>, transform_indices = @transform_1, window_bounds = array<i64: 128, 128>}, {pipeline_mode = #tpu.pipeline_mode<synchronous>, transform_indices = @transform_2, window_bounds = array<i64: 1, 128>}, {pipeline_mode = #tpu.pipeline_mode<synchronous>, transform_indices = @transform_3, window_bounds = array<i64: 10000, 128>}, {pipeline_mode = #tpu.pipeline_mode<synchronous>, transform_indices = @transform_4, window_bounds = array<i64: 10000, 128>}]} {
    %get3A = arith.constant 0 : index
    %get3A_0 = arith.constant 0 : index
    %get3A_1 = arith.constant 0 : index
    %get3A_2 = vector.load %arg1[%get3A, %get3A_0, %get3A_1] : memref<2x10000x128xf32, #tpu.memory_space<vmem>>, vector<1x10000x128xf32>
    %get3A_3 = vector.shape_cast %get3A_2 : vector<1x10000x128xf32> to vector<10000x128xf32>
    %get3A_4 = arith.constant 1 : index
    %get3A_5 = arith.constant 0 : index
    %get3A_6 = arith.constant 0 : index
    %get3A_7 = vector.load %arg1[%get3A_4, %get3A_5, %get3A_6] : memref<2x10000x128xf32, #tpu.memory_space<vmem>>, vector<1x10000x128xf32>
    %get3A_8 = vector.shape_cast %get3A_7 : vector<1x10000x128xf32> to vector<10000x128xf32>
    %add3A = arith.addf %get3A_3, %get3A_8 : vector<10000x128xf32>
    %get3A_9 = arith.constant 0 : index
    %get3A_10 = arith.constant 0 : index
    %get3A_11 = vector.load %arg2[%get3A_9, %get3A_10] : memref<128x128xf32, #tpu.memory_space<vmem>>, vector<128x128xf32>
    %dot_general3A = arith.constant dense<0.000000e+00> : vector<10000x128xf32>
    %dot_general3A_12 = tpu.matmul %add3A, %get3A_11, %dot_general3A {dimension_numbers = #tpu.dot_dimension_numbers<[1], [0], [0], [1], [0, 0, 1, 1], [], []>, transpose_lhs_hint = false} : vector<10000x128xf32>, vector<128x128xf32>, vector<10000x128xf32> -> vector<10000x128xf32>
    %get3A_13 = arith.constant 0 : index
    %get3A_14 = arith.constant 0 : index
    %get3A_15 = vector.load %arg3[%get3A_13, %get3A_14] : memref<1x128xf32, #tpu.memory_space<vmem>>, vector<1x128xf32>
    %add3A_16 = vector.broadcast %get3A_15 : vector<1x128xf32> to vector<10000x128xf32>
    %add3A_17 = arith.addf %dot_general3A_12, %add3A_16 : vector<10000x128xf32>
    %get3A_18 = arith.constant 0 : index
    %get3A_19 = arith.constant 0 : index
    %get3A_20 = vector.load %arg4[%get3A_18, %get3A_19] : memref<10000x128xf32, #tpu.memory_space<vmem>>, vector<10000x128xf32>
    %add3A_21 = arith.addf %add3A_17, %get3A_20 : vector<10000x128xf32>
    %swap3A = arith.constant 0 : index
    %swap3A_22 = arith.constant 0 : index
    %swap3A_23 = vector.load %arg5[%swap3A, %swap3A_22] : memref<10000x128xf32, #tpu.memory_space<vmem>>, vector<10000x128xf32>
    tpu.vector_store %arg5[%swap3A, %swap3A_22], %add3A_21 {strides = array<i32>} : memref<10000x128xf32, #tpu.memory_space<vmem>>, vector<10000x128xf32>,
    return
  }
  func.func @transform_0(%arg0: i32) -> (i32, i32, i32) {
    %c0_i32 = arith.constant 0 : i32
    %c0_i32_0 = arith.constant 0 : i32
    %c0_i32_1 = arith.constant 0 : i32
    %c0_i32_2 = arith.constant 0 : i32
    return %c0_i32, %c0_i32_0, %c0_i32_1 : i32, i32, i32
  }
  func.func @transform_1(%arg0: i32) -> (i32, i32) {
    %c0_i32 = arith.constant 0 : i32
    %c0_i32_0 = arith.constant 0 : i32
    %c0_i32_1 = arith.constant 0 : i32
    return %c0_i32, %c0_i32_0 : i32, i32
  }
  func.func @transform_2(%arg0: i32) -> (i32, i32) {
    %c0_i32 = arith.constant 0 : i32
    %c0_i32_0 = arith.constant 0 : i32
    %c0_i32_1 = arith.constant 0 : i32
    return %c0_i32, %c0_i32_0 : i32, i32
  }
  func.func @transform_3(%arg0: i32) -> (i32, i32) {
    %c0_i32 = arith.constant 0 : i32
    %c0_i32_0 = arith.constant 0 : i32
    %c0_i32_1 = arith.constant 0 : i32
    return %c0_i32, %c0_i32_0 : i32, i32
  }
  func.func @transform_4(%arg0: i32) -> (i32, i32) {
    %c0_i32 = arith.constant 0 : i32
    %c0_i32_0 = arith.constant 0 : i32
    %c0_i32_1 = arith.constant 0 : i32
    return %c0_i32, %c0_i32_0 : i32, i32
  }
}

module attributes {stable_mosaic.version = 14 : i64} {
  func.func @body(%arg0: i32, %arg1: memref<10000x128xf32, #tpu.memory_space<vmem>>, %arg2: memref<2x10000x128xf32, #tpu.memory_space<vmem>>, %arg3: memref<128x128xf32, #tpu.memory_space<vmem>>, %arg4: memref<128x128xf32, #tpu.memory_space<vmem>>, %arg5: memref<1x128xf32, #tpu.memory_space<vmem>>, %arg6: memref<10000x128xf32, #tpu.memory_space<vmem>>) attributes {dimension_semantics = [#tpu.dimension_semantics<arbitrary>], iteration_bounds = array<i64: 1>, scalar_prefetch = 0 : i64, scratch_operands = 0 : i64, tpu.core_type = #tpu.core_type<tc>, window_params = [{pipeline_mode = #tpu.pipeline_mode<synchronous>, transform_indices = @transform_0, window_bounds = array<i64: 10000, 128>}, {pipeline_mode = #tpu.pipeline_mode<synchronous>, transform_indices = @transform_1, window_bounds = array<i64: 2, 10000, 128>}, {pipeline_mode = #tpu.pipeline_mode<synchronous>, transform_indices = @transform_2, window_bounds = array<i64: 128, 128>}, {pipeline_mode = #tpu.pipeline_mode<synchronous>, transform_indices = @transform_3, window_bounds = array<i64: 128, 128>}, {pipeline_mode = #tpu.pipeline_mode<synchronous>, transform_indices = @transform_4, window_bounds = array<i64: 1, 128>}, {pipeline_mode = #tpu.pipeline_mode<synchronous>, transform_indices = @transform_5, window_bounds = array<i64: 10000, 128>}]} {
    %get3A = arith.constant 0 : index
    %get3A_0 = arith.constant 0 : index
    %get3A_1 = arith.constant 0 : index
    %get3A_2 = vector.load %arg2[%get3A, %get3A_0, %get3A_1] : memref<2x10000x128xf32, #tpu.memory_space<vmem>>, vector<1x10000x128xf32>
    %get3A_3 = vector.shape_cast %get3A_2 : vector<1x10000x128xf32> to vector<10000x128xf32>
    %get3A_4 = arith.constant 1 : index
    %get3A_5 = arith.constant 0 : index
    %get3A_6 = arith.constant 0 : index
    %get3A_7 = vector.load %arg2[%get3A_4, %get3A_5, %get3A_6] : memref<2x10000x128xf32, #tpu.memory_space<vmem>>, vector<1x10000x128xf32>
    %get3A_8 = vector.shape_cast %get3A_7 : vector<1x10000x128xf32> to vector<10000x128xf32>
    %add3A = arith.addf %get3A_3, %get3A_8 : vector<10000x128xf32>
    %reduce_sum3A = arith.constant dense<0.000000e+00> : vector<10000xf32>
    %reduce_sum3A_9 = vector.multi_reduction <add>, %add3A, %reduce_sum3A [1] : vector<10000x128xf32> to vector<10000xf32>
    %broadcast_in_dim3A = vector.shape_cast %reduce_sum3A_9 : vector<10000xf32> to vector<10000x1xf32>
    %eq3A = arith.constant 0.000000e+00 : f32
    %eq3A_10 = vector.broadcast %eq3A : f32 to vector<10000x1xf32>
    %eq3A_11 = arith.cmpf oeq, %broadcast_in_dim3A, %eq3A_10 : vector<10000x1xf32>
    %get3A_12 = arith.constant 0 : index
    %get3A_13 = arith.constant 0 : index
    %get3A_14 = vector.load %arg1[%get3A_12, %get3A_13] : memref<10000x128xf32, #tpu.memory_space<vmem>>, vector<10000x128xf32>
    %broadcast_in_dim3A_15 = vector.shape_cast %eq3A_11 : vector<10000x1xi1> to vector<10000x1xi1>
    %broadcast_in_dim3A_16 = vector.broadcast %broadcast_in_dim3A_15 : vector<10000x1xi1> to vector<10000x128xi1>
    %select_n3A = arith.select %broadcast_in_dim3A_16, %get3A_14, %add3A : vector<10000x128xi1>, vector<10000x128xf32>
    %get3A_17 = arith.constant 0 : index
    %get3A_18 = arith.constant 0 : index
    %get3A_19 = vector.load %arg1[%get3A_17, %get3A_18] : memref<10000x128xf32, #tpu.memory_space<vmem>>, vector<10000x128xf32>
    %get3A_20 = arith.constant 0 : index
    %get3A_21 = arith.constant 0 : index
    %get3A_22 = vector.load %arg3[%get3A_20, %get3A_21] : memref<128x128xf32, #tpu.memory_space<vmem>>, vector<128x128xf32>
    %dot_general3A = arith.constant dense<0.000000e+00> : vector<10000x128xf32>
    %dot_general3A_23 = tpu.matmul %get3A_19, %get3A_22, %dot_general3A {dimension_numbers = #tpu.dot_dimension_numbers<[1], [0], [0], [1], [0, 0, 1, 1], [], []>, transpose_lhs_hint = false} : vector<10000x128xf32>, vector<128x128xf32>, vector<10000x128xf32> -> vector<10000x128xf32>
    %get3A_24 = arith.constant 0 : index
    %get3A_25 = arith.constant 0 : index
    %get3A_26 = vector.load %arg4[%get3A_24, %get3A_25] : memref<128x128xf32, #tpu.memory_space<vmem>>, vector<128x128xf32>
    %dot_general3A_27 = arith.constant dense<0.000000e+00> : vector<10000x128xf32>
    %dot_general3A_28 = tpu.matmul %select_n3A, %get3A_26, %dot_general3A_27 {dimension_numbers = #tpu.dot_dimension_numbers<[1], [0], [0], [1], [0, 0, 1, 1], [], []>, transpose_lhs_hint = false} : vector<10000x128xf32>, vector<128x128xf32>, vector<10000x128xf32> -> vector<10000x128xf32>
    %add3A_29 = arith.addf %dot_general3A_23, %dot_general3A_28 : vector<10000x128xf32>
    %get3A_30 = arith.constant 0 : index
    %get3A_31 = arith.constant 0 : index
    %get3A_32 = vector.load %arg5[%get3A_30, %get3A_31] : memref<1x128xf32, #tpu.memory_space<vmem>>, vector<1x128xf32>
    %add3A_33 = vector.broadcast %get3A_32 : vector<1x128xf32> to vector<10000x128xf32>
    %add3A_34 = arith.addf %add3A_29, %add3A_33 : vector<10000x128xf32>
    %max3A = arith.constant 0.000000e+00 : f32
    %max3A_35 = vector.broadcast %max3A : f32 to vector<10000x128xf32>
    %max3A_36 = arith.maximumf %add3A_34, %max3A_35 : vector<10000x128xf32>
    %swap3A = arith.constant 0 : index
    %swap3A_37 = arith.constant 0 : index
    %swap3A_38 = vector.load %arg6[%swap3A, %swap3A_37] : memref<10000x128xf32, #tpu.memory_space<vmem>>, vector<10000x128xf32>
    tpu.vector_store %arg6[%swap3A, %swap3A_37], %max3A_36 {strides = array<i32>} : memref<10000x128xf32, #tpu.memory_space<vmem>>, vector<10000x128xf32>,
    return
  }
  func.func @transform_0(%arg0: i32) -> (i32, i32) {
    %c0_i32 = arith.constant 0 : i32
    %c0_i32_0 = arith.constant 0 : i32
    %c0_i32_1 = arith.constant 0 : i32
    return %c0_i32, %c0_i32_0 : i32, i32
  }
  func.func @transform_1(%arg0: i32) -> (i32, i32, i32) {
    %c0_i32 = arith.constant 0 : i32
    %c0_i32_0 = arith.constant 0 : i32
    %c0_i32_1 = arith.constant 0 : i32
    %c0_i32_2 = arith.constant 0 : i32
    return %c0_i32, %c0_i32_0, %c0_i32_1 : i32, i32, i32
  }
  func.func @transform_2(%arg0: i32) -> (i32, i32) {
    %c0_i32 = arith.constant 0 : i32
    %c0_i32_0 = arith.constant 0 : i32
    %c0_i32_1 = arith.constant 0 : i32
    return %c0_i32, %c0_i32_0 : i32, i32
  }
  func.func @transform_3(%arg0: i32) -> (i32, i32) {
    %c0_i32 = arith.constant 0 : i32
    %c0_i32_0 = arith.constant 0 : i32
    %c0_i32_1 = arith.constant 0 : i32
    return %c0_i32, %c0_i32_0 : i32, i32
  }
  func.func @transform_4(%arg0: i32) -> (i32, i32) {
    %c0_i32 = arith.constant 0 : i32
    %c0_i32_0 = arith.constant 0 : i32
    %c0_i32_1 = arith.constant 0 : i32
    return %c0_i32, %c0_i32_0 : i32, i32
  }
  func.func @transform_5(%arg0: i32) -> (i32, i32) {
    %c0_i32 = arith.constant 0 : i32
    %c0_i32_0 = arith.constant 0 : i32
    %c0_i32_1 = arith.constant 0 : i32
    return %c0_i32, %c0_i32_0 : i32, i32
  }
}

</mosaic_0001>

<sc_bundles>
// kernel: kernel.12.cloned.1.call-start
scs
__scs_entry_jumppad:
0x0: {  	(pc) =	sbr.rel $0x88, $3  }
0x1: {  	(tag) =	ssettag $0x0;
	lr =	simm.s32 $0x1  }
0x2: {  	[smem:$0x3F97] =	sst lr;
	_ =	strace $0xD0000000  }
0x3: {  	_ = 	snop  }
0x4: {  	_ = 	snop  }
0x5: {  	_ = 	snop  }
0x6: {  	_ = 	snop  }
0x7: {  	_ = 	snop  }
__scs_overlays_trampoline_lowered:
0x8: {  	[smem:$0x3FA6] =	sst s0  }
0x9: {  	[smem:$0x3FA7] =	sst s1  }
0xa: {  	[smem:$0x3FA8] =	sst s2  }
0xb: {  	[smem:$0x3FA9] =	sst s3  }
0xc: {  	[smem:$0x3FAA] =	sst s4  }
0xd: {  	[smem:$0x3FAB] =	sst s5  }
0xe: {  	[smem:$0x3FAC] =	sst s6  }
0xf: {  	[smem:$0x3FAD] =	sst s7  }
0x10: {  	[smem:$0x3FAE] =	sst s8  }
0x11: {  	[smem:$0x3FAF] =	sst s9;
	s0 =	simm.s32 @!p0 $0x0  }
0x12: {  	s1 =	sld [smem:$0x3F95];
	s0 =	simm.s32 @p0 $0x1  }
0x13: {  	[smem:$0x3FB0] =	sst s0;
	s0 =	simm.s32 @!p1 $0x0  }
0x14: {  	s2 =	sld [smem:$0x3F94];
	s0 =	simm.s32 @p1 $0x1  }
0x15: {  	[smem:$0x3FB1] =	sst s0;
	s0 =	simm.s32 @!p2 $0x0  }
0x16: {  	s3 =	sld [smem:$0x3FDB];
	s0 =	simm.s32 @p2 $0x1  }
0x17: {  	s4 =	simm.s32 $0x1BF5;
	[smem:$0x3FB3] =	sst s0  }
0x18: {  	s0 =	sld [smem:$0x3F96];
	_ =	swait.ge [sflag:s4], $0x0  }
0x19: {  	s7 =	sld [smem:$0x3F97]  }
0x1a: {  	s8 =	sadd.s32 $0xFFFFE003, lr  }
0x1b: {  	s9 =	sadd.s32 $0xFFFFFEF7, lr;
	s5 =	simm.s32 $0xFFFFFFFF;
	p2 =	slt.u32 s8, $0xFFFFF086  }
0x1c: {  	p1 =	slt.u32 s9, $0xF7A;
	s5 =	simm.s32 @!p2 $0x0  }
0x1d: {  	s5 =	simm.s32 @p1 $0x1;
	p0 =	seq.s32 s7, s2  }
0x1e: {  	s7 =	smul.u32 @!p0 $0xF7A, s2;
	p2 =	seq.s32 @!p0 s5, $0x0  }
0x1f: {  	s9 =	smul.u32 $0xF7A, s1;
	s8 =	simm.s32 @!p0 $0x1BF5;
	p2 =	por !p2, p0  }
0x20: {  	[sflag:s8] =	ssyncset.s32 @!p0 $0xFFFFF086;
	s6 =	sadd.s32 @!p0 s3, s7;
	s7 =	simm.s32 @!p0 $0x108  }
0x21: {  	s3 =	sadd.s32 s3, s9;
	s6 =	sadd.s32 @!p0 $0x88, s6;
	s7 =	simm.s32 @p2 $0x1082  }
0x22: {  	[simem:s7], [sflag:s8] =	dma.local @!p0 [hbm:s6], $0xF7A  }
0x23: {  	s9 =	sor.u32 $0xD0000000, s2;
	s6 =	simm.s32 $0x108;
	_ =	swait.ge @!p0 [sflag:s8], $0x0  }
0x24: {  	s3 =	sadd.s32 $0x88, s3;
	s6 =	simm.s32 @!p1 $0x1082;
	[sflag:s4] =	ssyncset.s32 $0xFFFFF086  }
0x25: {  	[simem:s6], [sflag:s4] =	dma.local [hbm:s3], $0xF7A  }
0x26: {  	[smem:$0x3F97] =	sst s1;
	(tag) =	ssettag s2;
	_ =	strace s9  }
0x27: {  	s1 =	sld [smem:$0x3FA7]  }
0x28: {  	s2 =	sld [smem:$0x3FA8]  }
0x29: {  	s4 =	sld [smem:$0x3FAA]  }
0x2a: {  	p0 =	seq.s32 s5, $0x0;
	s5 =	sld [smem:$0x3FAB]  }
0x2b: {  	s6 =	sld [smem:$0x3FAC]  }
0x2c: {  	s7 =	sld [smem:$0x3FAD]  }
0x2d: {  	s3 =	simm.s32 $0x108;
	s8 =	sld [smem:$0x3FAE]  }
0x2e: {  	s3 =	simm.s32 @!p0 $0x1082;
	s9 =	sld [smem:$0x3FAF]  }
0x2f: {  	lr =	sadd.s32 s0, s3;
	s0 =	sld [smem:$0x3FA6]  }
0x30: {  	s3 =	sld [smem:$0x3FA9]  }
0x31: {  	[smem:$0x3FB2] =	sst s10  }
0x32: {  	s10 =	sld [smem:$0x3FB0];
	_ =	sdelay $0x3  }
0x33: {  	p0 =	seq.s32 s10, $0x1;
	s10 =	sld [smem:$0x3FB2];
	_ =	sdelay $0x3  }
0x34: {  	[smem:$0x3FB2] =	sst s10  }
0x35: {  	s10 =	sld [smem:$0x3FB1];
	_ =	sdelay $0x3  }
0x36: {  	p1 =	seq.s32 s10, $0x1;
	s10 =	sld [smem:$0x3FB2];
	_ =	sdelay $0x3  }
0x37: {  	[smem:$0x3FB2] =	sst s10  }
0x38: {  	s10 =	sld [smem:$0x3FB3]  }
0x39: {  	_ = 	snop;
	(pc) =	sbr.ind lr, $3  }
0x3a: {  	_ = 	snop  }
0x3b: {  	_ = 	snop  }
0x3c: {  	p2 =	seq.s32 s10, $0x1;
	s10 =	sld [smem:$0x3FB2]  }
0x3d: {  	_ =	shalt  }
0x3e: {  	_ =	shalt  }
0x3f: {  	_ =	shalt  }
0x40: {  	_ =	shalt  }
0x41: {  	_ =	shalt  }
0x42: {  	_ =	shalt  }
0x43: {  	_ =	shalt  }
0x44: {  	_ =	shalt  }
0x45: {  	_ =	shalt  }
0x46: {  	_ =	shalt  }
0x47: {  	_ =	shalt  }
0x48: {  	_ =	shalt  }
0x49: {  	_ =	shalt  }
0x4a: {  	_ =	shalt  }
0x4b: {  	_ =	shalt  }
0x4c: {  	_ =	shalt  }
0x4d: {  	_ =	shalt  }
0x4e: {  	_ =	shalt  }
0x4f: {  	_ =	shalt  }
0x50: {  	_ =	shalt  }
0x51: {  	_ =	shalt  }
0x52: {  	_ =	shalt  }
0x53: {  	_ =	shalt  }
0x54: {  	_ =	shalt  }
0x55: {  	_ =	shalt  }
0x56: {  	_ =	shalt  }
0x57: {  	_ =	shalt  }
0x58: {  	_ =	shalt  }
0x59: {  	_ =	shalt  }
0x5a: {  	_ =	shalt  }
0x5b: {  	_ =	shalt  }
0x5c: {  	_ =	shalt  }
0x5d: {  	_ =	shalt  }
0x5e: {  	_ =	shalt  }
0x5f: {  	_ =	shalt  }
0x60: {  	_ =	shalt  }
0x61: {  	_ =	shalt  }
0x62: {  	_ =	shalt  }
0x63: {  	_ =	shalt  }
0x64: {  	_ =	shalt  }
0x65: {  	_ =	shalt  }
0x66: {  	_ =	shalt  }
0x67: {  	_ =	shalt  }
0x68: {  	_ =	shalt  }
0x69: {  	_ =	shalt  }
0x6a: {  	_ =	shalt  }
0x6b: {  	_ =	shalt  }
0x6c: {  	_ =	shalt  }
0x6d: {  	_ =	shalt  }
0x6e: {  	_ =	shalt  }
0x6f: {  	_ =	shalt  }
0x70: {  	_ =	shalt  }
0x71: {  	_ =	shalt  }
0x72: {  	_ =	shalt  }
0x73: {  	_ =	shalt  }
0x74: {  	_ =	shalt  }
0x75: {  	_ =	shalt  }
0x76: {  	_ =	shalt  }
0x77: {  	_ =	shalt  }
0x78: {  	_ =	shalt  }
0x79: {  	_ =	shalt  }
0x7a: {  	_ =	shalt  }
0x7b: {  	_ =	shalt  }
0x7c: {  	_ =	shalt  }
0x7d: {  	_ =	shalt  }
0x7e: {  	_ =	shalt  }
0x7f: {  	_ =	shalt  }
0x80: {  	_ =	shalt  }
0x81: {  	_ =	shalt  }
0x82: {  	_ =	shalt  }
0x83: {  	_ =	shalt  }
0x84: {  	_ =	shalt  }
0x85: {  	_ =	shalt  }
0x86: {  	_ =	shalt  }
0x87: {  	_ =	shalt  }
.Lfunc_end0:
.L_simem_size_0:
called_computation_lowered:
.L_overlay_start_0:
0x88: {  	s2 =	sld [smem:$0x3FD9]  }
0x89: {  	s3 =	sld [smem:$0x3FFE];
	_ =	sdelay $0x1  }
0x8a: {  	s1 =	srdreg.scid  }
0x8b: {  	s0 =	sand.u32 $0x1, s1  }
0x8c: {  	s17 =	sshll.u32 s0, $0xA;
	s2 =	sadd.s32 s3, s2  }
0x8d: {  	s2 =	sadd.s32 s2, s17  }
0x8e: {  	[smem:$0x3FBE] =	sst s2  }
0x8f: {  	_ = 	snop  }
0x90: {  	s2 =	sld [smem:$0x3FD0];
	(tm) =	ssettm $0x1  }
0x91: {  	s18 =	sld [smem:$0x3FFB];
	_ =	sdelay $0x3  }
0x92: {  	_ =	strace s18  }
0x93: {  	s3 =	sld [smem:$0x3FFC];
	_ =	sdelay $0x3  }
0x94: {  	_ =	strace s3  }
0x95: {  	s3 =	sld [smem:$0x3FFD];
	_ =	sdelay $0x3  }
0x96: {  	_ =	strace s3  }
0x97: {  	_ =	strace $0x8FFFFFFF  }
0x98: {  	s19 =	sld [smem:$0x3FDB];
	_ =	sdelay $0x1  }
0x99: {  	s4 =	simm.s32 $_scs_section_size  }
0x9a: {  	s5 =	simm.s32 $_size__tile_overlayer_lowered;
	s6 =	simm.s32 $_tile_overlayer_lowered  }
0x9b: {  	s22 =	simm.s32 $0x1BFF;
	s21 =	sshll.u32 s6, $0x1;
	s3 =	sadd.s32 s4, s19  }
0x9c: {  	s7 =	simm.s32 $0x0;
	s20 =	sshll.u32 s5, $0x1;
	s5 =	sadd.s32 s21, s3  }
0x9d: {  	[timem:s7], [sflag:s22] =	dma.local [hbm:s5], s20  }
0x9e: {  	_ =	swait.ge [sflag:s22], s20  }
0x9f: {  	s4 =	ssub.s32 $0x0, s20;
	[sflag:s22] =	ssyncset.done $0x0  }
0xa0: {  	[sflag:s22] =	ssyncadd.s32 s4;
	_ =	sdelay $0x1  }
0xa1: {  	s23 =	simm.s32 $0x1B8B  }
0xa2: {  	_ =	swait.ge [sflag:s23], $0x1  }
0xa3: {  	[sflag:s23] =	ssyncset.done $0x0  }
0xa4: {  	s25 =	simm.s32 $0x1B8E;
	s24 =	sld [smem:$0x3FFE];
	[sflag:s23] =	ssyncadd.s32 $0xFFFFFFFF  }
0xa5: {  	s26 =	simm.s32 $execute0_lowered;
	[smem:$0x3FD2] =	sst s25  }
0xa6: {  	s5 =	sshll.u32 s26, $0x1;
	_ =	strace $0x80000046;
	[dreg:$0x1] =	wrdreg $0xFFFFFFFF  }
0xa7: {  	s28 =	simm.s32 $_size_execute0_lowered;
	s3 =	sadd.s32 s3, s5;
	[dreg:$0x0] =	wrdreg $0x0  }
0xa8: {  	s5 =	sshll.u32 s28, $0x1;
	[dreg:$0x2] =	wrdreg s3  }
0xa9: {  	[dreg:$0x3] =	wrdreg s5  }
0xaa: {  	[dreg:$0x4] =	wrdreg $0xC0  }
0xab: {  	_ =	task [dreg:s7], $0x5FFFF  }
0xac: {  	[dreg:$0x1] =	wrdreg $0xFFFFFFFF  }
0xad: {  	[dreg:$0x0] =	wrdreg $0x60  }
0xae: {  	[dreg:$0x2] =	wrdreg s24  }
0xaf: {  	[dreg:$0x3] =	wrdreg s2  }
0xb0: {  	[dreg:$0x4] =	wrdreg $0x52000  }
0xb1: {  	[dreg:$0x5] =	wrdreg $0x9  }
0xb2: {  	_ =	task.clear_ibuf [dreg:s7], $0x6FFFF;
	_ =	strace $0x90000046  }
0xb3: {  	s29 =	simm.s32 $0x9;
	_ =	strace $0x80000048  }
0xb4: {  	_ =	swait.ge [sflag:s29], $0x1  }
0xb5: {  	[sflag:s29] =	ssyncadd.s32 $0xFFFFFFFF  }
0xb6: {  	_ =	strace $0x90000048  }
0xb7: {  	_ =	sfence  }
0xb8: {  	s30 =	sld [smem:$0x0];
	_ =	sdelay $0x2  }
0xb9: {  	s31 =	sshll.u32 s1, $0xD;
	s1 =	sshrl.u32 s1, $0x2  }
0xba: {  	s3 =	sand.u32 $0x4000, s31;
	s1 =	sadd.s32 s1, s30  }
0xbb: {  	s0 =	sor.u32 s3, s0;
	s1 =	sshll.u32 s1, $0x11  }
0xbc: {  	s0 =	sor.u32 s1, s0  }
0xbd: {  	s0 =	sadd.s32 $0x8F2B, s0  }
0xbe: {  	[sflag:s0] =	ssyncadd.remote.s32 $0x1  }
0xbf: {  	_ =	sfence.sel $0xFFFF  }
0xc0: {  	[dreg:$0x0] =	wrdreg $0xFFFFFFFF;
	(pc) =	sbr.abs _section_cstart, $3  }
0xc1: {  	[dreg:$0x1] =	wrdreg $0xFFFFFFFF  }
0xc2: {  	_ =	task.clear_ibuf [dreg:s7], $0x2FFFF;
	_ =	strace $0x9FFFFFFF  }
0xc3: {  	(tm) =	ssettm $0x7FFFFFFF  }
tec
execute0_lowered:
.L_overlay_start_1:
0x0: {  	(tag) =	ssettag $0x1  }
0x1: {  	s0 =	rddreg [dreg:$0x0]  }
0x2: {  	s18 =	rddreg [dreg:$0x2];
	s9 =	stileid.u32  }
0x3: {  	s4 =	simm.s32 $0x0;
	s8 =	srdreg.scid;
	s29 =	simm.s32 $0x9  }
0x4: {  	s30 =	simm.s32 $0x100;
	s1 =	smul.u32 $0x19, s9;
	[smem:$0x7FF] =	sst s4  }
0x5: {  	s5 =	sadd.s32 $0x4F9E00, s0;
	s11 =	sand.u32 $0x1, s8;
	s9 =	sshll.u32 s9, $0x1  }
0x6: {  	s10 =	ssub.s32 $0x2, s11;
	s12 =	sor.u32 s11, s9;
	s11 =	smul.u32 $0x138800, s11  }
0x7: {  	s6 =	sadd.s32 $0xE000, s0;
	s8 =	sadd.s32 $0x9DBE00, s0;
	s13 =	smul.u32 $0x2710, s12  }
0x8: {  	s7 =	sadd.s32 $0x4200, s0;
	_ =	strace $0x80000047;
	s14 =	smul.u32 $0x4E2, s12  }
0x9: {  	s9 =	sadd.s32 $0x3F000, s0;
	s2 =	sshrl.u32 s1, $0x4;
	s15 =	smul.u32 $0x27100, s12  }
0xa: {  	s22 =	sshrl.u32 s10, $0x1;
	s1 =	sadd.s32 $0x19, s1;
	s3 =	smul.u32 $0x1900, s2  }
0xb: {  	s1 =	sshrl.u32 s1, $0x4;
	s16 =	sadd.s32 $0x28, s13;
	s17 =	sadd.s32 s6, s14  }
0xc: {  	s14 =	sadd.s32 s7, s14;
	s24 =	sadd.s32 s5, s15;
	s13 =	sshrl.u32 s13, $0x3  }
0xd: {  	p0 =	sle.u32 s1, s2;
	s1 =	ssub.s32 s1, s2;
	s21 =	sadd.s32 s8, s15  }
0xe: {  	s3 =	sadd.s32 s3, s0;
	s0 =	ssub.s32 s10, s22;
	[dreg:$0x5] =	wrdreg s17  }
0xf: {  	s10 =	smul.u32 $0xFA, s12;
	s23 =	sshrl.u32 s16, $0x3;
	[dreg:$0x6] =	wrdreg s14  }
0x10: {  	[dreg:$0x7] =	wrdreg s24;
	s31 =	sshll.u32 s16, $0x4;
	s16 =	smul.u32 $0xC800, s2  }
0x11: {  	s13 =	sadd.s32 $0xA, s13;
	s12 =	smul.u32 $0x138800, s12;
	[dreg:$0xb] =	wrdreg s1  }
0x12: {  	s17 =	smul.u32 $0x32000, s2;
	[dreg:$0xe] =	wrdreg s21;
	s25 =	sadd.s32 s6, s23  }
0x13: {  	s21 =	simm.s32 $0x1;
	s26 =	sadd.s32 s7, s23;
	[dreg:$0x8] =	wrdreg s25  }
0x14: {  	s14 =	sadd.s32 s5, s31;
	s20 =	sadd.s32 s6, s13;
	[dreg:$0x9] =	wrdreg s26  }
0x15: {  	s23 =	sadd.s32 s7, s13;
	s0 =	smax.u32 s0, $0x1;
	[dreg:$0xa] =	wrdreg s14  }
0x16: {  	s13 =	simm.s32 $0x180;
	s19 =	sadd.s32 s16, s11;
	[dreg:$0xd] =	wrdreg s20  }
0x17: {  	s22 =	sshrl.u32 s12, $0x3;
	[dreg:$0xf] =	wrdreg s23;
	s1 =	sshrl.u32 s17, $0x2  }
0x18: {  	[dreg:$0x11] =	wrdreg s0;
	s26 =	smov.u32 s18;
	s25 =	sadd.s32 $0x17E00, s3  }
0x19: {  	s31 =	sadd.s32 $0xFFFFFFFF, s10;
	[dreg:$0x4] =	wrdreg s10;
	s28 =	sadd.s32 $0x2, s10  }
0x1a: {  	s0 =	simm.s32 $0x28;
	s11 =	simm.s32 $0x80;
	s12 =	simm.s32 $0x3  }
0x1b: {  	s14 =	simm.s32 $0x2;
	s16 =	simm.s32 $0x3E00;
	s20 =	simm.s32 $0x4  }
.Ltmp0:
0x1c: {  	s23 =	simm.s32 $0x8;
	[dreg:$0xc] =	wrdreg s19;
	(pc) =	sbr.rel .LBB2_1-.Ltmp0, $4  }
0x1d: {  	s3 =	simm.s32 $0x0;
	s2 =	sadd.s32 s8, s22;
	[dreg:$0x13] =	wrdreg s25  }
0x1e: {  	s24 =	sadd.s32 s1, s18;
	[dreg:$0x14] =	wrdreg s31;
	s1 =	simm.s32 $0x2A00  }
0x1f: {  	s19 =	simm.s32 $0x5;
	s2 =	sadd.s32 $0x26E80, s2;
	[dreg:$0x12] =	wrdreg s24  }
0x20: {  	s18 =	simm.s32 $0x7;
	s22 =	simm.s32 $0x6;
	[dreg:$0x10] =	wrdreg s2  }
.LBB2_19:
0x21: {  	_ =	swait.ge [sflag:s29], $0x1900  }
0x22: {  	[sflag:s29] =	ssyncset.done $0x0  }
0x23: {  	s3 =	rddreg [dreg:$0x15];
	[sflag:s29] =	ssyncadd.s32 $0xFFFFE700  }
.LBB2_20:
0x24: {  	s3 =	sadd.s32 $0x1, s3;
	s2 =	rddreg [dreg:$0x11]  }
0x25: {  	p1 =	sne.s32 s3, s2  }
.Ltmp1:
0x26: {  	_ = 	snop;
	(pc) =	sbr.rel @!p1 .LBB2_21-.Ltmp1, $1  }
0x27: {  	_ =	sdelay $0x3  }
.LBB2_1:
.Ltmp2:
0x28: {  	(pc) =	sbr.rel @p0 .LBB2_5-.Ltmp2, $2  }
0x29: {  	_ =	sdelay $0x2  }
0x2a: {  	[dreg:$0x15] =	wrdreg s3  }
0x2b: {  	s2 =	stileid.u32  }
0x2c: {  	s10 =	rddreg [dreg:$0x12];
	s2 =	sshll.u32 s2, $0x6  }
0x2d: {  	s17 =	rddreg [dreg:$0x13];
	s3 =	sshrl.u32 s10, $0x3;
	s2 =	sor.u32 $0x1C09, s2  }
0x2e: {  	[spmem:s3], [sflag:s2] =	dma.local [hbm:s17], $0x1900  }
0x2f: {  	s3 =	rddreg [dreg:$0xb]  }
0x30: {  	p1 =	sne.s32 s3, $0x1  }
.Ltmp3:
0x31: {  	_ = 	snop;
	(pc) =	sbr.rel @!p1 .LBB2_4-.Ltmp3, $2  }
0x32: {  	_ =	sdelay $0x2  }
0x33: {  	s15 =	sadd.s32 $0xC800, s10;
	_ =	swait.ge [sflag:s29], $0x1900;
	s3 =	sadd.s32 $0xFFFFFFFF, s3  }
.LBB2_3:
0x34: {  	[sflag:s29] =	ssyncset.done $0x0;
	s17 =	sadd.s32 $0x1900, s17;
	p1 =	sne.s32 s3, $0x1  }
.Ltmp4:
0x35: {  	s24 =	sshrl.u32 s15, $0x3;
	[sflag:s29] =	ssyncadd.s32 $0xFFFFE700;
	(pc) =	sbr.rel @p1 .LBB2_3-.Ltmp4, $3  }
0x36: {  	[spmem:s24], [sflag:s2] =	dma.local [hbm:s17], $0x1900  }
0x37: {  	s3 =	sadd.s32 $0xFFFFFFFF, s3;
	_ =	sdelay $0x1  }
0x38: {  	s15 =	sadd.s32 $0xC800, s15;
	_ =	swait.ge [sflag:s29], $0x1900  }
.LBB2_4:
0x39: {  	[sflag:s29] =	ssyncset.done $0x0  }
0x3a: {  	[sflag:s29] =	ssyncadd.s32 $0xFFFFE700  }
.LBB2_5:
0x3b: {  	[bflag:$0x0] =	sbarrier.arrive $0xFFFF  }
0x3c: {  	s2 =	simm.s32 $0x0;
	s3 =	rddreg [dreg:$0x5]  }
0x3d: {  	[tilespmem:s2], [sflag:$0x9] =	stream.linear.gather [hbm4b:s3+s2], $0x28, $0x38;
	[tilespmem:$0x18A80] =	vst v63  }
0x3e: {  	_ =	swait.ge [sflag:s29], $0x28  }
0x3f: {  	[sflag:s29] =	ssyncset.done $0x0  }
0x40: {  	s24 =	rddreg [dreg:$0x6];
	[sflag:s29] =	ssyncadd.s32 $0xFFFFFFD8  }
0x41: {  	[tilespmem:s30], [sflag:$0x9] =	stream.linear.gather [hbm4b:s24+s2], $0x28, $0x38;
	[tilespmem:$0x18A80] =	vst v63  }
0x42: {  	_ =	swait.ge [sflag:s29], $0x28  }
0x43: {  	[sflag:s29] =	ssyncset.done $0x0  }
0x44: {  	s10 =	simm.s32 $0x200;
	s25 =	rddreg [dreg:$0x7];
	[sflag:s29] =	ssyncadd.s32 $0xFFFFFFD8  }
0x45: {  	[tilespmem:s10], [sflag:$0x3] =	stream.linear.gather [hbm4b:s25+s2], $0x1400, $0x38;
	[tilespmem:$0x18A80] =	vst v63  }
0x46: {  	s31 =	rddreg [dreg:$0x1]  }
0x47: {  	[tilespmem:s1], [sflag:$0x3] =	stream.indirect.gather [hbm4b:s31+s0], $0x80, s2, s0, $0xb8;
	[tilespmem:$0x18A80] =	vst v63  }
0x48: {  	s17 =	rddreg [dreg:$0x8]  }
0x49: {  	[tilespmem:s11], [sflag:$0x2] =	stream.linear.gather [hbm4b:s17+s2], $0x28, $0x38;
	[tilespmem:$0x18A80] =	vst v63  }
0x4a: {  	_ =	swait.ge [sflag:s12], $0x1400  }
0x4b: {  	[sflag:s12] =	ssyncset.done $0x0  }
0x4c: {  	[sflag:s12] =	ssyncadd.s32 $0xFFFFEC00  }
0x4d: {  	_ =	swait.ge [sflag:s12], $0x1400  }
0x4e: {  	[sflag:s12] =	ssyncset.done $0x0  }
0x4f: {  	s24 =	rddreg [dreg:$0x9];
	[sflag:s12] =	ssyncadd.s32 $0xFFFFEC00  }
0x50: {  	[tilespmem:s13], [sflag:$0x2] =	stream.linear.gather [hbm4b:s24+s2], $0x28, $0x38;
	[tilespmem:$0x18A80] =	vst v63  }
0x51: {  	_ =	swait.ge [sflag:s14], $0x28  }
0x52: {  	[sflag:s14] =	ssyncset.done $0x0  }
0x53: {  	[sflag:s14] =	ssyncadd.s32 $0xFFFFFFD8  }
0x54: {  	_ =	swait.ge [sflag:s14], $0x28  }
0x55: {  	[sflag:s14] =	ssyncset.done $0x0  }
0x56: {  	s15 =	simm.s32 $0x1600;
	s25 =	rddreg [dreg:$0xa];
	[sflag:s14] =	ssyncadd.s32 $0xFFFFFFD8  }
0x57: {  	[tilespmem:s15], [sflag:$0x4] =	stream.linear.gather [hbm4b:s25+s2], $0x1400, $0x38;
	[tilespmem:$0x18A80] =	vst v63  }
0x58: {  	_ = 	snop  }
0x59: {  	[tilespmem:s16], [sflag:$0x4] =	stream.indirect.gather [hbm4b:s31+s0], $0x80, s11, s0, $0xb8;
	[tilespmem:$0x18A80] =	vst v63  }
0x5a: {  	s31 =	rddreg [dreg:$0xd]  }
0x5b: {  	[tilespmem:s2], [sflag:$0x1] =	stream.linear.gather [hbm4b:s31+s2], $0x28, $0x38;
	[tilespmem:$0x18A80] =	vst v63  }
0x5c: {  	s2 =	simm.s32 $0x0  }
0x5d: {  	v6 =	vld [tilespmem:s2+$0x200]  }
0x5e: {  	v11 =	vld [tilespmem:s2+$0x210]  }
0x5f: {  	v5 =	vld [tilespmem:s2+$0x220]  }
0x60: {  	v4 =	vld [tilespmem:s2+$0x230]  }
0x61: {  	v3 =	vld [tilespmem:s2+$0x240]  }
0x62: {  	v2 =	vld [tilespmem:s2+$0x250]  }
0x63: {  	v1 =	vld [tilespmem:s2+$0x260]  }
0x64: {  	v0 =	vld [tilespmem:s2+$0x270]  }
0x65: {  	v12 =	vld [tilespmem:s2+$0x2A00]  }
0x66: {  	v13 =	vld [tilespmem:s2+$0x2A10]  }
0x67: {  	v10 =	vld [tilespmem:s2+$0x2A20]  }
0x68: {  	v9 =	vld [tilespmem:s2+$0x2A30]  }
0x69: {  	v8 =	vld [tilespmem:s2+$0x2A40]  }
0x6a: {  	v7 =	vld [tilespmem:s2+$0x2A50];
	v12 =	vadd.f32 v12, v6  }
0x6b: {  	s15 =	simm.s32 $0x200;
	v11 =	vadd.f32 v13, v11;
	v6 =	vld [tilespmem:s2+$0x2A60]  }
.LBB2_6:
0x6c: {  	s3 =	sshra.s32 s15, $0x2;
	p1 =	sne.s32 s15, $0x4E00;
	v12 =	vmax.f32 v12, $0.0e+00;
	v5 =	vadd.f32 v10, v5;
	v10 =	vld [tilespmem:s2+$0x2A70]  }
0x6d: {  	v13 =	vld [tilespmem:s3+$0x200];
	[tilespmem:s2+$0x2A00] =	vst v12;
	v11 =	vmax.f32 v11, $0.0e+00;
	v4 =	vadd.f32 v9, v4  }
0x6e: {  	v14 =	vld [tilespmem:s3+$0x210];
	[tilespmem:s2+$0x2A10] =	vst v11;
	v9 =	vmax.f32 v5, $0.0e+00;
	v3 =	vadd.f32 v8, v3  }
0x6f: {  	v5 =	vld [tilespmem:s3+$0x220];
	[tilespmem:s2+$0x2A20] =	vst v9;
	v8 =	vmax.f32 v4, $0.0e+00;
	v2 =	vadd.f32 v7, v2  }
0x70: {  	v4 =	vld [tilespmem:s3+$0x230];
	[tilespmem:s2+$0x2A30] =	vst v8;
	v7 =	vmax.f32 v3, $0.0e+00;
	v1 =	vadd.f32 v6, v1  }
0x71: {  	v3 =	vld [tilespmem:s3+$0x240];
	[tilespmem:s2+$0x2A40] =	vst v7;
	v6 =	vmax.f32 v2, $0.0e+00;
	v0 =	vadd.f32 v10, v0  }
0x72: {  	v2 =	vld [tilespmem:s3+$0x250];
	[tilespmem:s2+$0x2A50] =	vst v6;
	v6 =	vmax.f32 v1, $0.0e+00  }
0x73: {  	v1 =	vld [tilespmem:s3+$0x260];
	[tilespmem:s2+$0x2A60] =	vst v6;
	v6 =	vmax.f32 v0, $0.0e+00  }
0x74: {  	v0 =	vld [tilespmem:s3+$0x270];
	[tilespmem:s2+$0x2A70] =	vst v6;
	s2 =	smov.u32 s3  }
0x75: {  	v6 =	vld [tilespmem:s2+$0x2A00]  }
0x76: {  	v11 =	vld [tilespmem:s2+$0x2A10]  }
.Ltmp5:
0x77: {  	v10 =	vld [tilespmem:s2+$0x2A20];
	(pc) =	sbr.rel @p1 .LBB2_6-.Ltmp5, $4  }
0x78: {  	v9 =	vld [tilespmem:s2+$0x2A30]  }
0x79: {  	v8 =	vld [tilespmem:s2+$0x2A40]  }
0x7a: {  	v12 =	vadd.f32 v6, v13;
	v7 =	vld [tilespmem:s2+$0x2A50]  }
0x7b: {  	s15 =	sadd.s32 $0x200, s15;
	v11 =	vadd.f32 v11, v14;
	v6 =	vld [tilespmem:s2+$0x2A60]  }
0x7c: {  	v12 =	vmax.f32 v12, $0.0e+00;
	v5 =	vadd.f32 v10, v5;
	v63 =	vld [tilespmem:s2+$0x2A70]  }
0x7d: {  	[tilespmem:s2+$0x2A00] =	vst v12;
	v11 =	vmax.f32 v11, $0.0e+00;
	v4 =	vadd.f32 v9, v4  }
0x7e: {  	[tilespmem:s2+$0x2A10] =	vst v11;
	v5 =	vmax.f32 v5, $0.0e+00;
	v3 =	vadd.f32 v8, v3  }
0x7f: {  	[tilespmem:s2+$0x2A20] =	vst v5;
	v4 =	vmax.f32 v4, $0.0e+00;
	v2 =	vadd.f32 v7, v2  }
0x80: {  	[tilespmem:s2+$0x2A30] =	vst v4;
	v3 =	vmax.f32 v3, $0.0e+00;
	v1 =	vadd.f32 v6, v1  }
0x81: {  	[tilespmem:s2+$0x2A40] =	vst v3;
	v2 =	vmax.f32 v2, $0.0e+00;
	v0 =	vadd.f32 v63, v0  }
0x82: {  	[tilespmem:s2+$0x2A50] =	vst v2;
	v1 =	vmax.f32 v1, $0.0e+00  }
0x83: {  	[tilespmem:s2+$0x2A60] =	vst v1;
	v0 =	vmax.f32 v0, $0.0e+00  }
0x84: {  	[tilespmem:s2+$0x2A70] =	vst v0  }
0x85: {  	[spmem:s26] =	stream.indirect.scatter.add.f32 [tilespmem:s1], [sflag:$0x5], $0x80, s30, s0, $0xb8;
	[tilespmem:$0x18A80] =	vst v63  }
0x86: {  	s25 =	rddreg [dreg:$0xe]  }
0x87: {  	[hbm4b:s25+s4] =	stream.linear.scatter [tilespmem:s1], [sflag:$0x7], $0x1400, $0x38;
	[tilespmem:$0x18A80] =	vst v63  }
0x88: {  	_ =	swait.ge [sflag:s19], $0x1400  }
0x89: {  	[sflag:s19] =	ssyncset.done $0x0  }
0x8a: {  	[sflag:s19] =	ssyncadd.s32 $0xFFFFEC00  }
0x8b: {  	_ =	swait.ge [sflag:s20], $0x1400  }
0x8c: {  	[sflag:s20] =	ssyncset.done $0x0  }
0x8d: {  	[sflag:s20] =	ssyncadd.s32 $0xFFFFEC00  }
0x8e: {  	_ =	swait.ge [sflag:s20], $0x1400  }
0x8f: {  	[sflag:s20] =	ssyncset.done $0x0  }
0x90: {  	s17 =	simm.s32 $0x1;
	s31 =	rddreg [dreg:$0xf];
	[sflag:s20] =	ssyncadd.s32 $0xFFFFEC00  }
0x91: {  	[tilespmem:s30], [sflag:$0x1] =	stream.linear.gather [hbm4b:s31+s4], $0x28, $0x38;
	[tilespmem:$0x18A80] =	vst v63  }
.LBB2_8:
0x92: {  	_ =	swait.ge [sflag:s21], $0x28  }
0x93: {  	[sflag:s21] =	ssyncset.done $0x0  }
0x94: {  	[sflag:s21] =	ssyncadd.s32 $0xFFFFFFD8  }
0x95: {  	_ =	swait.ge [sflag:s21], $0x28  }
0x96: {  	s24 =	sshll.u32 s17, $0x1;
	[sflag:s21] =	ssyncset.done $0x0;
	s2 =	rddreg [dreg:$0x4]  }
0x97: {  	[sflag:s21] =	ssyncadd.s32 $0xFFFFFFD8;
	s2 =	sadd.s32 s2, s24  }
0x98: {  	_ =	swait.ge [sflag:s18], $0x1400;
	s25 =	smul.u32 $0x280, s2  }
0x99: {  	s10 =	simm.s32 $0x0;
	s15 =	simm.s32 $0x200;
	[sflag:s18] =	ssyncset.done $0x0  }
0x9a: {  	s31 =	sadd.s32 $0x1, s2;
	[sflag:s18] =	ssyncadd.s32 $0xFFFFEC00;
	s3 =	sadd.s32 s5, s25  }
0x9b: {  	[tilespmem:s15], [sflag:$0x3] =	stream.linear.gather [hbm4b:s3+s10], $0x1400, $0x38;
	[tilespmem:$0x18A80] =	vst v63  }
0x9c: {  	s15 =	smul.u32 $0x5, s31;
	s3 =	rddreg [dreg:$0x1]  }
0x9d: {  	[tilespmem:s1], [sflag:$0x3] =	stream.indirect.gather [hbm4b:s3+s0], $0x80, s10, s0, $0xb8;
	[tilespmem:$0x18A80] =	vst v63  }
0x9e: {  	s2 =	simm.s32 $0x0;
	s3 =	sadd.s32 s6, s15  }
0x9f: {  	[tilespmem:s11], [sflag:$0x2] =	stream.linear.gather [hbm4b:s3+s10], $0x28, $0x38;
	[tilespmem:$0x18A80] =	vst v63  }
0xa0: {  	v6 =	vld [tilespmem:s2+$0x1600]  }
0xa1: {  	v11 =	vld [tilespmem:s2+$0x1610]  }
0xa2: {  	v5 =	vld [tilespmem:s2+$0x1620]  }
0xa3: {  	v4 =	vld [tilespmem:s2+$0x1630]  }
0xa4: {  	v3 =	vld [tilespmem:s2+$0x1640]  }
0xa5: {  	v2 =	vld [tilespmem:s2+$0x1650]  }
0xa6: {  	v1 =	vld [tilespmem:s2+$0x1660]  }
0xa7: {  	v0 =	vld [tilespmem:s2+$0x1670]  }
0xa8: {  	v12 =	vld [tilespmem:s2+$0x3E00]  }
0xa9: {  	v13 =	vld [tilespmem:s2+$0x3E10]  }
0xaa: {  	v10 =	vld [tilespmem:s2+$0x3E20]  }
0xab: {  	v9 =	vld [tilespmem:s2+$0x3E30]  }
0xac: {  	v8 =	vld [tilespmem:s2+$0x3E40]  }
0xad: {  	v7 =	vld [tilespmem:s2+$0x3E50];
	v12 =	vadd.f32 v12, v6  }
0xae: {  	s3 =	simm.s32 $0x200;
	v11 =	vadd.f32 v13, v11;
	v6 =	vld [tilespmem:s2+$0x3E60]  }
.LBB2_9:
0xaf: {  	s10 =	sshra.s32 s3, $0x2;
	p1 =	sne.s32 s3, $0x4E00;
	v12 =	vmax.f32 v12, $0.0e+00;
	v5 =	vadd.f32 v10, v5;
	v10 =	vld [tilespmem:s2+$0x3E70]  }
0xb0: {  	v13 =	vld [tilespmem:s10+$0x1600];
	[tilespmem:s2+$0x3E00] =	vst v12;
	v11 =	vmax.f32 v11, $0.0e+00;
	v4 =	vadd.f32 v9, v4  }
0xb1: {  	v14 =	vld [tilespmem:s10+$0x1610];
	[tilespmem:s2+$0x3E10] =	vst v11;
	v9 =	vmax.f32 v5, $0.0e+00;
	v3 =	vadd.f32 v8, v3  }
0xb2: {  	v5 =	vld [tilespmem:s10+$0x1620];
	[tilespmem:s2+$0x3E20] =	vst v9;
	v8 =	vmax.f32 v4, $0.0e+00;
	v2 =	vadd.f32 v7, v2  }
0xb3: {  	v4 =	vld [tilespmem:s10+$0x1630];
	[tilespmem:s2+$0x3E30] =	vst v8;
	v7 =	vmax.f32 v3, $0.0e+00;
	v1 =	vadd.f32 v6, v1  }
0xb4: {  	v3 =	vld [tilespmem:s10+$0x1640];
	[tilespmem:s2+$0x3E40] =	vst v7;
	v6 =	vmax.f32 v2, $0.0e+00;
	v0 =	vadd.f32 v10, v0  }
0xb5: {  	v2 =	vld [tilespmem:s10+$0x1650];
	[tilespmem:s2+$0x3E50] =	vst v6;
	v6 =	vmax.f32 v1, $0.0e+00  }
0xb6: {  	v1 =	vld [tilespmem:s10+$0x1660];
	[tilespmem:s2+$0x3E60] =	vst v6;
	v6 =	vmax.f32 v0, $0.0e+00  }
0xb7: {  	v0 =	vld [tilespmem:s10+$0x1670];
	[tilespmem:s2+$0x3E70] =	vst v6;
	s2 =	smov.u32 s10  }
0xb8: {  	v6 =	vld [tilespmem:s2+$0x3E00]  }
0xb9: {  	v11 =	vld [tilespmem:s2+$0x3E10]  }
.Ltmp6:
0xba: {  	v10 =	vld [tilespmem:s2+$0x3E20];
	(pc) =	sbr.rel @p1 .LBB2_9-.Ltmp6, $4  }
0xbb: {  	v9 =	vld [tilespmem:s2+$0x3E30]  }
0xbc: {  	v8 =	vld [tilespmem:s2+$0x3E40]  }
0xbd: {  	v12 =	vadd.f32 v6, v13;
	v7 =	vld [tilespmem:s2+$0x3E50]  }
0xbe: {  	s3 =	sadd.s32 $0x200, s3;
	v11 =	vadd.f32 v11, v14;
	v6 =	vld [tilespmem:s2+$0x3E60]  }
0xbf: {  	v12 =	vmax.f32 v12, $0.0e+00;
	v5 =	vadd.f32 v10, v5;
	v10 =	vld [tilespmem:s2+$0x3E70]  }
0xc0: {  	[tilespmem:s2+$0x3E00] =	vst v12;
	v11 =	vmax.f32 v11, $0.0e+00;
	v4 =	vadd.f32 v9, v4  }
0xc1: {  	[tilespmem:s2+$0x3E10] =	vst v11;
	v5 =	vmax.f32 v5, $0.0e+00;
	v3 =	vadd.f32 v8, v3  }
0xc2: {  	[tilespmem:s2+$0x3E20] =	vst v5;
	v4 =	vmax.f32 v4, $0.0e+00;
	v2 =	vadd.f32 v7, v2  }
0xc3: {  	[tilespmem:s2+$0x3E30] =	vst v4;
	v3 =	vmax.f32 v3, $0.0e+00;
	v1 =	vadd.f32 v6, v1  }
0xc4: {  	[tilespmem:s2+$0x3E40] =	vst v3;
	v2 =	vmax.f32 v2, $0.0e+00;
	v0 =	vadd.f32 v10, v0  }
0xc5: {  	s3 =	rddreg [dreg:$0x14];
	[tilespmem:s2+$0x3E50] =	vst v2;
	v1 =	vmax.f32 v1, $0.0e+00  }
0xc6: {  	s3 =	sadd.s32 s24, s3;
	[tilespmem:s2+$0x3E60] =	vst v1;
	v0 =	vmax.f32 v0, $0.0e+00  }
0xc7: {  	s10 =	smul.u32 $0x280, s3;
	[tilespmem:s2+$0x3E70] =	vst v0  }
0xc8: {  	[spmem:s26] =	stream.indirect.scatter.add.f32 [tilespmem:s16], [sflag:$0x6], $0x80, s13, s0, $0xb8;
	[tilespmem:$0x18A80] =	vst v63  }
0xc9: {  	s2 =	sadd.s32 s8, s10  }
0xca: {  	[hbm4b:s2+s4] =	stream.linear.scatter [tilespmem:s16], [sflag:$0x8], $0x1400, $0x38;
	[tilespmem:$0x18A80] =	vst v63  }
0xcb: {  	_ =	swait.ge [sflag:s12], $0x1400  }
0xcc: {  	[sflag:s12] =	ssyncset.done $0x0  }
0xcd: {  	[sflag:s12] =	ssyncadd.s32 $0xFFFFEC00  }
0xce: {  	_ =	swait.ge [sflag:s12], $0x1400  }
0xcf: {  	[sflag:s12] =	ssyncset.done $0x0  }
0xd0: {  	[sflag:s12] =	ssyncadd.s32 $0xFFFFEC00  }
0xd1: {  	_ =	swait.ge [sflag:s22], $0x1400  }
0xd2: {  	[sflag:s22] =	ssyncset.done $0x0  }
0xd3: {  	s3 =	sadd.s32 s7, s15;
	[sflag:s22] =	ssyncadd.s32 $0xFFFFEC00  }
0xd4: {  	[tilespmem:s13], [sflag:$0x2] =	stream.linear.gather [hbm4b:s3+s4], $0x28, $0x38;
	[tilespmem:$0x18A80] =	vst v63  }
0xd5: {  	_ =	swait.ge [sflag:s14], $0x28  }
0xd6: {  	[sflag:s14] =	ssyncset.done $0x0  }
0xd7: {  	[sflag:s14] =	ssyncadd.s32 $0xFFFFFFD8  }
0xd8: {  	_ =	swait.ge [sflag:s14], $0x28  }
0xd9: {  	[sflag:s14] =	ssyncset.done $0x0  }
0xda: {  	[sflag:s14] =	ssyncadd.s32 $0xFFFFFFD8  }
0xdb: {  	s10 =	smul.u32 $0x280, s31;
	_ =	swait.ge [sflag:s23], $0x1400  }
0xdc: {  	p1 =	seq.s32 s17, $0x7C;
	[sflag:s23] =	ssyncset.done $0x0  }
0xdd: {  	s15 =	simm.s32 $0x1600;
	s2 =	sadd.s32 s5, s10;
	[sflag:s23] =	ssyncadd.s32 $0xFFFFEC00  }
0xde: {  	[tilespmem:s15], [sflag:$0x4] =	stream.linear.gather [hbm4b:s2+s4], $0x1400, $0x38;
	[tilespmem:$0x18A80] =	vst v63  }
0xdf: {  	s2 =	sadd.s32 @!p1 s24, s28  }
0xe0: {  	s31 =	rddreg [dreg:$0x1];
	s2 =	smul.u32 @!p1 $0x5, s2  }
0xe1: {  	[tilespmem:s16], [sflag:$0x4] =	stream.indirect.gather [hbm4b:s31+s0], $0x80, s11, s0, $0xb8;
	[tilespmem:$0x18A80] =	vst v63  }
0xe2: {  	s3 =	simm.s32 @!p1 $0x0;
	s2 =	sadd.s32 @!p1 s6, s2  }
0xe3: {  	[tilespmem:s3], [sflag:$0x1] =	stream.linear.gather @!p1 [hbm4b:s2+s3], $0x28, $0x38;
	[tilespmem:$0x18A80] =	vst v63  }
0xe4: {  	s2 =	simm.s32 $0x0  }
0xe5: {  	v6 =	vld [tilespmem:s2+$0x200]  }
0xe6: {  	v11 =	vld [tilespmem:s2+$0x210]  }
0xe7: {  	v5 =	vld [tilespmem:s2+$0x220]  }
0xe8: {  	v4 =	vld [tilespmem:s2+$0x230]  }
0xe9: {  	v3 =	vld [tilespmem:s2+$0x240]  }
0xea: {  	v2 =	vld [tilespmem:s2+$0x250]  }
0xeb: {  	v1 =	vld [tilespmem:s2+$0x260]  }
0xec: {  	v0 =	vld [tilespmem:s2+$0x270]  }
0xed: {  	v12 =	vld [tilespmem:s2+$0x2A00]  }
0xee: {  	v13 =	vld [tilespmem:s2+$0x2A10]  }
0xef: {  	v10 =	vld [tilespmem:s2+$0x2A20]  }
0xf0: {  	v9 =	vld [tilespmem:s2+$0x2A30]  }
0xf1: {  	v8 =	vld [tilespmem:s2+$0x2A40]  }
0xf2: {  	v7 =	vld [tilespmem:s2+$0x2A50];
	v12 =	vadd.f32 v12, v6  }
0xf3: {  	s3 =	simm.s32 $0x200;
	v11 =	vadd.f32 v13, v11;
	v6 =	vld [tilespmem:s2+$0x2A60]  }
.LBB2_11:
0xf4: {  	s10 =	sshra.s32 s3, $0x2;
	p2 =	sne.s32 s3, $0x4E00;
	v12 =	vmax.f32 v12, $0.0e+00;
	v5 =	vadd.f32 v10, v5;
	v10 =	vld [tilespmem:s2+$0x2A70]  }
0xf5: {  	v13 =	vld [tilespmem:s10+$0x200];
	[tilespmem:s2+$0x2A00] =	vst v12;
	v11 =	vmax.f32 v11, $0.0e+00;
	v4 =	vadd.f32 v9, v4  }
0xf6: {  	v14 =	vld [tilespmem:s10+$0x210];
	[tilespmem:s2+$0x2A10] =	vst v11;
	v9 =	vmax.f32 v5, $0.0e+00;
	v3 =	vadd.f32 v8, v3  }
0xf7: {  	v5 =	vld [tilespmem:s10+$0x220];
	[tilespmem:s2+$0x2A20] =	vst v9;
	v8 =	vmax.f32 v4, $0.0e+00;
	v2 =	vadd.f32 v7, v2  }
0xf8: {  	v4 =	vld [tilespmem:s10+$0x230];
	[tilespmem:s2+$0x2A30] =	vst v8;
	v7 =	vmax.f32 v3, $0.0e+00;
	v1 =	vadd.f32 v6, v1  }
0xf9: {  	v3 =	vld [tilespmem:s10+$0x240];
	[tilespmem:s2+$0x2A40] =	vst v7;
	v6 =	vmax.f32 v2, $0.0e+00;
	v0 =	vadd.f32 v10, v0  }
0xfa: {  	v2 =	vld [tilespmem:s10+$0x250];
	[tilespmem:s2+$0x2A50] =	vst v6;
	v6 =	vmax.f32 v1, $0.0e+00  }
0xfb: {  	v1 =	vld [tilespmem:s10+$0x260];
	[tilespmem:s2+$0x2A60] =	vst v6;
	v6 =	vmax.f32 v0, $0.0e+00  }
0xfc: {  	v0 =	vld [tilespmem:s10+$0x270];
	[tilespmem:s2+$0x2A70] =	vst v6;
	s2 =	smov.u32 s10  }
0xfd: {  	v6 =	vld [tilespmem:s2+$0x2A00]  }
0xfe: {  	v11 =	vld [tilespmem:s2+$0x2A10]  }
.Ltmp7:
0xff: {  	v10 =	vld [tilespmem:s2+$0x2A20];
	(pc) =	sbr.rel @p2 .LBB2_11-.Ltmp7, $4  }
0x100: {  	v9 =	vld [tilespmem:s2+$0x2A30]  }
0x101: {  	v8 =	vld [tilespmem:s2+$0x2A40]  }
0x102: {  	v12 =	vadd.f32 v6, v13;
	v7 =	vld [tilespmem:s2+$0x2A50]  }
0x103: {  	s3 =	sadd.s32 $0x200, s3;
	v11 =	vadd.f32 v11, v14;
	v6 =	vld [tilespmem:s2+$0x2A60]  }
0x104: {  	v12 =	vmax.f32 v12, $0.0e+00;
	v5 =	vadd.f32 v10, v5;
	v63 =	vld [tilespmem:s2+$0x2A70]  }
0x105: {  	[tilespmem:s2+$0x2A00] =	vst v12;
	v11 =	vmax.f32 v11, $0.0e+00;
	v4 =	vadd.f32 v9, v4  }
0x106: {  	[tilespmem:s2+$0x2A10] =	vst v11;
	v5 =	vmax.f32 v5, $0.0e+00;
	v3 =	vadd.f32 v8, v3  }
0x107: {  	[tilespmem:s2+$0x2A20] =	vst v5;
	v4 =	vmax.f32 v4, $0.0e+00;
	v2 =	vadd.f32 v7, v2  }
0x108: {  	[tilespmem:s2+$0x2A30] =	vst v4;
	v3 =	vmax.f32 v3, $0.0e+00;
	v1 =	vadd.f32 v6, v1  }
0x109: {  	[tilespmem:s2+$0x2A40] =	vst v3;
	v2 =	vmax.f32 v2, $0.0e+00;
	v0 =	vadd.f32 v63, v0  }
0x10a: {  	[tilespmem:s2+$0x2A50] =	vst v2;
	v1 =	vmax.f32 v1, $0.0e+00  }
0x10b: {  	[tilespmem:s2+$0x2A60] =	vst v1;
	v0 =	vmax.f32 v0, $0.0e+00  }
0x10c: {  	[tilespmem:s2+$0x2A70] =	vst v0  }
0x10d: {  	[spmem:s26] =	stream.indirect.scatter.add.f32 [tilespmem:s1], [sflag:$0x5], $0x80, s30, s0, $0xb8;
	[tilespmem:$0x18A80] =	vst v63  }
0x10e: {  	s31 =	sadd.s32 s8, s25;
	s3 =	simm.s32 $0x0  }
0x10f: {  	[hbm4b:s31+s3] =	stream.linear.scatter [tilespmem:s1], [sflag:$0x7], $0x1400, $0x38;
	[tilespmem:$0x18A80] =	vst v63  }
0x110: {  	_ =	swait.ge [sflag:s20], $0x1400  }
0x111: {  	[sflag:s20] =	ssyncset.done $0x0  }
0x112: {  	[sflag:s20] =	ssyncadd.s32 $0xFFFFEC00  }
0x113: {  	_ =	swait.ge [sflag:s20], $0x1400  }
.Ltmp8:
0x114: {  	[sflag:s20] =	ssyncset.done $0x0;
	(pc) =	sbr.rel @p1 .LBB2_14-.Ltmp8, $4  }
0x115: {  	[sflag:s20] =	ssyncadd.s32 $0xFFFFEC00  }
0x116: {  	_ =	swait.ge [sflag:s19], $0x1400  }
0x117: {  	[sflag:s19] =	ssyncset.done $0x0  }
0x118: {  	[sflag:s19] =	ssyncadd.s32 $0xFFFFEC00  }
.Ltmp9:
0x119: {  	s2 =	sadd.s32 s24, s28;
	(pc) =	sbr.rel .LBB2_8-.Ltmp9, $3  }
0x11a: {  	s2 =	smul.u32 $0x5, s2;
	_ =	sdelay $0x1  }
0x11b: {  	s17 =	sadd.s32 $0x1, s17;
	s2 =	sadd.s32 s7, s2  }
0x11c: {  	[tilespmem:s30], [sflag:$0x1] =	stream.linear.gather [hbm4b:s2+s4], $0x28, $0x38;
	[tilespmem:$0x18A80] =	vst v63  }
.LBB2_14:
0x11d: {  	s2 =	simm.s32 $0x0  }
0x11e: {  	v6 =	vld [tilespmem:s2+$0x1600]  }
0x11f: {  	v11 =	vld [tilespmem:s2+$0x1610]  }
0x120: {  	v5 =	vld [tilespmem:s2+$0x1620]  }
0x121: {  	v4 =	vld [tilespmem:s2+$0x1630]  }
0x122: {  	v3 =	vld [tilespmem:s2+$0x1640]  }
0x123: {  	v2 =	vld [tilespmem:s2+$0x1650]  }
0x124: {  	v1 =	vld [tilespmem:s2+$0x1660]  }
0x125: {  	v0 =	vld [tilespmem:s2+$0x1670]  }
0x126: {  	v12 =	vld [tilespmem:s2+$0x3E00]  }
0x127: {  	v13 =	vld [tilespmem:s2+$0x3E10]  }
0x128: {  	v10 =	vld [tilespmem:s2+$0x3E20]  }
0x129: {  	v9 =	vld [tilespmem:s2+$0x3E30]  }
0x12a: {  	v8 =	vld [tilespmem:s2+$0x3E40]  }
0x12b: {  	v7 =	vld [tilespmem:s2+$0x3E50];
	v12 =	vadd.f32 v12, v6  }
0x12c: {  	s3 =	simm.s32 $0x200;
	v11 =	vadd.f32 v13, v11;
	v6 =	vld [tilespmem:s2+$0x3E60]  }
.LBB2_15:
0x12d: {  	s10 =	sshra.s32 s3, $0x2;
	p1 =	sne.s32 s3, $0x4E00;
	v12 =	vmax.f32 v12, $0.0e+00;
	v5 =	vadd.f32 v10, v5;
	v10 =	vld [tilespmem:s2+$0x3E70]  }
0x12e: {  	v13 =	vld [tilespmem:s10+$0x1600];
	[tilespmem:s2+$0x3E00] =	vst v12;
	v11 =	vmax.f32 v11, $0.0e+00;
	v4 =	vadd.f32 v9, v4  }
0x12f: {  	v14 =	vld [tilespmem:s10+$0x1610];
	[tilespmem:s2+$0x3E10] =	vst v11;
	v9 =	vmax.f32 v5, $0.0e+00;
	v3 =	vadd.f32 v8, v3  }
0x130: {  	v5 =	vld [tilespmem:s10+$0x1620];
	[tilespmem:s2+$0x3E20] =	vst v9;
	v8 =	vmax.f32 v4, $0.0e+00;
	v2 =	vadd.f32 v7, v2  }
0x131: {  	v4 =	vld [tilespmem:s10+$0x1630];
	[tilespmem:s2+$0x3E30] =	vst v8;
	v7 =	vmax.f32 v3, $0.0e+00;
	v1 =	vadd.f32 v6, v1  }
0x132: {  	v3 =	vld [tilespmem:s10+$0x1640];
	[tilespmem:s2+$0x3E40] =	vst v7;
	v6 =	vmax.f32 v2, $0.0e+00;
	v0 =	vadd.f32 v10, v0  }
0x133: {  	v2 =	vld [tilespmem:s10+$0x1650];
	[tilespmem:s2+$0x3E50] =	vst v6;
	v6 =	vmax.f32 v1, $0.0e+00  }
0x134: {  	v1 =	vld [tilespmem:s10+$0x1660];
	[tilespmem:s2+$0x3E60] =	vst v6;
	v6 =	vmax.f32 v0, $0.0e+00  }
0x135: {  	v0 =	vld [tilespmem:s10+$0x1670];
	[tilespmem:s2+$0x3E70] =	vst v6;
	s2 =	smov.u32 s10  }
0x136: {  	v6 =	vld [tilespmem:s2+$0x3E00]  }
0x137: {  	v11 =	vld [tilespmem:s2+$0x3E10]  }
.Ltmp10:
0x138: {  	v10 =	vld [tilespmem:s2+$0x3E20];
	(pc) =	sbr.rel @p1 .LBB2_15-.Ltmp10, $4  }
0x139: {  	v9 =	vld [tilespmem:s2+$0x3E30]  }
0x13a: {  	v8 =	vld [tilespmem:s2+$0x3E40]  }
0x13b: {  	v12 =	vadd.f32 v6, v13;
	v7 =	vld [tilespmem:s2+$0x3E50]  }
0x13c: {  	s3 =	sadd.s32 $0x200, s3;
	v11 =	vadd.f32 v11, v14;
	v6 =	vld [tilespmem:s2+$0x3E60]  }
0x13d: {  	v12 =	vmax.f32 v12, $0.0e+00;
	v5 =	vadd.f32 v10, v5;
	v63 =	vld [tilespmem:s2+$0x3E70]  }
0x13e: {  	[tilespmem:s2+$0x3E00] =	vst v12;
	v11 =	vmax.f32 v11, $0.0e+00;
	v4 =	vadd.f32 v9, v4  }
0x13f: {  	[tilespmem:s2+$0x3E10] =	vst v11;
	v5 =	vmax.f32 v5, $0.0e+00;
	v3 =	vadd.f32 v8, v3  }
0x140: {  	[tilespmem:s2+$0x3E20] =	vst v5;
	v4 =	vmax.f32 v4, $0.0e+00;
	v2 =	vadd.f32 v7, v2  }
0x141: {  	[tilespmem:s2+$0x3E30] =	vst v4;
	v3 =	vmax.f32 v3, $0.0e+00;
	v1 =	vadd.f32 v6, v1  }
0x142: {  	[tilespmem:s2+$0x3E40] =	vst v3;
	v2 =	vmax.f32 v2, $0.0e+00;
	v0 =	vadd.f32 v63, v0  }
0x143: {  	[tilespmem:s2+$0x3E50] =	vst v2;
	v1 =	vmax.f32 v1, $0.0e+00  }
0x144: {  	[tilespmem:s2+$0x3E60] =	vst v1;
	v0 =	vmax.f32 v0, $0.0e+00  }
0x145: {  	[tilespmem:s2+$0x3E70] =	vst v0  }
0x146: {  	[spmem:s26] =	stream.indirect.scatter.add.f32 [tilespmem:s16], [sflag:$0x6], $0x80, s13, s0, $0xb8;
	[tilespmem:$0x18A80] =	vst v63  }
0x147: {  	s31 =	rddreg [dreg:$0x10]  }
0x148: {  	[hbm4b:s31+s4] =	stream.linear.scatter [tilespmem:s16], [sflag:$0x8], $0x1400, $0x38;
	[tilespmem:$0x18A80] =	vst v63  }
0x149: {  	_ =	swait.ge [sflag:s22], $0x1400  }
0x14a: {  	[sflag:s22] =	ssyncset.done $0x0  }
0x14b: {  	[sflag:s22] =	ssyncadd.s32 $0xFFFFEC00  }
0x14c: {  	_ =	swait.ge [sflag:s18], $0x1400  }
0x14d: {  	[sflag:s18] =	ssyncset.done $0x0  }
0x14e: {  	[sflag:s18] =	ssyncadd.s32 $0xFFFFEC00  }
.Ltmp11:
0x14f: {  	_ =	swait.ge [sflag:s23], $0x1400;
	(pc) =	sbr.rel @p0 .LBB2_20-.Ltmp11, $4  }
0x150: {  	[sflag:s23] =	ssyncset.done $0x0  }
0x151: {  	[sflag:s23] =	ssyncadd.s32 $0xFFFFEC00  }
0x152: {  	[bflag:$0x0] =	sbarrier.arrive $0xFFFF  }
0x153: {  	s3 =	rddreg [dreg:$0x15]  }
0x154: {  	s2 =	stileid.u32;
	s17 =	rddreg [dreg:$0xc]  }
0x155: {  	s15 =	rddreg [dreg:$0x12];
	s2 =	sshll.u32 s2, $0x6;
	s3 =	sshrl.u32 s17, $0x3  }
0x156: {  	s10 =	sshrl.u32 s15, $0x3;
	s3 =	sadd.s32 s9, s3;
	s2 =	sor.u32 $0x1C09, s2  }
0x157: {  	[hbm:s3], [sflag:s2] =	dma.local [spmem:s10], $0x1900  }
0x158: {  	s3 =	rddreg [dreg:$0xb]  }
0x159: {  	p1 =	sne.s32 s3, $0x1  }
.Ltmp12:
0x15a: {  	_ = 	snop;
	(pc) =	sbr.rel @!p1 .LBB2_19-.Ltmp12, $2  }
0x15b: {  	_ =	sdelay $0x2  }
0x15c: {  	s15 =	sadd.s32 $0xC800, s15;
	s3 =	sadd.s32 $0xFFFFFFFF, s3  }
.LBB2_18:
0x15d: {  	_ =	swait.ge [sflag:s29], $0x1900  }
0x15e: {  	s17 =	sadd.s32 $0xC800, s17;
	s24 =	sshrl.u32 s15, $0x3;
	p1 =	sne.s32 s3, $0x1  }
.Ltmp13:
0x15f: {  	s10 =	sshrl.u32 s17, $0x3;
	[sflag:s29] =	ssyncset.done $0x0;
	(pc) =	sbr.rel @p1 .LBB2_18-.Ltmp13, $4  }
0x160: {  	s10 =	sadd.s32 s9, s10;
	[sflag:s29] =	ssyncadd.s32 $0xFFFFE700  }
0x161: {  	[hbm:s10], [sflag:s2] =	dma.local [spmem:s24], $0x1900  }
0x162: {  	s3 =	sadd.s32 $0xFFFFFFFF, s3  }
0x163: {  	s15 =	sadd.s32 $0xC800, s15  }
.Ltmp14:
0x164: {  	_ = 	snop;
	(pc) =	sbr.rel .LBB2_19-.Ltmp14, $1  }
0x165: {  	_ =	sdelay $0x3  }
.LBB2_21:
0x166: {  	_ =	sfence.sel $0x180000  }
0x167: {  	[bflag:$0x0] =	sbarrier.arrive $0xFFFF  }
0x168: {  	_ =	strace $0x90000047  }
0x169: {  	s0 =	stileid.u32;
	[bflag:$0x2] =	sbarrier.arrive $0xFFFF  }
0x16a: {  	p0 =	sne.s32 s0, $0x0;
	s0 =	rddreg [dreg:$0x3]  }
0x16b: {  	s0 =	sadd.s32 @!p0 $0x100000, s0  }
0x16c: {  	[sflag:s0] =	ssyncadd.tile.s32 @!p0 $0x1;
	_ =	shalt  }
.Lfunc_end2:
_tile_overlayer_lowered:
.L_overlay_start_2:
0x16d: {  	(tag) =	ssettag $0x2  }
0x16e: {  	s0 =	rddreg [dreg:$0x0];
	s2 =	stileid.u32  }
0x16f: {  	s1 =	rddreg [dreg:$0x1];
	p0 =	sne.s32 s2, $0x0  }
0x170: {  	s3 =	rddreg [dreg:$0x2];
	[bflag:$0x3] =	sbarrier.arrive $0xFFFF;
	s2 =	simm.s32 @!p0 $0x1C09  }
0x171: {  	[timem:s3], [sflag:s2] =	dma.local @!p0 [hbm:s0], s1  }
0x172: {  	s0 =	simm.s32 @!p0 $0x9  }
0x173: {  	_ =	swait.ge @!p0 [sflag:s0], s1  }
0x174: {  	s1 =	ssub.s32 @!p0 $0x0, s1;
	[sflag:s0] =	ssyncset.done @!p0 $0x0  }
0x175: {  	[sflag:s0] =	ssyncadd.s32 @!p0 s1  }
0x176: {  	[bflag:$0x3] =	sbarrier.arrive $0xFFFF  }
0x177: {  	_ =	shalt  }

// kernel: kernel.15.cloned.1.call-start
scs
__scs_entry_jumppad:
0x0: {  	(pc) =	sbr.rel $0x88, $3  }
0x1: {  	(tag) =	ssettag $0x0;
	lr =	simm.s32 $0x1  }
0x2: {  	[smem:$0x3F97] =	sst lr;
	_ =	strace $0xD0000000  }
0x3: {  	_ = 	snop  }
0x4: {  	_ = 	snop  }
0x5: {  	_ = 	snop  }
0x6: {  	_ = 	snop  }
0x7: {  	_ = 	snop  }
__scs_overlays_trampoline_lowered:
0x8: {  	[smem:$0x3FA6] =	sst s0  }
0x9: {  	[smem:$0x3FA7] =	sst s1  }
0xa: {  	[smem:$0x3FA8] =	sst s2  }
0xb: {  	[smem:$0x3FA9] =	sst s3  }
0xc: {  	[smem:$0x3FAA] =	sst s4  }
0xd: {  	[smem:$0x3FAB] =	sst s5  }
0xe: {  	[smem:$0x3FAC] =	sst s6  }
0xf: {  	[smem:$0x3FAD] =	sst s7  }
0x10: {  	[smem:$0x3FAE] =	sst s8  }
0x11: {  	[smem:$0x3FAF] =	sst s9;
	s0 =	simm.s32 @!p0 $0x0  }
0x12: {  	s1 =	sld [smem:$0x3F95];
	s0 =	simm.s32 @p0 $0x1  }
0x13: {  	[smem:$0x3FB0] =	sst s0;
	s0 =	simm.s32 @!p1 $0x0  }
0x14: {  	s2 =	sld [smem:$0x3F94];
	s0 =	simm.s32 @p1 $0x1  }
0x15: {  	[smem:$0x3FB1] =	sst s0;
	s0 =	simm.s32 @!p2 $0x0  }
0x16: {  	s3 =	sld [smem:$0x3FDB];
	s0 =	simm.s32 @p2 $0x1  }
0x17: {  	s4 =	simm.s32 $0x1BF5;
	[smem:$0x3FB3] =	sst s0  }
0x18: {  	s0 =	sld [smem:$0x3F96];
	_ =	swait.ge [sflag:s4], $0x0  }
0x19: {  	s7 =	sld [smem:$0x3F97]  }
0x1a: {  	s8 =	sadd.s32 $0xFFFFE003, lr  }
0x1b: {  	s9 =	sadd.s32 $0xFFFFFEF7, lr;
	s5 =	simm.s32 $0xFFFFFFFF;
	p2 =	slt.u32 s8, $0xFFFFF086  }
0x1c: {  	p1 =	slt.u32 s9, $0xF7A;
	s5 =	simm.s32 @!p2 $0x0  }
0x1d: {  	s5 =	simm.s32 @p1 $0x1;
	p0 =	seq.s32 s7, s2  }
0x1e: {  	s7 =	smul.u32 @!p0 $0xF7A, s2;
	p2 =	seq.s32 @!p0 s5, $0x0  }
0x1f: {  	s9 =	smul.u32 $0xF7A, s1;
	s8 =	simm.s32 @!p0 $0x1BF5;
	p2 =	por !p2, p0  }
0x20: {  	[sflag:s8] =	ssyncset.s32 @!p0 $0xFFFFF086;
	s6 =	sadd.s32 @!p0 s3, s7;
	s7 =	simm.s32 @!p0 $0x108  }
0x21: {  	s3 =	sadd.s32 s3, s9;
	s6 =	sadd.s32 @!p0 $0x88, s6;
	s7 =	simm.s32 @p2 $0x1082  }
0x22: {  	[simem:s7], [sflag:s8] =	dma.local @!p0 [hbm:s6], $0xF7A  }
0x23: {  	s9 =	sor.u32 $0xD0000000, s2;
	s6 =	simm.s32 $0x108;
	_ =	swait.ge @!p0 [sflag:s8], $0x0  }
0x24: {  	s3 =	sadd.s32 $0x88, s3;
	s6 =	simm.s32 @!p1 $0x1082;
	[sflag:s4] =	ssyncset.s32 $0xFFFFF086  }
0x25: {  	[simem:s6], [sflag:s4] =	dma.local [hbm:s3], $0xF7A  }
0x26: {  	[smem:$0x3F97] =	sst s1;
	(tag) =	ssettag s2;
	_ =	strace s9  }
0x27: {  	s1 =	sld [smem:$0x3FA7]  }
0x28: {  	s2 =	sld [smem:$0x3FA8]  }
0x29: {  	s4 =	sld [smem:$0x3FAA]  }
0x2a: {  	p0 =	seq.s32 s5, $0x0;
	s5 =	sld [smem:$0x3FAB]  }
0x2b: {  	s6 =	sld [smem:$0x3FAC]  }
0x2c: {  	s7 =	sld [smem:$0x3FAD]  }
0x2d: {  	s3 =	simm.s32 $0x108;
	s8 =	sld [smem:$0x3FAE]  }
0x2e: {  	s3 =	simm.s32 @!p0 $0x1082;
	s9 =	sld [smem:$0x3FAF]  }
0x2f: {  	lr =	sadd.s32 s0, s3;
	s0 =	sld [smem:$0x3FA6]  }
0x30: {  	s3 =	sld [smem:$0x3FA9]  }
0x31: {  	[smem:$0x3FB2] =	sst s10  }
0x32: {  	s10 =	sld [smem:$0x3FB0];
	_ =	sdelay $0x3  }
0x33: {  	p0 =	seq.s32 s10, $0x1;
	s10 =	sld [smem:$0x3FB2];
	_ =	sdelay $0x3  }
0x34: {  	[smem:$0x3FB2] =	sst s10  }
0x35: {  	s10 =	sld [smem:$0x3FB1];
	_ =	sdelay $0x3  }
0x36: {  	p1 =	seq.s32 s10, $0x1;
	s10 =	sld [smem:$0x3FB2];
	_ =	sdelay $0x3  }
0x37: {  	[smem:$0x3FB2] =	sst s10  }
0x38: {  	s10 =	sld [smem:$0x3FB3]  }
0x39: {  	_ = 	snop;
	(pc) =	sbr.ind lr, $3  }
0x3a: {  	_ = 	snop  }
0x3b: {  	_ = 	snop  }
0x3c: {  	p2 =	seq.s32 s10, $0x1;
	s10 =	sld [smem:$0x3FB2]  }
0x3d: {  	_ =	shalt  }
0x3e: {  	_ =	shalt  }
0x3f: {  	_ =	shalt  }
0x40: {  	_ =	shalt  }
0x41: {  	_ =	shalt  }
0x42: {  	_ =	shalt  }
0x43: {  	_ =	shalt  }
0x44: {  	_ =	shalt  }
0x45: {  	_ =	shalt  }
0x46: {  	_ =	shalt  }
0x47: {  	_ =	shalt  }
0x48: {  	_ =	shalt  }
0x49: {  	_ =	shalt  }
0x4a: {  	_ =	shalt  }
0x4b: {  	_ =	shalt  }
0x4c: {  	_ =	shalt  }
0x4d: {  	_ =	shalt  }
0x4e: {  	_ =	shalt  }
0x4f: {  	_ =	shalt  }
0x50: {  	_ =	shalt  }
0x51: {  	_ =	shalt  }
0x52: {  	_ =	shalt  }
0x53: {  	_ =	shalt  }
0x54: {  	_ =	shalt  }
0x55: {  	_ =	shalt  }
0x56: {  	_ =	shalt  }
0x57: {  	_ =	shalt  }
0x58: {  	_ =	shalt  }
0x59: {  	_ =	shalt  }
0x5a: {  	_ =	shalt  }
0x5b: {  	_ =	shalt  }
0x5c: {  	_ =	shalt  }
0x5d: {  	_ =	shalt  }
0x5e: {  	_ =	shalt  }
0x5f: {  	_ =	shalt  }
0x60: {  	_ =	shalt  }
0x61: {  	_ =	shalt  }
0x62: {  	_ =	shalt  }
0x63: {  	_ =	shalt  }
0x64: {  	_ =	shalt  }
0x65: {  	_ =	shalt  }
0x66: {  	_ =	shalt  }
0x67: {  	_ =	shalt  }
0x68: {  	_ =	shalt  }
0x69: {  	_ =	shalt  }
0x6a: {  	_ =	shalt  }
0x6b: {  	_ =	shalt  }
0x6c: {  	_ =	shalt  }
0x6d: {  	_ =	shalt  }
0x6e: {  	_ =	shalt  }
0x6f: {  	_ =	shalt  }
0x70: {  	_ =	shalt  }
0x71: {  	_ =	shalt  }
0x72: {  	_ =	shalt  }
0x73: {  	_ =	shalt  }
0x74: {  	_ =	shalt  }
0x75: {  	_ =	shalt  }
0x76: {  	_ =	shalt  }
0x77: {  	_ =	shalt  }
0x78: {  	_ =	shalt  }
0x79: {  	_ =	shalt  }
0x7a: {  	_ =	shalt  }
0x7b: {  	_ =	shalt  }
0x7c: {  	_ =	shalt  }
0x7d: {  	_ =	shalt  }
0x7e: {  	_ =	shalt  }
0x7f: {  	_ =	shalt  }
0x80: {  	_ =	shalt  }
0x81: {  	_ =	shalt  }
0x82: {  	_ =	shalt  }
0x83: {  	_ =	shalt  }
0x84: {  	_ =	shalt  }
0x85: {  	_ =	shalt  }
0x86: {  	_ =	shalt  }
0x87: {  	_ =	shalt  }
.Lfunc_end0:
.L_simem_size_0:
called_computation.1_lowered:
.L_overlay_start_0:
0x88: {  	s2 =	sld [smem:$0x3FD9]  }
0x89: {  	s3 =	sld [smem:$0x3FFE];
	_ =	sdelay $0x1  }
0x8a: {  	s1 =	srdreg.scid  }
0x8b: {  	s0 =	sand.u32 $0x1, s1  }
0x8c: {  	s17 =	sshll.u32 s0, $0xA;
	s2 =	sadd.s32 s3, s2  }
0x8d: {  	s2 =	sadd.s32 s2, s17  }
0x8e: {  	[smem:$0x3FBE] =	sst s2  }
0x8f: {  	_ = 	snop  }
0x90: {  	s2 =	sld [smem:$0x3FC7];
	(tm) =	ssettm $0x1  }
0x91: {  	s18 =	sld [smem:$0x3FFB];
	_ =	sdelay $0x3  }
0x92: {  	_ =	strace s18  }
0x93: {  	s3 =	sld [smem:$0x3FFC];
	_ =	sdelay $0x3  }
0x94: {  	_ =	strace s3  }
0x95: {  	s3 =	sld [smem:$0x3FFD];
	_ =	sdelay $0x3  }
0x96: {  	_ =	strace s3  }
0x97: {  	_ =	strace $0x8FFFFFFF  }
0x98: {  	s19 =	sld [smem:$0x3FDB];
	_ =	sdelay $0x1  }
0x99: {  	s4 =	simm.s32 $_scs_section_size  }
0x9a: {  	s5 =	simm.s32 $_size__tile_overlayer_lowered;
	s6 =	simm.s32 $_tile_overlayer_lowered  }
0x9b: {  	s22 =	simm.s32 $0x1BFF;
	s21 =	sshll.u32 s6, $0x1;
	s3 =	sadd.s32 s4, s19  }
0x9c: {  	s7 =	simm.s32 $0x0;
	s20 =	sshll.u32 s5, $0x1;
	s5 =	sadd.s32 s21, s3  }
0x9d: {  	[timem:s7], [sflag:s22] =	dma.local [hbm:s5], s20  }
0x9e: {  	_ =	swait.ge [sflag:s22], s20  }
0x9f: {  	s4 =	ssub.s32 $0x0, s20;
	[sflag:s22] =	ssyncset.done $0x0  }
0xa0: {  	[sflag:s22] =	ssyncadd.s32 s4;
	_ =	sdelay $0x1  }
0xa1: {  	s23 =	simm.s32 $0x1B8B  }
0xa2: {  	_ =	swait.ge [sflag:s23], $0x1  }
0xa3: {  	[sflag:s23] =	ssyncset.done $0x0  }
0xa4: {  	s25 =	simm.s32 $0x1B8E;
	s24 =	sld [smem:$0x3FFE];
	[sflag:s23] =	ssyncadd.s32 $0xFFFFFFFF  }
0xa5: {  	s26 =	simm.s32 $execute0_lowered;
	[smem:$0x3FD2] =	sst s25  }
0xa6: {  	s5 =	sshll.u32 s26, $0x1;
	_ =	strace $0x80000049;
	[dreg:$0x1] =	wrdreg $0xFFFFFFFF  }
0xa7: {  	s28 =	simm.s32 $_size_execute0_lowered;
	s3 =	sadd.s32 s3, s5;
	[dreg:$0x0] =	wrdreg $0x0  }
0xa8: {  	s5 =	sshll.u32 s28, $0x1;
	[dreg:$0x2] =	wrdreg s3  }
0xa9: {  	[dreg:$0x3] =	wrdreg s5  }
0xaa: {  	[dreg:$0x4] =	wrdreg $0xC0  }
0xab: {  	_ =	task [dreg:s7], $0x5FFFF  }
0xac: {  	[dreg:$0x1] =	wrdreg $0xFFFFFFFF  }
0xad: {  	[dreg:$0x0] =	wrdreg $0x60  }
0xae: {  	[dreg:$0x2] =	wrdreg s24  }
0xaf: {  	[dreg:$0x3] =	wrdreg s2  }
0xb0: {  	[dreg:$0x4] =	wrdreg $0x7B000  }
0xb1: {  	[dreg:$0x5] =	wrdreg $0x9  }
0xb2: {  	_ =	task.clear_ibuf [dreg:s7], $0x6FFFF;
	_ =	strace $0x90000049  }
0xb3: {  	s29 =	simm.s32 $0x9;
	_ =	strace $0x8000004B  }
0xb4: {  	_ =	swait.ge [sflag:s29], $0x1  }
0xb5: {  	[sflag:s29] =	ssyncadd.s32 $0xFFFFFFFF  }
0xb6: {  	_ =	strace $0x9000004B  }
0xb7: {  	_ =	sfence  }
0xb8: {  	s30 =	sld [smem:$0x0];
	_ =	sdelay $0x2  }
0xb9: {  	s31 =	sshll.u32 s1, $0xD;
	s1 =	sshrl.u32 s1, $0x2  }
0xba: {  	s3 =	sand.u32 $0x4000, s31;
	s1 =	sadd.s32 s1, s30  }
0xbb: {  	s0 =	sor.u32 s3, s0;
	s1 =	sshll.u32 s1, $0x11  }
0xbc: {  	s0 =	sor.u32 s1, s0  }
0xbd: {  	s0 =	sadd.s32 $0x8F2B, s0  }
0xbe: {  	[sflag:s0] =	ssyncadd.remote.s32 $0x1  }
0xbf: {  	_ =	sfence.sel $0xFFFF  }
0xc0: {  	[dreg:$0x0] =	wrdreg $0xFFFFFFFF;
	(pc) =	sbr.abs _section_cstart, $3  }
0xc1: {  	[dreg:$0x1] =	wrdreg $0xFFFFFFFF  }
0xc2: {  	_ =	task.clear_ibuf [dreg:s7], $0x2FFFF;
	_ =	strace $0x9FFFFFFF  }
0xc3: {  	(tm) =	ssettm $0x7FFFFFFF  }
tec
execute0_lowered:
.L_overlay_start_1:
0x0: {  	(tag) =	ssettag $0x1  }
0x1: {  	s0 =	rddreg [dreg:$0x0]  }
0x2: {  	s18 =	rddreg [dreg:$0x1]  }
0x3: {  	s19 =	rddreg [dreg:$0x2];
	s4 =	simm.s32 $0x0;
	s7 =	stileid.u32  }
0x4: {  	s2 =	srdreg.scid;
	s28 =	simm.s32 $0x3F00;
	s31 =	simm.s32 $0x5  }
0x5: {  	s30 =	simm.s32 $0x1;
	[smem:$0x7FF] =	sst s4;
	s1 =	smul.u32 $0x19, s7  }
0x6: {  	s5 =	sadd.s32 $0x4F9E00, s0;
	s6 =	sadd.s32 $0x3F000, s0;
	s2 =	sand.u32 $0x1, s2  }
0x7: {  	s8 =	sshll.u32 s7, $0x1;
	s7 =	sadd.s32 $0xEBDE00, s0;
	s9 =	sadd.s32 $0x4200, s0  }
0x8: {  	s13 =	sor.u32 s2, s8;
	s24 =	ssub.s32 $0x2, s2;
	s2 =	smul.u32 $0x138800, s2  }
0x9: {  	s11 =	sadd.s32 $0x9DBE00, s0;
	s12 =	sadd.s32 $0x8DA00, s0;
	s20 =	smul.u32 $0xFA, s13  }
0xa: {  	_ =	strace $0x8000004A;
	s8 =	sadd.s32 $0xE000, s0;
	s14 =	smul.u32 $0x4E2, s13  }
0xb: {  	s3 =	sshrl.u32 s1, $0x4;
	s15 =	smul.u32 $0x2710, s13;
	s1 =	sadd.s32 $0x19, s1  }
0xc: {  	s16 =	sshrl.u32 s24, $0x1;
	s10 =	smul.u32 $0x1900, s3;
	s1 =	sshrl.u32 s1, $0x4  }
0xd: {  	s25 =	smul.u32 $0xC800, s3;
	s17 =	sadd.s32 s8, s14;
	s26 =	sadd.s32 s18, s14  }
0xe: {  	s14 =	sadd.s32 s9, s14;
	s29 =	sadd.s32 $0x28, s15;
	[dreg:$0x4] =	wrdreg s20  }
0xf: {  	s15 =	sshrl.u32 s15, $0x3;
	p0 =	sle.u32 s1, s3;
	[dreg:$0x5] =	wrdreg s17  }
0x10: {  	s1 =	ssub.s32 s1, s3;
	s10 =	sadd.s32 s10, s0;
	[dreg:$0x6] =	wrdreg s26  }
0x11: {  	s0 =	ssub.s32 s24, s16;
	[dreg:$0x7] =	wrdreg s14;
	s14 =	smul.u32 $0x27100, s13  }
0x12: {  	s2 =	sadd.s32 s25, s2;
	s21 =	sshrl.u32 s29, $0x3;
	[dreg:$0xf] =	wrdreg s1  }
0x13: {  	s22 =	sshll.u32 s29, $0x4;
	[dreg:$0x8] =	wrdreg s2;
	s23 =	sadd.s32 s8, s21  }
0x14: {  	s13 =	smul.u32 $0x138800, s13;
	s24 =	sadd.s32 s18, s21;
	[dreg:$0x9] =	wrdreg s23  }
0x15: {  	s16 =	smov.u32 s19;
	s2 =	sadd.s32 s9, s21;
	[dreg:$0xa] =	wrdreg s24  }
0x16: {  	s26 =	sadd.s32 $0xA, s15;
	s25 =	sadd.s32 s5, s22;
	[dreg:$0xb] =	wrdreg s2  }
0x17: {  	s17 =	smul.u32 $0x32000, s3;
	s22 =	sadd.s32 s8, s26;
	[dreg:$0xc] =	wrdreg s25  }
0x18: {  	s15 =	simm.s32 $0x200;
	s0 =	smax.u32 s0, $0x1;
	[dreg:$0x10] =	wrdreg s22  }
0x19: {  	s29 =	sadd.s32 s5, s14;
	s14 =	sadd.s32 s11, s14;
	[dreg:$0x14] =	wrdreg s0  }
0x1a: {  	s13 =	sshrl.u32 s13, $0x3;
	s23 =	sadd.s32 s18, s26;
	[dreg:$0xd] =	wrdreg s29  }
0x1b: {  	s2 =	sadd.s32 s9, s26;
	s1 =	sshrl.u32 s17, $0x2;
	[dreg:$0xe] =	wrdreg s14  }
0x1c: {  	s26 =	sadd.s32 $0x17E00, s10;
	s18 =	simm.s32 $0x28;
	[dreg:$0x11] =	wrdreg s23  }
0x1d: {  	s22 =	simm.s32 $0x3;
	s17 =	simm.s32 $0x7;
	[dreg:$0x12] =	wrdreg s2  }
0x1e: {  	s21 =	sadd.s32 s11, s13;
	s25 =	sadd.s32 s1, s19;
	[dreg:$0x16] =	wrdreg s26  }
.Ltmp0:
0x1f: {  	s29 =	sadd.s32 $0xFFFFFFFF, s20;
	s2 =	sadd.s32 $0x2, s20;
	(pc) =	sbr.rel .LBB2_1-.Ltmp0, $4  }
0x20: {  	s13 =	simm.s32 $0x9;
	s19 =	simm.s32 $0x2B00;
	s23 =	simm.s32 $0x4  }
0x21: {  	s20 =	simm.s32 $0x6;
	s26 =	simm.s32 $0x8;
	[dreg:$0x15] =	wrdreg s25  }
0x22: {  	s1 =	simm.s32 $0x0;
	s24 =	sadd.s32 $0x26E80, s21;
	[dreg:$0x17] =	wrdreg s29  }
0x23: {  	s25 =	simm.s32 $0x2;
	[dreg:$0x13] =	wrdreg s24;
	s24 =	simm.s32 $0x280  }
.LBB2_19:
0x24: {  	_ =	swait.ge [sflag:s13], $0x1900  }
0x25: {  	[sflag:s13] =	ssyncset.done $0x0  }
0x26: {  	s15 =	simm.s32 $0x200;
	s1 =	rddreg [dreg:$0x18];
	[sflag:s13] =	ssyncadd.s32 $0xFFFFE700  }
.LBB2_20:
0x27: {  	s1 =	sadd.s32 $0x1, s1;
	s0 =	rddreg [dreg:$0x14]  }
0x28: {  	p1 =	sne.s32 s1, s0  }
.Ltmp1:
0x29: {  	_ = 	snop;
	(pc) =	sbr.rel @!p1 .LBB2_21-.Ltmp1, $1  }
0x2a: {  	_ =	sdelay $0x3  }
.LBB2_1:
.Ltmp2:
0x2b: {  	(pc) =	sbr.rel @p0 .LBB2_5-.Ltmp2, $2  }
0x2c: {  	_ =	sdelay $0x2  }
0x2d: {  	[dreg:$0x18] =	wrdreg s1  }
0x2e: {  	s0 =	stileid.u32  }
0x2f: {  	s3 =	rddreg [dreg:$0x15];
	s0 =	sshll.u32 s0, $0x6  }
0x30: {  	s10 =	rddreg [dreg:$0x16];
	s1 =	sshrl.u32 s3, $0x3;
	s0 =	sor.u32 $0x1C09, s0  }
0x31: {  	[spmem:s1], [sflag:s0] =	dma.local [hbm:s10], $0x1900  }
0x32: {  	s1 =	rddreg [dreg:$0xf]  }
0x33: {  	p1 =	sne.s32 s1, $0x1  }
.Ltmp3:
0x34: {  	_ = 	snop;
	(pc) =	sbr.rel @!p1 .LBB2_4-.Ltmp3, $2  }
0x35: {  	_ =	sdelay $0x2  }
0x36: {  	s3 =	sadd.s32 $0xC800, s3;
	_ =	swait.ge [sflag:s13], $0x1900;
	s1 =	sadd.s32 $0xFFFFFFFF, s1  }
.LBB2_3:
0x37: {  	[sflag:s13] =	ssyncset.done $0x0;
	s10 =	sadd.s32 $0x1900, s10;
	p1 =	sne.s32 s1, $0x1  }
.Ltmp4:
0x38: {  	s14 =	sshrl.u32 s3, $0x3;
	[sflag:s13] =	ssyncadd.s32 $0xFFFFE700;
	(pc) =	sbr.rel @p1 .LBB2_3-.Ltmp4, $3  }
0x39: {  	[spmem:s14], [sflag:s0] =	dma.local [hbm:s10], $0x1900  }
0x3a: {  	s1 =	sadd.s32 $0xFFFFFFFF, s1;
	_ =	sdelay $0x1  }
0x3b: {  	s3 =	sadd.s32 $0xC800, s3;
	_ =	swait.ge [sflag:s13], $0x1900  }
.LBB2_4:
0x3c: {  	[sflag:s13] =	ssyncset.done $0x0  }
0x3d: {  	[sflag:s13] =	ssyncadd.s32 $0xFFFFE700  }
.LBB2_5:
0x3e: {  	[bflag:$0x0] =	sbarrier.arrive $0xFFFF  }
0x3f: {  	s0 =	simm.s32 $0x0;
	s1 =	rddreg [dreg:$0x5]  }
0x40: {  	[tilespmem:s0], [sflag:$0x9] =	stream.linear.gather [hbm4b:s1+s0], $0x28, $0x38;
	[tilespmem:$0x1B380] =	vst v63  }
0x41: {  	_ =	swait.ge [sflag:s13], $0x28  }
0x42: {  	[sflag:s13] =	ssyncset.done $0x0  }
0x43: {  	s3 =	simm.s32 $0x100;
	s14 =	rddreg [dreg:$0x6];
	[sflag:s13] =	ssyncadd.s32 $0xFFFFFFD8  }
0x44: {  	[tilespmem:s3], [sflag:$0x9] =	stream.linear.gather [hbm4b:s14+s0], $0x28, $0x38;
	[tilespmem:$0x1B380] =	vst v63  }
0x45: {  	_ =	swait.ge [sflag:s13], $0x28  }
0x46: {  	[sflag:s13] =	ssyncset.done $0x0  }
0x47: {  	s21 =	rddreg [dreg:$0x7];
	[sflag:s13] =	ssyncadd.s32 $0xFFFFFFD8  }
0x48: {  	[tilespmem:s15], [sflag:$0x9] =	stream.linear.gather [hbm4b:s21+s0], $0x28, $0x38;
	[tilespmem:$0x1B380] =	vst v63  }
0x49: {  	_ =	swait.ge [sflag:s13], $0x28  }
0x4a: {  	[sflag:s13] =	ssyncset.done $0x0  }
0x4b: {  	s10 =	simm.s32 $0x300;
	s29 =	rddreg [dreg:$0xd];
	[sflag:s13] =	ssyncadd.s32 $0xFFFFFFD8  }
0x4c: {  	[tilespmem:s10], [sflag:$0x3] =	stream.linear.gather [hbm4b:s29+s0], $0x1400, $0x38;
	[tilespmem:$0x1B380] =	vst v63  }
0x4d: {  	_ = 	snop  }
0x4e: {  	[tilespmem:s19], [sflag:$0x3] =	stream.indirect.gather [hbm4b:s6+s18], $0x80, s0, s18, $0xb8;
	[tilespmem:$0x1B380] =	vst v63  }
0x4f: {  	s14 =	simm.s32 $0x5300  }
0x50: {  	[tilespmem:s14], [sflag:$0x3] =	stream.indirect.gather [hbm4b:s7+s18], $0x80, s3, s18, $0xb8;
	[tilespmem:$0x1B380] =	vst v63  }
0x51: {  	s21 =	rddreg [dreg:$0x9];
	s10 =	simm.s32 $0x80  }
0x52: {  	[tilespmem:s10], [sflag:$0x2] =	stream.linear.gather [hbm4b:s21+s0], $0x28, $0x38;
	[tilespmem:$0x1B380] =	vst v63  }
0x53: {  	s29 =	rddreg [dreg:$0xa];
	s14 =	simm.s32 $0x180  }
0x54: {  	[tilespmem:s14], [sflag:$0x2] =	stream.linear.gather [hbm4b:s29+s0], $0x28, $0x38;
	[tilespmem:$0x1B380] =	vst v63  }
0x55: {  	_ =	swait.ge [sflag:s22], $0x1400  }
0x56: {  	[sflag:s22] =	ssyncset.done $0x0  }
0x57: {  	[sflag:s22] =	ssyncadd.s32 $0xFFFFEC00  }
0x58: {  	_ =	swait.ge [sflag:s22], $0x1400  }
0x59: {  	[sflag:s22] =	ssyncset.done $0x0  }
0x5a: {  	[sflag:s22] =	ssyncadd.s32 $0xFFFFEC00  }
0x5b: {  	_ =	swait.ge [sflag:s22], $0x1400  }
0x5c: {  	[sflag:s22] =	ssyncset.done $0x0  }
0x5d: {  	s21 =	rddreg [dreg:$0xb];
	[sflag:s22] =	ssyncadd.s32 $0xFFFFEC00  }
0x5e: {  	[tilespmem:s24], [sflag:$0x2] =	stream.linear.gather [hbm4b:s21+s0], $0x28, $0x38;
	[tilespmem:$0x1B380] =	vst v63  }
0x5f: {  	_ =	swait.ge [sflag:s25], $0x28  }
0x60: {  	[sflag:s25] =	ssyncset.done $0x0  }
0x61: {  	[sflag:s25] =	ssyncadd.s32 $0xFFFFFFD8  }
0x62: {  	_ =	swait.ge [sflag:s25], $0x28  }
0x63: {  	[sflag:s25] =	ssyncset.done $0x0  }
0x64: {  	[sflag:s25] =	ssyncadd.s32 $0xFFFFFFD8  }
0x65: {  	_ =	swait.ge [sflag:s25], $0x28  }
0x66: {  	[sflag:s25] =	ssyncset.done $0x0  }
0x67: {  	s21 =	simm.s32 $0x1700;
	s29 =	rddreg [dreg:$0xc];
	[sflag:s25] =	ssyncadd.s32 $0xFFFFFFD8  }
0x68: {  	[tilespmem:s21], [sflag:$0x4] =	stream.linear.gather [hbm4b:s29+s0], $0x1400, $0x38;
	[tilespmem:$0x1B380] =	vst v63  }
0x69: {  	_ = 	snop  }
0x6a: {  	[tilespmem:s28], [sflag:$0x4] =	stream.indirect.gather [hbm4b:s6+s18], $0x80, s10, s18, $0xb8;
	[tilespmem:$0x1B380] =	vst v63  }
0x6b: {  	s21 =	simm.s32 $0x6700  }
0x6c: {  	[tilespmem:s21], [sflag:$0x4] =	stream.indirect.gather [hbm4b:s7+s18], $0x80, s14, s18, $0xb8;
	[tilespmem:$0x1B380] =	vst v63  }
0x6d: {  	s24 =	rddreg [dreg:$0x10]  }
0x6e: {  	[tilespmem:s0], [sflag:$0x1] =	stream.linear.gather [hbm4b:s24+s0], $0x28, $0x38;
	[tilespmem:$0x1B380] =	vst v63  }
0x6f: {  	s29 =	rddreg [dreg:$0x11]  }
0x70: {  	[tilespmem:s3], [sflag:$0x1] =	stream.linear.gather [hbm4b:s29+s0], $0x28, $0x38;
	[tilespmem:$0x1B380] =	vst v63  }
0x71: {  	s0 =	simm.s32 $0x0  }
0x72: {  	v4 =	vld [tilespmem:s0+$0x5300]  }
0x73: {  	v5 =	vld [tilespmem:s0+$0x5310]  }
0x74: {  	v3 =	vld [tilespmem:s0+$0x5320]  }
0x75: {  	v2 =	vld [tilespmem:s0+$0x5330]  }
0x76: {  	v1 =	vld [tilespmem:s0+$0x5340]  }
0x77: {  	v0 =	vld [tilespmem:s0+$0x5350]  }
0x78: {  	v12 =	vld [tilespmem:s0+$0x300]  }
0x79: {  	v17 =	vld [tilespmem:s0+$0x310]  }
0x7a: {  	v11 =	vld [tilespmem:s0+$0x320]  }
0x7b: {  	v10 =	vld [tilespmem:s0+$0x330]  }
0x7c: {  	v9 =	vld [tilespmem:s0+$0x340]  }
0x7d: {  	v8 =	vld [tilespmem:s0+$0x350]  }
0x7e: {  	v7 =	vld [tilespmem:s0+$0x360]  }
0x7f: {  	v6 =	vld [tilespmem:s0+$0x370]  }
0x80: {  	v18 =	vld [tilespmem:s0+$0x2B00]  }
0x81: {  	v19 =	vld [tilespmem:s0+$0x2B10]  }
0x82: {  	v16 =	vld [tilespmem:s0+$0x2B20]  }
0x83: {  	v15 =	vld [tilespmem:s0+$0x2B30]  }
0x84: {  	v14 =	vld [tilespmem:s0+$0x2B40]  }
0x85: {  	v13 =	vld [tilespmem:s0+$0x2B50];
	v18 =	vadd.f32 v18, v12  }
0x86: {  	s1 =	simm.s32 $0x200;
	v17 =	vadd.f32 v19, v17;
	v12 =	vld [tilespmem:s0+$0x2B60]  }
.LBB2_6:
0x87: {  	p1 =	sne.s32 s1, $0x4E00;
	v4 =	vsub.f32 v18, v4;
	v11 =	vadd.f32 v16, v11;
	v16 =	vld [tilespmem:s0+$0x2B70]  }
0x88: {  	v5 =	vsub.f32 v17, v5;
	v10 =	vadd.f32 v15, v10;
	v15 =	vld [tilespmem:s0+$0x5360]  }
0x89: {  	s3 =	sshra.s32 s1, $0x2;
	v17 =	vmax.f32 v4, $0.0e+00;
	v3 =	vsub.f32 v11, v3;
	v9 =	vadd.f32 v14, v9;
	v11 =	vld [tilespmem:s0+$0x5370]  }
0x8a: {  	v4 =	vld [tilespmem:s3+$0x5300];
	[tilespmem:s0+$0x2B00] =	vst v17;
	v14 =	vmax.f32 v5, $0.0e+00;
	v2 =	vsub.f32 v10, v2;
	v8 =	vadd.f32 v13, v8  }
0x8b: {  	v5 =	vld [tilespmem:s3+$0x5310];
	[tilespmem:s0+$0x2B10] =	vst v14;
	v10 =	vmax.f32 v3, $0.0e+00;
	v1 =	vsub.f32 v9, v1;
	v7 =	vadd.f32 v12, v7  }
0x8c: {  	v3 =	vld [tilespmem:s3+$0x5320];
	[tilespmem:s0+$0x2B20] =	vst v10;
	v9 =	vmax.f32 v2, $0.0e+00;
	v0 =	vsub.f32 v8, v0;
	v6 =	vadd.f32 v16, v6  }
0x8d: {  	v2 =	vld [tilespmem:s3+$0x5330];
	[tilespmem:s0+$0x2B30] =	vst v9;
	v8 =	vmax.f32 v1, $0.0e+00;
	v7 =	vsub.f32 v7, v15  }
0x8e: {  	v1 =	vld [tilespmem:s3+$0x5340];
	[tilespmem:s0+$0x2B40] =	vst v8;
	v8 =	vmax.f32 v0, $0.0e+00;
	v6 =	vsub.f32 v6, v11  }
0x8f: {  	v0 =	vld [tilespmem:s3+$0x5350];
	[tilespmem:s0+$0x2B50] =	vst v8;
	v7 =	vmax.f32 v7, $0.0e+00  }
0x90: {  	v12 =	vld [tilespmem:s3+$0x300];
	[tilespmem:s0+$0x2B60] =	vst v7;
	v6 =	vmax.f32 v6, $0.0e+00  }
0x91: {  	v17 =	vld [tilespmem:s3+$0x310];
	[tilespmem:s0+$0x2B70] =	vst v6;
	s0 =	smov.u32 s3  }
0x92: {  	v11 =	vld [tilespmem:s0+$0x320]  }
0x93: {  	v10 =	vld [tilespmem:s0+$0x330]  }
0x94: {  	v9 =	vld [tilespmem:s0+$0x340]  }
0x95: {  	v8 =	vld [tilespmem:s0+$0x350]  }
0x96: {  	v7 =	vld [tilespmem:s0+$0x360]  }
0x97: {  	v6 =	vld [tilespmem:s0+$0x370]  }
0x98: {  	v13 =	vld [tilespmem:s0+$0x2B00]  }
0x99: {  	v19 =	vld [tilespmem:s0+$0x2B10]  }
.Ltmp5:
0x9a: {  	v16 =	vld [tilespmem:s0+$0x2B20];
	(pc) =	sbr.rel @p1 .LBB2_6-.Ltmp5, $4  }
0x9b: {  	v15 =	vld [tilespmem:s0+$0x2B30]  }
0x9c: {  	v14 =	vld [tilespmem:s0+$0x2B40]  }
0x9d: {  	v18 =	vadd.f32 v13, v12;
	v13 =	vld [tilespmem:s0+$0x2B50]  }
0x9e: {  	s1 =	sadd.s32 $0x200, s1;
	v17 =	vadd.f32 v19, v17;
	v12 =	vld [tilespmem:s0+$0x2B60]  }
0x9f: {  	v4 =	vsub.f32 v18, v4;
	v11 =	vadd.f32 v16, v11;
	v53 =	vld [tilespmem:s0+$0x2B70]  }
0xa0: {  	v54 =	vld [tilespmem:s0+$0x5360];
	v5 =	vsub.f32 v17, v5;
	v10 =	vadd.f32 v15, v10  }
0xa1: {  	v55 =	vld [tilespmem:s0+$0x5370];
	v4 =	vmax.f32 v4, $0.0e+00;
	v3 =	vsub.f32 v11, v3;
	v9 =	vadd.f32 v14, v9  }
0xa2: {  	[tilespmem:s0+$0x2B00] =	vst v4;
	v56 =	vmax.f32 v5, $0.0e+00;
	v2 =	vsub.f32 v10, v2;
	v57 =	vadd.f32 v13, v8  }
0xa3: {  	[tilespmem:s0+$0x2B10] =	vst v56;
	v3 =	vmax.f32 v3, $0.0e+00;
	v1 =	vsub.f32 v9, v1;
	v58 =	vadd.f32 v12, v7  }
0xa4: {  	[tilespmem:s0+$0x2B20] =	vst v3;
	v2 =	vmax.f32 v2, $0.0e+00;
	v0 =	vsub.f32 v57, v0;
	v59 =	vadd.f32 v53, v6  }
0xa5: {  	[tilespmem:s0+$0x2B30] =	vst v2;
	v1 =	vmax.f32 v1, $0.0e+00;
	v60 =	vsub.f32 v58, v54  }
0xa6: {  	[tilespmem:s0+$0x2B40] =	vst v1;
	v0 =	vmax.f32 v0, $0.0e+00;
	v61 =	vsub.f32 v59, v55  }
0xa7: {  	[tilespmem:s0+$0x2B50] =	vst v0;
	v62 =	vmax.f32 v60, $0.0e+00  }
0xa8: {  	[tilespmem:s0+$0x2B60] =	vst v62;
	v63 =	vmax.f32 v61, $0.0e+00  }
0xa9: {  	[tilespmem:s0+$0x2B70] =	vst v63  }
0xaa: {  	[spmem:s16] =	stream.indirect.scatter.add.f32 [tilespmem:s19], [sflag:$0x5], $0x80, s15, s18, $0xb8;
	[tilespmem:$0x1B380] =	vst v63  }
0xab: {  	s21 =	smov.u32 s16;
	s16 =	rddreg [dreg:$0xe]  }
0xac: {  	[hbm4b:s16+s4] =	stream.linear.scatter [tilespmem:s19], [sflag:$0x7], $0x1400, $0x38;
	[tilespmem:$0x1B380] =	vst v63  }
0xad: {  	_ =	swait.ge [sflag:s31], $0x1400  }
0xae: {  	[sflag:s31] =	ssyncset.done $0x0  }
0xaf: {  	[sflag:s31] =	ssyncadd.s32 $0xFFFFEC00  }
0xb0: {  	_ =	swait.ge [sflag:s23], $0x1400  }
0xb1: {  	[sflag:s23] =	ssyncset.done $0x0  }
0xb2: {  	[sflag:s23] =	ssyncadd.s32 $0xFFFFEC00  }
0xb3: {  	_ =	swait.ge [sflag:s23], $0x1400  }
0xb4: {  	[sflag:s23] =	ssyncset.done $0x0  }
0xb5: {  	[sflag:s23] =	ssyncadd.s32 $0xFFFFEC00  }
0xb6: {  	_ =	swait.ge [sflag:s23], $0x1400  }
0xb7: {  	[sflag:s23] =	ssyncset.done $0x0  }
0xb8: {  	s29 =	simm.s32 $0x1;
	s24 =	rddreg [dreg:$0x12];
	[sflag:s23] =	ssyncadd.s32 $0xFFFFEC00  }
0xb9: {  	[tilespmem:s15], [sflag:$0x1] =	stream.linear.gather [hbm4b:s24+s4], $0x28, $0x38;
	[tilespmem:$0x1B380] =	vst v63  }
.LBB2_8:
0xba: {  	_ =	swait.ge [sflag:s30], $0x28  }
0xbb: {  	[sflag:s30] =	ssyncset.done $0x0  }
0xbc: {  	[sflag:s30] =	ssyncadd.s32 $0xFFFFFFD8  }
0xbd: {  	_ =	swait.ge [sflag:s30], $0x28  }
0xbe: {  	[sflag:s30] =	ssyncset.done $0x0  }
0xbf: {  	[sflag:s30] =	ssyncadd.s32 $0xFFFFFFD8  }
0xc0: {  	_ =	swait.ge [sflag:s30], $0x28  }
0xc1: {  	s14 =	sshll.u32 s29, $0x1;
	[sflag:s30] =	ssyncset.done $0x0;
	s0 =	rddreg [dreg:$0x4]  }
0xc2: {  	[sflag:s30] =	ssyncadd.s32 $0xFFFFFFD8;
	s0 =	sadd.s32 s0, s14  }
0xc3: {  	_ =	swait.ge [sflag:s17], $0x1400;
	s1 =	smul.u32 $0x280, s0  }
0xc4: {  	s15 =	simm.s32 $0x0;
	[sflag:s17] =	ssyncset.done $0x0  }
0xc5: {  	s10 =	simm.s32 $0x300;
	[sflag:s17] =	ssyncadd.s32 $0xFFFFEC00;
	s3 =	sadd.s32 s5, s1  }
0xc6: {  	[tilespmem:s10], [sflag:$0x3] =	stream.linear.gather [hbm4b:s3+s15], $0x1400, $0x38;
	[tilespmem:$0x1B380] =	vst v63  }
0xc7: {  	s10 =	sadd.s32 $0x1, s0  }
0xc8: {  	[tilespmem:s19], [sflag:$0x3] =	stream.indirect.gather [hbm4b:s6+s18], $0x80, s15, s18, $0xb8;
	[tilespmem:$0x1B380] =	vst v63  }
0xc9: {  	s24 =	simm.s32 $0x100;
	s16 =	simm.s32 $0x5300;
	s3 =	smul.u32 $0x5, s10  }
0xca: {  	[tilespmem:s16], [sflag:$0x3] =	stream.indirect.gather [hbm4b:s7+s18], $0x80, s24, s18, $0xb8;
	[tilespmem:$0x1B380] =	vst v63  }
0xcb: {  	s16 =	sadd.s32 s8, s3;
	s24 =	simm.s32 $0x80  }
0xcc: {  	[tilespmem:s24], [sflag:$0x2] =	stream.linear.gather [hbm4b:s16+s15], $0x28, $0x38;
	[tilespmem:$0x1B380] =	vst v63  }
0xcd: {  	s16 =	rddreg [dreg:$0x1]  }
0xce: {  	s24 =	simm.s32 $0x180;
	s0 =	sadd.s32 s16, s3  }
0xcf: {  	[tilespmem:s24], [sflag:$0x2] =	stream.linear.gather [hbm4b:s0+s15], $0x28, $0x38;
	[tilespmem:$0x1B380] =	vst v63  }
0xd0: {  	s0 =	simm.s32 $0x0  }
0xd1: {  	v4 =	vld [tilespmem:s0+$0x6700]  }
0xd2: {  	v5 =	vld [tilespmem:s0+$0x6710]  }
0xd3: {  	v3 =	vld [tilespmem:s0+$0x6720]  }
0xd4: {  	v2 =	vld [tilespmem:s0+$0x6730]  }
0xd5: {  	v1 =	vld [tilespmem:s0+$0x6740]  }
0xd6: {  	v0 =	vld [tilespmem:s0+$0x6750]  }
0xd7: {  	v12 =	vld [tilespmem:s0+$0x1700]  }
0xd8: {  	v17 =	vld [tilespmem:s0+$0x1710]  }
0xd9: {  	v11 =	vld [tilespmem:s0+$0x1720]  }
0xda: {  	v10 =	vld [tilespmem:s0+$0x1730]  }
0xdb: {  	v9 =	vld [tilespmem:s0+$0x1740]  }
0xdc: {  	v8 =	vld [tilespmem:s0+$0x1750]  }
0xdd: {  	v7 =	vld [tilespmem:s0+$0x1760]  }
0xde: {  	v6 =	vld [tilespmem:s0+$0x1770]  }
0xdf: {  	v18 =	vld [tilespmem:s0+$0x3F00]  }
0xe0: {  	v19 =	vld [tilespmem:s0+$0x3F10]  }
0xe1: {  	v16 =	vld [tilespmem:s0+$0x3F20]  }
0xe2: {  	v15 =	vld [tilespmem:s0+$0x3F30]  }
0xe3: {  	v14 =	vld [tilespmem:s0+$0x3F40]  }
0xe4: {  	v13 =	vld [tilespmem:s0+$0x3F50];
	v18 =	vadd.f32 v18, v12  }
0xe5: {  	s15 =	simm.s32 $0x200;
	v17 =	vadd.f32 v19, v17;
	v12 =	vld [tilespmem:s0+$0x3F60]  }
.LBB2_9:
0xe6: {  	p1 =	sne.s32 s15, $0x4E00;
	v4 =	vsub.f32 v18, v4;
	v11 =	vadd.f32 v16, v11;
	v16 =	vld [tilespmem:s0+$0x3F70]  }
0xe7: {  	v5 =	vsub.f32 v17, v5;
	v10 =	vadd.f32 v15, v10;
	v15 =	vld [tilespmem:s0+$0x6760]  }
0xe8: {  	s16 =	sshra.s32 s15, $0x2;
	v17 =	vmax.f32 v4, $0.0e+00;
	v3 =	vsub.f32 v11, v3;
	v9 =	vadd.f32 v14, v9;
	v11 =	vld [tilespmem:s0+$0x6770]  }
0xe9: {  	v4 =	vld [tilespmem:s16+$0x6700];
	[tilespmem:s0+$0x3F00] =	vst v17;
	v14 =	vmax.f32 v5, $0.0e+00;
	v2 =	vsub.f32 v10, v2;
	v8 =	vadd.f32 v13, v8  }
0xea: {  	v5 =	vld [tilespmem:s16+$0x6710];
	[tilespmem:s0+$0x3F10] =	vst v14;
	v10 =	vmax.f32 v3, $0.0e+00;
	v1 =	vsub.f32 v9, v1;
	v7 =	vadd.f32 v12, v7  }
0xeb: {  	v3 =	vld [tilespmem:s16+$0x6720];
	[tilespmem:s0+$0x3F20] =	vst v10;
	v9 =	vmax.f32 v2, $0.0e+00;
	v0 =	vsub.f32 v8, v0;
	v6 =	vadd.f32 v16, v6  }
0xec: {  	v2 =	vld [tilespmem:s16+$0x6730];
	[tilespmem:s0+$0x3F30] =	vst v9;
	v8 =	vmax.f32 v1, $0.0e+00;
	v7 =	vsub.f32 v7, v15  }
0xed: {  	v1 =	vld [tilespmem:s16+$0x6740];
	[tilespmem:s0+$0x3F40] =	vst v8;
	v8 =	vmax.f32 v0, $0.0e+00;
	v6 =	vsub.f32 v6, v11  }
0xee: {  	v0 =	vld [tilespmem:s16+$0x6750];
	[tilespmem:s0+$0x3F50] =	vst v8;
	v7 =	vmax.f32 v7, $0.0e+00  }
0xef: {  	v12 =	vld [tilespmem:s16+$0x1700];
	[tilespmem:s0+$0x3F60] =	vst v7;
	v6 =	vmax.f32 v6, $0.0e+00  }
0xf0: {  	v17 =	vld [tilespmem:s16+$0x1710];
	[tilespmem:s0+$0x3F70] =	vst v6;
	s0 =	smov.u32 s16  }
0xf1: {  	v11 =	vld [tilespmem:s0+$0x1720]  }
0xf2: {  	v10 =	vld [tilespmem:s0+$0x1730]  }
0xf3: {  	v9 =	vld [tilespmem:s0+$0x1740]  }
0xf4: {  	v8 =	vld [tilespmem:s0+$0x1750]  }
0xf5: {  	v7 =	vld [tilespmem:s0+$0x1760]  }
0xf6: {  	v6 =	vld [tilespmem:s0+$0x1770]  }
0xf7: {  	v13 =	vld [tilespmem:s0+$0x3F00]  }
0xf8: {  	v19 =	vld [tilespmem:s0+$0x3F10]  }
.Ltmp6:
0xf9: {  	v16 =	vld [tilespmem:s0+$0x3F20];
	(pc) =	sbr.rel @p1 .LBB2_9-.Ltmp6, $4  }
0xfa: {  	v15 =	vld [tilespmem:s0+$0x3F30]  }
0xfb: {  	v14 =	vld [tilespmem:s0+$0x3F40]  }
0xfc: {  	v18 =	vadd.f32 v13, v12;
	v13 =	vld [tilespmem:s0+$0x3F50]  }
0xfd: {  	s15 =	sadd.s32 $0x200, s15;
	v17 =	vadd.f32 v19, v17;
	v12 =	vld [tilespmem:s0+$0x3F60]  }
0xfe: {  	v4 =	vsub.f32 v18, v4;
	v11 =	vadd.f32 v16, v11;
	v16 =	vld [tilespmem:s0+$0x3F70]  }
0xff: {  	v5 =	vsub.f32 v17, v5;
	v10 =	vadd.f32 v15, v10;
	v15 =	vld [tilespmem:s0+$0x6760]  }
0x100: {  	v4 =	vmax.f32 v4, $0.0e+00;
	v3 =	vsub.f32 v11, v3;
	v9 =	vadd.f32 v14, v9;
	v11 =	vld [tilespmem:s0+$0x6770]  }
0x101: {  	[tilespmem:s0+$0x3F00] =	vst v4;
	v4 =	vmax.f32 v5, $0.0e+00;
	v2 =	vsub.f32 v10, v2;
	v5 =	vadd.f32 v13, v8  }
0x102: {  	[tilespmem:s0+$0x3F10] =	vst v4;
	v3 =	vmax.f32 v3, $0.0e+00;
	v1 =	vsub.f32 v9, v1;
	v4 =	vadd.f32 v12, v7  }
0x103: {  	[tilespmem:s0+$0x3F20] =	vst v3;
	v2 =	vmax.f32 v2, $0.0e+00;
	v0 =	vsub.f32 v5, v0;
	v3 =	vadd.f32 v16, v6  }
0x104: {  	[tilespmem:s0+$0x3F30] =	vst v2;
	v1 =	vmax.f32 v1, $0.0e+00;
	v2 =	vsub.f32 v4, v15  }
0x105: {  	[tilespmem:s0+$0x3F40] =	vst v1;
	v0 =	vmax.f32 v0, $0.0e+00;
	v1 =	vsub.f32 v3, v11  }
0x106: {  	s15 =	rddreg [dreg:$0x17];
	[tilespmem:s0+$0x3F50] =	vst v0;
	v0 =	vmax.f32 v2, $0.0e+00  }
0x107: {  	s15 =	sadd.s32 s14, s15;
	[tilespmem:s0+$0x3F60] =	vst v0;
	v0 =	vmax.f32 v1, $0.0e+00  }
0x108: {  	s24 =	smul.u32 $0x280, s15;
	s15 =	simm.s32 $0x280;
	[tilespmem:s0+$0x3F70] =	vst v0  }
0x109: {  	[spmem:s21] =	stream.indirect.scatter.add.f32 [tilespmem:s28], [sflag:$0x6], $0x80, s15, s18, $0xb8;
	[tilespmem:$0x1B380] =	vst v63  }
0x10a: {  	s0 =	sadd.s32 s11, s24  }
0x10b: {  	[hbm4b:s0+s4] =	stream.linear.scatter [tilespmem:s28], [sflag:$0x8], $0x1400, $0x38;
	[tilespmem:$0x1B380] =	vst v63  }
0x10c: {  	_ =	swait.ge [sflag:s22], $0x1400  }
0x10d: {  	[sflag:s22] =	ssyncset.done $0x0  }
0x10e: {  	[sflag:s22] =	ssyncadd.s32 $0xFFFFEC00  }
0x10f: {  	_ =	swait.ge [sflag:s22], $0x1400  }
0x110: {  	[sflag:s22] =	ssyncset.done $0x0  }
0x111: {  	[sflag:s22] =	ssyncadd.s32 $0xFFFFEC00  }
0x112: {  	_ =	swait.ge [sflag:s22], $0x1400  }
0x113: {  	[sflag:s22] =	ssyncset.done $0x0  }
0x114: {  	[sflag:s22] =	ssyncadd.s32 $0xFFFFEC00  }
0x115: {  	_ =	swait.ge [sflag:s20], $0x1400  }
0x116: {  	[sflag:s20] =	ssyncset.done $0x0  }
0x117: {  	s3 =	sadd.s32 s9, s3;
	[sflag:s20] =	ssyncadd.s32 $0xFFFFEC00  }
0x118: {  	[tilespmem:s15], [sflag:$0x2] =	stream.linear.gather [hbm4b:s3+s4], $0x28, $0x38;
	[tilespmem:$0x1B380] =	vst v63  }
0x119: {  	_ =	swait.ge [sflag:s25], $0x28  }
0x11a: {  	[sflag:s25] =	ssyncset.done $0x0  }
0x11b: {  	[sflag:s25] =	ssyncadd.s32 $0xFFFFFFD8  }
0x11c: {  	_ =	swait.ge [sflag:s25], $0x28  }
0x11d: {  	[sflag:s25] =	ssyncset.done $0x0  }
0x11e: {  	[sflag:s25] =	ssyncadd.s32 $0xFFFFFFD8  }
0x11f: {  	_ =	swait.ge [sflag:s25], $0x28  }
0x120: {  	[sflag:s25] =	ssyncset.done $0x0  }
0x121: {  	[sflag:s25] =	ssyncadd.s32 $0xFFFFFFD8  }
0x122: {  	s10 =	smul.u32 $0x280, s10;
	_ =	swait.ge [sflag:s26], $0x1400  }
0x123: {  	p1 =	seq.s32 s29, $0x7C;
	[sflag:s26] =	ssyncset.done $0x0  }
0x124: {  	s0 =	sadd.s32 s5, s10;
	s15 =	simm.s32 $0x1700;
	[sflag:s26] =	ssyncadd.s32 $0xFFFFEC00  }
0x125: {  	[tilespmem:s15], [sflag:$0x4] =	stream.linear.gather [hbm4b:s0+s4], $0x1400, $0x38;
	[tilespmem:$0x1B380] =	vst v63  }
0x126: {  	s3 =	simm.s32 $0x80;
	s0 =	sadd.s32 @!p1 s14, s2  }
0x127: {  	[tilespmem:s28], [sflag:$0x4] =	stream.indirect.gather [hbm4b:s6+s18], $0x80, s3, s18, $0xb8;
	[tilespmem:$0x1B380] =	vst v63  }
0x128: {  	s10 =	simm.s32 $0x180;
	s15 =	simm.s32 $0x6700;
	s0 =	smul.u32 @!p1 $0x5, s0  }
0x129: {  	[tilespmem:s15], [sflag:$0x4] =	stream.indirect.gather [hbm4b:s7+s18], $0x80, s10, s18, $0xb8;
	[tilespmem:$0x1B380] =	vst v63  }
0x12a: {  	s3 =	sadd.s32 @!p1 s8, s0;
	s10 =	simm.s32 @!p1 $0x0  }
0x12b: {  	[tilespmem:s10], [sflag:$0x1] =	stream.linear.gather @!p1 [hbm4b:s3+s10], $0x28, $0x38;
	[tilespmem:$0x1B380] =	vst v63  }
0x12c: {  	s3 =	rddreg [dreg:$0x1]  }
0x12d: {  	s0 =	sadd.s32 @!p1 s3, s0;
	s3 =	simm.s32 @!p1 $0x100  }
0x12e: {  	[tilespmem:s3], [sflag:$0x1] =	stream.linear.gather @!p1 [hbm4b:s0+s10], $0x28, $0x38;
	[tilespmem:$0x1B380] =	vst v63  }
0x12f: {  	s0 =	simm.s32 $0x0  }
0x130: {  	v4 =	vld [tilespmem:s0+$0x5300]  }
0x131: {  	v5 =	vld [tilespmem:s0+$0x5310]  }
0x132: {  	v3 =	vld [tilespmem:s0+$0x5320]  }
0x133: {  	v2 =	vld [tilespmem:s0+$0x5330]  }
0x134: {  	v1 =	vld [tilespmem:s0+$0x5340]  }
0x135: {  	v0 =	vld [tilespmem:s0+$0x5350]  }
0x136: {  	v12 =	vld [tilespmem:s0+$0x300]  }
0x137: {  	v17 =	vld [tilespmem:s0+$0x310]  }
0x138: {  	v11 =	vld [tilespmem:s0+$0x320]  }
0x139: {  	v10 =	vld [tilespmem:s0+$0x330]  }
0x13a: {  	v9 =	vld [tilespmem:s0+$0x340]  }
0x13b: {  	v8 =	vld [tilespmem:s0+$0x350]  }
0x13c: {  	v7 =	vld [tilespmem:s0+$0x360]  }
0x13d: {  	v6 =	vld [tilespmem:s0+$0x370]  }
0x13e: {  	v18 =	vld [tilespmem:s0+$0x2B00]  }
0x13f: {  	v19 =	vld [tilespmem:s0+$0x2B10]  }
0x140: {  	v16 =	vld [tilespmem:s0+$0x2B20]  }
0x141: {  	v15 =	vld [tilespmem:s0+$0x2B30]  }
0x142: {  	v14 =	vld [tilespmem:s0+$0x2B40]  }
0x143: {  	v13 =	vld [tilespmem:s0+$0x2B50];
	v18 =	vadd.f32 v18, v12  }
0x144: {  	s16 =	smov.u32 s21;
	s24 =	simm.s32 $0x280;
	s3 =	simm.s32 $0x200;
	v17 =	vadd.f32 v19, v17;
	v12 =	vld [tilespmem:s0+$0x2B60]  }
.LBB2_11:
0x145: {  	p2 =	sne.s32 s3, $0x4E00;
	v4 =	vsub.f32 v18, v4;
	v11 =	vadd.f32 v16, v11;
	v16 =	vld [tilespmem:s0+$0x2B70]  }
0x146: {  	v5 =	vsub.f32 v17, v5;
	v10 =	vadd.f32 v15, v10;
	v15 =	vld [tilespmem:s0+$0x5360]  }
0x147: {  	s10 =	sshra.s32 s3, $0x2;
	v17 =	vmax.f32 v4, $0.0e+00;
	v3 =	vsub.f32 v11, v3;
	v9 =	vadd.f32 v14, v9;
	v11 =	vld [tilespmem:s0+$0x5370]  }
0x148: {  	v4 =	vld [tilespmem:s10+$0x5300];
	[tilespmem:s0+$0x2B00] =	vst v17;
	v14 =	vmax.f32 v5, $0.0e+00;
	v2 =	vsub.f32 v10, v2;
	v8 =	vadd.f32 v13, v8  }
0x149: {  	v5 =	vld [tilespmem:s10+$0x5310];
	[tilespmem:s0+$0x2B10] =	vst v14;
	v10 =	vmax.f32 v3, $0.0e+00;
	v1 =	vsub.f32 v9, v1;
	v7 =	vadd.f32 v12, v7  }
0x14a: {  	v3 =	vld [tilespmem:s10+$0x5320];
	[tilespmem:s0+$0x2B20] =	vst v10;
	v9 =	vmax.f32 v2, $0.0e+00;
	v0 =	vsub.f32 v8, v0;
	v6 =	vadd.f32 v16, v6  }
0x14b: {  	v2 =	vld [tilespmem:s10+$0x5330];
	[tilespmem:s0+$0x2B30] =	vst v9;
	v8 =	vmax.f32 v1, $0.0e+00;
	v7 =	vsub.f32 v7, v15  }
0x14c: {  	v1 =	vld [tilespmem:s10+$0x5340];
	[tilespmem:s0+$0x2B40] =	vst v8;
	v8 =	vmax.f32 v0, $0.0e+00;
	v6 =	vsub.f32 v6, v11  }
0x14d: {  	v0 =	vld [tilespmem:s10+$0x5350];
	[tilespmem:s0+$0x2B50] =	vst v8;
	v7 =	vmax.f32 v7, $0.0e+00  }
0x14e: {  	v12 =	vld [tilespmem:s10+$0x300];
	[tilespmem:s0+$0x2B60] =	vst v7;
	v6 =	vmax.f32 v6, $0.0e+00  }
0x14f: {  	v17 =	vld [tilespmem:s10+$0x310];
	[tilespmem:s0+$0x2B70] =	vst v6;
	s0 =	smov.u32 s10  }
0x150: {  	v11 =	vld [tilespmem:s0+$0x320]  }
0x151: {  	v10 =	vld [tilespmem:s0+$0x330]  }
0x152: {  	v9 =	vld [tilespmem:s0+$0x340]  }
0x153: {  	v8 =	vld [tilespmem:s0+$0x350]  }
0x154: {  	v7 =	vld [tilespmem:s0+$0x360]  }
0x155: {  	v6 =	vld [tilespmem:s0+$0x370]  }
0x156: {  	v13 =	vld [tilespmem:s0+$0x2B00]  }
0x157: {  	v19 =	vld [tilespmem:s0+$0x2B10]  }
.Ltmp7:
0x158: {  	v16 =	vld [tilespmem:s0+$0x2B20];
	(pc) =	sbr.rel @p2 .LBB2_11-.Ltmp7, $4  }
0x159: {  	v15 =	vld [tilespmem:s0+$0x2B30]  }
0x15a: {  	v14 =	vld [tilespmem:s0+$0x2B40]  }
0x15b: {  	v18 =	vadd.f32 v13, v12;
	v13 =	vld [tilespmem:s0+$0x2B50]  }
0x15c: {  	s3 =	sadd.s32 $0x200, s3;
	v17 =	vadd.f32 v19, v17;
	v12 =	vld [tilespmem:s0+$0x2B60]  }
0x15d: {  	v4 =	vsub.f32 v18, v4;
	v11 =	vadd.f32 v16, v11;
	v53 =	vld [tilespmem:s0+$0x2B70]  }
0x15e: {  	v54 =	vld [tilespmem:s0+$0x5360];
	v5 =	vsub.f32 v17, v5;
	v10 =	vadd.f32 v15, v10  }
0x15f: {  	v55 =	vld [tilespmem:s0+$0x5370];
	v4 =	vmax.f32 v4, $0.0e+00;
	v3 =	vsub.f32 v11, v3;
	v9 =	vadd.f32 v14, v9  }
0x160: {  	[tilespmem:s0+$0x2B00] =	vst v4;
	v56 =	vmax.f32 v5, $0.0e+00;
	v2 =	vsub.f32 v10, v2;
	v57 =	vadd.f32 v13, v8  }
0x161: {  	[tilespmem:s0+$0x2B10] =	vst v56;
	v3 =	vmax.f32 v3, $0.0e+00;
	v1 =	vsub.f32 v9, v1;
	v58 =	vadd.f32 v12, v7  }
0x162: {  	[tilespmem:s0+$0x2B20] =	vst v3;
	v2 =	vmax.f32 v2, $0.0e+00;
	v0 =	vsub.f32 v57, v0;
	v59 =	vadd.f32 v53, v6  }
0x163: {  	[tilespmem:s0+$0x2B30] =	vst v2;
	v1 =	vmax.f32 v1, $0.0e+00;
	v60 =	vsub.f32 v58, v54  }
0x164: {  	[tilespmem:s0+$0x2B40] =	vst v1;
	v0 =	vmax.f32 v0, $0.0e+00;
	v61 =	vsub.f32 v59, v55  }
0x165: {  	[tilespmem:s0+$0x2B50] =	vst v0;
	v62 =	vmax.f32 v60, $0.0e+00  }
0x166: {  	[tilespmem:s0+$0x2B60] =	vst v62;
	v63 =	vmax.f32 v61, $0.0e+00  }
0x167: {  	s15 =	simm.s32 $0x200;
	[tilespmem:s0+$0x2B70] =	vst v63  }
0x168: {  	[spmem:s16] =	stream.indirect.scatter.add.f32 [tilespmem:s19], [sflag:$0x5], $0x80, s15, s18, $0xb8;
	[tilespmem:$0x1B380] =	vst v63  }
0x169: {  	s3 =	sadd.s32 s11, s1;
	s10 =	simm.s32 $0x0  }
0x16a: {  	[hbm4b:s3+s10] =	stream.linear.scatter [tilespmem:s19], [sflag:$0x7], $0x1400, $0x38;
	[tilespmem:$0x1B380] =	vst v63  }
0x16b: {  	_ =	swait.ge [sflag:s23], $0x1400  }
0x16c: {  	[sflag:s23] =	ssyncset.done $0x0  }
0x16d: {  	[sflag:s23] =	ssyncadd.s32 $0xFFFFEC00  }
0x16e: {  	_ =	swait.ge [sflag:s23], $0x1400  }
0x16f: {  	[sflag:s23] =	ssyncset.done $0x0  }
0x170: {  	[sflag:s23] =	ssyncadd.s32 $0xFFFFEC00  }
0x171: {  	_ =	swait.ge [sflag:s23], $0x1400  }
.Ltmp8:
0x172: {  	[sflag:s23] =	ssyncset.done $0x0;
	(pc) =	sbr.rel @p1 .LBB2_14-.Ltmp8, $4  }
0x173: {  	[sflag:s23] =	ssyncadd.s32 $0xFFFFEC00  }
0x174: {  	_ =	swait.ge [sflag:s31], $0x1400  }
0x175: {  	[sflag:s31] =	ssyncset.done $0x0  }
0x176: {  	[sflag:s31] =	ssyncadd.s32 $0xFFFFEC00  }
.Ltmp9:
0x177: {  	s0 =	sadd.s32 s14, s2;
	(pc) =	sbr.rel .LBB2_8-.Ltmp9, $3  }
0x178: {  	s0 =	smul.u32 $0x5, s0;
	_ =	sdelay $0x1  }
0x179: {  	s29 =	sadd.s32 $0x1, s29;
	s0 =	sadd.s32 s9, s0  }
0x17a: {  	[tilespmem:s15], [sflag:$0x1] =	stream.linear.gather [hbm4b:s0+s4], $0x28, $0x38;
	[tilespmem:$0x1B380] =	vst v63  }
.LBB2_14:
0x17b: {  	s0 =	simm.s32 $0x0  }
0x17c: {  	v4 =	vld [tilespmem:s0+$0x6700]  }
0x17d: {  	v5 =	vld [tilespmem:s0+$0x6710]  }
0x17e: {  	v3 =	vld [tilespmem:s0+$0x6720]  }
0x17f: {  	v2 =	vld [tilespmem:s0+$0x6730]  }
0x180: {  	v1 =	vld [tilespmem:s0+$0x6740]  }
0x181: {  	v0 =	vld [tilespmem:s0+$0x6750]  }
0x182: {  	v12 =	vld [tilespmem:s0+$0x1700]  }
0x183: {  	v17 =	vld [tilespmem:s0+$0x1710]  }
0x184: {  	v11 =	vld [tilespmem:s0+$0x1720]  }
0x185: {  	v10 =	vld [tilespmem:s0+$0x1730]  }
0x186: {  	v9 =	vld [tilespmem:s0+$0x1740]  }
0x187: {  	v8 =	vld [tilespmem:s0+$0x1750]  }
0x188: {  	v7 =	vld [tilespmem:s0+$0x1760]  }
0x189: {  	v6 =	vld [tilespmem:s0+$0x1770]  }
0x18a: {  	v18 =	vld [tilespmem:s0+$0x3F00]  }
0x18b: {  	v19 =	vld [tilespmem:s0+$0x3F10]  }
0x18c: {  	v16 =	vld [tilespmem:s0+$0x3F20]  }
0x18d: {  	v15 =	vld [tilespmem:s0+$0x3F30]  }
0x18e: {  	v14 =	vld [tilespmem:s0+$0x3F40]  }
0x18f: {  	v13 =	vld [tilespmem:s0+$0x3F50];
	v18 =	vadd.f32 v18, v12  }
0x190: {  	s1 =	simm.s32 $0x200;
	v17 =	vadd.f32 v19, v17;
	v12 =	vld [tilespmem:s0+$0x3F60]  }
.LBB2_15:
0x191: {  	p1 =	sne.s32 s1, $0x4E00;
	v4 =	vsub.f32 v18, v4;
	v11 =	vadd.f32 v16, v11;
	v16 =	vld [tilespmem:s0+$0x3F70]  }
0x192: {  	v5 =	vsub.f32 v17, v5;
	v10 =	vadd.f32 v15, v10;
	v15 =	vld [tilespmem:s0+$0x6760]  }
0x193: {  	s3 =	sshra.s32 s1, $0x2;
	v17 =	vmax.f32 v4, $0.0e+00;
	v3 =	vsub.f32 v11, v3;
	v9 =	vadd.f32 v14, v9;
	v11 =	vld [tilespmem:s0+$0x6770]  }
0x194: {  	v4 =	vld [tilespmem:s3+$0x6700];
	[tilespmem:s0+$0x3F00] =	vst v17;
	v14 =	vmax.f32 v5, $0.0e+00;
	v2 =	vsub.f32 v10, v2;
	v8 =	vadd.f32 v13, v8  }
0x195: {  	v5 =	vld [tilespmem:s3+$0x6710];
	[tilespmem:s0+$0x3F10] =	vst v14;
	v10 =	vmax.f32 v3, $0.0e+00;
	v1 =	vsub.f32 v9, v1;
	v7 =	vadd.f32 v12, v7  }
0x196: {  	v3 =	vld [tilespmem:s3+$0x6720];
	[tilespmem:s0+$0x3F20] =	vst v10;
	v9 =	vmax.f32 v2, $0.0e+00;
	v0 =	vsub.f32 v8, v0;
	v6 =	vadd.f32 v16, v6  }
0x197: {  	v2 =	vld [tilespmem:s3+$0x6730];
	[tilespmem:s0+$0x3F30] =	vst v9;
	v8 =	vmax.f32 v1, $0.0e+00;
	v7 =	vsub.f32 v7, v15  }
0x198: {  	v1 =	vld [tilespmem:s3+$0x6740];
	[tilespmem:s0+$0x3F40] =	vst v8;
	v8 =	vmax.f32 v0, $0.0e+00;
	v6 =	vsub.f32 v6, v11  }
0x199: {  	v0 =	vld [tilespmem:s3+$0x6750];
	[tilespmem:s0+$0x3F50] =	vst v8;
	v7 =	vmax.f32 v7, $0.0e+00  }
0x19a: {  	v12 =	vld [tilespmem:s3+$0x1700];
	[tilespmem:s0+$0x3F60] =	vst v7;
	v6 =	vmax.f32 v6, $0.0e+00  }
0x19b: {  	v17 =	vld [tilespmem:s3+$0x1710];
	[tilespmem:s0+$0x3F70] =	vst v6;
	s0 =	smov.u32 s3  }
0x19c: {  	v11 =	vld [tilespmem:s0+$0x1720]  }
0x19d: {  	v10 =	vld [tilespmem:s0+$0x1730]  }
0x19e: {  	v9 =	vld [tilespmem:s0+$0x1740]  }
0x19f: {  	v8 =	vld [tilespmem:s0+$0x1750]  }
0x1a0: {  	v7 =	vld [tilespmem:s0+$0x1760]  }
0x1a1: {  	v6 =	vld [tilespmem:s0+$0x1770]  }
0x1a2: {  	v13 =	vld [tilespmem:s0+$0x3F00]  }
0x1a3: {  	v19 =	vld [tilespmem:s0+$0x3F10]  }
.Ltmp10:
0x1a4: {  	v16 =	vld [tilespmem:s0+$0x3F20];
	(pc) =	sbr.rel @p1 .LBB2_15-.Ltmp10, $4  }
0x1a5: {  	v15 =	vld [tilespmem:s0+$0x3F30]  }
0x1a6: {  	v14 =	vld [tilespmem:s0+$0x3F40]  }
0x1a7: {  	v18 =	vadd.f32 v13, v12;
	v13 =	vld [tilespmem:s0+$0x3F50]  }
0x1a8: {  	s1 =	sadd.s32 $0x200, s1;
	v17 =	vadd.f32 v19, v17;
	v12 =	vld [tilespmem:s0+$0x3F60]  }
0x1a9: {  	v4 =	vsub.f32 v18, v4;
	v11 =	vadd.f32 v16, v11;
	v53 =	vld [tilespmem:s0+$0x3F70]  }
0x1aa: {  	v54 =	vld [tilespmem:s0+$0x6760];
	v5 =	vsub.f32 v17, v5;
	v10 =	vadd.f32 v15, v10  }
0x1ab: {  	v55 =	vld [tilespmem:s0+$0x6770];
	v4 =	vmax.f32 v4, $0.0e+00;
	v3 =	vsub.f32 v11, v3;
	v9 =	vadd.f32 v14, v9  }
0x1ac: {  	[tilespmem:s0+$0x3F00] =	vst v4;
	v56 =	vmax.f32 v5, $0.0e+00;
	v2 =	vsub.f32 v10, v2;
	v57 =	vadd.f32 v13, v8  }
0x1ad: {  	[tilespmem:s0+$0x3F10] =	vst v56;
	v3 =	vmax.f32 v3, $0.0e+00;
	v1 =	vsub.f32 v9, v1;
	v58 =	vadd.f32 v12, v7  }
0x1ae: {  	[tilespmem:s0+$0x3F20] =	vst v3;
	v2 =	vmax.f32 v2, $0.0e+00;
	v0 =	vsub.f32 v57, v0;
	v59 =	vadd.f32 v53, v6  }
0x1af: {  	[tilespmem:s0+$0x3F30] =	vst v2;
	v1 =	vmax.f32 v1, $0.0e+00;
	v60 =	vsub.f32 v58, v54  }
0x1b0: {  	[tilespmem:s0+$0x3F40] =	vst v1;
	v0 =	vmax.f32 v0, $0.0e+00;
	v61 =	vsub.f32 v59, v55  }
0x1b1: {  	[tilespmem:s0+$0x3F50] =	vst v0;
	v62 =	vmax.f32 v60, $0.0e+00  }
0x1b2: {  	[tilespmem:s0+$0x3F60] =	vst v62;
	v63 =	vmax.f32 v61, $0.0e+00  }
0x1b3: {  	[tilespmem:s0+$0x3F70] =	vst v63  }
0x1b4: {  	[spmem:s16] =	stream.indirect.scatter.add.f32 [tilespmem:s28], [sflag:$0x6], $0x80, s24, s18, $0xb8;
	[tilespmem:$0x1B380] =	vst v63  }
0x1b5: {  	s29 =	rddreg [dreg:$0x13]  }
0x1b6: {  	[hbm4b:s29+s4] =	stream.linear.scatter [tilespmem:s28], [sflag:$0x8], $0x1400, $0x38;
	[tilespmem:$0x1B380] =	vst v63  }
0x1b7: {  	_ =	swait.ge [sflag:s20], $0x1400  }
0x1b8: {  	[sflag:s20] =	ssyncset.done $0x0  }
0x1b9: {  	[sflag:s20] =	ssyncadd.s32 $0xFFFFEC00  }
0x1ba: {  	_ =	swait.ge [sflag:s17], $0x1400  }
0x1bb: {  	[sflag:s17] =	ssyncset.done $0x0  }
0x1bc: {  	[sflag:s17] =	ssyncadd.s32 $0xFFFFEC00  }
.Ltmp11:
0x1bd: {  	_ =	swait.ge [sflag:s26], $0x1400;
	(pc) =	sbr.rel @p0 .LBB2_20-.Ltmp11, $4  }
0x1be: {  	[sflag:s26] =	ssyncset.done $0x0  }
0x1bf: {  	[sflag:s26] =	ssyncadd.s32 $0xFFFFEC00  }
0x1c0: {  	[bflag:$0x0] =	sbarrier.arrive $0xFFFF  }
0x1c1: {  	s1 =	rddreg [dreg:$0x18]  }
0x1c2: {  	s0 =	stileid.u32;
	s10 =	rddreg [dreg:$0x8]  }
0x1c3: {  	s14 =	rddreg [dreg:$0x15];
	s0 =	sshll.u32 s0, $0x6;
	s1 =	sshrl.u32 s10, $0x3  }
0x1c4: {  	s3 =	sshrl.u32 s14, $0x3;
	s1 =	sadd.s32 s12, s1;
	s0 =	sor.u32 $0x1C09, s0  }
0x1c5: {  	[hbm:s1], [sflag:s0] =	dma.local [spmem:s3], $0x1900  }
0x1c6: {  	s1 =	rddreg [dreg:$0xf]  }
0x1c7: {  	p1 =	sne.s32 s1, $0x1  }
.Ltmp12:
0x1c8: {  	_ = 	snop;
	(pc) =	sbr.rel @!p1 .LBB2_19-.Ltmp12, $2  }
0x1c9: {  	_ =	sdelay $0x2  }
0x1ca: {  	s3 =	sadd.s32 $0xC800, s14;
	s1 =	sadd.s32 $0xFFFFFFFF, s1  }
.LBB2_18:
0x1cb: {  	_ =	swait.ge [sflag:s13], $0x1900  }
0x1cc: {  	s10 =	sadd.s32 $0xC800, s10;
	s15 =	sshrl.u32 s3, $0x3;
	p1 =	sne.s32 s1, $0x1  }
.Ltmp13:
0x1cd: {  	s14 =	sshrl.u32 s10, $0x3;
	[sflag:s13] =	ssyncset.done $0x0;
	(pc) =	sbr.rel @p1 .LBB2_18-.Ltmp13, $4  }
0x1ce: {  	s14 =	sadd.s32 s12, s14;
	[sflag:s13] =	ssyncadd.s32 $0xFFFFE700  }
0x1cf: {  	[hbm:s14], [sflag:s0] =	dma.local [spmem:s15], $0x1900  }
0x1d0: {  	s1 =	sadd.s32 $0xFFFFFFFF, s1  }
0x1d1: {  	s3 =	sadd.s32 $0xC800, s3  }
.Ltmp14:
0x1d2: {  	_ = 	snop;
	(pc) =	sbr.rel .LBB2_19-.Ltmp14, $1  }
0x1d3: {  	_ =	sdelay $0x3  }
.LBB2_21:
0x1d4: {  	_ =	sfence.sel $0x180000  }
0x1d5: {  	[bflag:$0x0] =	sbarrier.arrive $0xFFFF  }
0x1d6: {  	_ =	strace $0x9000004A  }
0x1d7: {  	s0 =	stileid.u32;
	[bflag:$0x2] =	sbarrier.arrive $0xFFFF  }
0x1d8: {  	p0 =	sne.s32 s0, $0x0;
	s0 =	rddreg [dreg:$0x3]  }
0x1d9: {  	s0 =	sadd.s32 @!p0 $0x100000, s0  }
0x1da: {  	[sflag:s0] =	ssyncadd.tile.s32 @!p0 $0x1;
	_ =	shalt  }
.Lfunc_end2:
_tile_overlayer_lowered:
.L_overlay_start_2:
0x1db: {  	(tag) =	ssettag $0x2  }
0x1dc: {  	s0 =	rddreg [dreg:$0x0];
	s2 =	stileid.u32  }
0x1dd: {  	s1 =	rddreg [dreg:$0x1];
	p0 =	sne.s32 s2, $0x0  }
0x1de: {  	s3 =	rddreg [dreg:$0x2];
	[bflag:$0x3] =	sbarrier.arrive $0xFFFF;
	s2 =	simm.s32 @!p0 $0x1C09  }
0x1df: {  	[timem:s3], [sflag:s2] =	dma.local @!p0 [hbm:s0], s1  }
0x1e0: {  	s0 =	simm.s32 @!p0 $0x9  }
0x1e1: {  	_ =	swait.ge @!p0 [sflag:s0], s1  }
0x1e2: {  	s1 =	ssub.s32 @!p0 $0x0, s1;
	[sflag:s0] =	ssyncset.done @!p0 $0x0  }
0x1e3: {  	[sflag:s0] =	ssyncadd.s32 @!p0 s1  }
0x1e4: {  	[bflag:$0x3] =	sbarrier.arrive $0xFFFF  }
0x1e5: {  	_ =	shalt  }

// kernel: kernel.18.cloned.1.call-start
scs
__scs_entry_jumppad:
0x0: {  	(pc) =	sbr.rel $0x88, $3  }
0x1: {  	(tag) =	ssettag $0x0;
	lr =	simm.s32 $0x1  }
0x2: {  	[smem:$0x3F97] =	sst lr;
	_ =	strace $0xD0000000  }
0x3: {  	_ = 	snop  }
0x4: {  	_ = 	snop  }
0x5: {  	_ = 	snop  }
0x6: {  	_ = 	snop  }
0x7: {  	_ = 	snop  }
__scs_overlays_trampoline_lowered:
0x8: {  	[smem:$0x3FA6] =	sst s0  }
0x9: {  	[smem:$0x3FA7] =	sst s1  }
0xa: {  	[smem:$0x3FA8] =	sst s2  }
0xb: {  	[smem:$0x3FA9] =	sst s3  }
0xc: {  	[smem:$0x3FAA] =	sst s4  }
0xd: {  	[smem:$0x3FAB] =	sst s5  }
0xe: {  	[smem:$0x3FAC] =	sst s6  }
0xf: {  	[smem:$0x3FAD] =	sst s7  }
0x10: {  	[smem:$0x3FAE] =	sst s8  }
0x11: {  	[smem:$0x3FAF] =	sst s9;
	s0 =	simm.s32 @!p0 $0x0  }
0x12: {  	s1 =	sld [smem:$0x3F95];
	s0 =	simm.s32 @p0 $0x1  }
0x13: {  	[smem:$0x3FB0] =	sst s0;
	s0 =	simm.s32 @!p1 $0x0  }
0x14: {  	s2 =	sld [smem:$0x3F94];
	s0 =	simm.s32 @p1 $0x1  }
0x15: {  	[smem:$0x3FB1] =	sst s0;
	s0 =	simm.s32 @!p2 $0x0  }
0x16: {  	s3 =	sld [smem:$0x3FDB];
	s0 =	simm.s32 @p2 $0x1  }
0x17: {  	s4 =	simm.s32 $0x1BF5;
	[smem:$0x3FB3] =	sst s0  }
0x18: {  	s0 =	sld [smem:$0x3F96];
	_ =	swait.ge [sflag:s4], $0x0  }
0x19: {  	s7 =	sld [smem:$0x3F97]  }
0x1a: {  	s8 =	sadd.s32 $0xFFFFE003, lr  }
0x1b: {  	s9 =	sadd.s32 $0xFFFFFEF7, lr;
	s5 =	simm.s32 $0xFFFFFFFF;
	p2 =	slt.u32 s8, $0xFFFFF086  }
0x1c: {  	p1 =	slt.u32 s9, $0xF7A;
	s5 =	simm.s32 @!p2 $0x0  }
0x1d: {  	s5 =	simm.s32 @p1 $0x1;
	p0 =	seq.s32 s7, s2  }
0x1e: {  	s7 =	smul.u32 @!p0 $0xF7A, s2;
	p2 =	seq.s32 @!p0 s5, $0x0  }
0x1f: {  	s9 =	smul.u32 $0xF7A, s1;
	s8 =	simm.s32 @!p0 $0x1BF5;
	p2 =	por !p2, p0  }
0x20: {  	[sflag:s8] =	ssyncset.s32 @!p0 $0xFFFFF086;
	s6 =	sadd.s32 @!p0 s3, s7;
	s7 =	simm.s32 @!p0 $0x108  }
0x21: {  	s3 =	sadd.s32 s3, s9;
	s6 =	sadd.s32 @!p0 $0x88, s6;
	s7 =	simm.s32 @p2 $0x1082  }
0x22: {  	[simem:s7], [sflag:s8] =	dma.local @!p0 [hbm:s6], $0xF7A  }
0x23: {  	s9 =	sor.u32 $0xD0000000, s2;
	s6 =	simm.s32 $0x108;
	_ =	swait.ge @!p0 [sflag:s8], $0x0  }
0x24: {  	s3 =	sadd.s32 $0x88, s3;
	s6 =	simm.s32 @!p1 $0x1082;
	[sflag:s4] =	ssyncset.s32 $0xFFFFF086  }
0x25: {  	[simem:s6], [sflag:s4] =	dma.local [hbm:s3], $0xF7A  }
0x26: {  	[smem:$0x3F97] =	sst s1;
	(tag) =	ssettag s2;
	_ =	strace s9  }
0x27: {  	s1 =	sld [smem:$0x3FA7]  }
0x28: {  	s2 =	sld [smem:$0x3FA8]  }
0x29: {  	s4 =	sld [smem:$0x3FAA]  }
0x2a: {  	p0 =	seq.s32 s5, $0x0;
	s5 =	sld [smem:$0x3FAB]  }
0x2b: {  	s6 =	sld [smem:$0x3FAC]  }
0x2c: {  	s7 =	sld [smem:$0x3FAD]  }
0x2d: {  	s3 =	simm.s32 $0x108;
	s8 =	sld [smem:$0x3FAE]  }
0x2e: {  	s3 =	simm.s32 @!p0 $0x1082;
	s9 =	sld [smem:$0x3FAF]  }
0x2f: {  	lr =	sadd.s32 s0, s3;
	s0 =	sld [smem:$0x3FA6]  }
0x30: {  	s3 =	sld [smem:$0x3FA9]  }
0x31: {  	[smem:$0x3FB2] =	sst s10  }
0x32: {  	s10 =	sld [smem:$0x3FB0];
	_ =	sdelay $0x3  }
0x33: {  	p0 =	seq.s32 s10, $0x1;
	s10 =	sld [smem:$0x3FB2];
	_ =	sdelay $0x3  }
0x34: {  	[smem:$0x3FB2] =	sst s10  }
0x35: {  	s10 =	sld [smem:$0x3FB1];
	_ =	sdelay $0x3  }
0x36: {  	p1 =	seq.s32 s10, $0x1;
	s10 =	sld [smem:$0x3FB2];
	_ =	sdelay $0x3  }
0x37: {  	[smem:$0x3FB2] =	sst s10  }
0x38: {  	s10 =	sld [smem:$0x3FB3]  }
0x39: {  	_ = 	snop;
	(pc) =	sbr.ind lr, $3  }
0x3a: {  	_ = 	snop  }
0x3b: {  	_ = 	snop  }
0x3c: {  	p2 =	seq.s32 s10, $0x1;
	s10 =	sld [smem:$0x3FB2]  }
0x3d: {  	_ =	shalt  }
0x3e: {  	_ =	shalt  }
0x3f: {  	_ =	shalt  }
0x40: {  	_ =	shalt  }
0x41: {  	_ =	shalt  }
0x42: {  	_ =	shalt  }
0x43: {  	_ =	shalt  }
0x44: {  	_ =	shalt  }
0x45: {  	_ =	shalt  }
0x46: {  	_ =	shalt  }
0x47: {  	_ =	shalt  }
0x48: {  	_ =	shalt  }
0x49: {  	_ =	shalt  }
0x4a: {  	_ =	shalt  }
0x4b: {  	_ =	shalt  }
0x4c: {  	_ =	shalt  }
0x4d: {  	_ =	shalt  }
0x4e: {  	_ =	shalt  }
0x4f: {  	_ =	shalt  }
0x50: {  	_ =	shalt  }
0x51: {  	_ =	shalt  }
0x52: {  	_ =	shalt  }
0x53: {  	_ =	shalt  }
0x54: {  	_ =	shalt  }
0x55: {  	_ =	shalt  }
0x56: {  	_ =	shalt  }
0x57: {  	_ =	shalt  }
0x58: {  	_ =	shalt  }
0x59: {  	_ =	shalt  }
0x5a: {  	_ =	shalt  }
0x5b: {  	_ =	shalt  }
0x5c: {  	_ =	shalt  }
0x5d: {  	_ =	shalt  }
0x5e: {  	_ =	shalt  }
0x5f: {  	_ =	shalt  }
0x60: {  	_ =	shalt  }
0x61: {  	_ =	shalt  }
0x62: {  	_ =	shalt  }
0x63: {  	_ =	shalt  }
0x64: {  	_ =	shalt  }
0x65: {  	_ =	shalt  }
0x66: {  	_ =	shalt  }
0x67: {  	_ =	shalt  }
0x68: {  	_ =	shalt  }
0x69: {  	_ =	shalt  }
0x6a: {  	_ =	shalt  }
0x6b: {  	_ =	shalt  }
0x6c: {  	_ =	shalt  }
0x6d: {  	_ =	shalt  }
0x6e: {  	_ =	shalt  }
0x6f: {  	_ =	shalt  }
0x70: {  	_ =	shalt  }
0x71: {  	_ =	shalt  }
0x72: {  	_ =	shalt  }
0x73: {  	_ =	shalt  }
0x74: {  	_ =	shalt  }
0x75: {  	_ =	shalt  }
0x76: {  	_ =	shalt  }
0x77: {  	_ =	shalt  }
0x78: {  	_ =	shalt  }
0x79: {  	_ =	shalt  }
0x7a: {  	_ =	shalt  }
0x7b: {  	_ =	shalt  }
0x7c: {  	_ =	shalt  }
0x7d: {  	_ =	shalt  }
0x7e: {  	_ =	shalt  }
0x7f: {  	_ =	shalt  }
0x80: {  	_ =	shalt  }
0x81: {  	_ =	shalt  }
0x82: {  	_ =	shalt  }
0x83: {  	_ =	shalt  }
0x84: {  	_ =	shalt  }
0x85: {  	_ =	shalt  }
0x86: {  	_ =	shalt  }
0x87: {  	_ =	shalt  }
.Lfunc_end0:
.L_simem_size_0:
called_computation.2_lowered:
.L_overlay_start_0:
0x88: {  	s2 =	sld [smem:$0x3FD9]  }
0x89: {  	s3 =	sld [smem:$0x3FFE];
	_ =	sdelay $0x1  }
0x8a: {  	s1 =	srdreg.scid  }
0x8b: {  	s0 =	sand.u32 $0x1, s1  }
0x8c: {  	s17 =	sshll.u32 s0, $0xA;
	s2 =	sadd.s32 s3, s2  }
0x8d: {  	s2 =	sadd.s32 s2, s17  }
0x8e: {  	[smem:$0x3FBE] =	sst s2  }
0x8f: {  	_ = 	snop  }
0x90: {  	s2 =	sld [smem:$0x3FC7]  }
0x91: {  	s18 =	sld [smem:$0x3FD0];
	(tm) =	ssettm $0x1  }
0x92: {  	s4 =	sld [smem:$0x3FFB];
	_ =	sdelay $0x3  }
0x93: {  	_ =	strace s4  }
0x94: {  	s4 =	sld [smem:$0x3FFC];
	_ =	sdelay $0x3  }
0x95: {  	_ =	strace s4  }
0x96: {  	s4 =	sld [smem:$0x3FFD];
	_ =	sdelay $0x3  }
0x97: {  	_ =	strace s4  }
0x98: {  	_ =	strace $0x8FFFFFFF  }
0x99: {  	s19 =	sld [smem:$0x3FDB];
	_ =	sdelay $0x1  }
0x9a: {  	s5 =	simm.s32 $_scs_section_size  }
0x9b: {  	s6 =	simm.s32 $_size__tile_overlayer_lowered;
	s7 =	simm.s32 $_tile_overlayer_lowered  }
0x9c: {  	s22 =	simm.s32 $0x1BFF;
	s21 =	sshll.u32 s7, $0x1;
	s4 =	sadd.s32 s5, s19  }
0x9d: {  	s8 =	simm.s32 $0x0;
	s20 =	sshll.u32 s6, $0x1;
	s6 =	sadd.s32 s21, s4  }
0x9e: {  	[timem:s8], [sflag:s22] =	dma.local [hbm:s6], s20  }
0x9f: {  	_ =	swait.ge [sflag:s22], s20  }
0xa0: {  	s5 =	ssub.s32 $0x0, s20;
	[sflag:s22] =	ssyncset.done $0x0  }
0xa1: {  	[sflag:s22] =	ssyncadd.s32 s5;
	_ =	sdelay $0x1  }
0xa2: {  	s23 =	simm.s32 $0x1B8B  }
0xa3: {  	_ =	swait.ge [sflag:s23], $0x1  }
0xa4: {  	[sflag:s23] =	ssyncset.done $0x0  }
0xa5: {  	s25 =	simm.s32 $0x1B8E;
	s24 =	sld [smem:$0x3FFE];
	[sflag:s23] =	ssyncadd.s32 $0xFFFFFFFF  }
0xa6: {  	s26 =	simm.s32 $execute0_lowered;
	[smem:$0x3FD2] =	sst s25  }
0xa7: {  	s6 =	sshll.u32 s26, $0x1;
	_ =	strace $0x8000004C;
	[dreg:$0x1] =	wrdreg $0xFFFFFFFF  }
0xa8: {  	s28 =	simm.s32 $_size_execute0_lowered;
	s4 =	sadd.s32 s4, s6;
	[dreg:$0x0] =	wrdreg $0x0  }
0xa9: {  	s6 =	sshll.u32 s28, $0x1;
	[dreg:$0x2] =	wrdreg s4  }
0xaa: {  	[dreg:$0x3] =	wrdreg s6  }
0xab: {  	[dreg:$0x4] =	wrdreg $0xC0  }
0xac: {  	_ =	task [dreg:s8], $0x5FFFF  }
0xad: {  	[dreg:$0x1] =	wrdreg $0xFFFFFFFF  }
0xae: {  	[dreg:$0x0] =	wrdreg $0x60  }
0xaf: {  	[dreg:$0x2] =	wrdreg s24  }
0xb0: {  	[dreg:$0x3] =	wrdreg s18  }
0xb1: {  	[dreg:$0x4] =	wrdreg s2  }
0xb2: {  	[dreg:$0x5] =	wrdreg $0x7B000  }
0xb3: {  	[dreg:$0x6] =	wrdreg $0x9  }
0xb4: {  	_ =	task.clear_ibuf [dreg:s8], $0x7FFFF;
	_ =	strace $0x9000004C  }
0xb5: {  	s29 =	simm.s32 $0x9;
	_ =	strace $0x8000004E  }
0xb6: {  	_ =	swait.ge [sflag:s29], $0x1  }
0xb7: {  	[sflag:s29] =	ssyncadd.s32 $0xFFFFFFFF  }
0xb8: {  	_ =	strace $0x9000004E  }
0xb9: {  	_ =	sfence  }
0xba: {  	s30 =	sld [smem:$0x0];
	_ =	sdelay $0x2  }
0xbb: {  	s31 =	sshll.u32 s1, $0xD;
	s1 =	sshrl.u32 s1, $0x2  }
0xbc: {  	s3 =	sand.u32 $0x4000, s31;
	s1 =	sadd.s32 s1, s30  }
0xbd: {  	s0 =	sor.u32 s3, s0;
	s1 =	sshll.u32 s1, $0x11  }
0xbe: {  	s0 =	sor.u32 s1, s0  }
0xbf: {  	s0 =	sadd.s32 $0x8F2B, s0  }
0xc0: {  	[sflag:s0] =	ssyncadd.remote.s32 $0x1  }
0xc1: {  	_ =	sfence.sel $0xFFFF  }
0xc2: {  	[dreg:$0x0] =	wrdreg $0xFFFFFFFF;
	(pc) =	sbr.abs _section_cstart, $3  }
0xc3: {  	[dreg:$0x1] =	wrdreg $0xFFFFFFFF  }
0xc4: {  	_ =	task.clear_ibuf [dreg:s8], $0x2FFFF;
	_ =	strace $0x9FFFFFFF  }
0xc5: {  	(tm) =	ssettm $0x7FFFFFFF  }
tec
execute0_lowered:
.L_overlay_start_1:
0x0: {  	(tag) =	ssettag $0x1  }
0x1: {  	s0 =	rddreg [dreg:$0x0]  }
0x2: {  	s31 =	rddreg [dreg:$0x1]  }
0x3: {  	s20 =	rddreg [dreg:$0x2]  }
0x4: {  	s23 =	rddreg [dreg:$0x3]  }
0x5: {  	s5 =	simm.s32 $0x0;
	s3 =	stileid.u32;
	s7 =	srdreg.scid  }
0x6: {  	s2 =	smul.u32 $0x19, s3;
	s13 =	sand.u32 $0x1, s7;
	s8 =	sshll.u32 s3, $0x1  }
0x7: {  	s14 =	sor.u32 s13, s8;
	s16 =	ssub.s32 $0x2, s13;
	s13 =	smul.u32 $0x138800, s13  }
0x8: {  	s30 =	simm.s32 $0x7;
	s28 =	simm.s32 $0x1;
	s3 =	smul.u32 $0xFA, s14  }
0x9: {  	[smem:$0x7FF] =	sst s5;
	s6 =	sadd.s32 $0x4F9E00, s0;
	s17 =	smul.u32 $0x4E2, s14  }
0xa: {  	s7 =	sadd.s32 $0xEBDE00, s0;
	s9 =	sadd.s32 $0x4200, s0;
	s18 =	smul.u32 $0x27100, s14  }
0xb: {  	_ =	strace $0x8000004D;
	s12 =	sshrl.u32 s2, $0x4;
	s14 =	smul.u32 $0x2710, s14  }
0xc: {  	s8 =	sadd.s32 $0xE000, s0;
	s2 =	sadd.s32 $0x19, s2;
	s11 =	smul.u32 $0x1900, s12  }
0xd: {  	s1 =	sshrl.u32 s16, $0x1;
	s2 =	sshrl.u32 s2, $0x4;
	s19 =	smul.u32 $0xC800, s12  }
0xe: {  	s4 =	sadd.s32 s20, s17;
	s10 =	sadd.s32 $0x28, s14;
	s21 =	sadd.s32 s6, s18  }
0xf: {  	s14 =	sshrl.u32 s14, $0x3;
	p0 =	sle.u32 s2, s12;
	s29 =	sadd.s32 $0x2, s3  }
0x10: {  	s15 =	sadd.s32 s11, s0;
	s11 =	sadd.s32 $0x3F000, s0;
	[dreg:$0x6] =	wrdreg s4  }
0x11: {  	s0 =	ssub.s32 s16, s1;
	s1 =	sadd.s32 s8, s17;
	[dreg:$0x8] =	wrdreg s21  }
0x12: {  	s17 =	sadd.s32 s9, s17;
	s22 =	sshrl.u32 s10, $0x3;
	[dreg:$0x5] =	wrdreg s1  }
0x13: {  	s25 =	sadd.s32 s19, s13;
	s4 =	sshll.u32 s10, $0x4;
	[dreg:$0x7] =	wrdreg s17  }
0x14: {  	s14 =	sadd.s32 $0xA, s14;
	s10 =	ssub.s32 s2, s12;
	[dreg:$0xa] =	wrdreg s25  }
0x15: {  	s16 =	smul.u32 $0x32000, s12;
	s24 =	sadd.s32 s8, s22;
	[dreg:$0xc] =	wrdreg s10  }
0x16: {  	s12 =	simm.s32 $0x28;
	s26 =	sadd.s32 s20, s22;
	[dreg:$0x9] =	wrdreg s24  }
0x17: {  	s13 =	simm.s32 $0x2B00;
	s18 =	sadd.s32 s9, s22;
	[dreg:$0xb] =	wrdreg s26  }
0x18: {  	s19 =	sadd.s32 s6, s4;
	s21 =	sadd.s32 s8, s14;
	[dreg:$0xd] =	wrdreg s18  }
0x19: {  	s10 =	smov.u32 s20;
	s22 =	sadd.s32 s20, s14;
	[dreg:$0xe] =	wrdreg s19  }
0x1a: {  	s0 =	smax.u32 s0, $0x1;
	s1 =	smov.u32 s3;
	[dreg:$0xf] =	wrdreg s21  }
0x1b: {  	s20 =	simm.s32 $0x280;
	s3 =	simm.s32 $0x0;
	[dreg:$0x10] =	wrdreg s22  }
0x1c: {  	s24 =	sadd.s32 s9, s14;
	s2 =	sshrl.u32 s16, $0x2;
	[dreg:$0x12] =	wrdreg s0  }
.Ltmp0:
0x1d: {  	s26 =	sadd.s32 $0x17E00, s15;
	s0 =	simm.s32 $0x200;
	(pc) =	sbr.rel .LBB2_1-.Ltmp0, $4  }
0x1e: {  	s15 =	simm.s32 $0x80;
	s16 =	simm.s32 $0x180;
	s18 =	simm.s32 $0x3  }
0x1f: {  	s21 =	simm.s32 $0x2;
	s22 =	simm.s32 $0x3F00;
	[dreg:$0x11] =	wrdreg s24  }
0x20: {  	s19 =	simm.s32 $0x6;
	s25 =	sadd.s32 s2, s23;
	[dreg:$0x14] =	wrdreg s26  }
0x21: {  	s24 =	simm.s32 $0x5;
	[dreg:$0x13] =	wrdreg s25;
	s25 =	simm.s32 $0x4  }
.LBB2_19:
0x22: {  	_ =	swait.ge [sflag:s30], $0x1900  }
0x23: {  	[sflag:s30] =	ssyncset.done $0x0  }
0x24: {  	s3 =	rddreg [dreg:$0x15];
	[sflag:s30] =	ssyncadd.s32 $0xFFFFE700  }
0x25: {  	s23 =	rddreg [dreg:$0x3]  }
.LBB2_20:
0x26: {  	s3 =	sadd.s32 $0x1, s3;
	s2 =	rddreg [dreg:$0x12]  }
0x27: {  	p1 =	sne.s32 s3, s2  }
.Ltmp1:
0x28: {  	_ = 	snop;
	(pc) =	sbr.rel @!p1 .LBB2_21-.Ltmp1, $1  }
0x29: {  	_ =	sdelay $0x3  }
.LBB2_1:
.Ltmp2:
0x2a: {  	(pc) =	sbr.rel @p0 .LBB2_5-.Ltmp2, $2  }
0x2b: {  	_ =	sdelay $0x2  }
0x2c: {  	[dreg:$0x15] =	wrdreg s3  }
0x2d: {  	s2 =	stileid.u32  }
0x2e: {  	s4 =	rddreg [dreg:$0x13];
	s2 =	sshll.u32 s2, $0x6  }
0x2f: {  	s23 =	rddreg [dreg:$0x14];
	s14 =	sshrl.u32 s4, $0x3;
	s2 =	sor.u32 $0x1C07, s2  }
0x30: {  	[spmem:s14], [sflag:s2] =	dma.local [hbm:s23], $0x1900  }
0x31: {  	s3 =	rddreg [dreg:$0xc]  }
0x32: {  	p1 =	sne.s32 s3, $0x1  }
.Ltmp3:
0x33: {  	_ = 	snop;
	(pc) =	sbr.rel @!p1 .LBB2_4-.Ltmp3, $2  }
0x34: {  	_ =	sdelay $0x2  }
0x35: {  	s17 =	sadd.s32 $0xC800, s4;
	_ =	swait.ge [sflag:s30], $0x1900;
	s14 =	sadd.s32 $0xFFFFFFFF, s3  }
.LBB2_3:
0x36: {  	[sflag:s30] =	ssyncset.done $0x0;
	s23 =	sadd.s32 $0x1900, s23;
	p1 =	sne.s32 s14, $0x1  }
.Ltmp4:
0x37: {  	s26 =	sshrl.u32 s17, $0x3;
	[sflag:s30] =	ssyncadd.s32 $0xFFFFE700;
	(pc) =	sbr.rel @p1 .LBB2_3-.Ltmp4, $3  }
0x38: {  	[spmem:s26], [sflag:s2] =	dma.local [hbm:s23], $0x1900  }
0x39: {  	s14 =	sadd.s32 $0xFFFFFFFF, s14;
	_ =	sdelay $0x1  }
0x3a: {  	s17 =	sadd.s32 $0xC800, s17;
	_ =	swait.ge [sflag:s30], $0x1900  }
.LBB2_4:
0x3b: {  	[sflag:s30] =	ssyncset.done $0x0  }
0x3c: {  	[sflag:s30] =	ssyncadd.s32 $0xFFFFE700  }
0x3d: {  	s23 =	rddreg [dreg:$0x3]  }
.LBB2_5:
0x3e: {  	[bflag:$0x0] =	sbarrier.arrive $0xFFFF  }
0x3f: {  	s2 =	simm.s32 $0x0;
	s3 =	rddreg [dreg:$0x5]  }
0x40: {  	[tilespmem:s2], [sflag:$0x7] =	stream.linear.gather [hbm4b:s3+s2], $0x28, $0x38;
	[tilespmem:$0x1B380] =	vst v63  }
0x41: {  	_ =	swait.ge [sflag:s30], $0x28  }
0x42: {  	[sflag:s30] =	ssyncset.done $0x0  }
0x43: {  	s4 =	simm.s32 $0x100;
	s14 =	rddreg [dreg:$0x6];
	[sflag:s30] =	ssyncadd.s32 $0xFFFFFFD8  }
0x44: {  	[tilespmem:s4], [sflag:$0x7] =	stream.linear.gather [hbm4b:s14+s2], $0x28, $0x38;
	[tilespmem:$0x1B380] =	vst v63  }
0x45: {  	_ =	swait.ge [sflag:s30], $0x28  }
0x46: {  	[sflag:s30] =	ssyncset.done $0x0  }
0x47: {  	s17 =	rddreg [dreg:$0x7];
	[sflag:s30] =	ssyncadd.s32 $0xFFFFFFD8  }
0x48: {  	[tilespmem:s0], [sflag:$0x7] =	stream.linear.gather [hbm4b:s17+s2], $0x28, $0x38;
	[tilespmem:$0x1B380] =	vst v63  }
0x49: {  	_ =	swait.ge [sflag:s30], $0x28  }
0x4a: {  	[sflag:s30] =	ssyncset.done $0x0  }
0x4b: {  	s14 =	simm.s32 $0x300;
	s26 =	rddreg [dreg:$0x8];
	[sflag:s30] =	ssyncadd.s32 $0xFFFFFFD8  }
0x4c: {  	[tilespmem:s14], [sflag:$0x3] =	stream.linear.gather [hbm4b:s26+s2], $0x1400, $0x38;
	[tilespmem:$0x1B380] =	vst v63  }
0x4d: {  	_ = 	snop  }
0x4e: {  	[tilespmem:s13], [sflag:$0x3] =	stream.indirect.gather [hbm4b:s31+s12], $0x80, s2, s12, $0xb8;
	[tilespmem:$0x1B380] =	vst v63  }
0x4f: {  	s14 =	simm.s32 $0x5300  }
0x50: {  	[tilespmem:s14], [sflag:$0x3] =	stream.indirect.gather [hbm4b:s7+s12], $0x80, s4, s12, $0xb8;
	[tilespmem:$0x1B380] =	vst v63  }
0x51: {  	s17 =	rddreg [dreg:$0x9]  }
0x52: {  	[tilespmem:s15], [sflag:$0x2] =	stream.linear.gather [hbm4b:s17+s2], $0x28, $0x38;
	[tilespmem:$0x1B380] =	vst v63  }
0x53: {  	s26 =	rddreg [dreg:$0xb]  }
0x54: {  	[tilespmem:s16], [sflag:$0x2] =	stream.linear.gather [hbm4b:s26+s2], $0x28, $0x38;
	[tilespmem:$0x1B380] =	vst v63  }
0x55: {  	_ =	swait.ge [sflag:s18], $0x1400  }
0x56: {  	[sflag:s18] =	ssyncset.done $0x0  }
0x57: {  	[sflag:s18] =	ssyncadd.s32 $0xFFFFEC00  }
0x58: {  	_ =	swait.ge [sflag:s18], $0x1400  }
0x59: {  	[sflag:s18] =	ssyncset.done $0x0  }
0x5a: {  	[sflag:s18] =	ssyncadd.s32 $0xFFFFEC00  }
0x5b: {  	_ =	swait.ge [sflag:s18], $0x1400  }
0x5c: {  	[sflag:s18] =	ssyncset.done $0x0  }
0x5d: {  	s14 =	rddreg [dreg:$0xd];
	[sflag:s18] =	ssyncadd.s32 $0xFFFFEC00  }
0x5e: {  	[tilespmem:s20], [sflag:$0x2] =	stream.linear.gather [hbm4b:s14+s2], $0x28, $0x38;
	[tilespmem:$0x1B380] =	vst v63  }
0x5f: {  	_ =	swait.ge [sflag:s21], $0x28  }
0x60: {  	[sflag:s21] =	ssyncset.done $0x0  }
0x61: {  	[sflag:s21] =	ssyncadd.s32 $0xFFFFFFD8  }
0x62: {  	_ =	swait.ge [sflag:s21], $0x28  }
0x63: {  	[sflag:s21] =	ssyncset.done $0x0  }
0x64: {  	[sflag:s21] =	ssyncadd.s32 $0xFFFFFFD8  }
0x65: {  	_ =	swait.ge [sflag:s21], $0x28  }
0x66: {  	[sflag:s21] =	ssyncset.done $0x0  }
0x67: {  	s26 =	simm.s32 $0x1700;
	s17 =	rddreg [dreg:$0xe];
	[sflag:s21] =	ssyncadd.s32 $0xFFFFFFD8  }
0x68: {  	[tilespmem:s26], [sflag:$0x4] =	stream.linear.gather [hbm4b:s17+s2], $0x1400, $0x38;
	[tilespmem:$0x1B380] =	vst v63  }
0x69: {  	_ = 	snop  }
0x6a: {  	[tilespmem:s22], [sflag:$0x4] =	stream.indirect.gather [hbm4b:s31+s12], $0x80, s15, s12, $0xb8;
	[tilespmem:$0x1B380] =	vst v63  }
0x6b: {  	s14 =	simm.s32 $0x6700  }
0x6c: {  	[tilespmem:s14], [sflag:$0x4] =	stream.indirect.gather [hbm4b:s7+s12], $0x80, s16, s12, $0xb8;
	[tilespmem:$0x1B380] =	vst v63  }
0x6d: {  	s17 =	rddreg [dreg:$0xf]  }
0x6e: {  	[tilespmem:s2], [sflag:$0x1] =	stream.linear.gather [hbm4b:s17+s2], $0x28, $0x38;
	[tilespmem:$0x1B380] =	vst v63  }
0x6f: {  	s26 =	rddreg [dreg:$0x10]  }
0x70: {  	[tilespmem:s4], [sflag:$0x1] =	stream.linear.gather [hbm4b:s26+s2], $0x28, $0x38;
	[tilespmem:$0x1B380] =	vst v63  }
0x71: {  	s2 =	simm.s32 $0x0  }
0x72: {  	v4 =	vld [tilespmem:s2+$0x5300]  }
0x73: {  	v5 =	vld [tilespmem:s2+$0x5310]  }
0x74: {  	v3 =	vld [tilespmem:s2+$0x5320]  }
0x75: {  	v2 =	vld [tilespmem:s2+$0x5330]  }
0x76: {  	v1 =	vld [tilespmem:s2+$0x5340]  }
0x77: {  	v0 =	vld [tilespmem:s2+$0x5350]  }
0x78: {  	v12 =	vld [tilespmem:s2+$0x300]  }
0x79: {  	v17 =	vld [tilespmem:s2+$0x310]  }
0x7a: {  	v11 =	vld [tilespmem:s2+$0x320]  }
0x7b: {  	v10 =	vld [tilespmem:s2+$0x330]  }
0x7c: {  	v9 =	vld [tilespmem:s2+$0x340]  }
0x7d: {  	v8 =	vld [tilespmem:s2+$0x350]  }
0x7e: {  	v7 =	vld [tilespmem:s2+$0x360]  }
0x7f: {  	v6 =	vld [tilespmem:s2+$0x370]  }
0x80: {  	v18 =	vld [tilespmem:s2+$0x2B00]  }
0x81: {  	v19 =	vld [tilespmem:s2+$0x2B10]  }
0x82: {  	v16 =	vld [tilespmem:s2+$0x2B20]  }
0x83: {  	v15 =	vld [tilespmem:s2+$0x2B30]  }
0x84: {  	v14 =	vld [tilespmem:s2+$0x2B40]  }
0x85: {  	v13 =	vld [tilespmem:s2+$0x2B50];
	v18 =	vadd.f32 v18, v12  }
0x86: {  	s14 =	simm.s32 $0x200;
	v17 =	vadd.f32 v19, v17;
	v12 =	vld [tilespmem:s2+$0x2B60]  }
.LBB2_6:
0x87: {  	p1 =	sne.s32 s14, $0x4E00;
	v4 =	vsub.f32 v18, v4;
	v11 =	vadd.f32 v16, v11;
	v16 =	vld [tilespmem:s2+$0x2B70]  }
0x88: {  	v5 =	vsub.f32 v17, v5;
	v10 =	vadd.f32 v15, v10;
	v15 =	vld [tilespmem:s2+$0x5360]  }
0x89: {  	s17 =	sshra.s32 s14, $0x2;
	v17 =	vmax.f32 v4, $0.0e+00;
	v3 =	vsub.f32 v11, v3;
	v9 =	vadd.f32 v14, v9;
	v11 =	vld [tilespmem:s2+$0x5370]  }
0x8a: {  	v4 =	vld [tilespmem:s17+$0x5300];
	[tilespmem:s2+$0x2B00] =	vst v17;
	v14 =	vmax.f32 v5, $0.0e+00;
	v2 =	vsub.f32 v10, v2;
	v8 =	vadd.f32 v13, v8  }
0x8b: {  	v5 =	vld [tilespmem:s17+$0x5310];
	[tilespmem:s2+$0x2B10] =	vst v14;
	v10 =	vmax.f32 v3, $0.0e+00;
	v1 =	vsub.f32 v9, v1;
	v7 =	vadd.f32 v12, v7  }
0x8c: {  	v3 =	vld [tilespmem:s17+$0x5320];
	[tilespmem:s2+$0x2B20] =	vst v10;
	v9 =	vmax.f32 v2, $0.0e+00;
	v0 =	vsub.f32 v8, v0;
	v6 =	vadd.f32 v16, v6  }
0x8d: {  	v2 =	vld [tilespmem:s17+$0x5330];
	[tilespmem:s2+$0x2B30] =	vst v9;
	v8 =	vmax.f32 v1, $0.0e+00;
	v7 =	vsub.f32 v7, v15  }
0x8e: {  	v1 =	vld [tilespmem:s17+$0x5340];
	[tilespmem:s2+$0x2B40] =	vst v8;
	v8 =	vmax.f32 v0, $0.0e+00;
	v6 =	vsub.f32 v6, v11  }
0x8f: {  	v0 =	vld [tilespmem:s17+$0x5350];
	[tilespmem:s2+$0x2B50] =	vst v8;
	v7 =	vmax.f32 v7, $0.0e+00  }
0x90: {  	v12 =	vld [tilespmem:s17+$0x300];
	[tilespmem:s2+$0x2B60] =	vst v7;
	v6 =	vmax.f32 v6, $0.0e+00  }
0x91: {  	v17 =	vld [tilespmem:s17+$0x310];
	[tilespmem:s2+$0x2B70] =	vst v6;
	s2 =	smov.u32 s17  }
0x92: {  	v11 =	vld [tilespmem:s2+$0x320]  }
0x93: {  	v10 =	vld [tilespmem:s2+$0x330]  }
0x94: {  	v9 =	vld [tilespmem:s2+$0x340]  }
0x95: {  	v8 =	vld [tilespmem:s2+$0x350]  }
0x96: {  	v7 =	vld [tilespmem:s2+$0x360]  }
0x97: {  	v6 =	vld [tilespmem:s2+$0x370]  }
0x98: {  	v13 =	vld [tilespmem:s2+$0x2B00]  }
0x99: {  	v19 =	vld [tilespmem:s2+$0x2B10]  }
.Ltmp5:
0x9a: {  	v16 =	vld [tilespmem:s2+$0x2B20];
	(pc) =	sbr.rel @p1 .LBB2_6-.Ltmp5, $4  }
0x9b: {  	v15 =	vld [tilespmem:s2+$0x2B30]  }
0x9c: {  	v14 =	vld [tilespmem:s2+$0x2B40]  }
0x9d: {  	v18 =	vadd.f32 v13, v12;
	v13 =	vld [tilespmem:s2+$0x2B50]  }
0x9e: {  	s14 =	sadd.s32 $0x200, s14;
	v17 =	vadd.f32 v19, v17;
	v12 =	vld [tilespmem:s2+$0x2B60]  }
0x9f: {  	v4 =	vsub.f32 v18, v4;
	v11 =	vadd.f32 v16, v11;
	v53 =	vld [tilespmem:s2+$0x2B70]  }
0xa0: {  	v54 =	vld [tilespmem:s2+$0x5360];
	v5 =	vsub.f32 v17, v5;
	v10 =	vadd.f32 v15, v10  }
0xa1: {  	v55 =	vld [tilespmem:s2+$0x5370];
	v4 =	vmax.f32 v4, $0.0e+00;
	v3 =	vsub.f32 v11, v3;
	v9 =	vadd.f32 v14, v9  }
0xa2: {  	[tilespmem:s2+$0x2B00] =	vst v4;
	v56 =	vmax.f32 v5, $0.0e+00;
	v2 =	vsub.f32 v10, v2;
	v57 =	vadd.f32 v13, v8  }
0xa3: {  	[tilespmem:s2+$0x2B10] =	vst v56;
	v3 =	vmax.f32 v3, $0.0e+00;
	v1 =	vsub.f32 v9, v1;
	v58 =	vadd.f32 v12, v7  }
0xa4: {  	[tilespmem:s2+$0x2B20] =	vst v3;
	v2 =	vmax.f32 v2, $0.0e+00;
	v0 =	vsub.f32 v57, v0;
	v59 =	vadd.f32 v53, v6  }
0xa5: {  	[tilespmem:s2+$0x2B30] =	vst v2;
	v1 =	vmax.f32 v1, $0.0e+00;
	v60 =	vsub.f32 v58, v54  }
0xa6: {  	[tilespmem:s2+$0x2B40] =	vst v1;
	v0 =	vmax.f32 v0, $0.0e+00;
	v61 =	vsub.f32 v59, v55  }
0xa7: {  	[tilespmem:s2+$0x2B50] =	vst v0;
	v62 =	vmax.f32 v60, $0.0e+00  }
0xa8: {  	[tilespmem:s2+$0x2B60] =	vst v62;
	v63 =	vmax.f32 v61, $0.0e+00  }
0xa9: {  	[tilespmem:s2+$0x2B70] =	vst v63  }
0xaa: {  	[spmem:s23] =	stream.indirect.scatter.add.f32 [tilespmem:s13], [sflag:$0x5], $0x80, s0, s12, $0xb8;
	[tilespmem:$0x1B380] =	vst v63  }
0xab: {  	_ =	swait.ge [sflag:s24], $0x1400  }
0xac: {  	[sflag:s24] =	ssyncset.done $0x0  }
0xad: {  	[sflag:s24] =	ssyncadd.s32 $0xFFFFEC00  }
0xae: {  	_ =	swait.ge [sflag:s25], $0x1400  }
0xaf: {  	[sflag:s25] =	ssyncset.done $0x0  }
0xb0: {  	[sflag:s25] =	ssyncadd.s32 $0xFFFFEC00  }
0xb1: {  	_ =	swait.ge [sflag:s25], $0x1400  }
0xb2: {  	[sflag:s25] =	ssyncset.done $0x0  }
0xb3: {  	[sflag:s25] =	ssyncadd.s32 $0xFFFFEC00  }
0xb4: {  	_ =	swait.ge [sflag:s25], $0x1400  }
0xb5: {  	[sflag:s25] =	ssyncset.done $0x0  }
0xb6: {  	s26 =	rddreg [dreg:$0x11];
	[sflag:s25] =	ssyncadd.s32 $0xFFFFEC00  }
0xb7: {  	[tilespmem:s0], [sflag:$0x1] =	stream.linear.gather [hbm4b:s26+s5], $0x28, $0x38;
	[tilespmem:$0x1B380] =	vst v63  }
0xb8: {  	s26 =	simm.s32 $0x1  }
.LBB2_8:
0xb9: {  	_ =	swait.ge [sflag:s28], $0x28  }
0xba: {  	[sflag:s28] =	ssyncset.done $0x0  }
0xbb: {  	[sflag:s28] =	ssyncadd.s32 $0xFFFFFFD8  }
0xbc: {  	_ =	swait.ge [sflag:s28], $0x28  }
0xbd: {  	s2 =	sshll.u32 s26, $0x1;
	[sflag:s28] =	ssyncset.done $0x0  }
0xbe: {  	s14 =	sadd.s32 s1, s2;
	[sflag:s28] =	ssyncadd.s32 $0xFFFFFFD8  }
0xbf: {  	s17 =	smul.u32 $0x280, s14;
	_ =	swait.ge [sflag:s28], $0x28  }
0xc0: {  	s23 =	simm.s32 $0x0;
	[sflag:s28] =	ssyncset.done $0x0  }
0xc1: {  	s3 =	simm.s32 $0x300;
	s17 =	sadd.s32 s6, s17;
	[sflag:s28] =	ssyncadd.s32 $0xFFFFFFD8  }
0xc2: {  	[tilespmem:s3], [sflag:$0x3] =	stream.linear.gather [hbm4b:s17+s23], $0x1400, $0x38;
	[tilespmem:$0x1B380] =	vst v63  }
0xc3: {  	s4 =	smov.u32 s31;
	s14 =	sadd.s32 $0x1, s14  }
0xc4: {  	[tilespmem:s13], [sflag:$0x3] =	stream.indirect.gather [hbm4b:s31+s12], $0x80, s23, s12, $0xb8;
	[tilespmem:$0x1B380] =	vst v63  }
0xc5: {  	s17 =	smul.u32 $0x5, s14;
	s3 =	simm.s32 $0x100;
	s31 =	simm.s32 $0x5300  }
0xc6: {  	[tilespmem:s31], [sflag:$0x3] =	stream.indirect.gather [hbm4b:s7+s12], $0x80, s3, s12, $0xb8;
	[tilespmem:$0x1B380] =	vst v63  }
0xc7: {  	s31 =	sadd.s32 s8, s17  }
0xc8: {  	[tilespmem:s15], [sflag:$0x2] =	stream.linear.gather [hbm4b:s31+s23], $0x28, $0x38;
	[tilespmem:$0x1B380] =	vst v63  }
0xc9: {  	s31 =	sadd.s32 s10, s17  }
0xca: {  	[tilespmem:s16], [sflag:$0x2] =	stream.linear.gather [hbm4b:s31+s23], $0x28, $0x38;
	[tilespmem:$0x1B380] =	vst v63  }
0xcb: {  	s23 =	simm.s32 $0x0  }
0xcc: {  	v4 =	vld [tilespmem:s23+$0x6700]  }
0xcd: {  	v5 =	vld [tilespmem:s23+$0x6710]  }
0xce: {  	v3 =	vld [tilespmem:s23+$0x6720]  }
0xcf: {  	v2 =	vld [tilespmem:s23+$0x6730]  }
0xd0: {  	v1 =	vld [tilespmem:s23+$0x6740]  }
0xd1: {  	v0 =	vld [tilespmem:s23+$0x6750]  }
0xd2: {  	v12 =	vld [tilespmem:s23+$0x1700]  }
0xd3: {  	v17 =	vld [tilespmem:s23+$0x1710]  }
0xd4: {  	v11 =	vld [tilespmem:s23+$0x1720]  }
0xd5: {  	v10 =	vld [tilespmem:s23+$0x1730]  }
0xd6: {  	v9 =	vld [tilespmem:s23+$0x1740]  }
0xd7: {  	v8 =	vld [tilespmem:s23+$0x1750]  }
0xd8: {  	v7 =	vld [tilespmem:s23+$0x1760]  }
0xd9: {  	v6 =	vld [tilespmem:s23+$0x1770]  }
0xda: {  	v18 =	vld [tilespmem:s23+$0x3F00]  }
0xdb: {  	v19 =	vld [tilespmem:s23+$0x3F10]  }
0xdc: {  	v16 =	vld [tilespmem:s23+$0x3F20]  }
0xdd: {  	v15 =	vld [tilespmem:s23+$0x3F30]  }
0xde: {  	v14 =	vld [tilespmem:s23+$0x3F40]  }
0xdf: {  	v13 =	vld [tilespmem:s23+$0x3F50];
	v18 =	vadd.f32 v18, v12  }
0xe0: {  	s31 =	simm.s32 $0x200;
	v17 =	vadd.f32 v19, v17;
	v12 =	vld [tilespmem:s23+$0x3F60]  }
.LBB2_9:
0xe1: {  	p1 =	sne.s32 s31, $0x4E00;
	v4 =	vsub.f32 v18, v4;
	v11 =	vadd.f32 v16, v11;
	v16 =	vld [tilespmem:s23+$0x3F70]  }
0xe2: {  	v5 =	vsub.f32 v17, v5;
	v10 =	vadd.f32 v15, v10;
	v15 =	vld [tilespmem:s23+$0x6760]  }
0xe3: {  	s3 =	sshra.s32 s31, $0x2;
	v17 =	vmax.f32 v4, $0.0e+00;
	v3 =	vsub.f32 v11, v3;
	v9 =	vadd.f32 v14, v9;
	v11 =	vld [tilespmem:s23+$0x6770]  }
0xe4: {  	v4 =	vld [tilespmem:s3+$0x6700];
	[tilespmem:s23+$0x3F00] =	vst v17;
	v14 =	vmax.f32 v5, $0.0e+00;
	v2 =	vsub.f32 v10, v2;
	v8 =	vadd.f32 v13, v8  }
0xe5: {  	v5 =	vld [tilespmem:s3+$0x6710];
	[tilespmem:s23+$0x3F10] =	vst v14;
	v10 =	vmax.f32 v3, $0.0e+00;
	v1 =	vsub.f32 v9, v1;
	v7 =	vadd.f32 v12, v7  }
0xe6: {  	v3 =	vld [tilespmem:s3+$0x6720];
	[tilespmem:s23+$0x3F20] =	vst v10;
	v9 =	vmax.f32 v2, $0.0e+00;
	v0 =	vsub.f32 v8, v0;
	v6 =	vadd.f32 v16, v6  }
0xe7: {  	v2 =	vld [tilespmem:s3+$0x6730];
	[tilespmem:s23+$0x3F30] =	vst v9;
	v8 =	vmax.f32 v1, $0.0e+00;
	v7 =	vsub.f32 v7, v15  }
0xe8: {  	v1 =	vld [tilespmem:s3+$0x6740];
	[tilespmem:s23+$0x3F40] =	vst v8;
	v8 =	vmax.f32 v0, $0.0e+00;
	v6 =	vsub.f32 v6, v11  }
0xe9: {  	v0 =	vld [tilespmem:s3+$0x6750];
	[tilespmem:s23+$0x3F50] =	vst v8;
	v7 =	vmax.f32 v7, $0.0e+00  }
0xea: {  	v12 =	vld [tilespmem:s3+$0x1700];
	[tilespmem:s23+$0x3F60] =	vst v7;
	v6 =	vmax.f32 v6, $0.0e+00  }
0xeb: {  	v17 =	vld [tilespmem:s3+$0x1710];
	[tilespmem:s23+$0x3F70] =	vst v6;
	s23 =	smov.u32 s3  }
0xec: {  	v11 =	vld [tilespmem:s23+$0x1720]  }
0xed: {  	v10 =	vld [tilespmem:s23+$0x1730]  }
0xee: {  	v9 =	vld [tilespmem:s23+$0x1740]  }
0xef: {  	v8 =	vld [tilespmem:s23+$0x1750]  }
0xf0: {  	v7 =	vld [tilespmem:s23+$0x1760]  }
0xf1: {  	v6 =	vld [tilespmem:s23+$0x1770]  }
0xf2: {  	v13 =	vld [tilespmem:s23+$0x3F00]  }
0xf3: {  	v19 =	vld [tilespmem:s23+$0x3F10]  }
.Ltmp6:
0xf4: {  	v16 =	vld [tilespmem:s23+$0x3F20];
	(pc) =	sbr.rel @p1 .LBB2_9-.Ltmp6, $4  }
0xf5: {  	v15 =	vld [tilespmem:s23+$0x3F30]  }
0xf6: {  	v14 =	vld [tilespmem:s23+$0x3F40]  }
0xf7: {  	v18 =	vadd.f32 v13, v12;
	v13 =	vld [tilespmem:s23+$0x3F50]  }
0xf8: {  	s31 =	sadd.s32 $0x200, s31;
	v17 =	vadd.f32 v19, v17;
	v12 =	vld [tilespmem:s23+$0x3F60]  }
0xf9: {  	v4 =	vsub.f32 v18, v4;
	v11 =	vadd.f32 v16, v11;
	v16 =	vld [tilespmem:s23+$0x3F70]  }
0xfa: {  	v5 =	vsub.f32 v17, v5;
	v10 =	vadd.f32 v15, v10;
	v15 =	vld [tilespmem:s23+$0x6760]  }
0xfb: {  	v4 =	vmax.f32 v4, $0.0e+00;
	v3 =	vsub.f32 v11, v3;
	v9 =	vadd.f32 v14, v9;
	v11 =	vld [tilespmem:s23+$0x6770]  }
0xfc: {  	[tilespmem:s23+$0x3F00] =	vst v4;
	v4 =	vmax.f32 v5, $0.0e+00;
	v2 =	vsub.f32 v10, v2;
	v5 =	vadd.f32 v13, v8  }
0xfd: {  	[tilespmem:s23+$0x3F10] =	vst v4;
	v3 =	vmax.f32 v3, $0.0e+00;
	v1 =	vsub.f32 v9, v1;
	v4 =	vadd.f32 v12, v7  }
0xfe: {  	[tilespmem:s23+$0x3F20] =	vst v3;
	v2 =	vmax.f32 v2, $0.0e+00;
	v0 =	vsub.f32 v5, v0;
	v3 =	vadd.f32 v16, v6  }
0xff: {  	[tilespmem:s23+$0x3F30] =	vst v2;
	v1 =	vmax.f32 v1, $0.0e+00;
	v2 =	vsub.f32 v4, v15  }
0x100: {  	[tilespmem:s23+$0x3F40] =	vst v1;
	v0 =	vmax.f32 v0, $0.0e+00;
	v1 =	vsub.f32 v3, v11  }
0x101: {  	[tilespmem:s23+$0x3F50] =	vst v0;
	v0 =	vmax.f32 v2, $0.0e+00  }
0x102: {  	[tilespmem:s23+$0x3F60] =	vst v0;
	v0 =	vmax.f32 v1, $0.0e+00  }
0x103: {  	[tilespmem:s23+$0x3F70] =	vst v0;
	s23 =	rddreg [dreg:$0x3]  }
0x104: {  	[spmem:s23] =	stream.indirect.scatter.add.f32 [tilespmem:s22], [sflag:$0x6], $0x80, s20, s12, $0xb8;
	[tilespmem:$0x1B380] =	vst v63  }
0x105: {  	_ =	swait.ge [sflag:s18], $0x1400  }
0x106: {  	[sflag:s18] =	ssyncset.done $0x0  }
0x107: {  	[sflag:s18] =	ssyncadd.s32 $0xFFFFEC00  }
0x108: {  	_ =	swait.ge [sflag:s18], $0x1400  }
0x109: {  	[sflag:s18] =	ssyncset.done $0x0  }
0x10a: {  	[sflag:s18] =	ssyncadd.s32 $0xFFFFEC00  }
0x10b: {  	_ =	swait.ge [sflag:s18], $0x1400  }
0x10c: {  	[sflag:s18] =	ssyncset.done $0x0  }
0x10d: {  	[sflag:s18] =	ssyncadd.s32 $0xFFFFEC00  }
0x10e: {  	_ =	swait.ge [sflag:s19], $0x1400  }
0x10f: {  	[sflag:s19] =	ssyncset.done $0x0  }
0x110: {  	s3 =	sadd.s32 s9, s17;
	[sflag:s19] =	ssyncadd.s32 $0xFFFFEC00  }
0x111: {  	[tilespmem:s20], [sflag:$0x2] =	stream.linear.gather [hbm4b:s3+s5], $0x28, $0x38;
	[tilespmem:$0x1B380] =	vst v63  }
0x112: {  	_ =	swait.ge [sflag:s21], $0x28  }
0x113: {  	[sflag:s21] =	ssyncset.done $0x0  }
0x114: {  	[sflag:s21] =	ssyncadd.s32 $0xFFFFFFD8  }
0x115: {  	_ =	swait.ge [sflag:s21], $0x28  }
0x116: {  	[sflag:s21] =	ssyncset.done $0x0  }
0x117: {  	[sflag:s21] =	ssyncadd.s32 $0xFFFFFFD8  }
0x118: {  	s14 =	smul.u32 $0x280, s14;
	_ =	swait.ge [sflag:s21], $0x28  }
0x119: {  	s17 =	simm.s32 $0x1700;
	[sflag:s21] =	ssyncset.done $0x0  }
0x11a: {  	p1 =	seq.s32 s26, $0x7C;
	s3 =	sadd.s32 s6, s14;
	[sflag:s21] =	ssyncadd.s32 $0xFFFFFFD8  }
0x11b: {  	[tilespmem:s17], [sflag:$0x4] =	stream.linear.gather [hbm4b:s3+s5], $0x1400, $0x38;
	[tilespmem:$0x1B380] =	vst v63  }
0x11c: {  	s3 =	sadd.s32 @!p1 s2, s29  }
0x11d: {  	[tilespmem:s22], [sflag:$0x4] =	stream.indirect.gather [hbm4b:s4+s12], $0x80, s15, s12, $0xb8;
	[tilespmem:$0x1B380] =	vst v63  }
0x11e: {  	s17 =	simm.s32 $0x6700;
	s3 =	smul.u32 @!p1 $0x5, s3  }
0x11f: {  	[tilespmem:s17], [sflag:$0x4] =	stream.indirect.gather [hbm4b:s7+s12], $0x80, s16, s12, $0xb8;
	[tilespmem:$0x1B380] =	vst v63  }
0x120: {  	s14 =	sadd.s32 @!p1 s8, s3;
	s17 =	simm.s32 @!p1 $0x0  }
0x121: {  	[tilespmem:s17], [sflag:$0x1] =	stream.linear.gather @!p1 [hbm4b:s14+s17], $0x28, $0x38;
	[tilespmem:$0x1B380] =	vst v63  }
0x122: {  	s3 =	sadd.s32 @!p1 s10, s3;
	s14 =	simm.s32 @!p1 $0x100  }
0x123: {  	[tilespmem:s14], [sflag:$0x1] =	stream.linear.gather @!p1 [hbm4b:s3+s17], $0x28, $0x38;
	[tilespmem:$0x1B380] =	vst v63  }
0x124: {  	s14 =	simm.s32 $0x0  }
0x125: {  	v4 =	vld [tilespmem:s14+$0x5300]  }
0x126: {  	v5 =	vld [tilespmem:s14+$0x5310]  }
0x127: {  	v3 =	vld [tilespmem:s14+$0x5320]  }
0x128: {  	v2 =	vld [tilespmem:s14+$0x5330]  }
0x129: {  	v1 =	vld [tilespmem:s14+$0x5340]  }
0x12a: {  	v0 =	vld [tilespmem:s14+$0x5350]  }
0x12b: {  	v12 =	vld [tilespmem:s14+$0x300]  }
0x12c: {  	v17 =	vld [tilespmem:s14+$0x310]  }
0x12d: {  	v11 =	vld [tilespmem:s14+$0x320]  }
0x12e: {  	v10 =	vld [tilespmem:s14+$0x330]  }
0x12f: {  	v9 =	vld [tilespmem:s14+$0x340]  }
0x130: {  	v8 =	vld [tilespmem:s14+$0x350]  }
0x131: {  	v7 =	vld [tilespmem:s14+$0x360]  }
0x132: {  	v6 =	vld [tilespmem:s14+$0x370]  }
0x133: {  	v18 =	vld [tilespmem:s14+$0x2B00]  }
0x134: {  	v19 =	vld [tilespmem:s14+$0x2B10]  }
0x135: {  	v16 =	vld [tilespmem:s14+$0x2B20]  }
0x136: {  	v15 =	vld [tilespmem:s14+$0x2B30]  }
0x137: {  	v14 =	vld [tilespmem:s14+$0x2B40]  }
0x138: {  	v13 =	vld [tilespmem:s14+$0x2B50];
	v18 =	vadd.f32 v18, v12  }
0x139: {  	s31 =	smov.u32 s4;
	s17 =	simm.s32 $0x200;
	v17 =	vadd.f32 v19, v17;
	v12 =	vld [tilespmem:s14+$0x2B60]  }
.LBB2_11:
0x13a: {  	p2 =	sne.s32 s17, $0x4E00;
	v4 =	vsub.f32 v18, v4;
	v11 =	vadd.f32 v16, v11;
	v16 =	vld [tilespmem:s14+$0x2B70]  }
0x13b: {  	v5 =	vsub.f32 v17, v5;
	v10 =	vadd.f32 v15, v10;
	v15 =	vld [tilespmem:s14+$0x5360]  }
0x13c: {  	s3 =	sshra.s32 s17, $0x2;
	v17 =	vmax.f32 v4, $0.0e+00;
	v3 =	vsub.f32 v11, v3;
	v9 =	vadd.f32 v14, v9;
	v11 =	vld [tilespmem:s14+$0x5370]  }
0x13d: {  	v4 =	vld [tilespmem:s3+$0x5300];
	[tilespmem:s14+$0x2B00] =	vst v17;
	v14 =	vmax.f32 v5, $0.0e+00;
	v2 =	vsub.f32 v10, v2;
	v8 =	vadd.f32 v13, v8  }
0x13e: {  	v5 =	vld [tilespmem:s3+$0x5310];
	[tilespmem:s14+$0x2B10] =	vst v14;
	v10 =	vmax.f32 v3, $0.0e+00;
	v1 =	vsub.f32 v9, v1;
	v7 =	vadd.f32 v12, v7  }
0x13f: {  	v3 =	vld [tilespmem:s3+$0x5320];
	[tilespmem:s14+$0x2B20] =	vst v10;
	v9 =	vmax.f32 v2, $0.0e+00;
	v0 =	vsub.f32 v8, v0;
	v6 =	vadd.f32 v16, v6  }
0x140: {  	v2 =	vld [tilespmem:s3+$0x5330];
	[tilespmem:s14+$0x2B30] =	vst v9;
	v8 =	vmax.f32 v1, $0.0e+00;
	v7 =	vsub.f32 v7, v15  }
0x141: {  	v1 =	vld [tilespmem:s3+$0x5340];
	[tilespmem:s14+$0x2B40] =	vst v8;
	v8 =	vmax.f32 v0, $0.0e+00;
	v6 =	vsub.f32 v6, v11  }
0x142: {  	v0 =	vld [tilespmem:s3+$0x5350];
	[tilespmem:s14+$0x2B50] =	vst v8;
	v7 =	vmax.f32 v7, $0.0e+00  }
0x143: {  	v12 =	vld [tilespmem:s3+$0x300];
	[tilespmem:s14+$0x2B60] =	vst v7;
	v6 =	vmax.f32 v6, $0.0e+00  }
0x144: {  	v17 =	vld [tilespmem:s3+$0x310];
	[tilespmem:s14+$0x2B70] =	vst v6;
	s14 =	smov.u32 s3  }
0x145: {  	v11 =	vld [tilespmem:s14+$0x320]  }
0x146: {  	v10 =	vld [tilespmem:s14+$0x330]  }
0x147: {  	v9 =	vld [tilespmem:s14+$0x340]  }
0x148: {  	v8 =	vld [tilespmem:s14+$0x350]  }
0x149: {  	v7 =	vld [tilespmem:s14+$0x360]  }
0x14a: {  	v6 =	vld [tilespmem:s14+$0x370]  }
0x14b: {  	v13 =	vld [tilespmem:s14+$0x2B00]  }
0x14c: {  	v19 =	vld [tilespmem:s14+$0x2B10]  }
.Ltmp7:
0x14d: {  	v16 =	vld [tilespmem:s14+$0x2B20];
	(pc) =	sbr.rel @p2 .LBB2_11-.Ltmp7, $4  }
0x14e: {  	v15 =	vld [tilespmem:s14+$0x2B30]  }
0x14f: {  	v14 =	vld [tilespmem:s14+$0x2B40]  }
0x150: {  	v18 =	vadd.f32 v13, v12;
	v13 =	vld [tilespmem:s14+$0x2B50]  }
0x151: {  	s17 =	sadd.s32 $0x200, s17;
	v17 =	vadd.f32 v19, v17;
	v12 =	vld [tilespmem:s14+$0x2B60]  }
0x152: {  	v4 =	vsub.f32 v18, v4;
	v11 =	vadd.f32 v16, v11;
	v53 =	vld [tilespmem:s14+$0x2B70]  }
0x153: {  	v54 =	vld [tilespmem:s14+$0x5360];
	v5 =	vsub.f32 v17, v5;
	v10 =	vadd.f32 v15, v10  }
0x154: {  	v55 =	vld [tilespmem:s14+$0x5370];
	v4 =	vmax.f32 v4, $0.0e+00;
	v3 =	vsub.f32 v11, v3;
	v9 =	vadd.f32 v14, v9  }
0x155: {  	[tilespmem:s14+$0x2B00] =	vst v4;
	v56 =	vmax.f32 v5, $0.0e+00;
	v2 =	vsub.f32 v10, v2;
	v57 =	vadd.f32 v13, v8  }
0x156: {  	[tilespmem:s14+$0x2B10] =	vst v56;
	v3 =	vmax.f32 v3, $0.0e+00;
	v1 =	vsub.f32 v9, v1;
	v58 =	vadd.f32 v12, v7  }
0x157: {  	[tilespmem:s14+$0x2B20] =	vst v3;
	v2 =	vmax.f32 v2, $0.0e+00;
	v0 =	vsub.f32 v57, v0;
	v59 =	vadd.f32 v53, v6  }
0x158: {  	[tilespmem:s14+$0x2B30] =	vst v2;
	v1 =	vmax.f32 v1, $0.0e+00;
	v60 =	vsub.f32 v58, v54  }
0x159: {  	[tilespmem:s14+$0x2B40] =	vst v1;
	v0 =	vmax.f32 v0, $0.0e+00;
	v61 =	vsub.f32 v59, v55  }
0x15a: {  	[tilespmem:s14+$0x2B50] =	vst v0;
	v62 =	vmax.f32 v60, $0.0e+00  }
0x15b: {  	[tilespmem:s14+$0x2B60] =	vst v62;
	v63 =	vmax.f32 v61, $0.0e+00  }
0x15c: {  	[tilespmem:s14+$0x2B70] =	vst v63  }
0x15d: {  	[spmem:s23] =	stream.indirect.scatter.add.f32 [tilespmem:s13], [sflag:$0x5], $0x80, s0, s12, $0xb8;
	[tilespmem:$0x1B380] =	vst v63  }
0x15e: {  	_ =	swait.ge [sflag:s25], $0x1400  }
0x15f: {  	[sflag:s25] =	ssyncset.done $0x0  }
0x160: {  	[sflag:s25] =	ssyncadd.s32 $0xFFFFEC00  }
0x161: {  	_ =	swait.ge [sflag:s25], $0x1400  }
0x162: {  	[sflag:s25] =	ssyncset.done $0x0  }
0x163: {  	[sflag:s25] =	ssyncadd.s32 $0xFFFFEC00  }
0x164: {  	_ =	swait.ge [sflag:s25], $0x1400  }
.Ltmp8:
0x165: {  	[sflag:s25] =	ssyncset.done $0x0;
	(pc) =	sbr.rel @p1 .LBB2_14-.Ltmp8, $4  }
0x166: {  	[sflag:s25] =	ssyncadd.s32 $0xFFFFEC00  }
0x167: {  	_ =	swait.ge [sflag:s24], $0x1400  }
0x168: {  	[sflag:s24] =	ssyncset.done $0x0  }
0x169: {  	[sflag:s24] =	ssyncadd.s32 $0xFFFFEC00  }
.Ltmp9:
0x16a: {  	s2 =	sadd.s32 s2, s29;
	(pc) =	sbr.rel .LBB2_8-.Ltmp9, $3  }
0x16b: {  	s2 =	smul.u32 $0x5, s2;
	_ =	sdelay $0x1  }
0x16c: {  	s26 =	sadd.s32 $0x1, s26;
	s2 =	sadd.s32 s9, s2  }
0x16d: {  	[tilespmem:s0], [sflag:$0x1] =	stream.linear.gather [hbm4b:s2+s5], $0x28, $0x38;
	[tilespmem:$0x1B380] =	vst v63  }
.LBB2_14:
0x16e: {  	s2 =	simm.s32 $0x0  }
0x16f: {  	v4 =	vld [tilespmem:s2+$0x6700]  }
0x170: {  	v5 =	vld [tilespmem:s2+$0x6710]  }
0x171: {  	v3 =	vld [tilespmem:s2+$0x6720]  }
0x172: {  	v2 =	vld [tilespmem:s2+$0x6730]  }
0x173: {  	v1 =	vld [tilespmem:s2+$0x6740]  }
0x174: {  	v0 =	vld [tilespmem:s2+$0x6750]  }
0x175: {  	v12 =	vld [tilespmem:s2+$0x1700]  }
0x176: {  	v17 =	vld [tilespmem:s2+$0x1710]  }
0x177: {  	v11 =	vld [tilespmem:s2+$0x1720]  }
0x178: {  	v10 =	vld [tilespmem:s2+$0x1730]  }
0x179: {  	v9 =	vld [tilespmem:s2+$0x1740]  }
0x17a: {  	v8 =	vld [tilespmem:s2+$0x1750]  }
0x17b: {  	v7 =	vld [tilespmem:s2+$0x1760]  }
0x17c: {  	v6 =	vld [tilespmem:s2+$0x1770]  }
0x17d: {  	v18 =	vld [tilespmem:s2+$0x3F00]  }
0x17e: {  	v19 =	vld [tilespmem:s2+$0x3F10]  }
0x17f: {  	v16 =	vld [tilespmem:s2+$0x3F20]  }
0x180: {  	v15 =	vld [tilespmem:s2+$0x3F30]  }
0x181: {  	v14 =	vld [tilespmem:s2+$0x3F40]  }
0x182: {  	v13 =	vld [tilespmem:s2+$0x3F50];
	v18 =	vadd.f32 v18, v12  }
0x183: {  	s14 =	simm.s32 $0x200;
	v17 =	vadd.f32 v19, v17;
	v12 =	vld [tilespmem:s2+$0x3F60]  }
.LBB2_15:
0x184: {  	p1 =	sne.s32 s14, $0x4E00;
	v4 =	vsub.f32 v18, v4;
	v11 =	vadd.f32 v16, v11;
	v16 =	vld [tilespmem:s2+$0x3F70]  }
0x185: {  	v5 =	vsub.f32 v17, v5;
	v10 =	vadd.f32 v15, v10;
	v15 =	vld [tilespmem:s2+$0x6760]  }
0x186: {  	s3 =	sshra.s32 s14, $0x2;
	v17 =	vmax.f32 v4, $0.0e+00;
	v3 =	vsub.f32 v11, v3;
	v9 =	vadd.f32 v14, v9;
	v11 =	vld [tilespmem:s2+$0x6770]  }
0x187: {  	v4 =	vld [tilespmem:s3+$0x6700];
	[tilespmem:s2+$0x3F00] =	vst v17;
	v14 =	vmax.f32 v5, $0.0e+00;
	v2 =	vsub.f32 v10, v2;
	v8 =	vadd.f32 v13, v8  }
0x188: {  	v5 =	vld [tilespmem:s3+$0x6710];
	[tilespmem:s2+$0x3F10] =	vst v14;
	v10 =	vmax.f32 v3, $0.0e+00;
	v1 =	vsub.f32 v9, v1;
	v7 =	vadd.f32 v12, v7  }
0x189: {  	v3 =	vld [tilespmem:s3+$0x6720];
	[tilespmem:s2+$0x3F20] =	vst v10;
	v9 =	vmax.f32 v2, $0.0e+00;
	v0 =	vsub.f32 v8, v0;
	v6 =	vadd.f32 v16, v6  }
0x18a: {  	v2 =	vld [tilespmem:s3+$0x6730];
	[tilespmem:s2+$0x3F30] =	vst v9;
	v8 =	vmax.f32 v1, $0.0e+00;
	v7 =	vsub.f32 v7, v15  }
0x18b: {  	v1 =	vld [tilespmem:s3+$0x6740];
	[tilespmem:s2+$0x3F40] =	vst v8;
	v8 =	vmax.f32 v0, $0.0e+00;
	v6 =	vsub.f32 v6, v11  }
0x18c: {  	v0 =	vld [tilespmem:s3+$0x6750];
	[tilespmem:s2+$0x3F50] =	vst v8;
	v7 =	vmax.f32 v7, $0.0e+00  }
0x18d: {  	v12 =	vld [tilespmem:s3+$0x1700];
	[tilespmem:s2+$0x3F60] =	vst v7;
	v6 =	vmax.f32 v6, $0.0e+00  }
0x18e: {  	v17 =	vld [tilespmem:s3+$0x1710];
	[tilespmem:s2+$0x3F70] =	vst v6;
	s2 =	smov.u32 s3  }
0x18f: {  	v11 =	vld [tilespmem:s2+$0x1720]  }
0x190: {  	v10 =	vld [tilespmem:s2+$0x1730]  }
0x191: {  	v9 =	vld [tilespmem:s2+$0x1740]  }
0x192: {  	v8 =	vld [tilespmem:s2+$0x1750]  }
0x193: {  	v7 =	vld [tilespmem:s2+$0x1760]  }
0x194: {  	v6 =	vld [tilespmem:s2+$0x1770]  }
0x195: {  	v13 =	vld [tilespmem:s2+$0x3F00]  }
0x196: {  	v19 =	vld [tilespmem:s2+$0x3F10]  }
.Ltmp10:
0x197: {  	v16 =	vld [tilespmem:s2+$0x3F20];
	(pc) =	sbr.rel @p1 .LBB2_15-.Ltmp10, $4  }
0x198: {  	v15 =	vld [tilespmem:s2+$0x3F30]  }
0x199: {  	v14 =	vld [tilespmem:s2+$0x3F40]  }
0x19a: {  	v18 =	vadd.f32 v13, v12;
	v13 =	vld [tilespmem:s2+$0x3F50]  }
0x19b: {  	s14 =	sadd.s32 $0x200, s14;
	v17 =	vadd.f32 v19, v17;
	v12 =	vld [tilespmem:s2+$0x3F60]  }
0x19c: {  	v4 =	vsub.f32 v18, v4;
	v11 =	vadd.f32 v16, v11;
	v53 =	vld [tilespmem:s2+$0x3F70]  }
0x19d: {  	v54 =	vld [tilespmem:s2+$0x6760];
	v5 =	vsub.f32 v17, v5;
	v10 =	vadd.f32 v15, v10  }
0x19e: {  	v55 =	vld [tilespmem:s2+$0x6770];
	v4 =	vmax.f32 v4, $0.0e+00;
	v3 =	vsub.f32 v11, v3;
	v9 =	vadd.f32 v14, v9  }
0x19f: {  	[tilespmem:s2+$0x3F00] =	vst v4;
	v56 =	vmax.f32 v5, $0.0e+00;
	v2 =	vsub.f32 v10, v2;
	v57 =	vadd.f32 v13, v8  }
0x1a0: {  	[tilespmem:s2+$0x3F10] =	vst v56;
	v3 =	vmax.f32 v3, $0.0e+00;
	v1 =	vsub.f32 v9, v1;
	v58 =	vadd.f32 v12, v7  }
0x1a1: {  	[tilespmem:s2+$0x3F20] =	vst v3;
	v2 =	vmax.f32 v2, $0.0e+00;
	v0 =	vsub.f32 v57, v0;
	v59 =	vadd.f32 v53, v6  }
0x1a2: {  	[tilespmem:s2+$0x3F30] =	vst v2;
	v1 =	vmax.f32 v1, $0.0e+00;
	v60 =	vsub.f32 v58, v54  }
0x1a3: {  	[tilespmem:s2+$0x3F40] =	vst v1;
	v0 =	vmax.f32 v0, $0.0e+00;
	v61 =	vsub.f32 v59, v55  }
0x1a4: {  	[tilespmem:s2+$0x3F50] =	vst v0;
	v62 =	vmax.f32 v60, $0.0e+00  }
0x1a5: {  	[tilespmem:s2+$0x3F60] =	vst v62;
	v63 =	vmax.f32 v61, $0.0e+00  }
0x1a6: {  	[tilespmem:s2+$0x3F70] =	vst v63  }
0x1a7: {  	[spmem:s23] =	stream.indirect.scatter.add.f32 [tilespmem:s22], [sflag:$0x6], $0x80, s20, s12, $0xb8;
	[tilespmem:$0x1B380] =	vst v63  }
.Ltmp11:
0x1a8: {  	_ =	swait.ge [sflag:s19], $0x1400;
	(pc) =	sbr.rel @p0 .LBB2_20-.Ltmp11, $4  }
0x1a9: {  	[sflag:s19] =	ssyncset.done $0x0  }
0x1aa: {  	[sflag:s19] =	ssyncadd.s32 $0xFFFFEC00  }
0x1ab: {  	[bflag:$0x0] =	sbarrier.arrive $0xFFFF  }
0x1ac: {  	s3 =	rddreg [dreg:$0x15]  }
0x1ad: {  	s2 =	stileid.u32;
	s23 =	rddreg [dreg:$0xa]  }
0x1ae: {  	s4 =	rddreg [dreg:$0x13];
	s2 =	sshll.u32 s2, $0x6;
	s3 =	sshrl.u32 s23, $0x3  }
0x1af: {  	s14 =	sshrl.u32 s4, $0x3;
	s3 =	sadd.s32 s11, s3;
	s2 =	sor.u32 $0x1C07, s2  }
0x1b0: {  	[hbm:s3], [sflag:s2] =	dma.local [spmem:s14], $0x1900  }
0x1b1: {  	s3 =	rddreg [dreg:$0xc]  }
0x1b2: {  	p1 =	sne.s32 s3, $0x1  }
.Ltmp12:
0x1b3: {  	_ = 	snop;
	(pc) =	sbr.rel @!p1 .LBB2_19-.Ltmp12, $2  }
0x1b4: {  	_ =	sdelay $0x2  }
0x1b5: {  	s17 =	sadd.s32 $0xC800, s4;
	s14 =	sadd.s32 $0xFFFFFFFF, s3  }
.LBB2_18:
0x1b6: {  	_ =	swait.ge [sflag:s30], $0x1900  }
0x1b7: {  	s23 =	sadd.s32 $0xC800, s23;
	s26 =	sshrl.u32 s17, $0x3;
	p1 =	sne.s32 s14, $0x1  }
.Ltmp13:
0x1b8: {  	s3 =	sshrl.u32 s23, $0x3;
	[sflag:s30] =	ssyncset.done $0x0;
	(pc) =	sbr.rel @p1 .LBB2_18-.Ltmp13, $4  }
0x1b9: {  	s3 =	sadd.s32 s11, s3;
	[sflag:s30] =	ssyncadd.s32 $0xFFFFE700  }
0x1ba: {  	[hbm:s3], [sflag:s2] =	dma.local [spmem:s26], $0x1900  }
0x1bb: {  	s14 =	sadd.s32 $0xFFFFFFFF, s14  }
0x1bc: {  	s17 =	sadd.s32 $0xC800, s17  }
.Ltmp14:
0x1bd: {  	_ = 	snop;
	(pc) =	sbr.rel .LBB2_19-.Ltmp14, $1  }
0x1be: {  	_ =	sdelay $0x3  }
.LBB2_21:
0x1bf: {  	_ =	sfence.sel $0x180000  }
0x1c0: {  	[bflag:$0x0] =	sbarrier.arrive $0xFFFF  }
0x1c1: {  	_ =	strace $0x9000004D  }
0x1c2: {  	s0 =	stileid.u32;
	[bflag:$0x2] =	sbarrier.arrive $0xFFFF  }
0x1c3: {  	p0 =	sne.s32 s0, $0x0;
	s0 =	rddreg [dreg:$0x4]  }
0x1c4: {  	s0 =	sadd.s32 @!p0 $0x100000, s0  }
0x1c5: {  	[sflag:s0] =	ssyncadd.tile.s32 @!p0 $0x1;
	_ =	shalt  }
.Lfunc_end2:
_tile_overlayer_lowered:
.L_overlay_start_2:
0x1c6: {  	(tag) =	ssettag $0x2  }
0x1c7: {  	s0 =	rddreg [dreg:$0x0];
	s2 =	stileid.u32  }
0x1c8: {  	s1 =	rddreg [dreg:$0x1];
	p0 =	sne.s32 s2, $0x0  }
0x1c9: {  	s3 =	rddreg [dreg:$0x2];
	[bflag:$0x3] =	sbarrier.arrive $0xFFFF;
	s2 =	simm.s32 @!p0 $0x1C07  }
0x1ca: {  	[timem:s3], [sflag:s2] =	dma.local @!p0 [hbm:s0], s1  }
0x1cb: {  	s0 =	simm.s32 @!p0 $0x7  }
0x1cc: {  	_ =	swait.ge @!p0 [sflag:s0], s1  }
0x1cd: {  	s1 =	ssub.s32 @!p0 $0x0, s1;
	[sflag:s0] =	ssyncset.done @!p0 $0x0  }
0x1ce: {  	[sflag:s0] =	ssyncadd.s32 @!p0 s1  }
0x1cf: {  	[bflag:$0x3] =	sbarrier.arrive $0xFFFF  }
0x1d0: {  	_ =	shalt  }

</sc_bundles>
